<compile_context>
chip_gen: v7x
topology: tpu7x:2x2x1
jax: 0.10.2.dev20260603
libtpu: 0.0.44.dev20260713+nightly
codegen_flags: <defaults>
</compile_context>

<pallas_src>
import functools

import jax
import jax.numpy as jnp
from jax import lax
from jax.experimental import pallas as pl
from jax.experimental.pallas import tpu as pltpu
from jax.experimental.pallas import tpu_sc as plsc

G = 8
N = 512
H = 16
V = 512
NP = N + 1
NC = 2
NS = 16
NW = NC * NS
WPG = NW // G
ROWS_W = N // WPG
R = 4
NCHUNK = ROWS_W // R
L = 16


def _sc_body(bias_hbm, idx_hbm, w_hbm, out_hbm,
             table, bias_v, idxb0, idxb1, ob0, ob1, brow,
             semi0, semi1, semo0, semo1):
    wid = lax.axis_index("s") * NC + lax.axis_index("c")
    g = wid // WPG
    slot = wid % WPG
    row0 = slot * ROWS_W

    pltpu.sync_copy(w_hbm, table)
    pltpu.sync_copy(bias_hbm, bias_v)
    vb2 = bias_v[...] * 2.0

    def _fold(i, carry):
        table[i, :] = table[i, :] + vb2
        return carry
    lax.fori_loop(0, V, _fold, 0)

    iota = lax.iota(jnp.int32, L)
    hsplats = [jnp.zeros((L,), jnp.int32) + h for h in range(H)]
    rsplats = [jnp.zeros((L,), jnp.int32) + r for r in range(R)]

    @pl.when(slot == 0)
    def _():
        def _fill(i, carry):
            brow[pl.ds(i * L, L)] = vb2
            return carry
        lax.fori_loop(0, 33, _fill, 0)
        for h in range(H):
            pltpu.sync_copy(brow.at[pl.ds(0, NP)], out_hbm.at[g, h, 0, :])

    pltpu.async_copy(idx_hbm.at[g, pl.ds(row0, R), :], idxb0, semi0)

    def do_chunk(c, idxb, ob, semi, semo, idxb_next, semi_next):
        @pl.when(c + 1 < NCHUNK)
        def _():
            pltpu.async_copy(
                idx_hbm.at[g, pl.ds(row0 + (c + 1) * R, R), :],
                idxb_next, semi_next)

        pltpu.make_async_copy(
            idx_hbm.at[g, pl.ds(row0, R), :], idxb, semi).wait()

        @pl.when(c >= 2)
        def _():
            for h in range(H):
                pltpu.make_async_copy(
                    ob.at[h], out_hbm.at[g, h, pl.ds(1, R), :], semo).wait()

        for r in range(R):
            plsc.store_scatter(
                ob, [iota, rsplats[r], jnp.zeros((L,), jnp.int32)], vb2)

        for r in range(R):
            def _grp(t, carry, r=r):
                j0 = t * L
                idx16 = idxb[r, pl.ds(j0, L)]
                posc = iota + (j0 + 1)
                for h in range(H):
                    vals = plsc.load_gather(table, [idx16, hsplats[h]])
                    plsc.store_scatter(
                        ob, [hsplats[h], rsplats[r], posc], vals)
                return carry
            lax.fori_loop(0, N // L, _grp, 0)

        prow = row0 + c * R + 1
        for h in range(H):
            pltpu.async_copy(
                ob.at[h], out_hbm.at[g, h, pl.ds(prow, R), :], semo)

    def loop_body(k, carry):
        do_chunk(2 * k, idxb0, ob0, semi0, semo0, idxb1, semi1)
        do_chunk(2 * k + 1, idxb1, ob1, semi1, semo1, idxb0, semi0)
        return carry
    lax.fori_loop(0, NCHUNK // 2, loop_body, 0)

    for ob, semo in ((ob0, semo0), (ob1, semo1)):
        for h in range(H):
            pltpu.make_async_copy(
                ob.at[h], out_hbm.at[g, h, pl.ds(1, R), :], semo).wait()


@jax.jit
def _graph_attn_bias(attn_bias, spatial_pos, weight):
    mesh = plsc.VectorSubcoreMesh(core_axis_name="c", subcore_axis_name="s")
    run = pl.kernel(
        _sc_body,
        out_type=jax.ShapeDtypeStruct((G, H, NP, NP), jnp.float32),
        mesh=mesh,
        compiler_params=pltpu.CompilerParams(
            use_tc_tiling_on_sc=False, needs_layout_passes=False),
        scratch_types=[
            pltpu.VMEM((V, H), jnp.float32),
            pltpu.VMEM((L,), jnp.float32),
            pltpu.VMEM((R, N), jnp.int32),
            pltpu.VMEM((R, N), jnp.int32),
            pltpu.VMEM((H, R, NP), jnp.float32),
            pltpu.VMEM((H, R, NP), jnp.float32),
            pltpu.VMEM((544,), jnp.float32),
            pltpu.SemaphoreType.DMA,
            pltpu.SemaphoreType.DMA,
            pltpu.SemaphoreType.DMA,
            pltpu.SemaphoreType.DMA,
        ],
    )
    return run(attn_bias, spatial_pos, weight)


def kernel(attn_bias, spatial_pos, x, spatial_pos_encoder_weight):
    del x
    idx = spatial_pos.astype(jnp.int32)
    bias16 = jnp.broadcast_to(attn_bias.reshape(1), (L,))
    return _graph_attn_bias(bias16, idx, spatial_pos_encoder_weight)

# --- scband reference (transcript-rebuilt; emitter-appended) ---
"""Pipeline reference for scband-graph-attn-bias-24120536335073 (READ-ONLY COPY).

The authoritative reference and input builder live on the scoring server;
editing this copy changes nothing except your own understanding.
"""

import jax, jax.numpy as jnp
import numpy as np


def setup_inputs(seed: int = 0) -> dict:
    key = jax.random.key(seed)
    k1, k2, k3, k4 = jax.random.split(key, 4)
    attn_bias = jax.random.normal(k1, (1, 1, 1), dtype=jnp.float32)
    spatial_pos = jax.random.randint(k2, (8, 512, 512), 0, 512, dtype=jnp.int64)
    x = jax.random.normal(k3, (8, 512, 128), dtype=jnp.float32)
    # spatial_pos_encoder embedding table: [num_spatial, heads], init N(0, 0.02)
    spatial_pos_encoder_weight = jax.random.normal(k4, (512, 16), dtype=jnp.float32) * 0.02
    return {
        "attn_bias": attn_bias,
        "spatial_pos": spatial_pos,
        "x": x,
        "spatial_pos_encoder_weight": spatial_pos_encoder_weight,
    }


def reference(attn_bias, spatial_pos, x, spatial_pos_encoder_weight):
    n_graph, n_node = x.shape[0], x.shape[1]
    num_heads = spatial_pos_encoder_weight.shape[1]
    # torch: attn_bias.clone().repeat(n_graph, num_heads, n_node+1, n_node+1)
    # attn_bias is [1,1,1]; repeat with 4 args prepends a unit dim then tiles,
    # yielding [n_graph, num_heads, n_node+1, n_node+1]. jnp.tile matches this.
    graph_attn_bias = jnp.tile(attn_bias, (n_graph, num_heads, n_node + 1, n_node + 1))
    # embedding lookup: [G, N, N] -> [G, N, N, H] -> permute to [G, H, N, N]
    spatial_pos_bias = jnp.take(spatial_pos_encoder_weight, spatial_pos, axis=0)
    spatial_pos_bias = jnp.transpose(spatial_pos_bias, (0, 3, 1, 2))
    graph_attn_bias = graph_attn_bias.at[:, :, 1:, 1:].add(spatial_pos_bias)
    # torch: + attn_bias.unsqueeze(1) -> [1,1,1,1], broadcasts
    graph_attn_bias = graph_attn_bias + attn_bias[:, None]
    return graph_attn_bias

if __name__ == "__main__":
    import jax
    _d = setup_inputs()
    print(jax.jit(kernel)(*tuple(_d.values())))

</pallas_src>

<mosaic_0001>
#map = affine_map<(d0, d1) -> (0)>
#map1 = affine_map<(d0, d1) -> (0, 0, 0)>
#map2 = affine_map<(d0, d1) -> (0, 0)>
#map3 = affine_map<(d0, d1) -> (0, 0, 0, 0)>
module attributes {stable_mosaic.version = 14 : i64} {
  func.func @_sc_body(%arg0: i32, %arg1: i32, %arg2: memref<16xf32, #tpu.memory_space<hbm>>, %arg3: memref<8x512x512xi32, #tpu.memory_space<hbm>>, %arg4: memref<512x16xf32, #tpu.memory_space<hbm>>, %arg5: memref<8x16x513x513xf32, #tpu.memory_space<hbm>>, %arg6: memref<512x16xf32, #tpu.memory_space<vmem>>, %arg7: memref<16xf32, #tpu.memory_space<vmem>>, %arg8: memref<4x512xi32, #tpu.memory_space<vmem>>, %arg9: memref<4x512xi32, #tpu.memory_space<vmem>>, %arg10: memref<16x4x513xf32, #tpu.memory_space<vmem>>, %arg11: memref<16x4x513xf32, #tpu.memory_space<vmem>>, %arg12: memref<544xf32, #tpu.memory_space<vmem>>, %arg13: memref<!tpu.dma_semaphore, #tpu.memory_space<semaphore_mem>>, %arg14: memref<!tpu.dma_semaphore, #tpu.memory_space<semaphore_mem>>, %arg15: memref<!tpu.dma_semaphore, #tpu.memory_space<semaphore_mem>>, %arg16: memref<!tpu.dma_semaphore, #tpu.memory_space<semaphore_mem>>) attributes {dimension_semantics = [#tpu.dimension_semantics<core_parallel>, #tpu.dimension_semantics<subcore_parallel>], iteration_bounds = array<i64: 2, 16>, scalar_prefetch = 0 : i64, scratch_operands = 11 : i64, tpu.core_type = #tpu.core_type<sc_vector_subcore>, window_params = [{transform_indices = #map}, {transform_indices = #map1}, {transform_indices = #map2}, {transform_indices = #map3}]} {
    %mul3A = arith.constant 2 : i32
    %mul3A_0 = arith.muli %arg1, %mul3A : i32
    %add3A = arith.addi %mul3A_0, %arg0 : i32
    %jit3A = arith.constant 4 : i32
    %div3A = arith.divsi %add3A, %jit3A : i32
    %sign3A = arith.constant 0 : i32
    %sign3A_1 = arith.cmpi sgt, %add3A, %sign3A : i32
    %sign3A_2 = arith.extui %sign3A_1 : i1 to i32
    %sign3A_3 = arith.constant 0 : i32
    %sign3A_4 = arith.cmpi slt, %add3A, %sign3A_3 : i32
    %sign3A_5 = arith.extui %sign3A_4 : i1 to i32
    %sign3A_6 = arith.subi %sign3A_2, %sign3A_5 : i32
    %sign3A_7 = arith.constant 0 : i32
    %sign3A_8 = arith.cmpi sgt, %jit3A, %sign3A_7 : i32
    %sign3A_9 = arith.extui %sign3A_8 : i1 to i32
    %sign3A_10 = arith.constant 0 : i32
    %sign3A_11 = arith.cmpi slt, %jit3A, %sign3A_10 : i32
    %sign3A_12 = arith.extui %sign3A_11 : i1 to i32
    %sign3A_13 = arith.subi %sign3A_9, %sign3A_12 : i32
    %ne3A = arith.cmpi ne, %sign3A_6, %sign3A_13 : i32
    %rem3A = arith.remsi %add3A, %jit3A : i32
    %ne3A_14 = arith.constant 0 : i32
    %ne3A_15 = arith.cmpi ne, %rem3A, %ne3A_14 : i32
    %and3A = arith.andi %ne3A, %ne3A_15 : i1
    %sub3A = arith.constant 1 : i32
    %sub3A_16 = arith.subi %div3A, %sub3A : i32
    %select_n3A = arith.select %and3A, %sub3A_16, %div3A : i32
    %jit3A_17 = arith.constant 4 : i32
    %eq3A = arith.constant 0 : i32
    %eq3A_18 = arith.cmpi eq, %jit3A_17, %eq3A : i32
    %jit3A_19 = arith.constant 1 : i32
    %select_n3A_20 = arith.select %eq3A_18, %jit3A_19, %jit3A_17 : i32
    %rem3A_21 = arith.remsi %add3A, %select_n3A_20 : i32
    %ne3A_22 = arith.constant 0 : i32
    %ne3A_23 = arith.cmpi ne, %rem3A_21, %ne3A_22 : i32
    %lt3A = arith.constant 0 : i32
    %lt3A_24 = arith.cmpi slt, %rem3A_21, %lt3A : i32
    %lt3A_25 = arith.constant 0 : i32
    %lt3A_26 = arith.cmpi slt, %select_n3A_20, %lt3A_25 : i32
    %ne3A_27 = arith.xori %lt3A_24, %lt3A_26 : i1
    %and3A_28 = arith.andi %ne3A_27, %ne3A_23 : i1
    %add3A_29 = arith.addi %rem3A_21, %select_n3A_20 : i32
    %select_n3A_30 = arith.select %and3A_28, %add3A_29, %rem3A_21 : i32
    %mul3A_31 = arith.constant 128 : i32
    %mul3A_32 = arith.muli %select_n3A_30, %mul3A_31 : i32
    "tpu.region"() ({
      %run_scoped3A = tpu.sem_alloc : memref<!tpu.dma_semaphore, #tpu.memory_space<semaphore_mem>>
      tpu.enqueue_dma source(%arg4 : memref<512x16xf32, #tpu.memory_space<hbm>>) target(%arg6 : memref<512x16xf32, #tpu.memory_space<vmem>>) target_semaphore(%run_scoped3A : memref<!tpu.dma_semaphore, #tpu.memory_space<semaphore_mem>>)
      tpu.wait_dma2 semaphore(%run_scoped3A : memref<!tpu.dma_semaphore, #tpu.memory_space<semaphore_mem>>) src(%arg4 : memref<512x16xf32, #tpu.memory_space<hbm>>) dst(%arg6 : memref<512x16xf32, #tpu.memory_space<vmem>>)
      tpu.yield
    }) : () -> ()
    "tpu.region"() ({
      %run_scoped3A = tpu.sem_alloc : memref<!tpu.dma_semaphore, #tpu.memory_space<semaphore_mem>>
      tpu.enqueue_dma source(%arg2 : memref<16xf32, #tpu.memory_space<hbm>>) target(%arg7 : memref<16xf32, #tpu.memory_space<vmem>>) target_semaphore(%run_scoped3A : memref<!tpu.dma_semaphore, #tpu.memory_space<semaphore_mem>>)
      tpu.wait_dma2 semaphore(%run_scoped3A : memref<!tpu.dma_semaphore, #tpu.memory_space<semaphore_mem>>) src(%arg2 : memref<16xf32, #tpu.memory_space<hbm>>) dst(%arg7 : memref<16xf32, #tpu.memory_space<vmem>>)
      tpu.yield
    }) : () -> ()
    %get3A = arith.constant 0 : index
    %get3A_33 = tpu.vector_load %arg7[%get3A] {strides = array<i32>} : memref<16xf32, #tpu.memory_space<vmem>>, vector<16xf32>,
    %mul3A_34 = arith.constant 2.000000e+00 : f32
    %mul3A_35 = vector.broadcast %mul3A_34 : f32 to vector<16xf32>
    %mul3A_36 = arith.mulf %get3A_33, %mul3A_35 : vector<16xf32>
    %scan3A = arith.constant 0 : i32
    %scan3A_37 = arith.constant 0 : i32
    %scan3A_38 = arith.constant 512 : i32
    %scan3A_39 = arith.addi %scan3A_37, %scan3A_38 : i32
    %scan3A_40 = arith.constant 1 : i32
    scf.for %scan3A_730 = %scan3A_37 to %scan3A_39 step %scan3A_40  : i32 {
      %get3A_731 = arith.index_cast %scan3A_730 : i32 to index
      %get3A_732 = arith.constant 0 : index
      %get3A_733 = tpu.vector_load %arg6[%get3A_731, %get3A_732] {strides = array<i32>} : memref<512x16xf32, #tpu.memory_space<vmem>>, vector<16xf32>,
      %add3A_734 = arith.addf %get3A_733, %mul3A_36 : vector<16xf32>
      %swap3A = arith.index_cast %scan3A_730 : i32 to index
      %swap3A_735 = arith.constant 0 : index
      %swap3A_736 = tpu.vector_load %arg6[%swap3A, %swap3A_735] {strides = array<i32>} : memref<512x16xf32, #tpu.memory_space<vmem>>, vector<16xf32>,
      tpu.vector_store %arg6[%swap3A, %swap3A_735], %add3A_734 {strides = array<i32>} : memref<512x16xf32, #tpu.memory_space<vmem>>, vector<16xf32>,
    }
    %scan3A_41 = arith.constant 512 : i32
    %iota3A = tpu.iota {dimensions = array<i32: 0>} : vector<16xi32>
    %broadcast_in_dim3A = arith.constant 0 : i32
    %broadcast_in_dim3A_42 = vector.broadcast %broadcast_in_dim3A : i32 to vector<16xi32>
    %add3A_43 = arith.constant 0 : i32
    %add3A_44 = vector.broadcast %add3A_43 : i32 to vector<16xi32>
    %add3A_45 = arith.addi %broadcast_in_dim3A_42, %add3A_44 : vector<16xi32>
    %broadcast_in_dim3A_46 = arith.constant 0 : i32
    %broadcast_in_dim3A_47 = vector.broadcast %broadcast_in_dim3A_46 : i32 to vector<16xi32>
    %add3A_48 = arith.constant 1 : i32
    %add3A_49 = vector.broadcast %add3A_48 : i32 to vector<16xi32>
    %add3A_50 = arith.addi %broadcast_in_dim3A_47, %add3A_49 : vector<16xi32>
    %broadcast_in_dim3A_51 = arith.constant 0 : i32
    %broadcast_in_dim3A_52 = vector.broadcast %broadcast_in_dim3A_51 : i32 to vector<16xi32>
    %add3A_53 = arith.constant 2 : i32
    %add3A_54 = vector.broadcast %add3A_53 : i32 to vector<16xi32>
    %add3A_55 = arith.addi %broadcast_in_dim3A_52, %add3A_54 : vector<16xi32>
    %broadcast_in_dim3A_56 = arith.constant 0 : i32
    %broadcast_in_dim3A_57 = vector.broadcast %broadcast_in_dim3A_56 : i32 to vector<16xi32>
    %add3A_58 = arith.constant 3 : i32
    %add3A_59 = vector.broadcast %add3A_58 : i32 to vector<16xi32>
    %add3A_60 = arith.addi %broadcast_in_dim3A_57, %add3A_59 : vector<16xi32>
    %broadcast_in_dim3A_61 = arith.constant 0 : i32
    %broadcast_in_dim3A_62 = vector.broadcast %broadcast_in_dim3A_61 : i32 to vector<16xi32>
    %add3A_63 = arith.constant 4 : i32
    %add3A_64 = vector.broadcast %add3A_63 : i32 to vector<16xi32>
    %add3A_65 = arith.addi %broadcast_in_dim3A_62, %add3A_64 : vector<16xi32>
    %broadcast_in_dim3A_66 = arith.constant 0 : i32
    %broadcast_in_dim3A_67 = vector.broadcast %broadcast_in_dim3A_66 : i32 to vector<16xi32>
    %add3A_68 = arith.constant 5 : i32
    %add3A_69 = vector.broadcast %add3A_68 : i32 to vector<16xi32>
    %add3A_70 = arith.addi %broadcast_in_dim3A_67, %add3A_69 : vector<16xi32>
    %broadcast_in_dim3A_71 = arith.constant 0 : i32
    %broadcast_in_dim3A_72 = vector.broadcast %broadcast_in_dim3A_71 : i32 to vector<16xi32>
    %add3A_73 = arith.constant 6 : i32
    %add3A_74 = vector.broadcast %add3A_73 : i32 to vector<16xi32>
    %add3A_75 = arith.addi %broadcast_in_dim3A_72, %add3A_74 : vector<16xi32>
    %broadcast_in_dim3A_76 = arith.constant 0 : i32
    %broadcast_in_dim3A_77 = vector.broadcast %broadcast_in_dim3A_76 : i32 to vector<16xi32>
    %add3A_78 = arith.constant 7 : i32
    %add3A_79 = vector.broadcast %add3A_78 : i32 to vector<16xi32>
    %add3A_80 = arith.addi %broadcast_in_dim3A_77, %add3A_79 : vector<16xi32>
    %broadcast_in_dim3A_81 = arith.constant 0 : i32
    %broadcast_in_dim3A_82 = vector.broadcast %broadcast_in_dim3A_81 : i32 to vector<16xi32>
    %add3A_83 = arith.constant 8 : i32
    %add3A_84 = vector.broadcast %add3A_83 : i32 to vector<16xi32>
    %add3A_85 = arith.addi %broadcast_in_dim3A_82, %add3A_84 : vector<16xi32>
    %broadcast_in_dim3A_86 = arith.constant 0 : i32
    %broadcast_in_dim3A_87 = vector.broadcast %broadcast_in_dim3A_86 : i32 to vector<16xi32>
    %add3A_88 = arith.constant 9 : i32
    %add3A_89 = vector.broadcast %add3A_88 : i32 to vector<16xi32>
    %add3A_90 = arith.addi %broadcast_in_dim3A_87, %add3A_89 : vector<16xi32>
    %broadcast_in_dim3A_91 = arith.constant 0 : i32
    %broadcast_in_dim3A_92 = vector.broadcast %broadcast_in_dim3A_91 : i32 to vector<16xi32>
    %add3A_93 = arith.constant 10 : i32
    %add3A_94 = vector.broadcast %add3A_93 : i32 to vector<16xi32>
    %add3A_95 = arith.addi %broadcast_in_dim3A_92, %add3A_94 : vector<16xi32>
    %broadcast_in_dim3A_96 = arith.constant 0 : i32
    %broadcast_in_dim3A_97 = vector.broadcast %broadcast_in_dim3A_96 : i32 to vector<16xi32>
    %add3A_98 = arith.constant 11 : i32
    %add3A_99 = vector.broadcast %add3A_98 : i32 to vector<16xi32>
    %add3A_100 = arith.addi %broadcast_in_dim3A_97, %add3A_99 : vector<16xi32>
    %broadcast_in_dim3A_101 = arith.constant 0 : i32
    %broadcast_in_dim3A_102 = vector.broadcast %broadcast_in_dim3A_101 : i32 to vector<16xi32>
    %add3A_103 = arith.constant 12 : i32
    %add3A_104 = vector.broadcast %add3A_103 : i32 to vector<16xi32>
    %add3A_105 = arith.addi %broadcast_in_dim3A_102, %add3A_104 : vector<16xi32>
    %broadcast_in_dim3A_106 = arith.constant 0 : i32
    %broadcast_in_dim3A_107 = vector.broadcast %broadcast_in_dim3A_106 : i32 to vector<16xi32>
    %add3A_108 = arith.constant 13 : i32
    %add3A_109 = vector.broadcast %add3A_108 : i32 to vector<16xi32>
    %add3A_110 = arith.addi %broadcast_in_dim3A_107, %add3A_109 : vector<16xi32>
    %broadcast_in_dim3A_111 = arith.constant 0 : i32
    %broadcast_in_dim3A_112 = vector.broadcast %broadcast_in_dim3A_111 : i32 to vector<16xi32>
    %add3A_113 = arith.constant 14 : i32
    %add3A_114 = vector.broadcast %add3A_113 : i32 to vector<16xi32>
    %add3A_115 = arith.addi %broadcast_in_dim3A_112, %add3A_114 : vector<16xi32>
    %broadcast_in_dim3A_116 = arith.constant 0 : i32
    %broadcast_in_dim3A_117 = vector.broadcast %broadcast_in_dim3A_116 : i32 to vector<16xi32>
    %add3A_118 = arith.constant 15 : i32
    %add3A_119 = vector.broadcast %add3A_118 : i32 to vector<16xi32>
    %add3A_120 = arith.addi %broadcast_in_dim3A_117, %add3A_119 : vector<16xi32>
    %broadcast_in_dim3A_121 = arith.constant 0 : i32
    %broadcast_in_dim3A_122 = vector.broadcast %broadcast_in_dim3A_121 : i32 to vector<16xi32>
    %add3A_123 = arith.constant 0 : i32
    %add3A_124 = vector.broadcast %add3A_123 : i32 to vector<16xi32>
    %add3A_125 = arith.addi %broadcast_in_dim3A_122, %add3A_124 : vector<16xi32>
    %broadcast_in_dim3A_126 = arith.constant 0 : i32
    %broadcast_in_dim3A_127 = vector.broadcast %broadcast_in_dim3A_126 : i32 to vector<16xi32>
    %add3A_128 = arith.constant 1 : i32
    %add3A_129 = vector.broadcast %add3A_128 : i32 to vector<16xi32>
    %add3A_130 = arith.addi %broadcast_in_dim3A_127, %add3A_129 : vector<16xi32>
    %broadcast_in_dim3A_131 = arith.constant 0 : i32
    %broadcast_in_dim3A_132 = vector.broadcast %broadcast_in_dim3A_131 : i32 to vector<16xi32>
    %add3A_133 = arith.constant 2 : i32
    %add3A_134 = vector.broadcast %add3A_133 : i32 to vector<16xi32>
    %add3A_135 = arith.addi %broadcast_in_dim3A_132, %add3A_134 : vector<16xi32>
    %broadcast_in_dim3A_136 = arith.constant 0 : i32
    %broadcast_in_dim3A_137 = vector.broadcast %broadcast_in_dim3A_136 : i32 to vector<16xi32>
    %add3A_138 = arith.constant 3 : i32
    %add3A_139 = vector.broadcast %add3A_138 : i32 to vector<16xi32>
    %add3A_140 = arith.addi %broadcast_in_dim3A_137, %add3A_139 : vector<16xi32>
    %eq3A_141 = arith.constant 0 : i32
    %eq3A_142 = arith.cmpi eq, %select_n3A_30, %eq3A_141 : i32
    %convert_element_type3A = arith.extui %eq3A_142 : i1 to i32
    %cond3A = arith.constant 0 : i32
    %cond3A_143 = arith.cmpi ne, %convert_element_type3A, %cond3A : i32
    scf.if %cond3A_143 {
      %scan3A_730 = arith.constant 0 : i32
      %scan3A_731 = arith.constant 0 : i32
      %scan3A_732 = arith.constant 33 : i32
      %scan3A_733 = arith.addi %scan3A_731, %scan3A_732 : i32
      %scan3A_734 = arith.constant 1 : i32
      scf.for %scan3A_767 = %scan3A_731 to %scan3A_733 step %scan3A_734  : i32 {
        %mul3A_768 = arith.constant 16 : i32
        %mul3A_769 = arith.muli %scan3A_767, %mul3A_768 : i32
        %swap3A = arith.index_cast %mul3A_769 : i32 to index
        %swap3A_770 = tpu.vector_load %arg12[%swap3A] {strides = array<i32>} : memref<544xf32, #tpu.memory_space<vmem>>, vector<16xf32>,
        tpu.vector_store %arg12[%swap3A], %mul3A_36 {strides = array<i32>} : memref<544xf32, #tpu.memory_space<vmem>>, vector<16xf32>,
      }
      %scan3A_735 = arith.constant 33 : i32
      %run_scoped3A = arith.constant 0 : i32
      %run_scoped3A_736 = arith.constant 0 : i32
      "tpu.region"() ({
        %run_scoped3A_767 = tpu.sem_alloc : memref<!tpu.dma_semaphore, #tpu.memory_space<semaphore_mem>>
        %dma_start3A_768 = arith.constant 0 : i32
        %dma_start3A_769 = tpu.memref_slice %arg12[%dma_start3A_768] : memref<544xf32, #tpu.memory_space<vmem>> -> memref<513xf32, #tpu.memory_space<vmem>>
        %dma_start3A_770 = arith.constant 0 : i32
        %dma_start3A_771 = tpu.memref_slice %arg5[%select_n3A, %run_scoped3A, %run_scoped3A_736, %dma_start3A_770] : memref<8x16x513x513xf32, #tpu.memory_space<hbm>> -> memref<1x1x1x513xf32, #tpu.memory_space<hbm>>
        %dma_start3A_772 = tpu.memref_squeeze %dma_start3A_771 : memref<1x1x1x513xf32, #tpu.memory_space<hbm>> -> memref<513xf32, #tpu.memory_space<hbm>>
        %dma_start3A_773 = arith.constant 0 : i32
        %dma_start3A_774 = tpu.memref_slice %arg5[%select_n3A, %run_scoped3A, %run_scoped3A_736, %dma_start3A_773] : memref<8x16x513x513xf32, #tpu.memory_space<hbm>> -> memref<1x1x1x513xf32, #tpu.memory_space<hbm>>
        %dma_start3A_775 = tpu.memref_squeeze %dma_start3A_774 : memref<1x1x1x513xf32, #tpu.memory_space<hbm>> -> memref<513xf32, #tpu.memory_space<hbm>>
        %dma_start3A_776 = arith.constant 0 : i32
        %dma_start3A_777 = tpu.memref_slice %arg12[%dma_start3A_776] : memref<544xf32, #tpu.memory_space<vmem>> -> memref<513xf32, #tpu.memory_space<vmem>>
        tpu.enqueue_dma source(%dma_start3A_777 : memref<513xf32, #tpu.memory_space<vmem>>) target(%dma_start3A_775 : memref<513xf32, #tpu.memory_space<hbm>>) target_semaphore(%run_scoped3A_767 : memref<!tpu.dma_semaphore, #tpu.memory_space<semaphore_mem>>)
        %dma_wait3A_778 = arith.constant 0 : i32
        %dma_wait3A_779 = tpu.memref_slice %arg12[%dma_wait3A_778] : memref<544xf32, #tpu.memory_space<vmem>> -> memref<513xf32, #tpu.memory_space<vmem>>
        %dma_wait3A_780 = arith.constant 0 : i32
        %dma_wait3A_781 = tpu.memref_slice %arg5[%select_n3A, %run_scoped3A, %run_scoped3A_736, %dma_wait3A_780] : memref<8x16x513x513xf32, #tpu.memory_space<hbm>> -> memref<1x1x1x513xf32, #tpu.memory_space<hbm>>
        %dma_wait3A_782 = tpu.memref_squeeze %dma_wait3A_781 : memref<1x1x1x513xf32, #tpu.memory_space<hbm>> -> memref<513xf32, #tpu.memory_space<hbm>>
        %dma_wait3A_783 = arith.constant 0 : i32
        %dma_wait3A_784 = tpu.memref_slice %arg5[%select_n3A, %run_scoped3A, %run_scoped3A_736, %dma_wait3A_783] : memref<8x16x513x513xf32, #tpu.memory_space<hbm>> -> memref<1x1x1x513xf32, #tpu.memory_space<hbm>>
        %dma_wait3A_785 = tpu.memref_squeeze %dma_wait3A_784 : memref<1x1x1x513xf32, #tpu.memory_space<hbm>> -> memref<513xf32, #tpu.memory_space<hbm>>
        %dma_wait3A_786 = arith.constant 0 : i32
        %dma_wait3A_787 = tpu.memref_slice %arg12[%dma_wait3A_786] : memref<544xf32, #tpu.memory_space<vmem>> -> memref<513xf32, #tpu.memory_space<vmem>>
        tpu.wait_dma2 semaphore(%run_scoped3A_767 : memref<!tpu.dma_semaphore, #tpu.memory_space<semaphore_mem>>) src(%dma_wait3A_787 : memref<513xf32, #tpu.memory_space<vmem>>) dst(%dma_wait3A_785 : memref<513xf32, #tpu.memory_space<hbm>>)
        tpu.yield
      }) : () -> ()
      %run_scoped3A_737 = arith.constant 1 : i32
      %run_scoped3A_738 = arith.constant 0 : i32
      "tpu.region"() ({
        %run_scoped3A_767 = tpu.sem_alloc : memref<!tpu.dma_semaphore, #tpu.memory_space<semaphore_mem>>
        %dma_start3A_768 = arith.constant 0 : i32
        %dma_start3A_769 = tpu.memref_slice %arg12[%dma_start3A_768] : memref<544xf32, #tpu.memory_space<vmem>> -> memref<513xf32, #tpu.memory_space<vmem>>
        %dma_start3A_770 = arith.constant 0 : i32
        %dma_start3A_771 = tpu.memref_slice %arg5[%select_n3A, %run_scoped3A_737, %run_scoped3A_738, %dma_start3A_770] : memref<8x16x513x513xf32, #tpu.memory_space<hbm>> -> memref<1x1x1x513xf32, #tpu.memory_space<hbm>>
        %dma_start3A_772 = tpu.memref_squeeze %dma_start3A_771 : memref<1x1x1x513xf32, #tpu.memory_space<hbm>> -> memref<513xf32, #tpu.memory_space<hbm>>
        %dma_start3A_773 = arith.constant 0 : i32
        %dma_start3A_774 = tpu.memref_slice %arg5[%select_n3A, %run_scoped3A_737, %run_scoped3A_738, %dma_start3A_773] : memref<8x16x513x513xf32, #tpu.memory_space<hbm>> -> memref<1x1x1x513xf32, #tpu.memory_space<hbm>>
        %dma_start3A_775 = tpu.memref_squeeze %dma_start3A_774 : memref<1x1x1x513xf32, #tpu.memory_space<hbm>> -> memref<513xf32, #tpu.memory_space<hbm>>
        %dma_start3A_776 = arith.constant 0 : i32
        %dma_start3A_777 = tpu.memref_slice %arg12[%dma_start3A_776] : memref<544xf32, #tpu.memory_space<vmem>> -> memref<513xf32, #tpu.memory_space<vmem>>
        tpu.enqueue_dma source(%dma_start3A_777 : memref<513xf32, #tpu.memory_space<vmem>>) target(%dma_start3A_775 : memref<513xf32, #tpu.memory_space<hbm>>) target_semaphore(%run_scoped3A_767 : memref<!tpu.dma_semaphore, #tpu.memory_space<semaphore_mem>>)
        %dma_wait3A_778 = arith.constant 0 : i32
        %dma_wait3A_779 = tpu.memref_slice %arg12[%dma_wait3A_778] : memref<544xf32, #tpu.memory_space<vmem>> -> memref<513xf32, #tpu.memory_space<vmem>>
        %dma_wait3A_780 = arith.constant 0 : i32
        %dma_wait3A_781 = tpu.memref_slice %arg5[%select_n3A, %run_scoped3A_737, %run_scoped3A_738, %dma_wait3A_780] : memref<8x16x513x513xf32, #tpu.memory_space<hbm>> -> memref<1x1x1x513xf32, #tpu.memory_space<hbm>>
        %dma_wait3A_782 = tpu.memref_squeeze %dma_wait3A_781 : memref<1x1x1x513xf32, #tpu.memory_space<hbm>> -> memref<513xf32, #tpu.memory_space<hbm>>
        %dma_wait3A_783 = arith.constant 0 : i32
        %dma_wait3A_784 = tpu.memref_slice %arg5[%select_n3A, %run_scoped3A_737, %run_scoped3A_738, %dma_wait3A_783] : memref<8x16x513x513xf32, #tpu.memory_space<hbm>> -> memref<1x1x1x513xf32, #tpu.memory_space<hbm>>
        %dma_wait3A_785 = tpu.memref_squeeze %dma_wait3A_784 : memref<1x1x1x513xf32, #tpu.memory_space<hbm>> -> memref<513xf32, #tpu.memory_space<hbm>>
        %dma_wait3A_786 = arith.constant 0 : i32
        %dma_wait3A_787 = tpu.memref_slice %arg12[%dma_wait3A_786] : memref<544xf32, #tpu.memory_space<vmem>> -> memref<513xf32, #tpu.memory_space<vmem>>
        tpu.wait_dma2 semaphore(%run_scoped3A_767 : memref<!tpu.dma_semaphore, #tpu.memory_space<semaphore_mem>>) src(%dma_wait3A_787 : memref<513xf32, #tpu.memory_space<vmem>>) dst(%dma_wait3A_785 : memref<513xf32, #tpu.memory_space<hbm>>)
        tpu.yield
      }) : () -> ()
      %run_scoped3A_739 = arith.constant 2 : i32
      %run_scoped3A_740 = arith.constant 0 : i32
      "tpu.region"() ({
        %run_scoped3A_767 = tpu.sem_alloc : memref<!tpu.dma_semaphore, #tpu.memory_space<semaphore_mem>>
        %dma_start3A_768 = arith.constant 0 : i32
        %dma_start3A_769 = tpu.memref_slice %arg12[%dma_start3A_768] : memref<544xf32, #tpu.memory_space<vmem>> -> memref<513xf32, #tpu.memory_space<vmem>>
        %dma_start3A_770 = arith.constant 0 : i32
        %dma_start3A_771 = tpu.memref_slice %arg5[%select_n3A, %run_scoped3A_739, %run_scoped3A_740, %dma_start3A_770] : memref<8x16x513x513xf32, #tpu.memory_space<hbm>> -> memref<1x1x1x513xf32, #tpu.memory_space<hbm>>
        %dma_start3A_772 = tpu.memref_squeeze %dma_start3A_771 : memref<1x1x1x513xf32, #tpu.memory_space<hbm>> -> memref<513xf32, #tpu.memory_space<hbm>>
        %dma_start3A_773 = arith.constant 0 : i32
        %dma_start3A_774 = tpu.memref_slice %arg5[%select_n3A, %run_scoped3A_739, %run_scoped3A_740, %dma_start3A_773] : memref<8x16x513x513xf32, #tpu.memory_space<hbm>> -> memref<1x1x1x513xf32, #tpu.memory_space<hbm>>
        %dma_start3A_775 = tpu.memref_squeeze %dma_start3A_774 : memref<1x1x1x513xf32, #tpu.memory_space<hbm>> -> memref<513xf32, #tpu.memory_space<hbm>>
        %dma_start3A_776 = arith.constant 0 : i32
        %dma_start3A_777 = tpu.memref_slice %arg12[%dma_start3A_776] : memref<544xf32, #tpu.memory_space<vmem>> -> memref<513xf32, #tpu.memory_space<vmem>>
        tpu.enqueue_dma source(%dma_start3A_777 : memref<513xf32, #tpu.memory_space<vmem>>) target(%dma_start3A_775 : memref<513xf32, #tpu.memory_space<hbm>>) target_semaphore(%run_scoped3A_767 : memref<!tpu.dma_semaphore, #tpu.memory_space<semaphore_mem>>)
        %dma_wait3A_778 = arith.constant 0 : i32
        %dma_wait3A_779 = tpu.memref_slice %arg12[%dma_wait3A_778] : memref<544xf32, #tpu.memory_space<vmem>> -> memref<513xf32, #tpu.memory_space<vmem>>
        %dma_wait3A_780 = arith.constant 0 : i32
        %dma_wait3A_781 = tpu.memref_slice %arg5[%select_n3A, %run_scoped3A_739, %run_scoped3A_740, %dma_wait3A_780] : memref<8x16x513x513xf32, #tpu.memory_space<hbm>> -> memref<1x1x1x513xf32, #tpu.memory_space<hbm>>
        %dma_wait3A_782 = tpu.memref_squeeze %dma_wait3A_781 : memref<1x1x1x513xf32, #tpu.memory_space<hbm>> -> memref<513xf32, #tpu.memory_space<hbm>>
        %dma_wait3A_783 = arith.constant 0 : i32
        %dma_wait3A_784 = tpu.memref_slice %arg5[%select_n3A, %run_scoped3A_739, %run_scoped3A_740, %dma_wait3A_783] : memref<8x16x513x513xf32, #tpu.memory_space<hbm>> -> memref<1x1x1x513xf32, #tpu.memory_space<hbm>>
        %dma_wait3A_785 = tpu.memref_squeeze %dma_wait3A_784 : memref<1x1x1x513xf32, #tpu.memory_space<hbm>> -> memref<513xf32, #tpu.memory_space<hbm>>
        %dma_wait3A_786 = arith.constant 0 : i32
        %dma_wait3A_787 = tpu.memref_slice %arg12[%dma_wait3A_786] : memref<544xf32, #tpu.memory_space<vmem>> -> memref<513xf32, #tpu.memory_space<vmem>>
        tpu.wait_dma2 semaphore(%run_scoped3A_767 : memref<!tpu.dma_semaphore, #tpu.memory_space<semaphore_mem>>) src(%dma_wait3A_787 : memref<513xf32, #tpu.memory_space<vmem>>) dst(%dma_wait3A_785 : memref<513xf32, #tpu.memory_space<hbm>>)
        tpu.yield
      }) : () -> ()
      %run_scoped3A_741 = arith.constant 3 : i32
      %run_scoped3A_742 = arith.constant 0 : i32
      "tpu.region"() ({
        %run_scoped3A_767 = tpu.sem_alloc : memref<!tpu.dma_semaphore, #tpu.memory_space<semaphore_mem>>
        %dma_start3A_768 = arith.constant 0 : i32
        %dma_start3A_769 = tpu.memref_slice %arg12[%dma_start3A_768] : memref<544xf32, #tpu.memory_space<vmem>> -> memref<513xf32, #tpu.memory_space<vmem>>
        %dma_start3A_770 = arith.constant 0 : i32
        %dma_start3A_771 = tpu.memref_slice %arg5[%select_n3A, %run_scoped3A_741, %run_scoped3A_742, %dma_start3A_770] : memref<8x16x513x513xf32, #tpu.memory_space<hbm>> -> memref<1x1x1x513xf32, #tpu.memory_space<hbm>>
        %dma_start3A_772 = tpu.memref_squeeze %dma_start3A_771 : memref<1x1x1x513xf32, #tpu.memory_space<hbm>> -> memref<513xf32, #tpu.memory_space<hbm>>
        %dma_start3A_773 = arith.constant 0 : i32
        %dma_start3A_774 = tpu.memref_slice %arg5[%select_n3A, %run_scoped3A_741, %run_scoped3A_742, %dma_start3A_773] : memref<8x16x513x513xf32, #tpu.memory_space<hbm>> -> memref<1x1x1x513xf32, #tpu.memory_space<hbm>>
        %dma_start3A_775 = tpu.memref_squeeze %dma_start3A_774 : memref<1x1x1x513xf32, #tpu.memory_space<hbm>> -> memref<513xf32, #tpu.memory_space<hbm>>
        %dma_start3A_776 = arith.constant 0 : i32
        %dma_start3A_777 = tpu.memref_slice %arg12[%dma_start3A_776] : memref<544xf32, #tpu.memory_space<vmem>> -> memref<513xf32, #tpu.memory_space<vmem>>
        tpu.enqueue_dma source(%dma_start3A_777 : memref<513xf32, #tpu.memory_space<vmem>>) target(%dma_start3A_775 : memref<513xf32, #tpu.memory_space<hbm>>) target_semaphore(%run_scoped3A_767 : memref<!tpu.dma_semaphore, #tpu.memory_space<semaphore_mem>>)
        %dma_wait3A_778 = arith.constant 0 : i32
        %dma_wait3A_779 = tpu.memref_slice %arg12[%dma_wait3A_778] : memref<544xf32, #tpu.memory_space<vmem>> -> memref<513xf32, #tpu.memory_space<vmem>>
        %dma_wait3A_780 = arith.constant 0 : i32
        %dma_wait3A_781 = tpu.memref_slice %arg5[%select_n3A, %run_scoped3A_741, %run_scoped3A_742, %dma_wait3A_780] : memref<8x16x513x513xf32, #tpu.memory_space<hbm>> -> memref<1x1x1x513xf32, #tpu.memory_space<hbm>>
        %dma_wait3A_782 = tpu.memref_squeeze %dma_wait3A_781 : memref<1x1x1x513xf32, #tpu.memory_space<hbm>> -> memref<513xf32, #tpu.memory_space<hbm>>
        %dma_wait3A_783 = arith.constant 0 : i32
        %dma_wait3A_784 = tpu.memref_slice %arg5[%select_n3A, %run_scoped3A_741, %run_scoped3A_742, %dma_wait3A_783] : memref<8x16x513x513xf32, #tpu.memory_space<hbm>> -> memref<1x1x1x513xf32, #tpu.memory_space<hbm>>
        %dma_wait3A_785 = tpu.memref_squeeze %dma_wait3A_784 : memref<1x1x1x513xf32, #tpu.memory_space<hbm>> -> memref<513xf32, #tpu.memory_space<hbm>>
        %dma_wait3A_786 = arith.constant 0 : i32
        %dma_wait3A_787 = tpu.memref_slice %arg12[%dma_wait3A_786] : memref<544xf32, #tpu.memory_space<vmem>> -> memref<513xf32, #tpu.memory_space<vmem>>
        tpu.wait_dma2 semaphore(%run_scoped3A_767 : memref<!tpu.dma_semaphore, #tpu.memory_space<semaphore_mem>>) src(%dma_wait3A_787 : memref<513xf32, #tpu.memory_space<vmem>>) dst(%dma_wait3A_785 : memref<513xf32, #tpu.memory_space<hbm>>)
        tpu.yield
      }) : () -> ()
      %run_scoped3A_743 = arith.constant 4 : i32
      %run_scoped3A_744 = arith.constant 0 : i32
      "tpu.region"() ({
        %run_scoped3A_767 = tpu.sem_alloc : memref<!tpu.dma_semaphore, #tpu.memory_space<semaphore_mem>>
        %dma_start3A_768 = arith.constant 0 : i32
        %dma_start3A_769 = tpu.memref_slice %arg12[%dma_start3A_768] : memref<544xf32, #tpu.memory_space<vmem>> -> memref<513xf32, #tpu.memory_space<vmem>>
        %dma_start3A_770 = arith.constant 0 : i32
        %dma_start3A_771 = tpu.memref_slice %arg5[%select_n3A, %run_scoped3A_743, %run_scoped3A_744, %dma_start3A_770] : memref<8x16x513x513xf32, #tpu.memory_space<hbm>> -> memref<1x1x1x513xf32, #tpu.memory_space<hbm>>
        %dma_start3A_772 = tpu.memref_squeeze %dma_start3A_771 : memref<1x1x1x513xf32, #tpu.memory_space<hbm>> -> memref<513xf32, #tpu.memory_space<hbm>>
        %dma_start3A_773 = arith.constant 0 : i32
        %dma_start3A_774 = tpu.memref_slice %arg5[%select_n3A, %run_scoped3A_743, %run_scoped3A_744, %dma_start3A_773] : memref<8x16x513x513xf32, #tpu.memory_space<hbm>> -> memref<1x1x1x513xf32, #tpu.memory_space<hbm>>
        %dma_start3A_775 = tpu.memref_squeeze %dma_start3A_774 : memref<1x1x1x513xf32, #tpu.memory_space<hbm>> -> memref<513xf32, #tpu.memory_space<hbm>>
        %dma_start3A_776 = arith.constant 0 : i32
        %dma_start3A_777 = tpu.memref_slice %arg12[%dma_start3A_776] : memref<544xf32, #tpu.memory_space<vmem>> -> memref<513xf32, #tpu.memory_space<vmem>>
        tpu.enqueue_dma source(%dma_start3A_777 : memref<513xf32, #tpu.memory_space<vmem>>) target(%dma_start3A_775 : memref<513xf32, #tpu.memory_space<hbm>>) target_semaphore(%run_scoped3A_767 : memref<!tpu.dma_semaphore, #tpu.memory_space<semaphore_mem>>)
        %dma_wait3A_778 = arith.constant 0 : i32
        %dma_wait3A_779 = tpu.memref_slice %arg12[%dma_wait3A_778] : memref<544xf32, #tpu.memory_space<vmem>> -> memref<513xf32, #tpu.memory_space<vmem>>
        %dma_wait3A_780 = arith.constant 0 : i32
        %dma_wait3A_781 = tpu.memref_slice %arg5[%select_n3A, %run_scoped3A_743, %run_scoped3A_744, %dma_wait3A_780] : memref<8x16x513x513xf32, #tpu.memory_space<hbm>> -> memref<1x1x1x513xf32, #tpu.memory_space<hbm>>
        %dma_wait3A_782 = tpu.memref_squeeze %dma_wait3A_781 : memref<1x1x1x513xf32, #tpu.memory_space<hbm>> -> memref<513xf32, #tpu.memory_space<hbm>>
        %dma_wait3A_783 = arith.constant 0 : i32
        %dma_wait3A_784 = tpu.memref_slice %arg5[%select_n3A, %run_scoped3A_743, %run_scoped3A_744, %dma_wait3A_783] : memref<8x16x513x513xf32, #tpu.memory_space<hbm>> -> memref<1x1x1x513xf32, #tpu.memory_space<hbm>>
        %dma_wait3A_785 = tpu.memref_squeeze %dma_wait3A_784 : memref<1x1x1x513xf32, #tpu.memory_space<hbm>> -> memref<513xf32, #tpu.memory_space<hbm>>
        %dma_wait3A_786 = arith.constant 0 : i32
        %dma_wait3A_787 = tpu.memref_slice %arg12[%dma_wait3A_786] : memref<544xf32, #tpu.memory_space<vmem>> -> memref<513xf32, #tpu.memory_space<vmem>>
        tpu.wait_dma2 semaphore(%run_scoped3A_767 : memref<!tpu.dma_semaphore, #tpu.memory_space<semaphore_mem>>) src(%dma_wait3A_787 : memref<513xf32, #tpu.memory_space<vmem>>) dst(%dma_wait3A_785 : memref<513xf32, #tpu.memory_space<hbm>>)
        tpu.yield
      }) : () -> ()
      %run_scoped3A_745 = arith.constant 5 : i32
      %run_scoped3A_746 = arith.constant 0 : i32
      "tpu.region"() ({
        %run_scoped3A_767 = tpu.sem_alloc : memref<!tpu.dma_semaphore, #tpu.memory_space<semaphore_mem>>
        %dma_start3A_768 = arith.constant 0 : i32
        %dma_start3A_769 = tpu.memref_slice %arg12[%dma_start3A_768] : memref<544xf32, #tpu.memory_space<vmem>> -> memref<513xf32, #tpu.memory_space<vmem>>
        %dma_start3A_770 = arith.constant 0 : i32
        %dma_start3A_771 = tpu.memref_slice %arg5[%select_n3A, %run_scoped3A_745, %run_scoped3A_746, %dma_start3A_770] : memref<8x16x513x513xf32, #tpu.memory_space<hbm>> -> memref<1x1x1x513xf32, #tpu.memory_space<hbm>>
        %dma_start3A_772 = tpu.memref_squeeze %dma_start3A_771 : memref<1x1x1x513xf32, #tpu.memory_space<hbm>> -> memref<513xf32, #tpu.memory_space<hbm>>
        %dma_start3A_773 = arith.constant 0 : i32
        %dma_start3A_774 = tpu.memref_slice %arg5[%select_n3A, %run_scoped3A_745, %run_scoped3A_746, %dma_start3A_773] : memref<8x16x513x513xf32, #tpu.memory_space<hbm>> -> memref<1x1x1x513xf32, #tpu.memory_space<hbm>>
        %dma_start3A_775 = tpu.memref_squeeze %dma_start3A_774 : memref<1x1x1x513xf32, #tpu.memory_space<hbm>> -> memref<513xf32, #tpu.memory_space<hbm>>
        %dma_start3A_776 = arith.constant 0 : i32
        %dma_start3A_777 = tpu.memref_slice %arg12[%dma_start3A_776] : memref<544xf32, #tpu.memory_space<vmem>> -> memref<513xf32, #tpu.memory_space<vmem>>
        tpu.enqueue_dma source(%dma_start3A_777 : memref<513xf32, #tpu.memory_space<vmem>>) target(%dma_start3A_775 : memref<513xf32, #tpu.memory_space<hbm>>) target_semaphore(%run_scoped3A_767 : memref<!tpu.dma_semaphore, #tpu.memory_space<semaphore_mem>>)
        %dma_wait3A_778 = arith.constant 0 : i32
        %dma_wait3A_779 = tpu.memref_slice %arg12[%dma_wait3A_778] : memref<544xf32, #tpu.memory_space<vmem>> -> memref<513xf32, #tpu.memory_space<vmem>>
        %dma_wait3A_780 = arith.constant 0 : i32
        %dma_wait3A_781 = tpu.memref_slice %arg5[%select_n3A, %run_scoped3A_745, %run_scoped3A_746, %dma_wait3A_780] : memref<8x16x513x513xf32, #tpu.memory_space<hbm>> -> memref<1x1x1x513xf32, #tpu.memory_space<hbm>>
        %dma_wait3A_782 = tpu.memref_squeeze %dma_wait3A_781 : memref<1x1x1x513xf32, #tpu.memory_space<hbm>> -> memref<513xf32, #tpu.memory_space<hbm>>
        %dma_wait3A_783 = arith.constant 0 : i32
        %dma_wait3A_784 = tpu.memref_slice %arg5[%select_n3A, %run_scoped3A_745, %run_scoped3A_746, %dma_wait3A_783] : memref<8x16x513x513xf32, #tpu.memory_space<hbm>> -> memref<1x1x1x513xf32, #tpu.memory_space<hbm>>
        %dma_wait3A_785 = tpu.memref_squeeze %dma_wait3A_784 : memref<1x1x1x513xf32, #tpu.memory_space<hbm>> -> memref<513xf32, #tpu.memory_space<hbm>>
        %dma_wait3A_786 = arith.constant 0 : i32
        %dma_wait3A_787 = tpu.memref_slice %arg12[%dma_wait3A_786] : memref<544xf32, #tpu.memory_space<vmem>> -> memref<513xf32, #tpu.memory_space<vmem>>
        tpu.wait_dma2 semaphore(%run_scoped3A_767 : memref<!tpu.dma_semaphore, #tpu.memory_space<semaphore_mem>>) src(%dma_wait3A_787 : memref<513xf32, #tpu.memory_space<vmem>>) dst(%dma_wait3A_785 : memref<513xf32, #tpu.memory_space<hbm>>)
        tpu.yield
      }) : () -> ()
      %run_scoped3A_747 = arith.constant 6 : i32
      %run_scoped3A_748 = arith.constant 0 : i32
      "tpu.region"() ({
        %run_scoped3A_767 = tpu.sem_alloc : memref<!tpu.dma_semaphore, #tpu.memory_space<semaphore_mem>>
        %dma_start3A_768 = arith.constant 0 : i32
        %dma_start3A_769 = tpu.memref_slice %arg12[%dma_start3A_768] : memref<544xf32, #tpu.memory_space<vmem>> -> memref<513xf32, #tpu.memory_space<vmem>>
        %dma_start3A_770 = arith.constant 0 : i32
        %dma_start3A_771 = tpu.memref_slice %arg5[%select_n3A, %run_scoped3A_747, %run_scoped3A_748, %dma_start3A_770] : memref<8x16x513x513xf32, #tpu.memory_space<hbm>> -> memref<1x1x1x513xf32, #tpu.memory_space<hbm>>
        %dma_start3A_772 = tpu.memref_squeeze %dma_start3A_771 : memref<1x1x1x513xf32, #tpu.memory_space<hbm>> -> memref<513xf32, #tpu.memory_space<hbm>>
        %dma_start3A_773 = arith.constant 0 : i32
        %dma_start3A_774 = tpu.memref_slice %arg5[%select_n3A, %run_scoped3A_747, %run_scoped3A_748, %dma_start3A_773] : memref<8x16x513x513xf32, #tpu.memory_space<hbm>> -> memref<1x1x1x513xf32, #tpu.memory_space<hbm>>
        %dma_start3A_775 = tpu.memref_squeeze %dma_start3A_774 : memref<1x1x1x513xf32, #tpu.memory_space<hbm>> -> memref<513xf32, #tpu.memory_space<hbm>>
        %dma_start3A_776 = arith.constant 0 : i32
        %dma_start3A_777 = tpu.memref_slice %arg12[%dma_start3A_776] : memref<544xf32, #tpu.memory_space<vmem>> -> memref<513xf32, #tpu.memory_space<vmem>>
        tpu.enqueue_dma source(%dma_start3A_777 : memref<513xf32, #tpu.memory_space<vmem>>) target(%dma_start3A_775 : memref<513xf32, #tpu.memory_space<hbm>>) target_semaphore(%run_scoped3A_767 : memref<!tpu.dma_semaphore, #tpu.memory_space<semaphore_mem>>)
        %dma_wait3A_778 = arith.constant 0 : i32
        %dma_wait3A_779 = tpu.memref_slice %arg12[%dma_wait3A_778] : memref<544xf32, #tpu.memory_space<vmem>> -> memref<513xf32, #tpu.memory_space<vmem>>
        %dma_wait3A_780 = arith.constant 0 : i32
        %dma_wait3A_781 = tpu.memref_slice %arg5[%select_n3A, %run_scoped3A_747, %run_scoped3A_748, %dma_wait3A_780] : memref<8x16x513x513xf32, #tpu.memory_space<hbm>> -> memref<1x1x1x513xf32, #tpu.memory_space<hbm>>
        %dma_wait3A_782 = tpu.memref_squeeze %dma_wait3A_781 : memref<1x1x1x513xf32, #tpu.memory_space<hbm>> -> memref<513xf32, #tpu.memory_space<hbm>>
        %dma_wait3A_783 = arith.constant 0 : i32
        %dma_wait3A_784 = tpu.memref_slice %arg5[%select_n3A, %run_scoped3A_747, %run_scoped3A_748, %dma_wait3A_783] : memref<8x16x513x513xf32, #tpu.memory_space<hbm>> -> memref<1x1x1x513xf32, #tpu.memory_space<hbm>>
        %dma_wait3A_785 = tpu.memref_squeeze %dma_wait3A_784 : memref<1x1x1x513xf32, #tpu.memory_space<hbm>> -> memref<513xf32, #tpu.memory_space<hbm>>
        %dma_wait3A_786 = arith.constant 0 : i32
        %dma_wait3A_787 = tpu.memref_slice %arg12[%dma_wait3A_786] : memref<544xf32, #tpu.memory_space<vmem>> -> memref<513xf32, #tpu.memory_space<vmem>>
        tpu.wait_dma2 semaphore(%run_scoped3A_767 : memref<!tpu.dma_semaphore, #tpu.memory_space<semaphore_mem>>) src(%dma_wait3A_787 : memref<513xf32, #tpu.memory_space<vmem>>) dst(%dma_wait3A_785 : memref<513xf32, #tpu.memory_space<hbm>>)
        tpu.yield
      }) : () -> ()
      %run_scoped3A_749 = arith.constant 7 : i32
      %run_scoped3A_750 = arith.constant 0 : i32
      "tpu.region"() ({
        %run_scoped3A_767 = tpu.sem_alloc : memref<!tpu.dma_semaphore, #tpu.memory_space<semaphore_mem>>
        %dma_start3A_768 = arith.constant 0 : i32
        %dma_start3A_769 = tpu.memref_slice %arg12[%dma_start3A_768] : memref<544xf32, #tpu.memory_space<vmem>> -> memref<513xf32, #tpu.memory_space<vmem>>
        %dma_start3A_770 = arith.constant 0 : i32
        %dma_start3A_771 = tpu.memref_slice %arg5[%select_n3A, %run_scoped3A_749, %run_scoped3A_750, %dma_start3A_770] : memref<8x16x513x513xf32, #tpu.memory_space<hbm>> -> memref<1x1x1x513xf32, #tpu.memory_space<hbm>>
        %dma_start3A_772 = tpu.memref_squeeze %dma_start3A_771 : memref<1x1x1x513xf32, #tpu.memory_space<hbm>> -> memref<513xf32, #tpu.memory_space<hbm>>
        %dma_start3A_773 = arith.constant 0 : i32
        %dma_start3A_774 = tpu.memref_slice %arg5[%select_n3A, %run_scoped3A_749, %run_scoped3A_750, %dma_start3A_773] : memref<8x16x513x513xf32, #tpu.memory_space<hbm>> -> memref<1x1x1x513xf32, #tpu.memory_space<hbm>>
        %dma_start3A_775 = tpu.memref_squeeze %dma_start3A_774 : memref<1x1x1x513xf32, #tpu.memory_space<hbm>> -> memref<513xf32, #tpu.memory_space<hbm>>
        %dma_start3A_776 = arith.constant 0 : i32
        %dma_start3A_777 = tpu.memref_slice %arg12[%dma_start3A_776] : memref<544xf32, #tpu.memory_space<vmem>> -> memref<513xf32, #tpu.memory_space<vmem>>
        tpu.enqueue_dma source(%dma_start3A_777 : memref<513xf32, #tpu.memory_space<vmem>>) target(%dma_start3A_775 : memref<513xf32, #tpu.memory_space<hbm>>) target_semaphore(%run_scoped3A_767 : memref<!tpu.dma_semaphore, #tpu.memory_space<semaphore_mem>>)
        %dma_wait3A_778 = arith.constant 0 : i32
        %dma_wait3A_779 = tpu.memref_slice %arg12[%dma_wait3A_778] : memref<544xf32, #tpu.memory_space<vmem>> -> memref<513xf32, #tpu.memory_space<vmem>>
        %dma_wait3A_780 = arith.constant 0 : i32
        %dma_wait3A_781 = tpu.memref_slice %arg5[%select_n3A, %run_scoped3A_749, %run_scoped3A_750, %dma_wait3A_780] : memref<8x16x513x513xf32, #tpu.memory_space<hbm>> -> memref<1x1x1x513xf32, #tpu.memory_space<hbm>>
        %dma_wait3A_782 = tpu.memref_squeeze %dma_wait3A_781 : memref<1x1x1x513xf32, #tpu.memory_space<hbm>> -> memref<513xf32, #tpu.memory_space<hbm>>
        %dma_wait3A_783 = arith.constant 0 : i32
        %dma_wait3A_784 = tpu.memref_slice %arg5[%select_n3A, %run_scoped3A_749, %run_scoped3A_750, %dma_wait3A_783] : memref<8x16x513x513xf32, #tpu.memory_space<hbm>> -> memref<1x1x1x513xf32, #tpu.memory_space<hbm>>
        %dma_wait3A_785 = tpu.memref_squeeze %dma_wait3A_784 : memref<1x1x1x513xf32, #tpu.memory_space<hbm>> -> memref<513xf32, #tpu.memory_space<hbm>>
        %dma_wait3A_786 = arith.constant 0 : i32
        %dma_wait3A_787 = tpu.memref_slice %arg12[%dma_wait3A_786] : memref<544xf32, #tpu.memory_space<vmem>> -> memref<513xf32, #tpu.memory_space<vmem>>
        tpu.wait_dma2 semaphore(%run_scoped3A_767 : memref<!tpu.dma_semaphore, #tpu.memory_space<semaphore_mem>>) src(%dma_wait3A_787 : memref<513xf32, #tpu.memory_space<vmem>>) dst(%dma_wait3A_785 : memref<513xf32, #tpu.memory_space<hbm>>)
        tpu.yield
      }) : () -> ()
      %run_scoped3A_751 = arith.constant 8 : i32
      %run_scoped3A_752 = arith.constant 0 : i32
      "tpu.region"() ({
        %run_scoped3A_767 = tpu.sem_alloc : memref<!tpu.dma_semaphore, #tpu.memory_space<semaphore_mem>>
        %dma_start3A_768 = arith.constant 0 : i32
        %dma_start3A_769 = tpu.memref_slice %arg12[%dma_start3A_768] : memref<544xf32, #tpu.memory_space<vmem>> -> memref<513xf32, #tpu.memory_space<vmem>>
        %dma_start3A_770 = arith.constant 0 : i32
        %dma_start3A_771 = tpu.memref_slice %arg5[%select_n3A, %run_scoped3A_751, %run_scoped3A_752, %dma_start3A_770] : memref<8x16x513x513xf32, #tpu.memory_space<hbm>> -> memref<1x1x1x513xf32, #tpu.memory_space<hbm>>
        %dma_start3A_772 = tpu.memref_squeeze %dma_start3A_771 : memref<1x1x1x513xf32, #tpu.memory_space<hbm>> -> memref<513xf32, #tpu.memory_space<hbm>>
        %dma_start3A_773 = arith.constant 0 : i32
        %dma_start3A_774 = tpu.memref_slice %arg5[%select_n3A, %run_scoped3A_751, %run_scoped3A_752, %dma_start3A_773] : memref<8x16x513x513xf32, #tpu.memory_space<hbm>> -> memref<1x1x1x513xf32, #tpu.memory_space<hbm>>
        %dma_start3A_775 = tpu.memref_squeeze %dma_start3A_774 : memref<1x1x1x513xf32, #tpu.memory_space<hbm>> -> memref<513xf32, #tpu.memory_space<hbm>>
        %dma_start3A_776 = arith.constant 0 : i32
        %dma_start3A_777 = tpu.memref_slice %arg12[%dma_start3A_776] : memref<544xf32, #tpu.memory_space<vmem>> -> memref<513xf32, #tpu.memory_space<vmem>>
        tpu.enqueue_dma source(%dma_start3A_777 : memref<513xf32, #tpu.memory_space<vmem>>) target(%dma_start3A_775 : memref<513xf32, #tpu.memory_space<hbm>>) target_semaphore(%run_scoped3A_767 : memref<!tpu.dma_semaphore, #tpu.memory_space<semaphore_mem>>)
        %dma_wait3A_778 = arith.constant 0 : i32
        %dma_wait3A_779 = tpu.memref_slice %arg12[%dma_wait3A_778] : memref<544xf32, #tpu.memory_space<vmem>> -> memref<513xf32, #tpu.memory_space<vmem>>
        %dma_wait3A_780 = arith.constant 0 : i32
        %dma_wait3A_781 = tpu.memref_slice %arg5[%select_n3A, %run_scoped3A_751, %run_scoped3A_752, %dma_wait3A_780] : memref<8x16x513x513xf32, #tpu.memory_space<hbm>> -> memref<1x1x1x513xf32, #tpu.memory_space<hbm>>
        %dma_wait3A_782 = tpu.memref_squeeze %dma_wait3A_781 : memref<1x1x1x513xf32, #tpu.memory_space<hbm>> -> memref<513xf32, #tpu.memory_space<hbm>>
        %dma_wait3A_783 = arith.constant 0 : i32
        %dma_wait3A_784 = tpu.memref_slice %arg5[%select_n3A, %run_scoped3A_751, %run_scoped3A_752, %dma_wait3A_783] : memref<8x16x513x513xf32, #tpu.memory_space<hbm>> -> memref<1x1x1x513xf32, #tpu.memory_space<hbm>>
        %dma_wait3A_785 = tpu.memref_squeeze %dma_wait3A_784 : memref<1x1x1x513xf32, #tpu.memory_space<hbm>> -> memref<513xf32, #tpu.memory_space<hbm>>
        %dma_wait3A_786 = arith.constant 0 : i32
        %dma_wait3A_787 = tpu.memref_slice %arg12[%dma_wait3A_786] : memref<544xf32, #tpu.memory_space<vmem>> -> memref<513xf32, #tpu.memory_space<vmem>>
        tpu.wait_dma2 semaphore(%run_scoped3A_767 : memref<!tpu.dma_semaphore, #tpu.memory_space<semaphore_mem>>) src(%dma_wait3A_787 : memref<513xf32, #tpu.memory_space<vmem>>) dst(%dma_wait3A_785 : memref<513xf32, #tpu.memory_space<hbm>>)
        tpu.yield
      }) : () -> ()
      %run_scoped3A_753 = arith.constant 9 : i32
      %run_scoped3A_754 = arith.constant 0 : i32
      "tpu.region"() ({
        %run_scoped3A_767 = tpu.sem_alloc : memref<!tpu.dma_semaphore, #tpu.memory_space<semaphore_mem>>
        %dma_start3A_768 = arith.constant 0 : i32
        %dma_start3A_769 = tpu.memref_slice %arg12[%dma_start3A_768] : memref<544xf32, #tpu.memory_space<vmem>> -> memref<513xf32, #tpu.memory_space<vmem>>
        %dma_start3A_770 = arith.constant 0 : i32
        %dma_start3A_771 = tpu.memref_slice %arg5[%select_n3A, %run_scoped3A_753, %run_scoped3A_754, %dma_start3A_770] : memref<8x16x513x513xf32, #tpu.memory_space<hbm>> -> memref<1x1x1x513xf32, #tpu.memory_space<hbm>>
        %dma_start3A_772 = tpu.memref_squeeze %dma_start3A_771 : memref<1x1x1x513xf32, #tpu.memory_space<hbm>> -> memref<513xf32, #tpu.memory_space<hbm>>
        %dma_start3A_773 = arith.constant 0 : i32
        %dma_start3A_774 = tpu.memref_slice %arg5[%select_n3A, %run_scoped3A_753, %run_scoped3A_754, %dma_start3A_773] : memref<8x16x513x513xf32, #tpu.memory_space<hbm>> -> memref<1x1x1x513xf32, #tpu.memory_space<hbm>>
        %dma_start3A_775 = tpu.memref_squeeze %dma_start3A_774 : memref<1x1x1x513xf32, #tpu.memory_space<hbm>> -> memref<513xf32, #tpu.memory_space<hbm>>
        %dma_start3A_776 = arith.constant 0 : i32
        %dma_start3A_777 = tpu.memref_slice %arg12[%dma_start3A_776] : memref<544xf32, #tpu.memory_space<vmem>> -> memref<513xf32, #tpu.memory_space<vmem>>
        tpu.enqueue_dma source(%dma_start3A_777 : memref<513xf32, #tpu.memory_space<vmem>>) target(%dma_start3A_775 : memref<513xf32, #tpu.memory_space<hbm>>) target_semaphore(%run_scoped3A_767 : memref<!tpu.dma_semaphore, #tpu.memory_space<semaphore_mem>>)
        %dma_wait3A_778 = arith.constant 0 : i32
        %dma_wait3A_779 = tpu.memref_slice %arg12[%dma_wait3A_778] : memref<544xf32, #tpu.memory_space<vmem>> -> memref<513xf32, #tpu.memory_space<vmem>>
        %dma_wait3A_780 = arith.constant 0 : i32
        %dma_wait3A_781 = tpu.memref_slice %arg5[%select_n3A, %run_scoped3A_753, %run_scoped3A_754, %dma_wait3A_780] : memref<8x16x513x513xf32, #tpu.memory_space<hbm>> -> memref<1x1x1x513xf32, #tpu.memory_space<hbm>>
        %dma_wait3A_782 = tpu.memref_squeeze %dma_wait3A_781 : memref<1x1x1x513xf32, #tpu.memory_space<hbm>> -> memref<513xf32, #tpu.memory_space<hbm>>
        %dma_wait3A_783 = arith.constant 0 : i32
        %dma_wait3A_784 = tpu.memref_slice %arg5[%select_n3A, %run_scoped3A_753, %run_scoped3A_754, %dma_wait3A_783] : memref<8x16x513x513xf32, #tpu.memory_space<hbm>> -> memref<1x1x1x513xf32, #tpu.memory_space<hbm>>
        %dma_wait3A_785 = tpu.memref_squeeze %dma_wait3A_784 : memref<1x1x1x513xf32, #tpu.memory_space<hbm>> -> memref<513xf32, #tpu.memory_space<hbm>>
        %dma_wait3A_786 = arith.constant 0 : i32
        %dma_wait3A_787 = tpu.memref_slice %arg12[%dma_wait3A_786] : memref<544xf32, #tpu.memory_space<vmem>> -> memref<513xf32, #tpu.memory_space<vmem>>
        tpu.wait_dma2 semaphore(%run_scoped3A_767 : memref<!tpu.dma_semaphore, #tpu.memory_space<semaphore_mem>>) src(%dma_wait3A_787 : memref<513xf32, #tpu.memory_space<vmem>>) dst(%dma_wait3A_785 : memref<513xf32, #tpu.memory_space<hbm>>)
        tpu.yield
      }) : () -> ()
      %run_scoped3A_755 = arith.constant 10 : i32
      %run_scoped3A_756 = arith.constant 0 : i32
      "tpu.region"() ({
        %run_scoped3A_767 = tpu.sem_alloc : memref<!tpu.dma_semaphore, #tpu.memory_space<semaphore_mem>>
        %dma_start3A_768 = arith.constant 0 : i32
        %dma_start3A_769 = tpu.memref_slice %arg12[%dma_start3A_768] : memref<544xf32, #tpu.memory_space<vmem>> -> memref<513xf32, #tpu.memory_space<vmem>>
        %dma_start3A_770 = arith.constant 0 : i32
        %dma_start3A_771 = tpu.memref_slice %arg5[%select_n3A, %run_scoped3A_755, %run_scoped3A_756, %dma_start3A_770] : memref<8x16x513x513xf32, #tpu.memory_space<hbm>> -> memref<1x1x1x513xf32, #tpu.memory_space<hbm>>
        %dma_start3A_772 = tpu.memref_squeeze %dma_start3A_771 : memref<1x1x1x513xf32, #tpu.memory_space<hbm>> -> memref<513xf32, #tpu.memory_space<hbm>>
        %dma_start3A_773 = arith.constant 0 : i32
        %dma_start3A_774 = tpu.memref_slice %arg5[%select_n3A, %run_scoped3A_755, %run_scoped3A_756, %dma_start3A_773] : memref<8x16x513x513xf32, #tpu.memory_space<hbm>> -> memref<1x1x1x513xf32, #tpu.memory_space<hbm>>
        %dma_start3A_775 = tpu.memref_squeeze %dma_start3A_774 : memref<1x1x1x513xf32, #tpu.memory_space<hbm>> -> memref<513xf32, #tpu.memory_space<hbm>>
        %dma_start3A_776 = arith.constant 0 : i32
        %dma_start3A_777 = tpu.memref_slice %arg12[%dma_start3A_776] : memref<544xf32, #tpu.memory_space<vmem>> -> memref<513xf32, #tpu.memory_space<vmem>>
        tpu.enqueue_dma source(%dma_start3A_777 : memref<513xf32, #tpu.memory_space<vmem>>) target(%dma_start3A_775 : memref<513xf32, #tpu.memory_space<hbm>>) target_semaphore(%run_scoped3A_767 : memref<!tpu.dma_semaphore, #tpu.memory_space<semaphore_mem>>)
        %dma_wait3A_778 = arith.constant 0 : i32
        %dma_wait3A_779 = tpu.memref_slice %arg12[%dma_wait3A_778] : memref<544xf32, #tpu.memory_space<vmem>> -> memref<513xf32, #tpu.memory_space<vmem>>
        %dma_wait3A_780 = arith.constant 0 : i32
        %dma_wait3A_781 = tpu.memref_slice %arg5[%select_n3A, %run_scoped3A_755, %run_scoped3A_756, %dma_wait3A_780] : memref<8x16x513x513xf32, #tpu.memory_space<hbm>> -> memref<1x1x1x513xf32, #tpu.memory_space<hbm>>
        %dma_wait3A_782 = tpu.memref_squeeze %dma_wait3A_781 : memref<1x1x1x513xf32, #tpu.memory_space<hbm>> -> memref<513xf32, #tpu.memory_space<hbm>>
        %dma_wait3A_783 = arith.constant 0 : i32
        %dma_wait3A_784 = tpu.memref_slice %arg5[%select_n3A, %run_scoped3A_755, %run_scoped3A_756, %dma_wait3A_783] : memref<8x16x513x513xf32, #tpu.memory_space<hbm>> -> memref<1x1x1x513xf32, #tpu.memory_space<hbm>>
        %dma_wait3A_785 = tpu.memref_squeeze %dma_wait3A_784 : memref<1x1x1x513xf32, #tpu.memory_space<hbm>> -> memref<513xf32, #tpu.memory_space<hbm>>
        %dma_wait3A_786 = arith.constant 0 : i32
        %dma_wait3A_787 = tpu.memref_slice %arg12[%dma_wait3A_786] : memref<544xf32, #tpu.memory_space<vmem>> -> memref<513xf32, #tpu.memory_space<vmem>>
        tpu.wait_dma2 semaphore(%run_scoped3A_767 : memref<!tpu.dma_semaphore, #tpu.memory_space<semaphore_mem>>) src(%dma_wait3A_787 : memref<513xf32, #tpu.memory_space<vmem>>) dst(%dma_wait3A_785 : memref<513xf32, #tpu.memory_space<hbm>>)
        tpu.yield
      }) : () -> ()
      %run_scoped3A_757 = arith.constant 11 : i32
      %run_scoped3A_758 = arith.constant 0 : i32
      "tpu.region"() ({
        %run_scoped3A_767 = tpu.sem_alloc : memref<!tpu.dma_semaphore, #tpu.memory_space<semaphore_mem>>
        %dma_start3A_768 = arith.constant 0 : i32
        %dma_start3A_769 = tpu.memref_slice %arg12[%dma_start3A_768] : memref<544xf32, #tpu.memory_space<vmem>> -> memref<513xf32, #tpu.memory_space<vmem>>
        %dma_start3A_770 = arith.constant 0 : i32
        %dma_start3A_771 = tpu.memref_slice %arg5[%select_n3A, %run_scoped3A_757, %run_scoped3A_758, %dma_start3A_770] : memref<8x16x513x513xf32, #tpu.memory_space<hbm>> -> memref<1x1x1x513xf32, #tpu.memory_space<hbm>>
        %dma_start3A_772 = tpu.memref_squeeze %dma_start3A_771 : memref<1x1x1x513xf32, #tpu.memory_space<hbm>> -> memref<513xf32, #tpu.memory_space<hbm>>
        %dma_start3A_773 = arith.constant 0 : i32
        %dma_start3A_774 = tpu.memref_slice %arg5[%select_n3A, %run_scoped3A_757, %run_scoped3A_758, %dma_start3A_773] : memref<8x16x513x513xf32, #tpu.memory_space<hbm>> -> memref<1x1x1x513xf32, #tpu.memory_space<hbm>>
        %dma_start3A_775 = tpu.memref_squeeze %dma_start3A_774 : memref<1x1x1x513xf32, #tpu.memory_space<hbm>> -> memref<513xf32, #tpu.memory_space<hbm>>
        %dma_start3A_776 = arith.constant 0 : i32
        %dma_start3A_777 = tpu.memref_slice %arg12[%dma_start3A_776] : memref<544xf32, #tpu.memory_space<vmem>> -> memref<513xf32, #tpu.memory_space<vmem>>
        tpu.enqueue_dma source(%dma_start3A_777 : memref<513xf32, #tpu.memory_space<vmem>>) target(%dma_start3A_775 : memref<513xf32, #tpu.memory_space<hbm>>) target_semaphore(%run_scoped3A_767 : memref<!tpu.dma_semaphore, #tpu.memory_space<semaphore_mem>>)
        %dma_wait3A_778 = arith.constant 0 : i32
        %dma_wait3A_779 = tpu.memref_slice %arg12[%dma_wait3A_778] : memref<544xf32, #tpu.memory_space<vmem>> -> memref<513xf32, #tpu.memory_space<vmem>>
        %dma_wait3A_780 = arith.constant 0 : i32
        %dma_wait3A_781 = tpu.memref_slice %arg5[%select_n3A, %run_scoped3A_757, %run_scoped3A_758, %dma_wait3A_780] : memref<8x16x513x513xf32, #tpu.memory_space<hbm>> -> memref<1x1x1x513xf32, #tpu.memory_space<hbm>>
        %dma_wait3A_782 = tpu.memref_squeeze %dma_wait3A_781 : memref<1x1x1x513xf32, #tpu.memory_space<hbm>> -> memref<513xf32, #tpu.memory_space<hbm>>
        %dma_wait3A_783 = arith.constant 0 : i32
        %dma_wait3A_784 = tpu.memref_slice %arg5[%select_n3A, %run_scoped3A_757, %run_scoped3A_758, %dma_wait3A_783] : memref<8x16x513x513xf32, #tpu.memory_space<hbm>> -> memref<1x1x1x513xf32, #tpu.memory_space<hbm>>
        %dma_wait3A_785 = tpu.memref_squeeze %dma_wait3A_784 : memref<1x1x1x513xf32, #tpu.memory_space<hbm>> -> memref<513xf32, #tpu.memory_space<hbm>>
        %dma_wait3A_786 = arith.constant 0 : i32
        %dma_wait3A_787 = tpu.memref_slice %arg12[%dma_wait3A_786] : memref<544xf32, #tpu.memory_space<vmem>> -> memref<513xf32, #tpu.memory_space<vmem>>
        tpu.wait_dma2 semaphore(%run_scoped3A_767 : memref<!tpu.dma_semaphore, #tpu.memory_space<semaphore_mem>>) src(%dma_wait3A_787 : memref<513xf32, #tpu.memory_space<vmem>>) dst(%dma_wait3A_785 : memref<513xf32, #tpu.memory_space<hbm>>)
        tpu.yield
      }) : () -> ()
      %run_scoped3A_759 = arith.constant 12 : i32
      %run_scoped3A_760 = arith.constant 0 : i32
      "tpu.region"() ({
        %run_scoped3A_767 = tpu.sem_alloc : memref<!tpu.dma_semaphore, #tpu.memory_space<semaphore_mem>>
        %dma_start3A_768 = arith.constant 0 : i32
        %dma_start3A_769 = tpu.memref_slice %arg12[%dma_start3A_768] : memref<544xf32, #tpu.memory_space<vmem>> -> memref<513xf32, #tpu.memory_space<vmem>>
        %dma_start3A_770 = arith.constant 0 : i32
        %dma_start3A_771 = tpu.memref_slice %arg5[%select_n3A, %run_scoped3A_759, %run_scoped3A_760, %dma_start3A_770] : memref<8x16x513x513xf32, #tpu.memory_space<hbm>> -> memref<1x1x1x513xf32, #tpu.memory_space<hbm>>
        %dma_start3A_772 = tpu.memref_squeeze %dma_start3A_771 : memref<1x1x1x513xf32, #tpu.memory_space<hbm>> -> memref<513xf32, #tpu.memory_space<hbm>>
        %dma_start3A_773 = arith.constant 0 : i32
        %dma_start3A_774 = tpu.memref_slice %arg5[%select_n3A, %run_scoped3A_759, %run_scoped3A_760, %dma_start3A_773] : memref<8x16x513x513xf32, #tpu.memory_space<hbm>> -> memref<1x1x1x513xf32, #tpu.memory_space<hbm>>
        %dma_start3A_775 = tpu.memref_squeeze %dma_start3A_774 : memref<1x1x1x513xf32, #tpu.memory_space<hbm>> -> memref<513xf32, #tpu.memory_space<hbm>>
        %dma_start3A_776 = arith.constant 0 : i32
        %dma_start3A_777 = tpu.memref_slice %arg12[%dma_start3A_776] : memref<544xf32, #tpu.memory_space<vmem>> -> memref<513xf32, #tpu.memory_space<vmem>>
        tpu.enqueue_dma source(%dma_start3A_777 : memref<513xf32, #tpu.memory_space<vmem>>) target(%dma_start3A_775 : memref<513xf32, #tpu.memory_space<hbm>>) target_semaphore(%run_scoped3A_767 : memref<!tpu.dma_semaphore, #tpu.memory_space<semaphore_mem>>)
        %dma_wait3A_778 = arith.constant 0 : i32
        %dma_wait3A_779 = tpu.memref_slice %arg12[%dma_wait3A_778] : memref<544xf32, #tpu.memory_space<vmem>> -> memref<513xf32, #tpu.memory_space<vmem>>
        %dma_wait3A_780 = arith.constant 0 : i32
        %dma_wait3A_781 = tpu.memref_slice %arg5[%select_n3A, %run_scoped3A_759, %run_scoped3A_760, %dma_wait3A_780] : memref<8x16x513x513xf32, #tpu.memory_space<hbm>> -> memref<1x1x1x513xf32, #tpu.memory_space<hbm>>
        %dma_wait3A_782 = tpu.memref_squeeze %dma_wait3A_781 : memref<1x1x1x513xf32, #tpu.memory_space<hbm>> -> memref<513xf32, #tpu.memory_space<hbm>>
        %dma_wait3A_783 = arith.constant 0 : i32
        %dma_wait3A_784 = tpu.memref_slice %arg5[%select_n3A, %run_scoped3A_759, %run_scoped3A_760, %dma_wait3A_783] : memref<8x16x513x513xf32, #tpu.memory_space<hbm>> -> memref<1x1x1x513xf32, #tpu.memory_space<hbm>>
        %dma_wait3A_785 = tpu.memref_squeeze %dma_wait3A_784 : memref<1x1x1x513xf32, #tpu.memory_space<hbm>> -> memref<513xf32, #tpu.memory_space<hbm>>
        %dma_wait3A_786 = arith.constant 0 : i32
        %dma_wait3A_787 = tpu.memref_slice %arg12[%dma_wait3A_786] : memref<544xf32, #tpu.memory_space<vmem>> -> memref<513xf32, #tpu.memory_space<vmem>>
        tpu.wait_dma2 semaphore(%run_scoped3A_767 : memref<!tpu.dma_semaphore, #tpu.memory_space<semaphore_mem>>) src(%dma_wait3A_787 : memref<513xf32, #tpu.memory_space<vmem>>) dst(%dma_wait3A_785 : memref<513xf32, #tpu.memory_space<hbm>>)
        tpu.yield
      }) : () -> ()
      %run_scoped3A_761 = arith.constant 13 : i32
      %run_scoped3A_762 = arith.constant 0 : i32
      "tpu.region"() ({
        %run_scoped3A_767 = tpu.sem_alloc : memref<!tpu.dma_semaphore, #tpu.memory_space<semaphore_mem>>
        %dma_start3A_768 = arith.constant 0 : i32
        %dma_start3A_769 = tpu.memref_slice %arg12[%dma_start3A_768] : memref<544xf32, #tpu.memory_space<vmem>> -> memref<513xf32, #tpu.memory_space<vmem>>
        %dma_start3A_770 = arith.constant 0 : i32
        %dma_start3A_771 = tpu.memref_slice %arg5[%select_n3A, %run_scoped3A_761, %run_scoped3A_762, %dma_start3A_770] : memref<8x16x513x513xf32, #tpu.memory_space<hbm>> -> memref<1x1x1x513xf32, #tpu.memory_space<hbm>>
        %dma_start3A_772 = tpu.memref_squeeze %dma_start3A_771 : memref<1x1x1x513xf32, #tpu.memory_space<hbm>> -> memref<513xf32, #tpu.memory_space<hbm>>
        %dma_start3A_773 = arith.constant 0 : i32
        %dma_start3A_774 = tpu.memref_slice %arg5[%select_n3A, %run_scoped3A_761, %run_scoped3A_762, %dma_start3A_773] : memref<8x16x513x513xf32, #tpu.memory_space<hbm>> -> memref<1x1x1x513xf32, #tpu.memory_space<hbm>>
        %dma_start3A_775 = tpu.memref_squeeze %dma_start3A_774 : memref<1x1x1x513xf32, #tpu.memory_space<hbm>> -> memref<513xf32, #tpu.memory_space<hbm>>
        %dma_start3A_776 = arith.constant 0 : i32
        %dma_start3A_777 = tpu.memref_slice %arg12[%dma_start3A_776] : memref<544xf32, #tpu.memory_space<vmem>> -> memref<513xf32, #tpu.memory_space<vmem>>
        tpu.enqueue_dma source(%dma_start3A_777 : memref<513xf32, #tpu.memory_space<vmem>>) target(%dma_start3A_775 : memref<513xf32, #tpu.memory_space<hbm>>) target_semaphore(%run_scoped3A_767 : memref<!tpu.dma_semaphore, #tpu.memory_space<semaphore_mem>>)
        %dma_wait3A_778 = arith.constant 0 : i32
        %dma_wait3A_779 = tpu.memref_slice %arg12[%dma_wait3A_778] : memref<544xf32, #tpu.memory_space<vmem>> -> memref<513xf32, #tpu.memory_space<vmem>>
        %dma_wait3A_780 = arith.constant 0 : i32
        %dma_wait3A_781 = tpu.memref_slice %arg5[%select_n3A, %run_scoped3A_761, %run_scoped3A_762, %dma_wait3A_780] : memref<8x16x513x513xf32, #tpu.memory_space<hbm>> -> memref<1x1x1x513xf32, #tpu.memory_space<hbm>>
        %dma_wait3A_782 = tpu.memref_squeeze %dma_wait3A_781 : memref<1x1x1x513xf32, #tpu.memory_space<hbm>> -> memref<513xf32, #tpu.memory_space<hbm>>
        %dma_wait3A_783 = arith.constant 0 : i32
        %dma_wait3A_784 = tpu.memref_slice %arg5[%select_n3A, %run_scoped3A_761, %run_scoped3A_762, %dma_wait3A_783] : memref<8x16x513x513xf32, #tpu.memory_space<hbm>> -> memref<1x1x1x513xf32, #tpu.memory_space<hbm>>
        %dma_wait3A_785 = tpu.memref_squeeze %dma_wait3A_784 : memref<1x1x1x513xf32, #tpu.memory_space<hbm>> -> memref<513xf32, #tpu.memory_space<hbm>>
        %dma_wait3A_786 = arith.constant 0 : i32
        %dma_wait3A_787 = tpu.memref_slice %arg12[%dma_wait3A_786] : memref<544xf32, #tpu.memory_space<vmem>> -> memref<513xf32, #tpu.memory_space<vmem>>
        tpu.wait_dma2 semaphore(%run_scoped3A_767 : memref<!tpu.dma_semaphore, #tpu.memory_space<semaphore_mem>>) src(%dma_wait3A_787 : memref<513xf32, #tpu.memory_space<vmem>>) dst(%dma_wait3A_785 : memref<513xf32, #tpu.memory_space<hbm>>)
        tpu.yield
      }) : () -> ()
      %run_scoped3A_763 = arith.constant 14 : i32
      %run_scoped3A_764 = arith.constant 0 : i32
      "tpu.region"() ({
        %run_scoped3A_767 = tpu.sem_alloc : memref<!tpu.dma_semaphore, #tpu.memory_space<semaphore_mem>>
        %dma_start3A_768 = arith.constant 0 : i32
        %dma_start3A_769 = tpu.memref_slice %arg12[%dma_start3A_768] : memref<544xf32, #tpu.memory_space<vmem>> -> memref<513xf32, #tpu.memory_space<vmem>>
        %dma_start3A_770 = arith.constant 0 : i32
        %dma_start3A_771 = tpu.memref_slice %arg5[%select_n3A, %run_scoped3A_763, %run_scoped3A_764, %dma_start3A_770] : memref<8x16x513x513xf32, #tpu.memory_space<hbm>> -> memref<1x1x1x513xf32, #tpu.memory_space<hbm>>
        %dma_start3A_772 = tpu.memref_squeeze %dma_start3A_771 : memref<1x1x1x513xf32, #tpu.memory_space<hbm>> -> memref<513xf32, #tpu.memory_space<hbm>>
        %dma_start3A_773 = arith.constant 0 : i32
        %dma_start3A_774 = tpu.memref_slice %arg5[%select_n3A, %run_scoped3A_763, %run_scoped3A_764, %dma_start3A_773] : memref<8x16x513x513xf32, #tpu.memory_space<hbm>> -> memref<1x1x1x513xf32, #tpu.memory_space<hbm>>
        %dma_start3A_775 = tpu.memref_squeeze %dma_start3A_774 : memref<1x1x1x513xf32, #tpu.memory_space<hbm>> -> memref<513xf32, #tpu.memory_space<hbm>>
        %dma_start3A_776 = arith.constant 0 : i32
        %dma_start3A_777 = tpu.memref_slice %arg12[%dma_start3A_776] : memref<544xf32, #tpu.memory_space<vmem>> -> memref<513xf32, #tpu.memory_space<vmem>>
        tpu.enqueue_dma source(%dma_start3A_777 : memref<513xf32, #tpu.memory_space<vmem>>) target(%dma_start3A_775 : memref<513xf32, #tpu.memory_space<hbm>>) target_semaphore(%run_scoped3A_767 : memref<!tpu.dma_semaphore, #tpu.memory_space<semaphore_mem>>)
        %dma_wait3A_778 = arith.constant 0 : i32
        %dma_wait3A_779 = tpu.memref_slice %arg12[%dma_wait3A_778] : memref<544xf32, #tpu.memory_space<vmem>> -> memref<513xf32, #tpu.memory_space<vmem>>
        %dma_wait3A_780 = arith.constant 0 : i32
        %dma_wait3A_781 = tpu.memref_slice %arg5[%select_n3A, %run_scoped3A_763, %run_scoped3A_764, %dma_wait3A_780] : memref<8x16x513x513xf32, #tpu.memory_space<hbm>> -> memref<1x1x1x513xf32, #tpu.memory_space<hbm>>
        %dma_wait3A_782 = tpu.memref_squeeze %dma_wait3A_781 : memref<1x1x1x513xf32, #tpu.memory_space<hbm>> -> memref<513xf32, #tpu.memory_space<hbm>>
        %dma_wait3A_783 = arith.constant 0 : i32
        %dma_wait3A_784 = tpu.memref_slice %arg5[%select_n3A, %run_scoped3A_763, %run_scoped3A_764, %dma_wait3A_783] : memref<8x16x513x513xf32, #tpu.memory_space<hbm>> -> memref<1x1x1x513xf32, #tpu.memory_space<hbm>>
        %dma_wait3A_785 = tpu.memref_squeeze %dma_wait3A_784 : memref<1x1x1x513xf32, #tpu.memory_space<hbm>> -> memref<513xf32, #tpu.memory_space<hbm>>
        %dma_wait3A_786 = arith.constant 0 : i32
        %dma_wait3A_787 = tpu.memref_slice %arg12[%dma_wait3A_786] : memref<544xf32, #tpu.memory_space<vmem>> -> memref<513xf32, #tpu.memory_space<vmem>>
        tpu.wait_dma2 semaphore(%run_scoped3A_767 : memref<!tpu.dma_semaphore, #tpu.memory_space<semaphore_mem>>) src(%dma_wait3A_787 : memref<513xf32, #tpu.memory_space<vmem>>) dst(%dma_wait3A_785 : memref<513xf32, #tpu.memory_space<hbm>>)
        tpu.yield
      }) : () -> ()
      %run_scoped3A_765 = arith.constant 15 : i32
      %run_scoped3A_766 = arith.constant 0 : i32
      "tpu.region"() ({
        %run_scoped3A_767 = tpu.sem_alloc : memref<!tpu.dma_semaphore, #tpu.memory_space<semaphore_mem>>
        %dma_start3A_768 = arith.constant 0 : i32
        %dma_start3A_769 = tpu.memref_slice %arg12[%dma_start3A_768] : memref<544xf32, #tpu.memory_space<vmem>> -> memref<513xf32, #tpu.memory_space<vmem>>
        %dma_start3A_770 = arith.constant 0 : i32
        %dma_start3A_771 = tpu.memref_slice %arg5[%select_n3A, %run_scoped3A_765, %run_scoped3A_766, %dma_start3A_770] : memref<8x16x513x513xf32, #tpu.memory_space<hbm>> -> memref<1x1x1x513xf32, #tpu.memory_space<hbm>>
        %dma_start3A_772 = tpu.memref_squeeze %dma_start3A_771 : memref<1x1x1x513xf32, #tpu.memory_space<hbm>> -> memref<513xf32, #tpu.memory_space<hbm>>
        %dma_start3A_773 = arith.constant 0 : i32
        %dma_start3A_774 = tpu.memref_slice %arg5[%select_n3A, %run_scoped3A_765, %run_scoped3A_766, %dma_start3A_773] : memref<8x16x513x513xf32, #tpu.memory_space<hbm>> -> memref<1x1x1x513xf32, #tpu.memory_space<hbm>>
        %dma_start3A_775 = tpu.memref_squeeze %dma_start3A_774 : memref<1x1x1x513xf32, #tpu.memory_space<hbm>> -> memref<513xf32, #tpu.memory_space<hbm>>
        %dma_start3A_776 = arith.constant 0 : i32
        %dma_start3A_777 = tpu.memref_slice %arg12[%dma_start3A_776] : memref<544xf32, #tpu.memory_space<vmem>> -> memref<513xf32, #tpu.memory_space<vmem>>
        tpu.enqueue_dma source(%dma_start3A_777 : memref<513xf32, #tpu.memory_space<vmem>>) target(%dma_start3A_775 : memref<513xf32, #tpu.memory_space<hbm>>) target_semaphore(%run_scoped3A_767 : memref<!tpu.dma_semaphore, #tpu.memory_space<semaphore_mem>>)
        %dma_wait3A_778 = arith.constant 0 : i32
        %dma_wait3A_779 = tpu.memref_slice %arg12[%dma_wait3A_778] : memref<544xf32, #tpu.memory_space<vmem>> -> memref<513xf32, #tpu.memory_space<vmem>>
        %dma_wait3A_780 = arith.constant 0 : i32
        %dma_wait3A_781 = tpu.memref_slice %arg5[%select_n3A, %run_scoped3A_765, %run_scoped3A_766, %dma_wait3A_780] : memref<8x16x513x513xf32, #tpu.memory_space<hbm>> -> memref<1x1x1x513xf32, #tpu.memory_space<hbm>>
        %dma_wait3A_782 = tpu.memref_squeeze %dma_wait3A_781 : memref<1x1x1x513xf32, #tpu.memory_space<hbm>> -> memref<513xf32, #tpu.memory_space<hbm>>
        %dma_wait3A_783 = arith.constant 0 : i32
        %dma_wait3A_784 = tpu.memref_slice %arg5[%select_n3A, %run_scoped3A_765, %run_scoped3A_766, %dma_wait3A_783] : memref<8x16x513x513xf32, #tpu.memory_space<hbm>> -> memref<1x1x1x513xf32, #tpu.memory_space<hbm>>
        %dma_wait3A_785 = tpu.memref_squeeze %dma_wait3A_784 : memref<1x1x1x513xf32, #tpu.memory_space<hbm>> -> memref<513xf32, #tpu.memory_space<hbm>>
        %dma_wait3A_786 = arith.constant 0 : i32
        %dma_wait3A_787 = tpu.memref_slice %arg12[%dma_wait3A_786] : memref<544xf32, #tpu.memory_space<vmem>> -> memref<513xf32, #tpu.memory_space<vmem>>
        tpu.wait_dma2 semaphore(%run_scoped3A_767 : memref<!tpu.dma_semaphore, #tpu.memory_space<semaphore_mem>>) src(%dma_wait3A_787 : memref<513xf32, #tpu.memory_space<vmem>>) dst(%dma_wait3A_785 : memref<513xf32, #tpu.memory_space<hbm>>)
        tpu.yield
      }) : () -> ()
    } else {
    }
    %dma_start3A = arith.constant 0 : i32
    %dma_start3A_144 = tpu.memref_slice %arg3[%select_n3A, %mul3A_32, %dma_start3A] : memref<8x512x512xi32, #tpu.memory_space<hbm>> -> memref<1x4x512xi32, #tpu.memory_space<hbm>>
    %dma_start3A_145 = tpu.memref_squeeze %dma_start3A_144 : memref<1x4x512xi32, #tpu.memory_space<hbm>> -> memref<4x512xi32, #tpu.memory_space<hbm>>
    %dma_start3A_146 = arith.constant 0 : i32
    %dma_start3A_147 = tpu.memref_slice %arg3[%select_n3A, %mul3A_32, %dma_start3A_146] : memref<8x512x512xi32, #tpu.memory_space<hbm>> -> memref<1x4x512xi32, #tpu.memory_space<hbm>>
    %dma_start3A_148 = tpu.memref_squeeze %dma_start3A_147 : memref<1x4x512xi32, #tpu.memory_space<hbm>> -> memref<4x512xi32, #tpu.memory_space<hbm>>
    tpu.enqueue_dma source(%dma_start3A_148 : memref<4x512xi32, #tpu.memory_space<hbm>>) target(%arg8 : memref<4x512xi32, #tpu.memory_space<vmem>>) target_semaphore(%arg13 : memref<!tpu.dma_semaphore, #tpu.memory_space<semaphore_mem>>)
    %scan3A_149 = arith.constant 0 : i32
    %scan3A_150 = arith.constant 0 : i32
    %scan3A_151 = arith.constant 16 : i32
    %scan3A_152 = arith.addi %scan3A_150, %scan3A_151 : i32
    %scan3A_153 = arith.constant 1 : i32
    scf.for %scan3A_730 = %scan3A_150 to %scan3A_152 step %scan3A_153  : i32 {
      %mul3A_731 = arith.constant 2 : i32
      %mul3A_732 = arith.muli %mul3A_731, %scan3A_730 : i32
      %add3A_733 = arith.constant 1 : i32
      %add3A_734 = arith.addi %mul3A_732, %add3A_733 : i32
      %lt3A_735 = arith.constant 32 : i32
      %lt3A_736 = arith.cmpi slt, %add3A_734, %lt3A_735 : i32
      %convert_element_type3A_737 = arith.extui %lt3A_736 : i1 to i32
      %cond3A_738 = arith.constant 0 : i32
      %cond3A_739 = arith.cmpi ne, %convert_element_type3A_737, %cond3A_738 : i32
      scf.if %cond3A_739 {
        %add3A_1358 = arith.constant 1 : i32
        %add3A_1359 = arith.addi %mul3A_732, %add3A_1358 : i32
        %mul3A_1360 = arith.constant 4 : i32
        %mul3A_1361 = arith.muli %add3A_1359, %mul3A_1360 : i32
        %add3A_1362 = arith.addi %mul3A_32, %mul3A_1361 : i32
        %dma_start3A_1363 = arith.constant 0 : i32
        %dma_start3A_1364 = tpu.memref_slice %arg3[%select_n3A, %add3A_1362, %dma_start3A_1363] : memref<8x512x512xi32, #tpu.memory_space<hbm>> -> memref<1x4x512xi32, #tpu.memory_space<hbm>>
        %dma_start3A_1365 = tpu.memref_squeeze %dma_start3A_1364 : memref<1x4x512xi32, #tpu.memory_space<hbm>> -> memref<4x512xi32, #tpu.memory_space<hbm>>
        %dma_start3A_1366 = arith.constant 0 : i32
        %dma_start3A_1367 = tpu.memref_slice %arg3[%select_n3A, %add3A_1362, %dma_start3A_1366] : memref<8x512x512xi32, #tpu.memory_space<hbm>> -> memref<1x4x512xi32, #tpu.memory_space<hbm>>
        %dma_start3A_1368 = tpu.memref_squeeze %dma_start3A_1367 : memref<1x4x512xi32, #tpu.memory_space<hbm>> -> memref<4x512xi32, #tpu.memory_space<hbm>>
        tpu.enqueue_dma source(%dma_start3A_1368 : memref<4x512xi32, #tpu.memory_space<hbm>>) target(%arg9 : memref<4x512xi32, #tpu.memory_space<vmem>>) target_semaphore(%arg14 : memref<!tpu.dma_semaphore, #tpu.memory_space<semaphore_mem>>)
      } else {
      }
      %dma_wait3A_740 = arith.constant 0 : i32
      %dma_wait3A_741 = tpu.memref_slice %arg3[%select_n3A, %mul3A_32, %dma_wait3A_740] : memref<8x512x512xi32, #tpu.memory_space<hbm>> -> memref<1x4x512xi32, #tpu.memory_space<hbm>>
      %dma_wait3A_742 = tpu.memref_squeeze %dma_wait3A_741 : memref<1x4x512xi32, #tpu.memory_space<hbm>> -> memref<4x512xi32, #tpu.memory_space<hbm>>
      %dma_wait3A_743 = arith.constant 0 : i32
      %dma_wait3A_744 = tpu.memref_slice %arg3[%select_n3A, %mul3A_32, %dma_wait3A_743] : memref<8x512x512xi32, #tpu.memory_space<hbm>> -> memref<1x4x512xi32, #tpu.memory_space<hbm>>
      %dma_wait3A_745 = tpu.memref_squeeze %dma_wait3A_744 : memref<1x4x512xi32, #tpu.memory_space<hbm>> -> memref<4x512xi32, #tpu.memory_space<hbm>>
      tpu.wait_dma2 semaphore(%arg13 : memref<!tpu.dma_semaphore, #tpu.memory_space<semaphore_mem>>) src(%dma_wait3A_745 : memref<4x512xi32, #tpu.memory_space<hbm>>) dst(%arg8 : memref<4x512xi32, #tpu.memory_space<vmem>>)
      %ge3A = arith.constant 2 : i32
      %ge3A_746 = arith.cmpi sge, %mul3A_732, %ge3A : i32
      %convert_element_type3A_747 = arith.extui %ge3A_746 : i1 to i32
      %cond3A_748 = arith.constant 0 : i32
      %cond3A_749 = arith.cmpi ne, %convert_element_type3A_747, %cond3A_748 : i32
      scf.if %cond3A_749 {
        %dma_wait3A_1358 = arith.constant 0 : i32
        %dma_wait3A_1359 = arith.constant 0 : i32
        %dma_wait3A_1360 = arith.constant 0 : i32
        %dma_wait3A_1361 = arith.constant 0 : i32
        %dma_wait3A_1362 = tpu.memref_slice %arg10[%dma_wait3A_1358, %dma_wait3A_1360, %dma_wait3A_1361] : memref<16x4x513xf32, #tpu.memory_space<vmem>> -> memref<1x4x513xf32, #tpu.memory_space<vmem>>
        %dma_wait3A_1363 = tpu.memref_squeeze %dma_wait3A_1362 : memref<1x4x513xf32, #tpu.memory_space<vmem>> -> memref<4x513xf32, #tpu.memory_space<vmem>>
        %dma_wait3A_1364 = arith.constant 1 : i32
        %dma_wait3A_1365 = arith.constant 0 : i32
        %dma_wait3A_1366 = tpu.memref_slice %arg5[%select_n3A, %dma_wait3A_1359, %dma_wait3A_1364, %dma_wait3A_1365] : memref<8x16x513x513xf32, #tpu.memory_space<hbm>> -> memref<1x1x4x513xf32, #tpu.memory_space<hbm>>
        %dma_wait3A_1367 = tpu.memref_squeeze %dma_wait3A_1366 : memref<1x1x4x513xf32, #tpu.memory_space<hbm>> -> memref<4x513xf32, #tpu.memory_space<hbm>>
        %dma_wait3A_1368 = arith.constant 1 : i32
        %dma_wait3A_1369 = arith.constant 0 : i32
        %dma_wait3A_1370 = tpu.memref_slice %arg5[%select_n3A, %dma_wait3A_1359, %dma_wait3A_1368, %dma_wait3A_1369] : memref<8x16x513x513xf32, #tpu.memory_space<hbm>> -> memref<1x1x4x513xf32, #tpu.memory_space<hbm>>
        %dma_wait3A_1371 = tpu.memref_squeeze %dma_wait3A_1370 : memref<1x1x4x513xf32, #tpu.memory_space<hbm>> -> memref<4x513xf32, #tpu.memory_space<hbm>>
        %dma_wait3A_1372 = arith.constant 0 : i32
        %dma_wait3A_1373 = arith.constant 0 : i32
        %dma_wait3A_1374 = tpu.memref_slice %arg10[%dma_wait3A_1358, %dma_wait3A_1372, %dma_wait3A_1373] : memref<16x4x513xf32, #tpu.memory_space<vmem>> -> memref<1x4x513xf32, #tpu.memory_space<vmem>>
        %dma_wait3A_1375 = tpu.memref_squeeze %dma_wait3A_1374 : memref<1x4x513xf32, #tpu.memory_space<vmem>> -> memref<4x513xf32, #tpu.memory_space<vmem>>
        tpu.wait_dma2 semaphore(%arg15 : memref<!tpu.dma_semaphore, #tpu.memory_space<semaphore_mem>>) src(%dma_wait3A_1375 : memref<4x513xf32, #tpu.memory_space<vmem>>) dst(%dma_wait3A_1371 : memref<4x513xf32, #tpu.memory_space<hbm>>)
        %dma_wait3A_1376 = arith.constant 1 : i32
        %dma_wait3A_1377 = arith.constant 1 : i32
        %dma_wait3A_1378 = arith.constant 0 : i32
        %dma_wait3A_1379 = arith.constant 0 : i32
        %dma_wait3A_1380 = tpu.memref_slice %arg10[%dma_wait3A_1376, %dma_wait3A_1378, %dma_wait3A_1379] : memref<16x4x513xf32, #tpu.memory_space<vmem>> -> memref<1x4x513xf32, #tpu.memory_space<vmem>>
        %dma_wait3A_1381 = tpu.memref_squeeze %dma_wait3A_1380 : memref<1x4x513xf32, #tpu.memory_space<vmem>> -> memref<4x513xf32, #tpu.memory_space<vmem>>
        %dma_wait3A_1382 = arith.constant 1 : i32
        %dma_wait3A_1383 = arith.constant 0 : i32
        %dma_wait3A_1384 = tpu.memref_slice %arg5[%select_n3A, %dma_wait3A_1377, %dma_wait3A_1382, %dma_wait3A_1383] : memref<8x16x513x513xf32, #tpu.memory_space<hbm>> -> memref<1x1x4x513xf32, #tpu.memory_space<hbm>>
        %dma_wait3A_1385 = tpu.memref_squeeze %dma_wait3A_1384 : memref<1x1x4x513xf32, #tpu.memory_space<hbm>> -> memref<4x513xf32, #tpu.memory_space<hbm>>
        %dma_wait3A_1386 = arith.constant 1 : i32
        %dma_wait3A_1387 = arith.constant 0 : i32
        %dma_wait3A_1388 = tpu.memref_slice %arg5[%select_n3A, %dma_wait3A_1377, %dma_wait3A_1386, %dma_wait3A_1387] : memref<8x16x513x513xf32, #tpu.memory_space<hbm>> -> memref<1x1x4x513xf32, #tpu.memory_space<hbm>>
        %dma_wait3A_1389 = tpu.memref_squeeze %dma_wait3A_1388 : memref<1x1x4x513xf32, #tpu.memory_space<hbm>> -> memref<4x513xf32, #tpu.memory_space<hbm>>
        %dma_wait3A_1390 = arith.constant 0 : i32
        %dma_wait3A_1391 = arith.constant 0 : i32
        %dma_wait3A_1392 = tpu.memref_slice %arg10[%dma_wait3A_1376, %dma_wait3A_1390, %dma_wait3A_1391] : memref<16x4x513xf32, #tpu.memory_space<vmem>> -> memref<1x4x513xf32, #tpu.memory_space<vmem>>
        %dma_wait3A_1393 = tpu.memref_squeeze %dma_wait3A_1392 : memref<1x4x513xf32, #tpu.memory_space<vmem>> -> memref<4x513xf32, #tpu.memory_space<vmem>>
        tpu.wait_dma2 semaphore(%arg15 : memref<!tpu.dma_semaphore, #tpu.memory_space<semaphore_mem>>) src(%dma_wait3A_1393 : memref<4x513xf32, #tpu.memory_space<vmem>>) dst(%dma_wait3A_1389 : memref<4x513xf32, #tpu.memory_space<hbm>>)
        %dma_wait3A_1394 = arith.constant 2 : i32
        %dma_wait3A_1395 = arith.constant 2 : i32
        %dma_wait3A_1396 = arith.constant 0 : i32
        %dma_wait3A_1397 = arith.constant 0 : i32
        %dma_wait3A_1398 = tpu.memref_slice %arg10[%dma_wait3A_1394, %dma_wait3A_1396, %dma_wait3A_1397] : memref<16x4x513xf32, #tpu.memory_space<vmem>> -> memref<1x4x513xf32, #tpu.memory_space<vmem>>
        %dma_wait3A_1399 = tpu.memref_squeeze %dma_wait3A_1398 : memref<1x4x513xf32, #tpu.memory_space<vmem>> -> memref<4x513xf32, #tpu.memory_space<vmem>>
        %dma_wait3A_1400 = arith.constant 1 : i32
        %dma_wait3A_1401 = arith.constant 0 : i32
        %dma_wait3A_1402 = tpu.memref_slice %arg5[%select_n3A, %dma_wait3A_1395, %dma_wait3A_1400, %dma_wait3A_1401] : memref<8x16x513x513xf32, #tpu.memory_space<hbm>> -> memref<1x1x4x513xf32, #tpu.memory_space<hbm>>
        %dma_wait3A_1403 = tpu.memref_squeeze %dma_wait3A_1402 : memref<1x1x4x513xf32, #tpu.memory_space<hbm>> -> memref<4x513xf32, #tpu.memory_space<hbm>>
        %dma_wait3A_1404 = arith.constant 1 : i32
        %dma_wait3A_1405 = arith.constant 0 : i32
        %dma_wait3A_1406 = tpu.memref_slice %arg5[%select_n3A, %dma_wait3A_1395, %dma_wait3A_1404, %dma_wait3A_1405] : memref<8x16x513x513xf32, #tpu.memory_space<hbm>> -> memref<1x1x4x513xf32, #tpu.memory_space<hbm>>
        %dma_wait3A_1407 = tpu.memref_squeeze %dma_wait3A_1406 : memref<1x1x4x513xf32, #tpu.memory_space<hbm>> -> memref<4x513xf32, #tpu.memory_space<hbm>>
        %dma_wait3A_1408 = arith.constant 0 : i32
        %dma_wait3A_1409 = arith.constant 0 : i32
        %dma_wait3A_1410 = tpu.memref_slice %arg10[%dma_wait3A_1394, %dma_wait3A_1408, %dma_wait3A_1409] : memref<16x4x513xf32, #tpu.memory_space<vmem>> -> memref<1x4x513xf32, #tpu.memory_space<vmem>>
        %dma_wait3A_1411 = tpu.memref_squeeze %dma_wait3A_1410 : memref<1x4x513xf32, #tpu.memory_space<vmem>> -> memref<4x513xf32, #tpu.memory_space<vmem>>
        tpu.wait_dma2 semaphore(%arg15 : memref<!tpu.dma_semaphore, #tpu.memory_space<semaphore_mem>>) src(%dma_wait3A_1411 : memref<4x513xf32, #tpu.memory_space<vmem>>) dst(%dma_wait3A_1407 : memref<4x513xf32, #tpu.memory_space<hbm>>)
        %dma_wait3A_1412 = arith.constant 3 : i32
        %dma_wait3A_1413 = arith.constant 3 : i32
        %dma_wait3A_1414 = arith.constant 0 : i32
        %dma_wait3A_1415 = arith.constant 0 : i32
        %dma_wait3A_1416 = tpu.memref_slice %arg10[%dma_wait3A_1412, %dma_wait3A_1414, %dma_wait3A_1415] : memref<16x4x513xf32, #tpu.memory_space<vmem>> -> memref<1x4x513xf32, #tpu.memory_space<vmem>>
        %dma_wait3A_1417 = tpu.memref_squeeze %dma_wait3A_1416 : memref<1x4x513xf32, #tpu.memory_space<vmem>> -> memref<4x513xf32, #tpu.memory_space<vmem>>
        %dma_wait3A_1418 = arith.constant 1 : i32
        %dma_wait3A_1419 = arith.constant 0 : i32
        %dma_wait3A_1420 = tpu.memref_slice %arg5[%select_n3A, %dma_wait3A_1413, %dma_wait3A_1418, %dma_wait3A_1419] : memref<8x16x513x513xf32, #tpu.memory_space<hbm>> -> memref<1x1x4x513xf32, #tpu.memory_space<hbm>>
        %dma_wait3A_1421 = tpu.memref_squeeze %dma_wait3A_1420 : memref<1x1x4x513xf32, #tpu.memory_space<hbm>> -> memref<4x513xf32, #tpu.memory_space<hbm>>
        %dma_wait3A_1422 = arith.constant 1 : i32
        %dma_wait3A_1423 = arith.constant 0 : i32
        %dma_wait3A_1424 = tpu.memref_slice %arg5[%select_n3A, %dma_wait3A_1413, %dma_wait3A_1422, %dma_wait3A_1423] : memref<8x16x513x513xf32, #tpu.memory_space<hbm>> -> memref<1x1x4x513xf32, #tpu.memory_space<hbm>>
        %dma_wait3A_1425 = tpu.memref_squeeze %dma_wait3A_1424 : memref<1x1x4x513xf32, #tpu.memory_space<hbm>> -> memref<4x513xf32, #tpu.memory_space<hbm>>
        %dma_wait3A_1426 = arith.constant 0 : i32
        %dma_wait3A_1427 = arith.constant 0 : i32
        %dma_wait3A_1428 = tpu.memref_slice %arg10[%dma_wait3A_1412, %dma_wait3A_1426, %dma_wait3A_1427] : memref<16x4x513xf32, #tpu.memory_space<vmem>> -> memref<1x4x513xf32, #tpu.memory_space<vmem>>
        %dma_wait3A_1429 = tpu.memref_squeeze %dma_wait3A_1428 : memref<1x4x513xf32, #tpu.memory_space<vmem>> -> memref<4x513xf32, #tpu.memory_space<vmem>>
        tpu.wait_dma2 semaphore(%arg15 : memref<!tpu.dma_semaphore, #tpu.memory_space<semaphore_mem>>) src(%dma_wait3A_1429 : memref<4x513xf32, #tpu.memory_space<vmem>>) dst(%dma_wait3A_1425 : memref<4x513xf32, #tpu.memory_space<hbm>>)
        %dma_wait3A_1430 = arith.constant 4 : i32
        %dma_wait3A_1431 = arith.constant 4 : i32
        %dma_wait3A_1432 = arith.constant 0 : i32
        %dma_wait3A_1433 = arith.constant 0 : i32
        %dma_wait3A_1434 = tpu.memref_slice %arg10[%dma_wait3A_1430, %dma_wait3A_1432, %dma_wait3A_1433] : memref<16x4x513xf32, #tpu.memory_space<vmem>> -> memref<1x4x513xf32, #tpu.memory_space<vmem>>
        %dma_wait3A_1435 = tpu.memref_squeeze %dma_wait3A_1434 : memref<1x4x513xf32, #tpu.memory_space<vmem>> -> memref<4x513xf32, #tpu.memory_space<vmem>>
        %dma_wait3A_1436 = arith.constant 1 : i32
        %dma_wait3A_1437 = arith.constant 0 : i32
        %dma_wait3A_1438 = tpu.memref_slice %arg5[%select_n3A, %dma_wait3A_1431, %dma_wait3A_1436, %dma_wait3A_1437] : memref<8x16x513x513xf32, #tpu.memory_space<hbm>> -> memref<1x1x4x513xf32, #tpu.memory_space<hbm>>
        %dma_wait3A_1439 = tpu.memref_squeeze %dma_wait3A_1438 : memref<1x1x4x513xf32, #tpu.memory_space<hbm>> -> memref<4x513xf32, #tpu.memory_space<hbm>>
        %dma_wait3A_1440 = arith.constant 1 : i32
        %dma_wait3A_1441 = arith.constant 0 : i32
        %dma_wait3A_1442 = tpu.memref_slice %arg5[%select_n3A, %dma_wait3A_1431, %dma_wait3A_1440, %dma_wait3A_1441] : memref<8x16x513x513xf32, #tpu.memory_space<hbm>> -> memref<1x1x4x513xf32, #tpu.memory_space<hbm>>
        %dma_wait3A_1443 = tpu.memref_squeeze %dma_wait3A_1442 : memref<1x1x4x513xf32, #tpu.memory_space<hbm>> -> memref<4x513xf32, #tpu.memory_space<hbm>>
        %dma_wait3A_1444 = arith.constant 0 : i32
        %dma_wait3A_1445 = arith.constant 0 : i32
        %dma_wait3A_1446 = tpu.memref_slice %arg10[%dma_wait3A_1430, %dma_wait3A_1444, %dma_wait3A_1445] : memref<16x4x513xf32, #tpu.memory_space<vmem>> -> memref<1x4x513xf32, #tpu.memory_space<vmem>>
        %dma_wait3A_1447 = tpu.memref_squeeze %dma_wait3A_1446 : memref<1x4x513xf32, #tpu.memory_space<vmem>> -> memref<4x513xf32, #tpu.memory_space<vmem>>
        tpu.wait_dma2 semaphore(%arg15 : memref<!tpu.dma_semaphore, #tpu.memory_space<semaphore_mem>>) src(%dma_wait3A_1447 : memref<4x513xf32, #tpu.memory_space<vmem>>) dst(%dma_wait3A_1443 : memref<4x513xf32, #tpu.memory_space<hbm>>)
        %dma_wait3A_1448 = arith.constant 5 : i32
        %dma_wait3A_1449 = arith.constant 5 : i32
        %dma_wait3A_1450 = arith.constant 0 : i32
        %dma_wait3A_1451 = arith.constant 0 : i32
        %dma_wait3A_1452 = tpu.memref_slice %arg10[%dma_wait3A_1448, %dma_wait3A_1450, %dma_wait3A_1451] : memref<16x4x513xf32, #tpu.memory_space<vmem>> -> memref<1x4x513xf32, #tpu.memory_space<vmem>>
        %dma_wait3A_1453 = tpu.memref_squeeze %dma_wait3A_1452 : memref<1x4x513xf32, #tpu.memory_space<vmem>> -> memref<4x513xf32, #tpu.memory_space<vmem>>
        %dma_wait3A_1454 = arith.constant 1 : i32
        %dma_wait3A_1455 = arith.constant 0 : i32
        %dma_wait3A_1456 = tpu.memref_slice %arg5[%select_n3A, %dma_wait3A_1449, %dma_wait3A_1454, %dma_wait3A_1455] : memref<8x16x513x513xf32, #tpu.memory_space<hbm>> -> memref<1x1x4x513xf32, #tpu.memory_space<hbm>>
        %dma_wait3A_1457 = tpu.memref_squeeze %dma_wait3A_1456 : memref<1x1x4x513xf32, #tpu.memory_space<hbm>> -> memref<4x513xf32, #tpu.memory_space<hbm>>
        %dma_wait3A_1458 = arith.constant 1 : i32
        %dma_wait3A_1459 = arith.constant 0 : i32
        %dma_wait3A_1460 = tpu.memref_slice %arg5[%select_n3A, %dma_wait3A_1449, %dma_wait3A_1458, %dma_wait3A_1459] : memref<8x16x513x513xf32, #tpu.memory_space<hbm>> -> memref<1x1x4x513xf32, #tpu.memory_space<hbm>>
        %dma_wait3A_1461 = tpu.memref_squeeze %dma_wait3A_1460 : memref<1x1x4x513xf32, #tpu.memory_space<hbm>> -> memref<4x513xf32, #tpu.memory_space<hbm>>
        %dma_wait3A_1462 = arith.constant 0 : i32
        %dma_wait3A_1463 = arith.constant 0 : i32
        %dma_wait3A_1464 = tpu.memref_slice %arg10[%dma_wait3A_1448, %dma_wait3A_1462, %dma_wait3A_1463] : memref<16x4x513xf32, #tpu.memory_space<vmem>> -> memref<1x4x513xf32, #tpu.memory_space<vmem>>
        %dma_wait3A_1465 = tpu.memref_squeeze %dma_wait3A_1464 : memref<1x4x513xf32, #tpu.memory_space<vmem>> -> memref<4x513xf32, #tpu.memory_space<vmem>>
        tpu.wait_dma2 semaphore(%arg15 : memref<!tpu.dma_semaphore, #tpu.memory_space<semaphore_mem>>) src(%dma_wait3A_1465 : memref<4x513xf32, #tpu.memory_space<vmem>>) dst(%dma_wait3A_1461 : memref<4x513xf32, #tpu.memory_space<hbm>>)
        %dma_wait3A_1466 = arith.constant 6 : i32
        %dma_wait3A_1467 = arith.constant 6 : i32
        %dma_wait3A_1468 = arith.constant 0 : i32
        %dma_wait3A_1469 = arith.constant 0 : i32
        %dma_wait3A_1470 = tpu.memref_slice %arg10[%dma_wait3A_1466, %dma_wait3A_1468, %dma_wait3A_1469] : memref<16x4x513xf32, #tpu.memory_space<vmem>> -> memref<1x4x513xf32, #tpu.memory_space<vmem>>
        %dma_wait3A_1471 = tpu.memref_squeeze %dma_wait3A_1470 : memref<1x4x513xf32, #tpu.memory_space<vmem>> -> memref<4x513xf32, #tpu.memory_space<vmem>>
        %dma_wait3A_1472 = arith.constant 1 : i32
        %dma_wait3A_1473 = arith.constant 0 : i32
        %dma_wait3A_1474 = tpu.memref_slice %arg5[%select_n3A, %dma_wait3A_1467, %dma_wait3A_1472, %dma_wait3A_1473] : memref<8x16x513x513xf32, #tpu.memory_space<hbm>> -> memref<1x1x4x513xf32, #tpu.memory_space<hbm>>
        %dma_wait3A_1475 = tpu.memref_squeeze %dma_wait3A_1474 : memref<1x1x4x513xf32, #tpu.memory_space<hbm>> -> memref<4x513xf32, #tpu.memory_space<hbm>>
        %dma_wait3A_1476 = arith.constant 1 : i32
        %dma_wait3A_1477 = arith.constant 0 : i32
        %dma_wait3A_1478 = tpu.memref_slice %arg5[%select_n3A, %dma_wait3A_1467, %dma_wait3A_1476, %dma_wait3A_1477] : memref<8x16x513x513xf32, #tpu.memory_space<hbm>> -> memref<1x1x4x513xf32, #tpu.memory_space<hbm>>
        %dma_wait3A_1479 = tpu.memref_squeeze %dma_wait3A_1478 : memref<1x1x4x513xf32, #tpu.memory_space<hbm>> -> memref<4x513xf32, #tpu.memory_space<hbm>>
        %dma_wait3A_1480 = arith.constant 0 : i32
        %dma_wait3A_1481 = arith.constant 0 : i32
        %dma_wait3A_1482 = tpu.memref_slice %arg10[%dma_wait3A_1466, %dma_wait3A_1480, %dma_wait3A_1481] : memref<16x4x513xf32, #tpu.memory_space<vmem>> -> memref<1x4x513xf32, #tpu.memory_space<vmem>>
        %dma_wait3A_1483 = tpu.memref_squeeze %dma_wait3A_1482 : memref<1x4x513xf32, #tpu.memory_space<vmem>> -> memref<4x513xf32, #tpu.memory_space<vmem>>
        tpu.wait_dma2 semaphore(%arg15 : memref<!tpu.dma_semaphore, #tpu.memory_space<semaphore_mem>>) src(%dma_wait3A_1483 : memref<4x513xf32, #tpu.memory_space<vmem>>) dst(%dma_wait3A_1479 : memref<4x513xf32, #tpu.memory_space<hbm>>)
        %dma_wait3A_1484 = arith.constant 7 : i32
        %dma_wait3A_1485 = arith.constant 7 : i32
        %dma_wait3A_1486 = arith.constant 0 : i32
        %dma_wait3A_1487 = arith.constant 0 : i32
        %dma_wait3A_1488 = tpu.memref_slice %arg10[%dma_wait3A_1484, %dma_wait3A_1486, %dma_wait3A_1487] : memref<16x4x513xf32, #tpu.memory_space<vmem>> -> memref<1x4x513xf32, #tpu.memory_space<vmem>>
        %dma_wait3A_1489 = tpu.memref_squeeze %dma_wait3A_1488 : memref<1x4x513xf32, #tpu.memory_space<vmem>> -> memref<4x513xf32, #tpu.memory_space<vmem>>
        %dma_wait3A_1490 = arith.constant 1 : i32
        %dma_wait3A_1491 = arith.constant 0 : i32
        %dma_wait3A_1492 = tpu.memref_slice %arg5[%select_n3A, %dma_wait3A_1485, %dma_wait3A_1490, %dma_wait3A_1491] : memref<8x16x513x513xf32, #tpu.memory_space<hbm>> -> memref<1x1x4x513xf32, #tpu.memory_space<hbm>>
        %dma_wait3A_1493 = tpu.memref_squeeze %dma_wait3A_1492 : memref<1x1x4x513xf32, #tpu.memory_space<hbm>> -> memref<4x513xf32, #tpu.memory_space<hbm>>
        %dma_wait3A_1494 = arith.constant 1 : i32
        %dma_wait3A_1495 = arith.constant 0 : i32
        %dma_wait3A_1496 = tpu.memref_slice %arg5[%select_n3A, %dma_wait3A_1485, %dma_wait3A_1494, %dma_wait3A_1495] : memref<8x16x513x513xf32, #tpu.memory_space<hbm>> -> memref<1x1x4x513xf32, #tpu.memory_space<hbm>>
        %dma_wait3A_1497 = tpu.memref_squeeze %dma_wait3A_1496 : memref<1x1x4x513xf32, #tpu.memory_space<hbm>> -> memref<4x513xf32, #tpu.memory_space<hbm>>
        %dma_wait3A_1498 = arith.constant 0 : i32
        %dma_wait3A_1499 = arith.constant 0 : i32
        %dma_wait3A_1500 = tpu.memref_slice %arg10[%dma_wait3A_1484, %dma_wait3A_1498, %dma_wait3A_1499] : memref<16x4x513xf32, #tpu.memory_space<vmem>> -> memref<1x4x513xf32, #tpu.memory_space<vmem>>
        %dma_wait3A_1501 = tpu.memref_squeeze %dma_wait3A_1500 : memref<1x4x513xf32, #tpu.memory_space<vmem>> -> memref<4x513xf32, #tpu.memory_space<vmem>>
        tpu.wait_dma2 semaphore(%arg15 : memref<!tpu.dma_semaphore, #tpu.memory_space<semaphore_mem>>) src(%dma_wait3A_1501 : memref<4x513xf32, #tpu.memory_space<vmem>>) dst(%dma_wait3A_1497 : memref<4x513xf32, #tpu.memory_space<hbm>>)
        %dma_wait3A_1502 = arith.constant 8 : i32
        %dma_wait3A_1503 = arith.constant 8 : i32
        %dma_wait3A_1504 = arith.constant 0 : i32
        %dma_wait3A_1505 = arith.constant 0 : i32
        %dma_wait3A_1506 = tpu.memref_slice %arg10[%dma_wait3A_1502, %dma_wait3A_1504, %dma_wait3A_1505] : memref<16x4x513xf32, #tpu.memory_space<vmem>> -> memref<1x4x513xf32, #tpu.memory_space<vmem>>
        %dma_wait3A_1507 = tpu.memref_squeeze %dma_wait3A_1506 : memref<1x4x513xf32, #tpu.memory_space<vmem>> -> memref<4x513xf32, #tpu.memory_space<vmem>>
        %dma_wait3A_1508 = arith.constant 1 : i32
        %dma_wait3A_1509 = arith.constant 0 : i32
        %dma_wait3A_1510 = tpu.memref_slice %arg5[%select_n3A, %dma_wait3A_1503, %dma_wait3A_1508, %dma_wait3A_1509] : memref<8x16x513x513xf32, #tpu.memory_space<hbm>> -> memref<1x1x4x513xf32, #tpu.memory_space<hbm>>
        %dma_wait3A_1511 = tpu.memref_squeeze %dma_wait3A_1510 : memref<1x1x4x513xf32, #tpu.memory_space<hbm>> -> memref<4x513xf32, #tpu.memory_space<hbm>>
        %dma_wait3A_1512 = arith.constant 1 : i32
        %dma_wait3A_1513 = arith.constant 0 : i32
        %dma_wait3A_1514 = tpu.memref_slice %arg5[%select_n3A, %dma_wait3A_1503, %dma_wait3A_1512, %dma_wait3A_1513] : memref<8x16x513x513xf32, #tpu.memory_space<hbm>> -> memref<1x1x4x513xf32, #tpu.memory_space<hbm>>
        %dma_wait3A_1515 = tpu.memref_squeeze %dma_wait3A_1514 : memref<1x1x4x513xf32, #tpu.memory_space<hbm>> -> memref<4x513xf32, #tpu.memory_space<hbm>>
        %dma_wait3A_1516 = arith.constant 0 : i32
        %dma_wait3A_1517 = arith.constant 0 : i32
        %dma_wait3A_1518 = tpu.memref_slice %arg10[%dma_wait3A_1502, %dma_wait3A_1516, %dma_wait3A_1517] : memref<16x4x513xf32, #tpu.memory_space<vmem>> -> memref<1x4x513xf32, #tpu.memory_space<vmem>>
        %dma_wait3A_1519 = tpu.memref_squeeze %dma_wait3A_1518 : memref<1x4x513xf32, #tpu.memory_space<vmem>> -> memref<4x513xf32, #tpu.memory_space<vmem>>
        tpu.wait_dma2 semaphore(%arg15 : memref<!tpu.dma_semaphore, #tpu.memory_space<semaphore_mem>>) src(%dma_wait3A_1519 : memref<4x513xf32, #tpu.memory_space<vmem>>) dst(%dma_wait3A_1515 : memref<4x513xf32, #tpu.memory_space<hbm>>)
        %dma_wait3A_1520 = arith.constant 9 : i32
        %dma_wait3A_1521 = arith.constant 9 : i32
        %dma_wait3A_1522 = arith.constant 0 : i32
        %dma_wait3A_1523 = arith.constant 0 : i32
        %dma_wait3A_1524 = tpu.memref_slice %arg10[%dma_wait3A_1520, %dma_wait3A_1522, %dma_wait3A_1523] : memref<16x4x513xf32, #tpu.memory_space<vmem>> -> memref<1x4x513xf32, #tpu.memory_space<vmem>>
        %dma_wait3A_1525 = tpu.memref_squeeze %dma_wait3A_1524 : memref<1x4x513xf32, #tpu.memory_space<vmem>> -> memref<4x513xf32, #tpu.memory_space<vmem>>
        %dma_wait3A_1526 = arith.constant 1 : i32
        %dma_wait3A_1527 = arith.constant 0 : i32
        %dma_wait3A_1528 = tpu.memref_slice %arg5[%select_n3A, %dma_wait3A_1521, %dma_wait3A_1526, %dma_wait3A_1527] : memref<8x16x513x513xf32, #tpu.memory_space<hbm>> -> memref<1x1x4x513xf32, #tpu.memory_space<hbm>>
        %dma_wait3A_1529 = tpu.memref_squeeze %dma_wait3A_1528 : memref<1x1x4x513xf32, #tpu.memory_space<hbm>> -> memref<4x513xf32, #tpu.memory_space<hbm>>
        %dma_wait3A_1530 = arith.constant 1 : i32
        %dma_wait3A_1531 = arith.constant 0 : i32
        %dma_wait3A_1532 = tpu.memref_slice %arg5[%select_n3A, %dma_wait3A_1521, %dma_wait3A_1530, %dma_wait3A_1531] : memref<8x16x513x513xf32, #tpu.memory_space<hbm>> -> memref<1x1x4x513xf32, #tpu.memory_space<hbm>>
        %dma_wait3A_1533 = tpu.memref_squeeze %dma_wait3A_1532 : memref<1x1x4x513xf32, #tpu.memory_space<hbm>> -> memref<4x513xf32, #tpu.memory_space<hbm>>
        %dma_wait3A_1534 = arith.constant 0 : i32
        %dma_wait3A_1535 = arith.constant 0 : i32
        %dma_wait3A_1536 = tpu.memref_slice %arg10[%dma_wait3A_1520, %dma_wait3A_1534, %dma_wait3A_1535] : memref<16x4x513xf32, #tpu.memory_space<vmem>> -> memref<1x4x513xf32, #tpu.memory_space<vmem>>
        %dma_wait3A_1537 = tpu.memref_squeeze %dma_wait3A_1536 : memref<1x4x513xf32, #tpu.memory_space<vmem>> -> memref<4x513xf32, #tpu.memory_space<vmem>>
        tpu.wait_dma2 semaphore(%arg15 : memref<!tpu.dma_semaphore, #tpu.memory_space<semaphore_mem>>) src(%dma_wait3A_1537 : memref<4x513xf32, #tpu.memory_space<vmem>>) dst(%dma_wait3A_1533 : memref<4x513xf32, #tpu.memory_space<hbm>>)
        %dma_wait3A_1538 = arith.constant 10 : i32
        %dma_wait3A_1539 = arith.constant 10 : i32
        %dma_wait3A_1540 = arith.constant 0 : i32
        %dma_wait3A_1541 = arith.constant 0 : i32
        %dma_wait3A_1542 = tpu.memref_slice %arg10[%dma_wait3A_1538, %dma_wait3A_1540, %dma_wait3A_1541] : memref<16x4x513xf32, #tpu.memory_space<vmem>> -> memref<1x4x513xf32, #tpu.memory_space<vmem>>
        %dma_wait3A_1543 = tpu.memref_squeeze %dma_wait3A_1542 : memref<1x4x513xf32, #tpu.memory_space<vmem>> -> memref<4x513xf32, #tpu.memory_space<vmem>>
        %dma_wait3A_1544 = arith.constant 1 : i32
        %dma_wait3A_1545 = arith.constant 0 : i32
        %dma_wait3A_1546 = tpu.memref_slice %arg5[%select_n3A, %dma_wait3A_1539, %dma_wait3A_1544, %dma_wait3A_1545] : memref<8x16x513x513xf32, #tpu.memory_space<hbm>> -> memref<1x1x4x513xf32, #tpu.memory_space<hbm>>
        %dma_wait3A_1547 = tpu.memref_squeeze %dma_wait3A_1546 : memref<1x1x4x513xf32, #tpu.memory_space<hbm>> -> memref<4x513xf32, #tpu.memory_space<hbm>>
        %dma_wait3A_1548 = arith.constant 1 : i32
        %dma_wait3A_1549 = arith.constant 0 : i32
        %dma_wait3A_1550 = tpu.memref_slice %arg5[%select_n3A, %dma_wait3A_1539, %dma_wait3A_1548, %dma_wait3A_1549] : memref<8x16x513x513xf32, #tpu.memory_space<hbm>> -> memref<1x1x4x513xf32, #tpu.memory_space<hbm>>
        %dma_wait3A_1551 = tpu.memref_squeeze %dma_wait3A_1550 : memref<1x1x4x513xf32, #tpu.memory_space<hbm>> -> memref<4x513xf32, #tpu.memory_space<hbm>>
        %dma_wait3A_1552 = arith.constant 0 : i32
        %dma_wait3A_1553 = arith.constant 0 : i32
        %dma_wait3A_1554 = tpu.memref_slice %arg10[%dma_wait3A_1538, %dma_wait3A_1552, %dma_wait3A_1553] : memref<16x4x513xf32, #tpu.memory_space<vmem>> -> memref<1x4x513xf32, #tpu.memory_space<vmem>>
        %dma_wait3A_1555 = tpu.memref_squeeze %dma_wait3A_1554 : memref<1x4x513xf32, #tpu.memory_space<vmem>> -> memref<4x513xf32, #tpu.memory_space<vmem>>
        tpu.wait_dma2 semaphore(%arg15 : memref<!tpu.dma_semaphore, #tpu.memory_space<semaphore_mem>>) src(%dma_wait3A_1555 : memref<4x513xf32, #tpu.memory_space<vmem>>) dst(%dma_wait3A_1551 : memref<4x513xf32, #tpu.memory_space<hbm>>)
        %dma_wait3A_1556 = arith.constant 11 : i32
        %dma_wait3A_1557 = arith.constant 11 : i32
        %dma_wait3A_1558 = arith.constant 0 : i32
        %dma_wait3A_1559 = arith.constant 0 : i32
        %dma_wait3A_1560 = tpu.memref_slice %arg10[%dma_wait3A_1556, %dma_wait3A_1558, %dma_wait3A_1559] : memref<16x4x513xf32, #tpu.memory_space<vmem>> -> memref<1x4x513xf32, #tpu.memory_space<vmem>>
        %dma_wait3A_1561 = tpu.memref_squeeze %dma_wait3A_1560 : memref<1x4x513xf32, #tpu.memory_space<vmem>> -> memref<4x513xf32, #tpu.memory_space<vmem>>
        %dma_wait3A_1562 = arith.constant 1 : i32
        %dma_wait3A_1563 = arith.constant 0 : i32
        %dma_wait3A_1564 = tpu.memref_slice %arg5[%select_n3A, %dma_wait3A_1557, %dma_wait3A_1562, %dma_wait3A_1563] : memref<8x16x513x513xf32, #tpu.memory_space<hbm>> -> memref<1x1x4x513xf32, #tpu.memory_space<hbm>>
        %dma_wait3A_1565 = tpu.memref_squeeze %dma_wait3A_1564 : memref<1x1x4x513xf32, #tpu.memory_space<hbm>> -> memref<4x513xf32, #tpu.memory_space<hbm>>
        %dma_wait3A_1566 = arith.constant 1 : i32
        %dma_wait3A_1567 = arith.constant 0 : i32
        %dma_wait3A_1568 = tpu.memref_slice %arg5[%select_n3A, %dma_wait3A_1557, %dma_wait3A_1566, %dma_wait3A_1567] : memref<8x16x513x513xf32, #tpu.memory_space<hbm>> -> memref<1x1x4x513xf32, #tpu.memory_space<hbm>>
        %dma_wait3A_1569 = tpu.memref_squeeze %dma_wait3A_1568 : memref<1x1x4x513xf32, #tpu.memory_space<hbm>> -> memref<4x513xf32, #tpu.memory_space<hbm>>
        %dma_wait3A_1570 = arith.constant 0 : i32
        %dma_wait3A_1571 = arith.constant 0 : i32
        %dma_wait3A_1572 = tpu.memref_slice %arg10[%dma_wait3A_1556, %dma_wait3A_1570, %dma_wait3A_1571] : memref<16x4x513xf32, #tpu.memory_space<vmem>> -> memref<1x4x513xf32, #tpu.memory_space<vmem>>
        %dma_wait3A_1573 = tpu.memref_squeeze %dma_wait3A_1572 : memref<1x4x513xf32, #tpu.memory_space<vmem>> -> memref<4x513xf32, #tpu.memory_space<vmem>>
        tpu.wait_dma2 semaphore(%arg15 : memref<!tpu.dma_semaphore, #tpu.memory_space<semaphore_mem>>) src(%dma_wait3A_1573 : memref<4x513xf32, #tpu.memory_space<vmem>>) dst(%dma_wait3A_1569 : memref<4x513xf32, #tpu.memory_space<hbm>>)
        %dma_wait3A_1574 = arith.constant 12 : i32
        %dma_wait3A_1575 = arith.constant 12 : i32
        %dma_wait3A_1576 = arith.constant 0 : i32
        %dma_wait3A_1577 = arith.constant 0 : i32
        %dma_wait3A_1578 = tpu.memref_slice %arg10[%dma_wait3A_1574, %dma_wait3A_1576, %dma_wait3A_1577] : memref<16x4x513xf32, #tpu.memory_space<vmem>> -> memref<1x4x513xf32, #tpu.memory_space<vmem>>
        %dma_wait3A_1579 = tpu.memref_squeeze %dma_wait3A_1578 : memref<1x4x513xf32, #tpu.memory_space<vmem>> -> memref<4x513xf32, #tpu.memory_space<vmem>>
        %dma_wait3A_1580 = arith.constant 1 : i32
        %dma_wait3A_1581 = arith.constant 0 : i32
        %dma_wait3A_1582 = tpu.memref_slice %arg5[%select_n3A, %dma_wait3A_1575, %dma_wait3A_1580, %dma_wait3A_1581] : memref<8x16x513x513xf32, #tpu.memory_space<hbm>> -> memref<1x1x4x513xf32, #tpu.memory_space<hbm>>
        %dma_wait3A_1583 = tpu.memref_squeeze %dma_wait3A_1582 : memref<1x1x4x513xf32, #tpu.memory_space<hbm>> -> memref<4x513xf32, #tpu.memory_space<hbm>>
        %dma_wait3A_1584 = arith.constant 1 : i32
        %dma_wait3A_1585 = arith.constant 0 : i32
        %dma_wait3A_1586 = tpu.memref_slice %arg5[%select_n3A, %dma_wait3A_1575, %dma_wait3A_1584, %dma_wait3A_1585] : memref<8x16x513x513xf32, #tpu.memory_space<hbm>> -> memref<1x1x4x513xf32, #tpu.memory_space<hbm>>
        %dma_wait3A_1587 = tpu.memref_squeeze %dma_wait3A_1586 : memref<1x1x4x513xf32, #tpu.memory_space<hbm>> -> memref<4x513xf32, #tpu.memory_space<hbm>>
        %dma_wait3A_1588 = arith.constant 0 : i32
        %dma_wait3A_1589 = arith.constant 0 : i32
        %dma_wait3A_1590 = tpu.memref_slice %arg10[%dma_wait3A_1574, %dma_wait3A_1588, %dma_wait3A_1589] : memref<16x4x513xf32, #tpu.memory_space<vmem>> -> memref<1x4x513xf32, #tpu.memory_space<vmem>>
        %dma_wait3A_1591 = tpu.memref_squeeze %dma_wait3A_1590 : memref<1x4x513xf32, #tpu.memory_space<vmem>> -> memref<4x513xf32, #tpu.memory_space<vmem>>
        tpu.wait_dma2 semaphore(%arg15 : memref<!tpu.dma_semaphore, #tpu.memory_space<semaphore_mem>>) src(%dma_wait3A_1591 : memref<4x513xf32, #tpu.memory_space<vmem>>) dst(%dma_wait3A_1587 : memref<4x513xf32, #tpu.memory_space<hbm>>)
        %dma_wait3A_1592 = arith.constant 13 : i32
        %dma_wait3A_1593 = arith.constant 13 : i32
        %dma_wait3A_1594 = arith.constant 0 : i32
        %dma_wait3A_1595 = arith.constant 0 : i32
        %dma_wait3A_1596 = tpu.memref_slice %arg10[%dma_wait3A_1592, %dma_wait3A_1594, %dma_wait3A_1595] : memref<16x4x513xf32, #tpu.memory_space<vmem>> -> memref<1x4x513xf32, #tpu.memory_space<vmem>>
        %dma_wait3A_1597 = tpu.memref_squeeze %dma_wait3A_1596 : memref<1x4x513xf32, #tpu.memory_space<vmem>> -> memref<4x513xf32, #tpu.memory_space<vmem>>
        %dma_wait3A_1598 = arith.constant 1 : i32
        %dma_wait3A_1599 = arith.constant 0 : i32
        %dma_wait3A_1600 = tpu.memref_slice %arg5[%select_n3A, %dma_wait3A_1593, %dma_wait3A_1598, %dma_wait3A_1599] : memref<8x16x513x513xf32, #tpu.memory_space<hbm>> -> memref<1x1x4x513xf32, #tpu.memory_space<hbm>>
        %dma_wait3A_1601 = tpu.memref_squeeze %dma_wait3A_1600 : memref<1x1x4x513xf32, #tpu.memory_space<hbm>> -> memref<4x513xf32, #tpu.memory_space<hbm>>
        %dma_wait3A_1602 = arith.constant 1 : i32
        %dma_wait3A_1603 = arith.constant 0 : i32
        %dma_wait3A_1604 = tpu.memref_slice %arg5[%select_n3A, %dma_wait3A_1593, %dma_wait3A_1602, %dma_wait3A_1603] : memref<8x16x513x513xf32, #tpu.memory_space<hbm>> -> memref<1x1x4x513xf32, #tpu.memory_space<hbm>>
        %dma_wait3A_1605 = tpu.memref_squeeze %dma_wait3A_1604 : memref<1x1x4x513xf32, #tpu.memory_space<hbm>> -> memref<4x513xf32, #tpu.memory_space<hbm>>
        %dma_wait3A_1606 = arith.constant 0 : i32
        %dma_wait3A_1607 = arith.constant 0 : i32
        %dma_wait3A_1608 = tpu.memref_slice %arg10[%dma_wait3A_1592, %dma_wait3A_1606, %dma_wait3A_1607] : memref<16x4x513xf32, #tpu.memory_space<vmem>> -> memref<1x4x513xf32, #tpu.memory_space<vmem>>
        %dma_wait3A_1609 = tpu.memref_squeeze %dma_wait3A_1608 : memref<1x4x513xf32, #tpu.memory_space<vmem>> -> memref<4x513xf32, #tpu.memory_space<vmem>>
        tpu.wait_dma2 semaphore(%arg15 : memref<!tpu.dma_semaphore, #tpu.memory_space<semaphore_mem>>) src(%dma_wait3A_1609 : memref<4x513xf32, #tpu.memory_space<vmem>>) dst(%dma_wait3A_1605 : memref<4x513xf32, #tpu.memory_space<hbm>>)
        %dma_wait3A_1610 = arith.constant 14 : i32
        %dma_wait3A_1611 = arith.constant 14 : i32
        %dma_wait3A_1612 = arith.constant 0 : i32
        %dma_wait3A_1613 = arith.constant 0 : i32
        %dma_wait3A_1614 = tpu.memref_slice %arg10[%dma_wait3A_1610, %dma_wait3A_1612, %dma_wait3A_1613] : memref<16x4x513xf32, #tpu.memory_space<vmem>> -> memref<1x4x513xf32, #tpu.memory_space<vmem>>
        %dma_wait3A_1615 = tpu.memref_squeeze %dma_wait3A_1614 : memref<1x4x513xf32, #tpu.memory_space<vmem>> -> memref<4x513xf32, #tpu.memory_space<vmem>>
        %dma_wait3A_1616 = arith.constant 1 : i32
        %dma_wait3A_1617 = arith.constant 0 : i32
        %dma_wait3A_1618 = tpu.memref_slice %arg5[%select_n3A, %dma_wait3A_1611, %dma_wait3A_1616, %dma_wait3A_1617] : memref<8x16x513x513xf32, #tpu.memory_space<hbm>> -> memref<1x1x4x513xf32, #tpu.memory_space<hbm>>
        %dma_wait3A_1619 = tpu.memref_squeeze %dma_wait3A_1618 : memref<1x1x4x513xf32, #tpu.memory_space<hbm>> -> memref<4x513xf32, #tpu.memory_space<hbm>>
        %dma_wait3A_1620 = arith.constant 1 : i32
        %dma_wait3A_1621 = arith.constant 0 : i32
        %dma_wait3A_1622 = tpu.memref_slice %arg5[%select_n3A, %dma_wait3A_1611, %dma_wait3A_1620, %dma_wait3A_1621] : memref<8x16x513x513xf32, #tpu.memory_space<hbm>> -> memref<1x1x4x513xf32, #tpu.memory_space<hbm>>
        %dma_wait3A_1623 = tpu.memref_squeeze %dma_wait3A_1622 : memref<1x1x4x513xf32, #tpu.memory_space<hbm>> -> memref<4x513xf32, #tpu.memory_space<hbm>>
        %dma_wait3A_1624 = arith.constant 0 : i32
        %dma_wait3A_1625 = arith.constant 0 : i32
        %dma_wait3A_1626 = tpu.memref_slice %arg10[%dma_wait3A_1610, %dma_wait3A_1624, %dma_wait3A_1625] : memref<16x4x513xf32, #tpu.memory_space<vmem>> -> memref<1x4x513xf32, #tpu.memory_space<vmem>>
        %dma_wait3A_1627 = tpu.memref_squeeze %dma_wait3A_1626 : memref<1x4x513xf32, #tpu.memory_space<vmem>> -> memref<4x513xf32, #tpu.memory_space<vmem>>
        tpu.wait_dma2 semaphore(%arg15 : memref<!tpu.dma_semaphore, #tpu.memory_space<semaphore_mem>>) src(%dma_wait3A_1627 : memref<4x513xf32, #tpu.memory_space<vmem>>) dst(%dma_wait3A_1623 : memref<4x513xf32, #tpu.memory_space<hbm>>)
        %dma_wait3A_1628 = arith.constant 15 : i32
        %dma_wait3A_1629 = arith.constant 15 : i32
        %dma_wait3A_1630 = arith.constant 0 : i32
        %dma_wait3A_1631 = arith.constant 0 : i32
        %dma_wait3A_1632 = tpu.memref_slice %arg10[%dma_wait3A_1628, %dma_wait3A_1630, %dma_wait3A_1631] : memref<16x4x513xf32, #tpu.memory_space<vmem>> -> memref<1x4x513xf32, #tpu.memory_space<vmem>>
        %dma_wait3A_1633 = tpu.memref_squeeze %dma_wait3A_1632 : memref<1x4x513xf32, #tpu.memory_space<vmem>> -> memref<4x513xf32, #tpu.memory_space<vmem>>
        %dma_wait3A_1634 = arith.constant 1 : i32
        %dma_wait3A_1635 = arith.constant 0 : i32
        %dma_wait3A_1636 = tpu.memref_slice %arg5[%select_n3A, %dma_wait3A_1629, %dma_wait3A_1634, %dma_wait3A_1635] : memref<8x16x513x513xf32, #tpu.memory_space<hbm>> -> memref<1x1x4x513xf32, #tpu.memory_space<hbm>>
        %dma_wait3A_1637 = tpu.memref_squeeze %dma_wait3A_1636 : memref<1x1x4x513xf32, #tpu.memory_space<hbm>> -> memref<4x513xf32, #tpu.memory_space<hbm>>
        %dma_wait3A_1638 = arith.constant 1 : i32
        %dma_wait3A_1639 = arith.constant 0 : i32
        %dma_wait3A_1640 = tpu.memref_slice %arg5[%select_n3A, %dma_wait3A_1629, %dma_wait3A_1638, %dma_wait3A_1639] : memref<8x16x513x513xf32, #tpu.memory_space<hbm>> -> memref<1x1x4x513xf32, #tpu.memory_space<hbm>>
        %dma_wait3A_1641 = tpu.memref_squeeze %dma_wait3A_1640 : memref<1x1x4x513xf32, #tpu.memory_space<hbm>> -> memref<4x513xf32, #tpu.memory_space<hbm>>
        %dma_wait3A_1642 = arith.constant 0 : i32
        %dma_wait3A_1643 = arith.constant 0 : i32
        %dma_wait3A_1644 = tpu.memref_slice %arg10[%dma_wait3A_1628, %dma_wait3A_1642, %dma_wait3A_1643] : memref<16x4x513xf32, #tpu.memory_space<vmem>> -> memref<1x4x513xf32, #tpu.memory_space<vmem>>
        %dma_wait3A_1645 = tpu.memref_squeeze %dma_wait3A_1644 : memref<1x4x513xf32, #tpu.memory_space<vmem>> -> memref<4x513xf32, #tpu.memory_space<vmem>>
        tpu.wait_dma2 semaphore(%arg15 : memref<!tpu.dma_semaphore, #tpu.memory_space<semaphore_mem>>) src(%dma_wait3A_1645 : memref<4x513xf32, #tpu.memory_space<vmem>>) dst(%dma_wait3A_1641 : memref<4x513xf32, #tpu.memory_space<hbm>>)
      } else {
      }
      %broadcast_in_dim3A_750 = arith.constant 0 : i32
      %broadcast_in_dim3A_751 = vector.broadcast %broadcast_in_dim3A_750 : i32 to vector<16xi32>
      tpu.vector_store_idx %arg10[%iota3A, %add3A_125, %broadcast_in_dim3A_751], %mul3A_36 : memref<16x4x513xf32, #tpu.memory_space<vmem>>[vector<16xi32>, vector<16xi32>, vector<16xi32>], vector<16xf32>,
      %broadcast_in_dim3A_752 = arith.constant 0 : i32
      %broadcast_in_dim3A_753 = vector.broadcast %broadcast_in_dim3A_752 : i32 to vector<16xi32>
      tpu.vector_store_idx %arg10[%iota3A, %add3A_130, %broadcast_in_dim3A_753], %mul3A_36 : memref<16x4x513xf32, #tpu.memory_space<vmem>>[vector<16xi32>, vector<16xi32>, vector<16xi32>], vector<16xf32>,
      %broadcast_in_dim3A_754 = arith.constant 0 : i32
      %broadcast_in_dim3A_755 = vector.broadcast %broadcast_in_dim3A_754 : i32 to vector<16xi32>
      tpu.vector_store_idx %arg10[%iota3A, %add3A_135, %broadcast_in_dim3A_755], %mul3A_36 : memref<16x4x513xf32, #tpu.memory_space<vmem>>[vector<16xi32>, vector<16xi32>, vector<16xi32>], vector<16xf32>,
      %broadcast_in_dim3A_756 = arith.constant 0 : i32
      %broadcast_in_dim3A_757 = vector.broadcast %broadcast_in_dim3A_756 : i32 to vector<16xi32>
      tpu.vector_store_idx %arg10[%iota3A, %add3A_140, %broadcast_in_dim3A_757], %mul3A_36 : memref<16x4x513xf32, #tpu.memory_space<vmem>>[vector<16xi32>, vector<16xi32>, vector<16xi32>], vector<16xf32>,
      %scan3A_758 = arith.constant 0 : i32
      %scan3A_759 = arith.constant 0 : i32
      %scan3A_760 = arith.constant 32 : i32
      %scan3A_761 = arith.addi %scan3A_759, %scan3A_760 : i32
      %scan3A_762 = arith.constant 1 : i32
      scf.for %scan3A_1358 = %scan3A_759 to %scan3A_761 step %scan3A_762  : i32 {
        %mul3A_1359 = arith.constant 16 : i32
        %mul3A_1360 = arith.muli %scan3A_1358, %mul3A_1359 : i32
        %get3A_1361 = arith.constant 0 : i32
        %get3A_1362 = arith.index_cast %get3A_1361 : i32 to index
        %get3A_1363 = arith.index_cast %mul3A_1360 : i32 to index
        %get3A_1364 = tpu.vector_load %arg8[%get3A_1362, %get3A_1363] {strides = array<i32>} : memref<4x512xi32, #tpu.memory_space<vmem>>, vector<16xi32>,
        %add3A_1365 = arith.constant 1 : i32
        %add3A_1366 = arith.addi %mul3A_1360, %add3A_1365 : i32
        %add3A_1367 = vector.broadcast %add3A_1366 : i32 to vector<16xi32>
        %add3A_1368 = arith.addi %iota3A, %add3A_1367 : vector<16xi32>
        %gather3A = tpu.vector_load_idx %arg6[%get3A_1364, %add3A_45] : memref<512x16xf32, #tpu.memory_space<vmem>>[vector<16xi32>, vector<16xi32>], vector<16xf32>,
        tpu.vector_store_idx %arg10[%add3A_45, %add3A_125, %add3A_1368], %gather3A : memref<16x4x513xf32, #tpu.memory_space<vmem>>[vector<16xi32>, vector<16xi32>, vector<16xi32>], vector<16xf32>,
        %gather3A_1369 = tpu.vector_load_idx %arg6[%get3A_1364, %add3A_50] : memref<512x16xf32, #tpu.memory_space<vmem>>[vector<16xi32>, vector<16xi32>], vector<16xf32>,
        tpu.vector_store_idx %arg10[%add3A_50, %add3A_125, %add3A_1368], %gather3A_1369 : memref<16x4x513xf32, #tpu.memory_space<vmem>>[vector<16xi32>, vector<16xi32>, vector<16xi32>], vector<16xf32>,
        %gather3A_1370 = tpu.vector_load_idx %arg6[%get3A_1364, %add3A_55] : memref<512x16xf32, #tpu.memory_space<vmem>>[vector<16xi32>, vector<16xi32>], vector<16xf32>,
        tpu.vector_store_idx %arg10[%add3A_55, %add3A_125, %add3A_1368], %gather3A_1370 : memref<16x4x513xf32, #tpu.memory_space<vmem>>[vector<16xi32>, vector<16xi32>, vector<16xi32>], vector<16xf32>,
        %gather3A_1371 = tpu.vector_load_idx %arg6[%get3A_1364, %add3A_60] : memref<512x16xf32, #tpu.memory_space<vmem>>[vector<16xi32>, vector<16xi32>], vector<16xf32>,
        tpu.vector_store_idx %arg10[%add3A_60, %add3A_125, %add3A_1368], %gather3A_1371 : memref<16x4x513xf32, #tpu.memory_space<vmem>>[vector<16xi32>, vector<16xi32>, vector<16xi32>], vector<16xf32>,
        %gather3A_1372 = tpu.vector_load_idx %arg6[%get3A_1364, %add3A_65] : memref<512x16xf32, #tpu.memory_space<vmem>>[vector<16xi32>, vector<16xi32>], vector<16xf32>,
        tpu.vector_store_idx %arg10[%add3A_65, %add3A_125, %add3A_1368], %gather3A_1372 : memref<16x4x513xf32, #tpu.memory_space<vmem>>[vector<16xi32>, vector<16xi32>, vector<16xi32>], vector<16xf32>,
        %gather3A_1373 = tpu.vector_load_idx %arg6[%get3A_1364, %add3A_70] : memref<512x16xf32, #tpu.memory_space<vmem>>[vector<16xi32>, vector<16xi32>], vector<16xf32>,
        tpu.vector_store_idx %arg10[%add3A_70, %add3A_125, %add3A_1368], %gather3A_1373 : memref<16x4x513xf32, #tpu.memory_space<vmem>>[vector<16xi32>, vector<16xi32>, vector<16xi32>], vector<16xf32>,
        %gather3A_1374 = tpu.vector_load_idx %arg6[%get3A_1364, %add3A_75] : memref<512x16xf32, #tpu.memory_space<vmem>>[vector<16xi32>, vector<16xi32>], vector<16xf32>,
        tpu.vector_store_idx %arg10[%add3A_75, %add3A_125, %add3A_1368], %gather3A_1374 : memref<16x4x513xf32, #tpu.memory_space<vmem>>[vector<16xi32>, vector<16xi32>, vector<16xi32>], vector<16xf32>,
        %gather3A_1375 = tpu.vector_load_idx %arg6[%get3A_1364, %add3A_80] : memref<512x16xf32, #tpu.memory_space<vmem>>[vector<16xi32>, vector<16xi32>], vector<16xf32>,
        tpu.vector_store_idx %arg10[%add3A_80, %add3A_125, %add3A_1368], %gather3A_1375 : memref<16x4x513xf32, #tpu.memory_space<vmem>>[vector<16xi32>, vector<16xi32>, vector<16xi32>], vector<16xf32>,
        %gather3A_1376 = tpu.vector_load_idx %arg6[%get3A_1364, %add3A_85] : memref<512x16xf32, #tpu.memory_space<vmem>>[vector<16xi32>, vector<16xi32>], vector<16xf32>,
        tpu.vector_store_idx %arg10[%add3A_85, %add3A_125, %add3A_1368], %gather3A_1376 : memref<16x4x513xf32, #tpu.memory_space<vmem>>[vector<16xi32>, vector<16xi32>, vector<16xi32>], vector<16xf32>,
        %gather3A_1377 = tpu.vector_load_idx %arg6[%get3A_1364, %add3A_90] : memref<512x16xf32, #tpu.memory_space<vmem>>[vector<16xi32>, vector<16xi32>], vector<16xf32>,
        tpu.vector_store_idx %arg10[%add3A_90, %add3A_125, %add3A_1368], %gather3A_1377 : memref<16x4x513xf32, #tpu.memory_space<vmem>>[vector<16xi32>, vector<16xi32>, vector<16xi32>], vector<16xf32>,
        %gather3A_1378 = tpu.vector_load_idx %arg6[%get3A_1364, %add3A_95] : memref<512x16xf32, #tpu.memory_space<vmem>>[vector<16xi32>, vector<16xi32>], vector<16xf32>,
        tpu.vector_store_idx %arg10[%add3A_95, %add3A_125, %add3A_1368], %gather3A_1378 : memref<16x4x513xf32, #tpu.memory_space<vmem>>[vector<16xi32>, vector<16xi32>, vector<16xi32>], vector<16xf32>,
        %gather3A_1379 = tpu.vector_load_idx %arg6[%get3A_1364, %add3A_100] : memref<512x16xf32, #tpu.memory_space<vmem>>[vector<16xi32>, vector<16xi32>], vector<16xf32>,
        tpu.vector_store_idx %arg10[%add3A_100, %add3A_125, %add3A_1368], %gather3A_1379 : memref<16x4x513xf32, #tpu.memory_space<vmem>>[vector<16xi32>, vector<16xi32>, vector<16xi32>], vector<16xf32>,
        %gather3A_1380 = tpu.vector_load_idx %arg6[%get3A_1364, %add3A_105] : memref<512x16xf32, #tpu.memory_space<vmem>>[vector<16xi32>, vector<16xi32>], vector<16xf32>,
        tpu.vector_store_idx %arg10[%add3A_105, %add3A_125, %add3A_1368], %gather3A_1380 : memref<16x4x513xf32, #tpu.memory_space<vmem>>[vector<16xi32>, vector<16xi32>, vector<16xi32>], vector<16xf32>,
        %gather3A_1381 = tpu.vector_load_idx %arg6[%get3A_1364, %add3A_110] : memref<512x16xf32, #tpu.memory_space<vmem>>[vector<16xi32>, vector<16xi32>], vector<16xf32>,
        tpu.vector_store_idx %arg10[%add3A_110, %add3A_125, %add3A_1368], %gather3A_1381 : memref<16x4x513xf32, #tpu.memory_space<vmem>>[vector<16xi32>, vector<16xi32>, vector<16xi32>], vector<16xf32>,
        %gather3A_1382 = tpu.vector_load_idx %arg6[%get3A_1364, %add3A_115] : memref<512x16xf32, #tpu.memory_space<vmem>>[vector<16xi32>, vector<16xi32>], vector<16xf32>,
        tpu.vector_store_idx %arg10[%add3A_115, %add3A_125, %add3A_1368], %gather3A_1382 : memref<16x4x513xf32, #tpu.memory_space<vmem>>[vector<16xi32>, vector<16xi32>, vector<16xi32>], vector<16xf32>,
        %gather3A_1383 = tpu.vector_load_idx %arg6[%get3A_1364, %add3A_120] : memref<512x16xf32, #tpu.memory_space<vmem>>[vector<16xi32>, vector<16xi32>], vector<16xf32>,
        tpu.vector_store_idx %arg10[%add3A_120, %add3A_125, %add3A_1368], %gather3A_1383 : memref<16x4x513xf32, #tpu.memory_space<vmem>>[vector<16xi32>, vector<16xi32>, vector<16xi32>], vector<16xf32>,
      }
      %scan3A_763 = arith.constant 32 : i32
      %scan3A_764 = arith.constant 0 : i32
      %scan3A_765 = arith.constant 0 : i32
      %scan3A_766 = arith.constant 32 : i32
      %scan3A_767 = arith.addi %scan3A_765, %scan3A_766 : i32
      %scan3A_768 = arith.constant 1 : i32
      scf.for %scan3A_1358 = %scan3A_765 to %scan3A_767 step %scan3A_768  : i32 {
        %mul3A_1359 = arith.constant 16 : i32
        %mul3A_1360 = arith.muli %scan3A_1358, %mul3A_1359 : i32
        %get3A_1361 = arith.constant 1 : i32
        %get3A_1362 = arith.index_cast %get3A_1361 : i32 to index
        %get3A_1363 = arith.index_cast %mul3A_1360 : i32 to index
        %get3A_1364 = tpu.vector_load %arg8[%get3A_1362, %get3A_1363] {strides = array<i32>} : memref<4x512xi32, #tpu.memory_space<vmem>>, vector<16xi32>,
        %add3A_1365 = arith.constant 1 : i32
        %add3A_1366 = arith.addi %mul3A_1360, %add3A_1365 : i32
        %add3A_1367 = vector.broadcast %add3A_1366 : i32 to vector<16xi32>
        %add3A_1368 = arith.addi %iota3A, %add3A_1367 : vector<16xi32>
        %gather3A = tpu.vector_load_idx %arg6[%get3A_1364, %add3A_45] : memref<512x16xf32, #tpu.memory_space<vmem>>[vector<16xi32>, vector<16xi32>], vector<16xf32>,
        tpu.vector_store_idx %arg10[%add3A_45, %add3A_130, %add3A_1368], %gather3A : memref<16x4x513xf32, #tpu.memory_space<vmem>>[vector<16xi32>, vector<16xi32>, vector<16xi32>], vector<16xf32>,
        %gather3A_1369 = tpu.vector_load_idx %arg6[%get3A_1364, %add3A_50] : memref<512x16xf32, #tpu.memory_space<vmem>>[vector<16xi32>, vector<16xi32>], vector<16xf32>,
        tpu.vector_store_idx %arg10[%add3A_50, %add3A_130, %add3A_1368], %gather3A_1369 : memref<16x4x513xf32, #tpu.memory_space<vmem>>[vector<16xi32>, vector<16xi32>, vector<16xi32>], vector<16xf32>,
        %gather3A_1370 = tpu.vector_load_idx %arg6[%get3A_1364, %add3A_55] : memref<512x16xf32, #tpu.memory_space<vmem>>[vector<16xi32>, vector<16xi32>], vector<16xf32>,
        tpu.vector_store_idx %arg10[%add3A_55, %add3A_130, %add3A_1368], %gather3A_1370 : memref<16x4x513xf32, #tpu.memory_space<vmem>>[vector<16xi32>, vector<16xi32>, vector<16xi32>], vector<16xf32>,
        %gather3A_1371 = tpu.vector_load_idx %arg6[%get3A_1364, %add3A_60] : memref<512x16xf32, #tpu.memory_space<vmem>>[vector<16xi32>, vector<16xi32>], vector<16xf32>,
        tpu.vector_store_idx %arg10[%add3A_60, %add3A_130, %add3A_1368], %gather3A_1371 : memref<16x4x513xf32, #tpu.memory_space<vmem>>[vector<16xi32>, vector<16xi32>, vector<16xi32>], vector<16xf32>,
        %gather3A_1372 = tpu.vector_load_idx %arg6[%get3A_1364, %add3A_65] : memref<512x16xf32, #tpu.memory_space<vmem>>[vector<16xi32>, vector<16xi32>], vector<16xf32>,
        tpu.vector_store_idx %arg10[%add3A_65, %add3A_130, %add3A_1368], %gather3A_1372 : memref<16x4x513xf32, #tpu.memory_space<vmem>>[vector<16xi32>, vector<16xi32>, vector<16xi32>], vector<16xf32>,
        %gather3A_1373 = tpu.vector_load_idx %arg6[%get3A_1364, %add3A_70] : memref<512x16xf32, #tpu.memory_space<vmem>>[vector<16xi32>, vector<16xi32>], vector<16xf32>,
        tpu.vector_store_idx %arg10[%add3A_70, %add3A_130, %add3A_1368], %gather3A_1373 : memref<16x4x513xf32, #tpu.memory_space<vmem>>[vector<16xi32>, vector<16xi32>, vector<16xi32>], vector<16xf32>,
        %gather3A_1374 = tpu.vector_load_idx %arg6[%get3A_1364, %add3A_75] : memref<512x16xf32, #tpu.memory_space<vmem>>[vector<16xi32>, vector<16xi32>], vector<16xf32>,
        tpu.vector_store_idx %arg10[%add3A_75, %add3A_130, %add3A_1368], %gather3A_1374 : memref<16x4x513xf32, #tpu.memory_space<vmem>>[vector<16xi32>, vector<16xi32>, vector<16xi32>], vector<16xf32>,
        %gather3A_1375 = tpu.vector_load_idx %arg6[%get3A_1364, %add3A_80] : memref<512x16xf32, #tpu.memory_space<vmem>>[vector<16xi32>, vector<16xi32>], vector<16xf32>,
        tpu.vector_store_idx %arg10[%add3A_80, %add3A_130, %add3A_1368], %gather3A_1375 : memref<16x4x513xf32, #tpu.memory_space<vmem>>[vector<16xi32>, vector<16xi32>, vector<16xi32>], vector<16xf32>,
        %gather3A_1376 = tpu.vector_load_idx %arg6[%get3A_1364, %add3A_85] : memref<512x16xf32, #tpu.memory_space<vmem>>[vector<16xi32>, vector<16xi32>], vector<16xf32>,
        tpu.vector_store_idx %arg10[%add3A_85, %add3A_130, %add3A_1368], %gather3A_1376 : memref<16x4x513xf32, #tpu.memory_space<vmem>>[vector<16xi32>, vector<16xi32>, vector<16xi32>], vector<16xf32>,
        %gather3A_1377 = tpu.vector_load_idx %arg6[%get3A_1364, %add3A_90] : memref<512x16xf32, #tpu.memory_space<vmem>>[vector<16xi32>, vector<16xi32>], vector<16xf32>,
        tpu.vector_store_idx %arg10[%add3A_90, %add3A_130, %add3A_1368], %gather3A_1377 : memref<16x4x513xf32, #tpu.memory_space<vmem>>[vector<16xi32>, vector<16xi32>, vector<16xi32>], vector<16xf32>,
        %gather3A_1378 = tpu.vector_load_idx %arg6[%get3A_1364, %add3A_95] : memref<512x16xf32, #tpu.memory_space<vmem>>[vector<16xi32>, vector<16xi32>], vector<16xf32>,
        tpu.vector_store_idx %arg10[%add3A_95, %add3A_130, %add3A_1368], %gather3A_1378 : memref<16x4x513xf32, #tpu.memory_space<vmem>>[vector<16xi32>, vector<16xi32>, vector<16xi32>], vector<16xf32>,
        %gather3A_1379 = tpu.vector_load_idx %arg6[%get3A_1364, %add3A_100] : memref<512x16xf32, #tpu.memory_space<vmem>>[vector<16xi32>, vector<16xi32>], vector<16xf32>,
        tpu.vector_store_idx %arg10[%add3A_100, %add3A_130, %add3A_1368], %gather3A_1379 : memref<16x4x513xf32, #tpu.memory_space<vmem>>[vector<16xi32>, vector<16xi32>, vector<16xi32>], vector<16xf32>,
        %gather3A_1380 = tpu.vector_load_idx %arg6[%get3A_1364, %add3A_105] : memref<512x16xf32, #tpu.memory_space<vmem>>[vector<16xi32>, vector<16xi32>], vector<16xf32>,
        tpu.vector_store_idx %arg10[%add3A_105, %add3A_130, %add3A_1368], %gather3A_1380 : memref<16x4x513xf32, #tpu.memory_space<vmem>>[vector<16xi32>, vector<16xi32>, vector<16xi32>], vector<16xf32>,
        %gather3A_1381 = tpu.vector_load_idx %arg6[%get3A_1364, %add3A_110] : memref<512x16xf32, #tpu.memory_space<vmem>>[vector<16xi32>, vector<16xi32>], vector<16xf32>,
        tpu.vector_store_idx %arg10[%add3A_110, %add3A_130, %add3A_1368], %gather3A_1381 : memref<16x4x513xf32, #tpu.memory_space<vmem>>[vector<16xi32>, vector<16xi32>, vector<16xi32>], vector<16xf32>,
        %gather3A_1382 = tpu.vector_load_idx %arg6[%get3A_1364, %add3A_115] : memref<512x16xf32, #tpu.memory_space<vmem>>[vector<16xi32>, vector<16xi32>], vector<16xf32>,
        tpu.vector_store_idx %arg10[%add3A_115, %add3A_130, %add3A_1368], %gather3A_1382 : memref<16x4x513xf32, #tpu.memory_space<vmem>>[vector<16xi32>, vector<16xi32>, vector<16xi32>], vector<16xf32>,
        %gather3A_1383 = tpu.vector_load_idx %arg6[%get3A_1364, %add3A_120] : memref<512x16xf32, #tpu.memory_space<vmem>>[vector<16xi32>, vector<16xi32>], vector<16xf32>,
        tpu.vector_store_idx %arg10[%add3A_120, %add3A_130, %add3A_1368], %gather3A_1383 : memref<16x4x513xf32, #tpu.memory_space<vmem>>[vector<16xi32>, vector<16xi32>, vector<16xi32>], vector<16xf32>,
      }
      %scan3A_769 = arith.constant 32 : i32
      %scan3A_770 = arith.constant 0 : i32
      %scan3A_771 = arith.constant 0 : i32
      %scan3A_772 = arith.constant 32 : i32
      %scan3A_773 = arith.addi %scan3A_771, %scan3A_772 : i32
      %scan3A_774 = arith.constant 1 : i32
      scf.for %scan3A_1358 = %scan3A_771 to %scan3A_773 step %scan3A_774  : i32 {
        %mul3A_1359 = arith.constant 16 : i32
        %mul3A_1360 = arith.muli %scan3A_1358, %mul3A_1359 : i32
        %get3A_1361 = arith.constant 2 : i32
        %get3A_1362 = arith.index_cast %get3A_1361 : i32 to index
        %get3A_1363 = arith.index_cast %mul3A_1360 : i32 to index
        %get3A_1364 = tpu.vector_load %arg8[%get3A_1362, %get3A_1363] {strides = array<i32>} : memref<4x512xi32, #tpu.memory_space<vmem>>, vector<16xi32>,
        %add3A_1365 = arith.constant 1 : i32
        %add3A_1366 = arith.addi %mul3A_1360, %add3A_1365 : i32
        %add3A_1367 = vector.broadcast %add3A_1366 : i32 to vector<16xi32>
        %add3A_1368 = arith.addi %iota3A, %add3A_1367 : vector<16xi32>
        %gather3A = tpu.vector_load_idx %arg6[%get3A_1364, %add3A_45] : memref<512x16xf32, #tpu.memory_space<vmem>>[vector<16xi32>, vector<16xi32>], vector<16xf32>,
        tpu.vector_store_idx %arg10[%add3A_45, %add3A_135, %add3A_1368], %gather3A : memref<16x4x513xf32, #tpu.memory_space<vmem>>[vector<16xi32>, vector<16xi32>, vector<16xi32>], vector<16xf32>,
        %gather3A_1369 = tpu.vector_load_idx %arg6[%get3A_1364, %add3A_50] : memref<512x16xf32, #tpu.memory_space<vmem>>[vector<16xi32>, vector<16xi32>], vector<16xf32>,
        tpu.vector_store_idx %arg10[%add3A_50, %add3A_135, %add3A_1368], %gather3A_1369 : memref<16x4x513xf32, #tpu.memory_space<vmem>>[vector<16xi32>, vector<16xi32>, vector<16xi32>], vector<16xf32>,
        %gather3A_1370 = tpu.vector_load_idx %arg6[%get3A_1364, %add3A_55] : memref<512x16xf32, #tpu.memory_space<vmem>>[vector<16xi32>, vector<16xi32>], vector<16xf32>,
        tpu.vector_store_idx %arg10[%add3A_55, %add3A_135, %add3A_1368], %gather3A_1370 : memref<16x4x513xf32, #tpu.memory_space<vmem>>[vector<16xi32>, vector<16xi32>, vector<16xi32>], vector<16xf32>,
        %gather3A_1371 = tpu.vector_load_idx %arg6[%get3A_1364, %add3A_60] : memref<512x16xf32, #tpu.memory_space<vmem>>[vector<16xi32>, vector<16xi32>], vector<16xf32>,
        tpu.vector_store_idx %arg10[%add3A_60, %add3A_135, %add3A_1368], %gather3A_1371 : memref<16x4x513xf32, #tpu.memory_space<vmem>>[vector<16xi32>, vector<16xi32>, vector<16xi32>], vector<16xf32>,
        %gather3A_1372 = tpu.vector_load_idx %arg6[%get3A_1364, %add3A_65] : memref<512x16xf32, #tpu.memory_space<vmem>>[vector<16xi32>, vector<16xi32>], vector<16xf32>,
        tpu.vector_store_idx %arg10[%add3A_65, %add3A_135, %add3A_1368], %gather3A_1372 : memref<16x4x513xf32, #tpu.memory_space<vmem>>[vector<16xi32>, vector<16xi32>, vector<16xi32>], vector<16xf32>,
        %gather3A_1373 = tpu.vector_load_idx %arg6[%get3A_1364, %add3A_70] : memref<512x16xf32, #tpu.memory_space<vmem>>[vector<16xi32>, vector<16xi32>], vector<16xf32>,
        tpu.vector_store_idx %arg10[%add3A_70, %add3A_135, %add3A_1368], %gather3A_1373 : memref<16x4x513xf32, #tpu.memory_space<vmem>>[vector<16xi32>, vector<16xi32>, vector<16xi32>], vector<16xf32>,
        %gather3A_1374 = tpu.vector_load_idx %arg6[%get3A_1364, %add3A_75] : memref<512x16xf32, #tpu.memory_space<vmem>>[vector<16xi32>, vector<16xi32>], vector<16xf32>,
        tpu.vector_store_idx %arg10[%add3A_75, %add3A_135, %add3A_1368], %gather3A_1374 : memref<16x4x513xf32, #tpu.memory_space<vmem>>[vector<16xi32>, vector<16xi32>, vector<16xi32>], vector<16xf32>,
        %gather3A_1375 = tpu.vector_load_idx %arg6[%get3A_1364, %add3A_80] : memref<512x16xf32, #tpu.memory_space<vmem>>[vector<16xi32>, vector<16xi32>], vector<16xf32>,
        tpu.vector_store_idx %arg10[%add3A_80, %add3A_135, %add3A_1368], %gather3A_1375 : memref<16x4x513xf32, #tpu.memory_space<vmem>>[vector<16xi32>, vector<16xi32>, vector<16xi32>], vector<16xf32>,
        %gather3A_1376 = tpu.vector_load_idx %arg6[%get3A_1364, %add3A_85] : memref<512x16xf32, #tpu.memory_space<vmem>>[vector<16xi32>, vector<16xi32>], vector<16xf32>,
        tpu.vector_store_idx %arg10[%add3A_85, %add3A_135, %add3A_1368], %gather3A_1376 : memref<16x4x513xf32, #tpu.memory_space<vmem>>[vector<16xi32>, vector<16xi32>, vector<16xi32>], vector<16xf32>,
        %gather3A_1377 = tpu.vector_load_idx %arg6[%get3A_1364, %add3A_90] : memref<512x16xf32, #tpu.memory_space<vmem>>[vector<16xi32>, vector<16xi32>], vector<16xf32>,
        tpu.vector_store_idx %arg10[%add3A_90, %add3A_135, %add3A_1368], %gather3A_1377 : memref<16x4x513xf32, #tpu.memory_space<vmem>>[vector<16xi32>, vector<16xi32>, vector<16xi32>], vector<16xf32>,
        %gather3A_1378 = tpu.vector_load_idx %arg6[%get3A_1364, %add3A_95] : memref<512x16xf32, #tpu.memory_space<vmem>>[vector<16xi32>, vector<16xi32>], vector<16xf32>,
        tpu.vector_store_idx %arg10[%add3A_95, %add3A_135, %add3A_1368], %gather3A_1378 : memref<16x4x513xf32, #tpu.memory_space<vmem>>[vector<16xi32>, vector<16xi32>, vector<16xi32>], vector<16xf32>,
        %gather3A_1379 = tpu.vector_load_idx %arg6[%get3A_1364, %add3A_100] : memref<512x16xf32, #tpu.memory_space<vmem>>[vector<16xi32>, vector<16xi32>], vector<16xf32>,
        tpu.vector_store_idx %arg10[%add3A_100, %add3A_135, %add3A_1368], %gather3A_1379 : memref<16x4x513xf32, #tpu.memory_space<vmem>>[vector<16xi32>, vector<16xi32>, vector<16xi32>], vector<16xf32>,
        %gather3A_1380 = tpu.vector_load_idx %arg6[%get3A_1364, %add3A_105] : memref<512x16xf32, #tpu.memory_space<vmem>>[vector<16xi32>, vector<16xi32>], vector<16xf32>,
        tpu.vector_store_idx %arg10[%add3A_105, %add3A_135, %add3A_1368], %gather3A_1380 : memref<16x4x513xf32, #tpu.memory_space<vmem>>[vector<16xi32>, vector<16xi32>, vector<16xi32>], vector<16xf32>,
        %gather3A_1381 = tpu.vector_load_idx %arg6[%get3A_1364, %add3A_110] : memref<512x16xf32, #tpu.memory_space<vmem>>[vector<16xi32>, vector<16xi32>], vector<16xf32>,
        tpu.vector_store_idx %arg10[%add3A_110, %add3A_135, %add3A_1368], %gather3A_1381 : memref<16x4x513xf32, #tpu.memory_space<vmem>>[vector<16xi32>, vector<16xi32>, vector<16xi32>], vector<16xf32>,
        %gather3A_1382 = tpu.vector_load_idx %arg6[%get3A_1364, %add3A_115] : memref<512x16xf32, #tpu.memory_space<vmem>>[vector<16xi32>, vector<16xi32>], vector<16xf32>,
        tpu.vector_store_idx %arg10[%add3A_115, %add3A_135, %add3A_1368], %gather3A_1382 : memref<16x4x513xf32, #tpu.memory_space<vmem>>[vector<16xi32>, vector<16xi32>, vector<16xi32>], vector<16xf32>,
        %gather3A_1383 = tpu.vector_load_idx %arg6[%get3A_1364, %add3A_120] : memref<512x16xf32, #tpu.memory_space<vmem>>[vector<16xi32>, vector<16xi32>], vector<16xf32>,
        tpu.vector_store_idx %arg10[%add3A_120, %add3A_135, %add3A_1368], %gather3A_1383 : memref<16x4x513xf32, #tpu.memory_space<vmem>>[vector<16xi32>, vector<16xi32>, vector<16xi32>], vector<16xf32>,
      }
      %scan3A_775 = arith.constant 32 : i32
      %scan3A_776 = arith.constant 0 : i32
      %scan3A_777 = arith.constant 0 : i32
      %scan3A_778 = arith.constant 32 : i32
      %scan3A_779 = arith.addi %scan3A_777, %scan3A_778 : i32
      %scan3A_780 = arith.constant 1 : i32
      scf.for %scan3A_1358 = %scan3A_777 to %scan3A_779 step %scan3A_780  : i32 {
        %mul3A_1359 = arith.constant 16 : i32
        %mul3A_1360 = arith.muli %scan3A_1358, %mul3A_1359 : i32
        %get3A_1361 = arith.constant 3 : i32
        %get3A_1362 = arith.index_cast %get3A_1361 : i32 to index
        %get3A_1363 = arith.index_cast %mul3A_1360 : i32 to index
        %get3A_1364 = tpu.vector_load %arg8[%get3A_1362, %get3A_1363] {strides = array<i32>} : memref<4x512xi32, #tpu.memory_space<vmem>>, vector<16xi32>,
        %add3A_1365 = arith.constant 1 : i32
        %add3A_1366 = arith.addi %mul3A_1360, %add3A_1365 : i32
        %add3A_1367 = vector.broadcast %add3A_1366 : i32 to vector<16xi32>
        %add3A_1368 = arith.addi %iota3A, %add3A_1367 : vector<16xi32>
        %gather3A = tpu.vector_load_idx %arg6[%get3A_1364, %add3A_45] : memref<512x16xf32, #tpu.memory_space<vmem>>[vector<16xi32>, vector<16xi32>], vector<16xf32>,
        tpu.vector_store_idx %arg10[%add3A_45, %add3A_140, %add3A_1368], %gather3A : memref<16x4x513xf32, #tpu.memory_space<vmem>>[vector<16xi32>, vector<16xi32>, vector<16xi32>], vector<16xf32>,
        %gather3A_1369 = tpu.vector_load_idx %arg6[%get3A_1364, %add3A_50] : memref<512x16xf32, #tpu.memory_space<vmem>>[vector<16xi32>, vector<16xi32>], vector<16xf32>,
        tpu.vector_store_idx %arg10[%add3A_50, %add3A_140, %add3A_1368], %gather3A_1369 : memref<16x4x513xf32, #tpu.memory_space<vmem>>[vector<16xi32>, vector<16xi32>, vector<16xi32>], vector<16xf32>,
        %gather3A_1370 = tpu.vector_load_idx %arg6[%get3A_1364, %add3A_55] : memref<512x16xf32, #tpu.memory_space<vmem>>[vector<16xi32>, vector<16xi32>], vector<16xf32>,
        tpu.vector_store_idx %arg10[%add3A_55, %add3A_140, %add3A_1368], %gather3A_1370 : memref<16x4x513xf32, #tpu.memory_space<vmem>>[vector<16xi32>, vector<16xi32>, vector<16xi32>], vector<16xf32>,
        %gather3A_1371 = tpu.vector_load_idx %arg6[%get3A_1364, %add3A_60] : memref<512x16xf32, #tpu.memory_space<vmem>>[vector<16xi32>, vector<16xi32>], vector<16xf32>,
        tpu.vector_store_idx %arg10[%add3A_60, %add3A_140, %add3A_1368], %gather3A_1371 : memref<16x4x513xf32, #tpu.memory_space<vmem>>[vector<16xi32>, vector<16xi32>, vector<16xi32>], vector<16xf32>,
        %gather3A_1372 = tpu.vector_load_idx %arg6[%get3A_1364, %add3A_65] : memref<512x16xf32, #tpu.memory_space<vmem>>[vector<16xi32>, vector<16xi32>], vector<16xf32>,
        tpu.vector_store_idx %arg10[%add3A_65, %add3A_140, %add3A_1368], %gather3A_1372 : memref<16x4x513xf32, #tpu.memory_space<vmem>>[vector<16xi32>, vector<16xi32>, vector<16xi32>], vector<16xf32>,
        %gather3A_1373 = tpu.vector_load_idx %arg6[%get3A_1364, %add3A_70] : memref<512x16xf32, #tpu.memory_space<vmem>>[vector<16xi32>, vector<16xi32>], vector<16xf32>,
        tpu.vector_store_idx %arg10[%add3A_70, %add3A_140, %add3A_1368], %gather3A_1373 : memref<16x4x513xf32, #tpu.memory_space<vmem>>[vector<16xi32>, vector<16xi32>, vector<16xi32>], vector<16xf32>,
        %gather3A_1374 = tpu.vector_load_idx %arg6[%get3A_1364, %add3A_75] : memref<512x16xf32, #tpu.memory_space<vmem>>[vector<16xi32>, vector<16xi32>], vector<16xf32>,
        tpu.vector_store_idx %arg10[%add3A_75, %add3A_140, %add3A_1368], %gather3A_1374 : memref<16x4x513xf32, #tpu.memory_space<vmem>>[vector<16xi32>, vector<16xi32>, vector<16xi32>], vector<16xf32>,
        %gather3A_1375 = tpu.vector_load_idx %arg6[%get3A_1364, %add3A_80] : memref<512x16xf32, #tpu.memory_space<vmem>>[vector<16xi32>, vector<16xi32>], vector<16xf32>,
        tpu.vector_store_idx %arg10[%add3A_80, %add3A_140, %add3A_1368], %gather3A_1375 : memref<16x4x513xf32, #tpu.memory_space<vmem>>[vector<16xi32>, vector<16xi32>, vector<16xi32>], vector<16xf32>,
        %gather3A_1376 = tpu.vector_load_idx %arg6[%get3A_1364, %add3A_85] : memref<512x16xf32, #tpu.memory_space<vmem>>[vector<16xi32>, vector<16xi32>], vector<16xf32>,
        tpu.vector_store_idx %arg10[%add3A_85, %add3A_140, %add3A_1368], %gather3A_1376 : memref<16x4x513xf32, #tpu.memory_space<vmem>>[vector<16xi32>, vector<16xi32>, vector<16xi32>], vector<16xf32>,
        %gather3A_1377 = tpu.vector_load_idx %arg6[%get3A_1364, %add3A_90] : memref<512x16xf32, #tpu.memory_space<vmem>>[vector<16xi32>, vector<16xi32>], vector<16xf32>,
        tpu.vector_store_idx %arg10[%add3A_90, %add3A_140, %add3A_1368], %gather3A_1377 : memref<16x4x513xf32, #tpu.memory_space<vmem>>[vector<16xi32>, vector<16xi32>, vector<16xi32>], vector<16xf32>,
        %gather3A_1378 = tpu.vector_load_idx %arg6[%get3A_1364, %add3A_95] : memref<512x16xf32, #tpu.memory_space<vmem>>[vector<16xi32>, vector<16xi32>], vector<16xf32>,
        tpu.vector_store_idx %arg10[%add3A_95, %add3A_140, %add3A_1368], %gather3A_1378 : memref<16x4x513xf32, #tpu.memory_space<vmem>>[vector<16xi32>, vector<16xi32>, vector<16xi32>], vector<16xf32>,
        %gather3A_1379 = tpu.vector_load_idx %arg6[%get3A_1364, %add3A_100] : memref<512x16xf32, #tpu.memory_space<vmem>>[vector<16xi32>, vector<16xi32>], vector<16xf32>,
        tpu.vector_store_idx %arg10[%add3A_100, %add3A_140, %add3A_1368], %gather3A_1379 : memref<16x4x513xf32, #tpu.memory_space<vmem>>[vector<16xi32>, vector<16xi32>, vector<16xi32>], vector<16xf32>,
        %gather3A_1380 = tpu.vector_load_idx %arg6[%get3A_1364, %add3A_105] : memref<512x16xf32, #tpu.memory_space<vmem>>[vector<16xi32>, vector<16xi32>], vector<16xf32>,
        tpu.vector_store_idx %arg10[%add3A_105, %add3A_140, %add3A_1368], %gather3A_1380 : memref<16x4x513xf32, #tpu.memory_space<vmem>>[vector<16xi32>, vector<16xi32>, vector<16xi32>], vector<16xf32>,
        %gather3A_1381 = tpu.vector_load_idx %arg6[%get3A_1364, %add3A_110] : memref<512x16xf32, #tpu.memory_space<vmem>>[vector<16xi32>, vector<16xi32>], vector<16xf32>,
        tpu.vector_store_idx %arg10[%add3A_110, %add3A_140, %add3A_1368], %gather3A_1381 : memref<16x4x513xf32, #tpu.memory_space<vmem>>[vector<16xi32>, vector<16xi32>, vector<16xi32>], vector<16xf32>,
        %gather3A_1382 = tpu.vector_load_idx %arg6[%get3A_1364, %add3A_115] : memref<512x16xf32, #tpu.memory_space<vmem>>[vector<16xi32>, vector<16xi32>], vector<16xf32>,
        tpu.vector_store_idx %arg10[%add3A_115, %add3A_140, %add3A_1368], %gather3A_1382 : memref<16x4x513xf32, #tpu.memory_space<vmem>>[vector<16xi32>, vector<16xi32>, vector<16xi32>], vector<16xf32>,
        %gather3A_1383 = tpu.vector_load_idx %arg6[%get3A_1364, %add3A_120] : memref<512x16xf32, #tpu.memory_space<vmem>>[vector<16xi32>, vector<16xi32>], vector<16xf32>,
        tpu.vector_store_idx %arg10[%add3A_120, %add3A_140, %add3A_1368], %gather3A_1383 : memref<16x4x513xf32, #tpu.memory_space<vmem>>[vector<16xi32>, vector<16xi32>, vector<16xi32>], vector<16xf32>,
      }
      %scan3A_781 = arith.constant 32 : i32
      %mul3A_782 = arith.constant 4 : i32
      %mul3A_783 = arith.muli %mul3A_732, %mul3A_782 : i32
      %add3A_784 = arith.addi %mul3A_32, %mul3A_783 : i32
      %add3A_785 = arith.constant 1 : i32
      %add3A_786 = arith.addi %add3A_784, %add3A_785 : i32
      %dma_start3A_787 = arith.constant 0 : i32
      %dma_start3A_788 = arith.constant 0 : i32
      %dma_start3A_789 = arith.constant 0 : i32
      %dma_start3A_790 = arith.constant 0 : i32
      %dma_start3A_791 = tpu.memref_slice %arg10[%dma_start3A_787, %dma_start3A_789, %dma_start3A_790] : memref<16x4x513xf32, #tpu.memory_space<vmem>> -> memref<1x4x513xf32, #tpu.memory_space<vmem>>
      %dma_start3A_792 = tpu.memref_squeeze %dma_start3A_791 : memref<1x4x513xf32, #tpu.memory_space<vmem>> -> memref<4x513xf32, #tpu.memory_space<vmem>>
      %dma_start3A_793 = arith.constant 0 : i32
      %dma_start3A_794 = tpu.memref_slice %arg5[%select_n3A, %dma_start3A_788, %add3A_786, %dma_start3A_793] : memref<8x16x513x513xf32, #tpu.memory_space<hbm>> -> memref<1x1x4x513xf32, #tpu.memory_space<hbm>>
      %dma_start3A_795 = tpu.memref_squeeze %dma_start3A_794 : memref<1x1x4x513xf32, #tpu.memory_space<hbm>> -> memref<4x513xf32, #tpu.memory_space<hbm>>
      %dma_start3A_796 = arith.constant 0 : i32
      %dma_start3A_797 = tpu.memref_slice %arg5[%select_n3A, %dma_start3A_788, %add3A_786, %dma_start3A_796] : memref<8x16x513x513xf32, #tpu.memory_space<hbm>> -> memref<1x1x4x513xf32, #tpu.memory_space<hbm>>
      %dma_start3A_798 = tpu.memref_squeeze %dma_start3A_797 : memref<1x1x4x513xf32, #tpu.memory_space<hbm>> -> memref<4x513xf32, #tpu.memory_space<hbm>>
      %dma_start3A_799 = arith.constant 0 : i32
      %dma_start3A_800 = arith.constant 0 : i32
      %dma_start3A_801 = tpu.memref_slice %arg10[%dma_start3A_787, %dma_start3A_799, %dma_start3A_800] : memref<16x4x513xf32, #tpu.memory_space<vmem>> -> memref<1x4x513xf32, #tpu.memory_space<vmem>>
      %dma_start3A_802 = tpu.memref_squeeze %dma_start3A_801 : memref<1x4x513xf32, #tpu.memory_space<vmem>> -> memref<4x513xf32, #tpu.memory_space<vmem>>
      tpu.enqueue_dma source(%dma_start3A_802 : memref<4x513xf32, #tpu.memory_space<vmem>>) target(%dma_start3A_798 : memref<4x513xf32, #tpu.memory_space<hbm>>) target_semaphore(%arg15 : memref<!tpu.dma_semaphore, #tpu.memory_space<semaphore_mem>>)
      %dma_start3A_803 = arith.constant 1 : i32
      %dma_start3A_804 = arith.constant 1 : i32
      %dma_start3A_805 = arith.constant 0 : i32
      %dma_start3A_806 = arith.constant 0 : i32
      %dma_start3A_807 = tpu.memref_slice %arg10[%dma_start3A_803, %dma_start3A_805, %dma_start3A_806] : memref<16x4x513xf32, #tpu.memory_space<vmem>> -> memref<1x4x513xf32, #tpu.memory_space<vmem>>
      %dma_start3A_808 = tpu.memref_squeeze %dma_start3A_807 : memref<1x4x513xf32, #tpu.memory_space<vmem>> -> memref<4x513xf32, #tpu.memory_space<vmem>>
      %dma_start3A_809 = arith.constant 0 : i32
      %dma_start3A_810 = tpu.memref_slice %arg5[%select_n3A, %dma_start3A_804, %add3A_786, %dma_start3A_809] : memref<8x16x513x513xf32, #tpu.memory_space<hbm>> -> memref<1x1x4x513xf32, #tpu.memory_space<hbm>>
      %dma_start3A_811 = tpu.memref_squeeze %dma_start3A_810 : memref<1x1x4x513xf32, #tpu.memory_space<hbm>> -> memref<4x513xf32, #tpu.memory_space<hbm>>
      %dma_start3A_812 = arith.constant 0 : i32
      %dma_start3A_813 = tpu.memref_slice %arg5[%select_n3A, %dma_start3A_804, %add3A_786, %dma_start3A_812] : memref<8x16x513x513xf32, #tpu.memory_space<hbm>> -> memref<1x1x4x513xf32, #tpu.memory_space<hbm>>
      %dma_start3A_814 = tpu.memref_squeeze %dma_start3A_813 : memref<1x1x4x513xf32, #tpu.memory_space<hbm>> -> memref<4x513xf32, #tpu.memory_space<hbm>>
      %dma_start3A_815 = arith.constant 0 : i32
      %dma_start3A_816 = arith.constant 0 : i32
      %dma_start3A_817 = tpu.memref_slice %arg10[%dma_start3A_803, %dma_start3A_815, %dma_start3A_816] : memref<16x4x513xf32, #tpu.memory_space<vmem>> -> memref<1x4x513xf32, #tpu.memory_space<vmem>>
      %dma_start3A_818 = tpu.memref_squeeze %dma_start3A_817 : memref<1x4x513xf32, #tpu.memory_space<vmem>> -> memref<4x513xf32, #tpu.memory_space<vmem>>
      tpu.enqueue_dma source(%dma_start3A_818 : memref<4x513xf32, #tpu.memory_space<vmem>>) target(%dma_start3A_814 : memref<4x513xf32, #tpu.memory_space<hbm>>) target_semaphore(%arg15 : memref<!tpu.dma_semaphore, #tpu.memory_space<semaphore_mem>>)
      %dma_start3A_819 = arith.constant 2 : i32
      %dma_start3A_820 = arith.constant 2 : i32
      %dma_start3A_821 = arith.constant 0 : i32
      %dma_start3A_822 = arith.constant 0 : i32
      %dma_start3A_823 = tpu.memref_slice %arg10[%dma_start3A_819, %dma_start3A_821, %dma_start3A_822] : memref<16x4x513xf32, #tpu.memory_space<vmem>> -> memref<1x4x513xf32, #tpu.memory_space<vmem>>
      %dma_start3A_824 = tpu.memref_squeeze %dma_start3A_823 : memref<1x4x513xf32, #tpu.memory_space<vmem>> -> memref<4x513xf32, #tpu.memory_space<vmem>>
      %dma_start3A_825 = arith.constant 0 : i32
      %dma_start3A_826 = tpu.memref_slice %arg5[%select_n3A, %dma_start3A_820, %add3A_786, %dma_start3A_825] : memref<8x16x513x513xf32, #tpu.memory_space<hbm>> -> memref<1x1x4x513xf32, #tpu.memory_space<hbm>>
      %dma_start3A_827 = tpu.memref_squeeze %dma_start3A_826 : memref<1x1x4x513xf32, #tpu.memory_space<hbm>> -> memref<4x513xf32, #tpu.memory_space<hbm>>
      %dma_start3A_828 = arith.constant 0 : i32
      %dma_start3A_829 = tpu.memref_slice %arg5[%select_n3A, %dma_start3A_820, %add3A_786, %dma_start3A_828] : memref<8x16x513x513xf32, #tpu.memory_space<hbm>> -> memref<1x1x4x513xf32, #tpu.memory_space<hbm>>
      %dma_start3A_830 = tpu.memref_squeeze %dma_start3A_829 : memref<1x1x4x513xf32, #tpu.memory_space<hbm>> -> memref<4x513xf32, #tpu.memory_space<hbm>>
      %dma_start3A_831 = arith.constant 0 : i32
      %dma_start3A_832 = arith.constant 0 : i32
      %dma_start3A_833 = tpu.memref_slice %arg10[%dma_start3A_819, %dma_start3A_831, %dma_start3A_832] : memref<16x4x513xf32, #tpu.memory_space<vmem>> -> memref<1x4x513xf32, #tpu.memory_space<vmem>>
      %dma_start3A_834 = tpu.memref_squeeze %dma_start3A_833 : memref<1x4x513xf32, #tpu.memory_space<vmem>> -> memref<4x513xf32, #tpu.memory_space<vmem>>
      tpu.enqueue_dma source(%dma_start3A_834 : memref<4x513xf32, #tpu.memory_space<vmem>>) target(%dma_start3A_830 : memref<4x513xf32, #tpu.memory_space<hbm>>) target_semaphore(%arg15 : memref<!tpu.dma_semaphore, #tpu.memory_space<semaphore_mem>>)
      %dma_start3A_835 = arith.constant 3 : i32
      %dma_start3A_836 = arith.constant 3 : i32
      %dma_start3A_837 = arith.constant 0 : i32
      %dma_start3A_838 = arith.constant 0 : i32
      %dma_start3A_839 = tpu.memref_slice %arg10[%dma_start3A_835, %dma_start3A_837, %dma_start3A_838] : memref<16x4x513xf32, #tpu.memory_space<vmem>> -> memref<1x4x513xf32, #tpu.memory_space<vmem>>
      %dma_start3A_840 = tpu.memref_squeeze %dma_start3A_839 : memref<1x4x513xf32, #tpu.memory_space<vmem>> -> memref<4x513xf32, #tpu.memory_space<vmem>>
      %dma_start3A_841 = arith.constant 0 : i32
      %dma_start3A_842 = tpu.memref_slice %arg5[%select_n3A, %dma_start3A_836, %add3A_786, %dma_start3A_841] : memref<8x16x513x513xf32, #tpu.memory_space<hbm>> -> memref<1x1x4x513xf32, #tpu.memory_space<hbm>>
      %dma_start3A_843 = tpu.memref_squeeze %dma_start3A_842 : memref<1x1x4x513xf32, #tpu.memory_space<hbm>> -> memref<4x513xf32, #tpu.memory_space<hbm>>
      %dma_start3A_844 = arith.constant 0 : i32
      %dma_start3A_845 = tpu.memref_slice %arg5[%select_n3A, %dma_start3A_836, %add3A_786, %dma_start3A_844] : memref<8x16x513x513xf32, #tpu.memory_space<hbm>> -> memref<1x1x4x513xf32, #tpu.memory_space<hbm>>
      %dma_start3A_846 = tpu.memref_squeeze %dma_start3A_845 : memref<1x1x4x513xf32, #tpu.memory_space<hbm>> -> memref<4x513xf32, #tpu.memory_space<hbm>>
      %dma_start3A_847 = arith.constant 0 : i32
      %dma_start3A_848 = arith.constant 0 : i32
      %dma_start3A_849 = tpu.memref_slice %arg10[%dma_start3A_835, %dma_start3A_847, %dma_start3A_848] : memref<16x4x513xf32, #tpu.memory_space<vmem>> -> memref<1x4x513xf32, #tpu.memory_space<vmem>>
      %dma_start3A_850 = tpu.memref_squeeze %dma_start3A_849 : memref<1x4x513xf32, #tpu.memory_space<vmem>> -> memref<4x513xf32, #tpu.memory_space<vmem>>
      tpu.enqueue_dma source(%dma_start3A_850 : memref<4x513xf32, #tpu.memory_space<vmem>>) target(%dma_start3A_846 : memref<4x513xf32, #tpu.memory_space<hbm>>) target_semaphore(%arg15 : memref<!tpu.dma_semaphore, #tpu.memory_space<semaphore_mem>>)
      %dma_start3A_851 = arith.constant 4 : i32
      %dma_start3A_852 = arith.constant 4 : i32
      %dma_start3A_853 = arith.constant 0 : i32
      %dma_start3A_854 = arith.constant 0 : i32
      %dma_start3A_855 = tpu.memref_slice %arg10[%dma_start3A_851, %dma_start3A_853, %dma_start3A_854] : memref<16x4x513xf32, #tpu.memory_space<vmem>> -> memref<1x4x513xf32, #tpu.memory_space<vmem>>
      %dma_start3A_856 = tpu.memref_squeeze %dma_start3A_855 : memref<1x4x513xf32, #tpu.memory_space<vmem>> -> memref<4x513xf32, #tpu.memory_space<vmem>>
      %dma_start3A_857 = arith.constant 0 : i32
      %dma_start3A_858 = tpu.memref_slice %arg5[%select_n3A, %dma_start3A_852, %add3A_786, %dma_start3A_857] : memref<8x16x513x513xf32, #tpu.memory_space<hbm>> -> memref<1x1x4x513xf32, #tpu.memory_space<hbm>>
      %dma_start3A_859 = tpu.memref_squeeze %dma_start3A_858 : memref<1x1x4x513xf32, #tpu.memory_space<hbm>> -> memref<4x513xf32, #tpu.memory_space<hbm>>
      %dma_start3A_860 = arith.constant 0 : i32
      %dma_start3A_861 = tpu.memref_slice %arg5[%select_n3A, %dma_start3A_852, %add3A_786, %dma_start3A_860] : memref<8x16x513x513xf32, #tpu.memory_space<hbm>> -> memref<1x1x4x513xf32, #tpu.memory_space<hbm>>
      %dma_start3A_862 = tpu.memref_squeeze %dma_start3A_861 : memref<1x1x4x513xf32, #tpu.memory_space<hbm>> -> memref<4x513xf32, #tpu.memory_space<hbm>>
      %dma_start3A_863 = arith.constant 0 : i32
      %dma_start3A_864 = arith.constant 0 : i32
      %dma_start3A_865 = tpu.memref_slice %arg10[%dma_start3A_851, %dma_start3A_863, %dma_start3A_864] : memref<16x4x513xf32, #tpu.memory_space<vmem>> -> memref<1x4x513xf32, #tpu.memory_space<vmem>>
      %dma_start3A_866 = tpu.memref_squeeze %dma_start3A_865 : memref<1x4x513xf32, #tpu.memory_space<vmem>> -> memref<4x513xf32, #tpu.memory_space<vmem>>
      tpu.enqueue_dma source(%dma_start3A_866 : memref<4x513xf32, #tpu.memory_space<vmem>>) target(%dma_start3A_862 : memref<4x513xf32, #tpu.memory_space<hbm>>) target_semaphore(%arg15 : memref<!tpu.dma_semaphore, #tpu.memory_space<semaphore_mem>>)
      %dma_start3A_867 = arith.constant 5 : i32
      %dma_start3A_868 = arith.constant 5 : i32
      %dma_start3A_869 = arith.constant 0 : i32
      %dma_start3A_870 = arith.constant 0 : i32
      %dma_start3A_871 = tpu.memref_slice %arg10[%dma_start3A_867, %dma_start3A_869, %dma_start3A_870] : memref<16x4x513xf32, #tpu.memory_space<vmem>> -> memref<1x4x513xf32, #tpu.memory_space<vmem>>
      %dma_start3A_872 = tpu.memref_squeeze %dma_start3A_871 : memref<1x4x513xf32, #tpu.memory_space<vmem>> -> memref<4x513xf32, #tpu.memory_space<vmem>>
      %dma_start3A_873 = arith.constant 0 : i32
      %dma_start3A_874 = tpu.memref_slice %arg5[%select_n3A, %dma_start3A_868, %add3A_786, %dma_start3A_873] : memref<8x16x513x513xf32, #tpu.memory_space<hbm>> -> memref<1x1x4x513xf32, #tpu.memory_space<hbm>>
      %dma_start3A_875 = tpu.memref_squeeze %dma_start3A_874 : memref<1x1x4x513xf32, #tpu.memory_space<hbm>> -> memref<4x513xf32, #tpu.memory_space<hbm>>
      %dma_start3A_876 = arith.constant 0 : i32
      %dma_start3A_877 = tpu.memref_slice %arg5[%select_n3A, %dma_start3A_868, %add3A_786, %dma_start3A_876] : memref<8x16x513x513xf32, #tpu.memory_space<hbm>> -> memref<1x1x4x513xf32, #tpu.memory_space<hbm>>
      %dma_start3A_878 = tpu.memref_squeeze %dma_start3A_877 : memref<1x1x4x513xf32, #tpu.memory_space<hbm>> -> memref<4x513xf32, #tpu.memory_space<hbm>>
      %dma_start3A_879 = arith.constant 0 : i32
      %dma_start3A_880 = arith.constant 0 : i32
      %dma_start3A_881 = tpu.memref_slice %arg10[%dma_start3A_867, %dma_start3A_879, %dma_start3A_880] : memref<16x4x513xf32, #tpu.memory_space<vmem>> -> memref<1x4x513xf32, #tpu.memory_space<vmem>>
      %dma_start3A_882 = tpu.memref_squeeze %dma_start3A_881 : memref<1x4x513xf32, #tpu.memory_space<vmem>> -> memref<4x513xf32, #tpu.memory_space<vmem>>
      tpu.enqueue_dma source(%dma_start3A_882 : memref<4x513xf32, #tpu.memory_space<vmem>>) target(%dma_start3A_878 : memref<4x513xf32, #tpu.memory_space<hbm>>) target_semaphore(%arg15 : memref<!tpu.dma_semaphore, #tpu.memory_space<semaphore_mem>>)
      %dma_start3A_883 = arith.constant 6 : i32
      %dma_start3A_884 = arith.constant 6 : i32
      %dma_start3A_885 = arith.constant 0 : i32
      %dma_start3A_886 = arith.constant 0 : i32
      %dma_start3A_887 = tpu.memref_slice %arg10[%dma_start3A_883, %dma_start3A_885, %dma_start3A_886] : memref<16x4x513xf32, #tpu.memory_space<vmem>> -> memref<1x4x513xf32, #tpu.memory_space<vmem>>
      %dma_start3A_888 = tpu.memref_squeeze %dma_start3A_887 : memref<1x4x513xf32, #tpu.memory_space<vmem>> -> memref<4x513xf32, #tpu.memory_space<vmem>>
      %dma_start3A_889 = arith.constant 0 : i32
      %dma_start3A_890 = tpu.memref_slice %arg5[%select_n3A, %dma_start3A_884, %add3A_786, %dma_start3A_889] : memref<8x16x513x513xf32, #tpu.memory_space<hbm>> -> memref<1x1x4x513xf32, #tpu.memory_space<hbm>>
      %dma_start3A_891 = tpu.memref_squeeze %dma_start3A_890 : memref<1x1x4x513xf32, #tpu.memory_space<hbm>> -> memref<4x513xf32, #tpu.memory_space<hbm>>
      %dma_start3A_892 = arith.constant 0 : i32
      %dma_start3A_893 = tpu.memref_slice %arg5[%select_n3A, %dma_start3A_884, %add3A_786, %dma_start3A_892] : memref<8x16x513x513xf32, #tpu.memory_space<hbm>> -> memref<1x1x4x513xf32, #tpu.memory_space<hbm>>
      %dma_start3A_894 = tpu.memref_squeeze %dma_start3A_893 : memref<1x1x4x513xf32, #tpu.memory_space<hbm>> -> memref<4x513xf32, #tpu.memory_space<hbm>>
      %dma_start3A_895 = arith.constant 0 : i32
      %dma_start3A_896 = arith.constant 0 : i32
      %dma_start3A_897 = tpu.memref_slice %arg10[%dma_start3A_883, %dma_start3A_895, %dma_start3A_896] : memref<16x4x513xf32, #tpu.memory_space<vmem>> -> memref<1x4x513xf32, #tpu.memory_space<vmem>>
      %dma_start3A_898 = tpu.memref_squeeze %dma_start3A_897 : memref<1x4x513xf32, #tpu.memory_space<vmem>> -> memref<4x513xf32, #tpu.memory_space<vmem>>
      tpu.enqueue_dma source(%dma_start3A_898 : memref<4x513xf32, #tpu.memory_space<vmem>>) target(%dma_start3A_894 : memref<4x513xf32, #tpu.memory_space<hbm>>) target_semaphore(%arg15 : memref<!tpu.dma_semaphore, #tpu.memory_space<semaphore_mem>>)
      %dma_start3A_899 = arith.constant 7 : i32
      %dma_start3A_900 = arith.constant 7 : i32
      %dma_start3A_901 = arith.constant 0 : i32
      %dma_start3A_902 = arith.constant 0 : i32
      %dma_start3A_903 = tpu.memref_slice %arg10[%dma_start3A_899, %dma_start3A_901, %dma_start3A_902] : memref<16x4x513xf32, #tpu.memory_space<vmem>> -> memref<1x4x513xf32, #tpu.memory_space<vmem>>
      %dma_start3A_904 = tpu.memref_squeeze %dma_start3A_903 : memref<1x4x513xf32, #tpu.memory_space<vmem>> -> memref<4x513xf32, #tpu.memory_space<vmem>>
      %dma_start3A_905 = arith.constant 0 : i32
      %dma_start3A_906 = tpu.memref_slice %arg5[%select_n3A, %dma_start3A_900, %add3A_786, %dma_start3A_905] : memref<8x16x513x513xf32, #tpu.memory_space<hbm>> -> memref<1x1x4x513xf32, #tpu.memory_space<hbm>>
      %dma_start3A_907 = tpu.memref_squeeze %dma_start3A_906 : memref<1x1x4x513xf32, #tpu.memory_space<hbm>> -> memref<4x513xf32, #tpu.memory_space<hbm>>
      %dma_start3A_908 = arith.constant 0 : i32
      %dma_start3A_909 = tpu.memref_slice %arg5[%select_n3A, %dma_start3A_900, %add3A_786, %dma_start3A_908] : memref<8x16x513x513xf32, #tpu.memory_space<hbm>> -> memref<1x1x4x513xf32, #tpu.memory_space<hbm>>
      %dma_start3A_910 = tpu.memref_squeeze %dma_start3A_909 : memref<1x1x4x513xf32, #tpu.memory_space<hbm>> -> memref<4x513xf32, #tpu.memory_space<hbm>>
      %dma_start3A_911 = arith.constant 0 : i32
      %dma_start3A_912 = arith.constant 0 : i32
      %dma_start3A_913 = tpu.memref_slice %arg10[%dma_start3A_899, %dma_start3A_911, %dma_start3A_912] : memref<16x4x513xf32, #tpu.memory_space<vmem>> -> memref<1x4x513xf32, #tpu.memory_space<vmem>>
      %dma_start3A_914 = tpu.memref_squeeze %dma_start3A_913 : memref<1x4x513xf32, #tpu.memory_space<vmem>> -> memref<4x513xf32, #tpu.memory_space<vmem>>
      tpu.enqueue_dma source(%dma_start3A_914 : memref<4x513xf32, #tpu.memory_space<vmem>>) target(%dma_start3A_910 : memref<4x513xf32, #tpu.memory_space<hbm>>) target_semaphore(%arg15 : memref<!tpu.dma_semaphore, #tpu.memory_space<semaphore_mem>>)
      %dma_start3A_915 = arith.constant 8 : i32
      %dma_start3A_916 = arith.constant 8 : i32
      %dma_start3A_917 = arith.constant 0 : i32
      %dma_start3A_918 = arith.constant 0 : i32
      %dma_start3A_919 = tpu.memref_slice %arg10[%dma_start3A_915, %dma_start3A_917, %dma_start3A_918] : memref<16x4x513xf32, #tpu.memory_space<vmem>> -> memref<1x4x513xf32, #tpu.memory_space<vmem>>
      %dma_start3A_920 = tpu.memref_squeeze %dma_start3A_919 : memref<1x4x513xf32, #tpu.memory_space<vmem>> -> memref<4x513xf32, #tpu.memory_space<vmem>>
      %dma_start3A_921 = arith.constant 0 : i32
      %dma_start3A_922 = tpu.memref_slice %arg5[%select_n3A, %dma_start3A_916, %add3A_786, %dma_start3A_921] : memref<8x16x513x513xf32, #tpu.memory_space<hbm>> -> memref<1x1x4x513xf32, #tpu.memory_space<hbm>>
      %dma_start3A_923 = tpu.memref_squeeze %dma_start3A_922 : memref<1x1x4x513xf32, #tpu.memory_space<hbm>> -> memref<4x513xf32, #tpu.memory_space<hbm>>
      %dma_start3A_924 = arith.constant 0 : i32
      %dma_start3A_925 = tpu.memref_slice %arg5[%select_n3A, %dma_start3A_916, %add3A_786, %dma_start3A_924] : memref<8x16x513x513xf32, #tpu.memory_space<hbm>> -> memref<1x1x4x513xf32, #tpu.memory_space<hbm>>
      %dma_start3A_926 = tpu.memref_squeeze %dma_start3A_925 : memref<1x1x4x513xf32, #tpu.memory_space<hbm>> -> memref<4x513xf32, #tpu.memory_space<hbm>>
      %dma_start3A_927 = arith.constant 0 : i32
      %dma_start3A_928 = arith.constant 0 : i32
      %dma_start3A_929 = tpu.memref_slice %arg10[%dma_start3A_915, %dma_start3A_927, %dma_start3A_928] : memref<16x4x513xf32, #tpu.memory_space<vmem>> -> memref<1x4x513xf32, #tpu.memory_space<vmem>>
      %dma_start3A_930 = tpu.memref_squeeze %dma_start3A_929 : memref<1x4x513xf32, #tpu.memory_space<vmem>> -> memref<4x513xf32, #tpu.memory_space<vmem>>
      tpu.enqueue_dma source(%dma_start3A_930 : memref<4x513xf32, #tpu.memory_space<vmem>>) target(%dma_start3A_926 : memref<4x513xf32, #tpu.memory_space<hbm>>) target_semaphore(%arg15 : memref<!tpu.dma_semaphore, #tpu.memory_space<semaphore_mem>>)
      %dma_start3A_931 = arith.constant 9 : i32
      %dma_start3A_932 = arith.constant 9 : i32
      %dma_start3A_933 = arith.constant 0 : i32
      %dma_start3A_934 = arith.constant 0 : i32
      %dma_start3A_935 = tpu.memref_slice %arg10[%dma_start3A_931, %dma_start3A_933, %dma_start3A_934] : memref<16x4x513xf32, #tpu.memory_space<vmem>> -> memref<1x4x513xf32, #tpu.memory_space<vmem>>
      %dma_start3A_936 = tpu.memref_squeeze %dma_start3A_935 : memref<1x4x513xf32, #tpu.memory_space<vmem>> -> memref<4x513xf32, #tpu.memory_space<vmem>>
      %dma_start3A_937 = arith.constant 0 : i32
      %dma_start3A_938 = tpu.memref_slice %arg5[%select_n3A, %dma_start3A_932, %add3A_786, %dma_start3A_937] : memref<8x16x513x513xf32, #tpu.memory_space<hbm>> -> memref<1x1x4x513xf32, #tpu.memory_space<hbm>>
      %dma_start3A_939 = tpu.memref_squeeze %dma_start3A_938 : memref<1x1x4x513xf32, #tpu.memory_space<hbm>> -> memref<4x513xf32, #tpu.memory_space<hbm>>
      %dma_start3A_940 = arith.constant 0 : i32
      %dma_start3A_941 = tpu.memref_slice %arg5[%select_n3A, %dma_start3A_932, %add3A_786, %dma_start3A_940] : memref<8x16x513x513xf32, #tpu.memory_space<hbm>> -> memref<1x1x4x513xf32, #tpu.memory_space<hbm>>
      %dma_start3A_942 = tpu.memref_squeeze %dma_start3A_941 : memref<1x1x4x513xf32, #tpu.memory_space<hbm>> -> memref<4x513xf32, #tpu.memory_space<hbm>>
      %dma_start3A_943 = arith.constant 0 : i32
      %dma_start3A_944 = arith.constant 0 : i32
      %dma_start3A_945 = tpu.memref_slice %arg10[%dma_start3A_931, %dma_start3A_943, %dma_start3A_944] : memref<16x4x513xf32, #tpu.memory_space<vmem>> -> memref<1x4x513xf32, #tpu.memory_space<vmem>>
      %dma_start3A_946 = tpu.memref_squeeze %dma_start3A_945 : memref<1x4x513xf32, #tpu.memory_space<vmem>> -> memref<4x513xf32, #tpu.memory_space<vmem>>
      tpu.enqueue_dma source(%dma_start3A_946 : memref<4x513xf32, #tpu.memory_space<vmem>>) target(%dma_start3A_942 : memref<4x513xf32, #tpu.memory_space<hbm>>) target_semaphore(%arg15 : memref<!tpu.dma_semaphore, #tpu.memory_space<semaphore_mem>>)
      %dma_start3A_947 = arith.constant 10 : i32
      %dma_start3A_948 = arith.constant 10 : i32
      %dma_start3A_949 = arith.constant 0 : i32
      %dma_start3A_950 = arith.constant 0 : i32
      %dma_start3A_951 = tpu.memref_slice %arg10[%dma_start3A_947, %dma_start3A_949, %dma_start3A_950] : memref<16x4x513xf32, #tpu.memory_space<vmem>> -> memref<1x4x513xf32, #tpu.memory_space<vmem>>
      %dma_start3A_952 = tpu.memref_squeeze %dma_start3A_951 : memref<1x4x513xf32, #tpu.memory_space<vmem>> -> memref<4x513xf32, #tpu.memory_space<vmem>>
      %dma_start3A_953 = arith.constant 0 : i32
      %dma_start3A_954 = tpu.memref_slice %arg5[%select_n3A, %dma_start3A_948, %add3A_786, %dma_start3A_953] : memref<8x16x513x513xf32, #tpu.memory_space<hbm>> -> memref<1x1x4x513xf32, #tpu.memory_space<hbm>>
      %dma_start3A_955 = tpu.memref_squeeze %dma_start3A_954 : memref<1x1x4x513xf32, #tpu.memory_space<hbm>> -> memref<4x513xf32, #tpu.memory_space<hbm>>
      %dma_start3A_956 = arith.constant 0 : i32
      %dma_start3A_957 = tpu.memref_slice %arg5[%select_n3A, %dma_start3A_948, %add3A_786, %dma_start3A_956] : memref<8x16x513x513xf32, #tpu.memory_space<hbm>> -> memref<1x1x4x513xf32, #tpu.memory_space<hbm>>
      %dma_start3A_958 = tpu.memref_squeeze %dma_start3A_957 : memref<1x1x4x513xf32, #tpu.memory_space<hbm>> -> memref<4x513xf32, #tpu.memory_space<hbm>>
      %dma_start3A_959 = arith.constant 0 : i32
      %dma_start3A_960 = arith.constant 0 : i32
      %dma_start3A_961 = tpu.memref_slice %arg10[%dma_start3A_947, %dma_start3A_959, %dma_start3A_960] : memref<16x4x513xf32, #tpu.memory_space<vmem>> -> memref<1x4x513xf32, #tpu.memory_space<vmem>>
      %dma_start3A_962 = tpu.memref_squeeze %dma_start3A_961 : memref<1x4x513xf32, #tpu.memory_space<vmem>> -> memref<4x513xf32, #tpu.memory_space<vmem>>
      tpu.enqueue_dma source(%dma_start3A_962 : memref<4x513xf32, #tpu.memory_space<vmem>>) target(%dma_start3A_958 : memref<4x513xf32, #tpu.memory_space<hbm>>) target_semaphore(%arg15 : memref<!tpu.dma_semaphore, #tpu.memory_space<semaphore_mem>>)
      %dma_start3A_963 = arith.constant 11 : i32
      %dma_start3A_964 = arith.constant 11 : i32
      %dma_start3A_965 = arith.constant 0 : i32
      %dma_start3A_966 = arith.constant 0 : i32
      %dma_start3A_967 = tpu.memref_slice %arg10[%dma_start3A_963, %dma_start3A_965, %dma_start3A_966] : memref<16x4x513xf32, #tpu.memory_space<vmem>> -> memref<1x4x513xf32, #tpu.memory_space<vmem>>
      %dma_start3A_968 = tpu.memref_squeeze %dma_start3A_967 : memref<1x4x513xf32, #tpu.memory_space<vmem>> -> memref<4x513xf32, #tpu.memory_space<vmem>>
      %dma_start3A_969 = arith.constant 0 : i32
      %dma_start3A_970 = tpu.memref_slice %arg5[%select_n3A, %dma_start3A_964, %add3A_786, %dma_start3A_969] : memref<8x16x513x513xf32, #tpu.memory_space<hbm>> -> memref<1x1x4x513xf32, #tpu.memory_space<hbm>>
      %dma_start3A_971 = tpu.memref_squeeze %dma_start3A_970 : memref<1x1x4x513xf32, #tpu.memory_space<hbm>> -> memref<4x513xf32, #tpu.memory_space<hbm>>
      %dma_start3A_972 = arith.constant 0 : i32
      %dma_start3A_973 = tpu.memref_slice %arg5[%select_n3A, %dma_start3A_964, %add3A_786, %dma_start3A_972] : memref<8x16x513x513xf32, #tpu.memory_space<hbm>> -> memref<1x1x4x513xf32, #tpu.memory_space<hbm>>
      %dma_start3A_974 = tpu.memref_squeeze %dma_start3A_973 : memref<1x1x4x513xf32, #tpu.memory_space<hbm>> -> memref<4x513xf32, #tpu.memory_space<hbm>>
      %dma_start3A_975 = arith.constant 0 : i32
      %dma_start3A_976 = arith.constant 0 : i32
      %dma_start3A_977 = tpu.memref_slice %arg10[%dma_start3A_963, %dma_start3A_975, %dma_start3A_976] : memref<16x4x513xf32, #tpu.memory_space<vmem>> -> memref<1x4x513xf32, #tpu.memory_space<vmem>>
      %dma_start3A_978 = tpu.memref_squeeze %dma_start3A_977 : memref<1x4x513xf32, #tpu.memory_space<vmem>> -> memref<4x513xf32, #tpu.memory_space<vmem>>
      tpu.enqueue_dma source(%dma_start3A_978 : memref<4x513xf32, #tpu.memory_space<vmem>>) target(%dma_start3A_974 : memref<4x513xf32, #tpu.memory_space<hbm>>) target_semaphore(%arg15 : memref<!tpu.dma_semaphore, #tpu.memory_space<semaphore_mem>>)
      %dma_start3A_979 = arith.constant 12 : i32
      %dma_start3A_980 = arith.constant 12 : i32
      %dma_start3A_981 = arith.constant 0 : i32
      %dma_start3A_982 = arith.constant 0 : i32
      %dma_start3A_983 = tpu.memref_slice %arg10[%dma_start3A_979, %dma_start3A_981, %dma_start3A_982] : memref<16x4x513xf32, #tpu.memory_space<vmem>> -> memref<1x4x513xf32, #tpu.memory_space<vmem>>
      %dma_start3A_984 = tpu.memref_squeeze %dma_start3A_983 : memref<1x4x513xf32, #tpu.memory_space<vmem>> -> memref<4x513xf32, #tpu.memory_space<vmem>>
      %dma_start3A_985 = arith.constant 0 : i32
      %dma_start3A_986 = tpu.memref_slice %arg5[%select_n3A, %dma_start3A_980, %add3A_786, %dma_start3A_985] : memref<8x16x513x513xf32, #tpu.memory_space<hbm>> -> memref<1x1x4x513xf32, #tpu.memory_space<hbm>>
      %dma_start3A_987 = tpu.memref_squeeze %dma_start3A_986 : memref<1x1x4x513xf32, #tpu.memory_space<hbm>> -> memref<4x513xf32, #tpu.memory_space<hbm>>
      %dma_start3A_988 = arith.constant 0 : i32
      %dma_start3A_989 = tpu.memref_slice %arg5[%select_n3A, %dma_start3A_980, %add3A_786, %dma_start3A_988] : memref<8x16x513x513xf32, #tpu.memory_space<hbm>> -> memref<1x1x4x513xf32, #tpu.memory_space<hbm>>
      %dma_start3A_990 = tpu.memref_squeeze %dma_start3A_989 : memref<1x1x4x513xf32, #tpu.memory_space<hbm>> -> memref<4x513xf32, #tpu.memory_space<hbm>>
      %dma_start3A_991 = arith.constant 0 : i32
      %dma_start3A_992 = arith.constant 0 : i32
      %dma_start3A_993 = tpu.memref_slice %arg10[%dma_start3A_979, %dma_start3A_991, %dma_start3A_992] : memref<16x4x513xf32, #tpu.memory_space<vmem>> -> memref<1x4x513xf32, #tpu.memory_space<vmem>>
      %dma_start3A_994 = tpu.memref_squeeze %dma_start3A_993 : memref<1x4x513xf32, #tpu.memory_space<vmem>> -> memref<4x513xf32, #tpu.memory_space<vmem>>
      tpu.enqueue_dma source(%dma_start3A_994 : memref<4x513xf32, #tpu.memory_space<vmem>>) target(%dma_start3A_990 : memref<4x513xf32, #tpu.memory_space<hbm>>) target_semaphore(%arg15 : memref<!tpu.dma_semaphore, #tpu.memory_space<semaphore_mem>>)
      %dma_start3A_995 = arith.constant 13 : i32
      %dma_start3A_996 = arith.constant 13 : i32
      %dma_start3A_997 = arith.constant 0 : i32
      %dma_start3A_998 = arith.constant 0 : i32
      %dma_start3A_999 = tpu.memref_slice %arg10[%dma_start3A_995, %dma_start3A_997, %dma_start3A_998] : memref<16x4x513xf32, #tpu.memory_space<vmem>> -> memref<1x4x513xf32, #tpu.memory_space<vmem>>
      %dma_start3A_1000 = tpu.memref_squeeze %dma_start3A_999 : memref<1x4x513xf32, #tpu.memory_space<vmem>> -> memref<4x513xf32, #tpu.memory_space<vmem>>
      %dma_start3A_1001 = arith.constant 0 : i32
      %dma_start3A_1002 = tpu.memref_slice %arg5[%select_n3A, %dma_start3A_996, %add3A_786, %dma_start3A_1001] : memref<8x16x513x513xf32, #tpu.memory_space<hbm>> -> memref<1x1x4x513xf32, #tpu.memory_space<hbm>>
      %dma_start3A_1003 = tpu.memref_squeeze %dma_start3A_1002 : memref<1x1x4x513xf32, #tpu.memory_space<hbm>> -> memref<4x513xf32, #tpu.memory_space<hbm>>
      %dma_start3A_1004 = arith.constant 0 : i32
      %dma_start3A_1005 = tpu.memref_slice %arg5[%select_n3A, %dma_start3A_996, %add3A_786, %dma_start3A_1004] : memref<8x16x513x513xf32, #tpu.memory_space<hbm>> -> memref<1x1x4x513xf32, #tpu.memory_space<hbm>>
      %dma_start3A_1006 = tpu.memref_squeeze %dma_start3A_1005 : memref<1x1x4x513xf32, #tpu.memory_space<hbm>> -> memref<4x513xf32, #tpu.memory_space<hbm>>
      %dma_start3A_1007 = arith.constant 0 : i32
      %dma_start3A_1008 = arith.constant 0 : i32
      %dma_start3A_1009 = tpu.memref_slice %arg10[%dma_start3A_995, %dma_start3A_1007, %dma_start3A_1008] : memref<16x4x513xf32, #tpu.memory_space<vmem>> -> memref<1x4x513xf32, #tpu.memory_space<vmem>>
      %dma_start3A_1010 = tpu.memref_squeeze %dma_start3A_1009 : memref<1x4x513xf32, #tpu.memory_space<vmem>> -> memref<4x513xf32, #tpu.memory_space<vmem>>
      tpu.enqueue_dma source(%dma_start3A_1010 : memref<4x513xf32, #tpu.memory_space<vmem>>) target(%dma_start3A_1006 : memref<4x513xf32, #tpu.memory_space<hbm>>) target_semaphore(%arg15 : memref<!tpu.dma_semaphore, #tpu.memory_space<semaphore_mem>>)
      %dma_start3A_1011 = arith.constant 14 : i32
      %dma_start3A_1012 = arith.constant 14 : i32
      %dma_start3A_1013 = arith.constant 0 : i32
      %dma_start3A_1014 = arith.constant 0 : i32
      %dma_start3A_1015 = tpu.memref_slice %arg10[%dma_start3A_1011, %dma_start3A_1013, %dma_start3A_1014] : memref<16x4x513xf32, #tpu.memory_space<vmem>> -> memref<1x4x513xf32, #tpu.memory_space<vmem>>
      %dma_start3A_1016 = tpu.memref_squeeze %dma_start3A_1015 : memref<1x4x513xf32, #tpu.memory_space<vmem>> -> memref<4x513xf32, #tpu.memory_space<vmem>>
      %dma_start3A_1017 = arith.constant 0 : i32
      %dma_start3A_1018 = tpu.memref_slice %arg5[%select_n3A, %dma_start3A_1012, %add3A_786, %dma_start3A_1017] : memref<8x16x513x513xf32, #tpu.memory_space<hbm>> -> memref<1x1x4x513xf32, #tpu.memory_space<hbm>>
      %dma_start3A_1019 = tpu.memref_squeeze %dma_start3A_1018 : memref<1x1x4x513xf32, #tpu.memory_space<hbm>> -> memref<4x513xf32, #tpu.memory_space<hbm>>
      %dma_start3A_1020 = arith.constant 0 : i32
      %dma_start3A_1021 = tpu.memref_slice %arg5[%select_n3A, %dma_start3A_1012, %add3A_786, %dma_start3A_1020] : memref<8x16x513x513xf32, #tpu.memory_space<hbm>> -> memref<1x1x4x513xf32, #tpu.memory_space<hbm>>
      %dma_start3A_1022 = tpu.memref_squeeze %dma_start3A_1021 : memref<1x1x4x513xf32, #tpu.memory_space<hbm>> -> memref<4x513xf32, #tpu.memory_space<hbm>>
      %dma_start3A_1023 = arith.constant 0 : i32
      %dma_start3A_1024 = arith.constant 0 : i32
      %dma_start3A_1025 = tpu.memref_slice %arg10[%dma_start3A_1011, %dma_start3A_1023, %dma_start3A_1024] : memref<16x4x513xf32, #tpu.memory_space<vmem>> -> memref<1x4x513xf32, #tpu.memory_space<vmem>>
      %dma_start3A_1026 = tpu.memref_squeeze %dma_start3A_1025 : memref<1x4x513xf32, #tpu.memory_space<vmem>> -> memref<4x513xf32, #tpu.memory_space<vmem>>
      tpu.enqueue_dma source(%dma_start3A_1026 : memref<4x513xf32, #tpu.memory_space<vmem>>) target(%dma_start3A_1022 : memref<4x513xf32, #tpu.memory_space<hbm>>) target_semaphore(%arg15 : memref<!tpu.dma_semaphore, #tpu.memory_space<semaphore_mem>>)
      %dma_start3A_1027 = arith.constant 15 : i32
      %dma_start3A_1028 = arith.constant 15 : i32
      %dma_start3A_1029 = arith.constant 0 : i32
      %dma_start3A_1030 = arith.constant 0 : i32
      %dma_start3A_1031 = tpu.memref_slice %arg10[%dma_start3A_1027, %dma_start3A_1029, %dma_start3A_1030] : memref<16x4x513xf32, #tpu.memory_space<vmem>> -> memref<1x4x513xf32, #tpu.memory_space<vmem>>
      %dma_start3A_1032 = tpu.memref_squeeze %dma_start3A_1031 : memref<1x4x513xf32, #tpu.memory_space<vmem>> -> memref<4x513xf32, #tpu.memory_space<vmem>>
      %dma_start3A_1033 = arith.constant 0 : i32
      %dma_start3A_1034 = tpu.memref_slice %arg5[%select_n3A, %dma_start3A_1028, %add3A_786, %dma_start3A_1033] : memref<8x16x513x513xf32, #tpu.memory_space<hbm>> -> memref<1x1x4x513xf32, #tpu.memory_space<hbm>>
      %dma_start3A_1035 = tpu.memref_squeeze %dma_start3A_1034 : memref<1x1x4x513xf32, #tpu.memory_space<hbm>> -> memref<4x513xf32, #tpu.memory_space<hbm>>
      %dma_start3A_1036 = arith.constant 0 : i32
      %dma_start3A_1037 = tpu.memref_slice %arg5[%select_n3A, %dma_start3A_1028, %add3A_786, %dma_start3A_1036] : memref<8x16x513x513xf32, #tpu.memory_space<hbm>> -> memref<1x1x4x513xf32, #tpu.memory_space<hbm>>
      %dma_start3A_1038 = tpu.memref_squeeze %dma_start3A_1037 : memref<1x1x4x513xf32, #tpu.memory_space<hbm>> -> memref<4x513xf32, #tpu.memory_space<hbm>>
      %dma_start3A_1039 = arith.constant 0 : i32
      %dma_start3A_1040 = arith.constant 0 : i32
      %dma_start3A_1041 = tpu.memref_slice %arg10[%dma_start3A_1027, %dma_start3A_1039, %dma_start3A_1040] : memref<16x4x513xf32, #tpu.memory_space<vmem>> -> memref<1x4x513xf32, #tpu.memory_space<vmem>>
      %dma_start3A_1042 = tpu.memref_squeeze %dma_start3A_1041 : memref<1x4x513xf32, #tpu.memory_space<vmem>> -> memref<4x513xf32, #tpu.memory_space<vmem>>
      tpu.enqueue_dma source(%dma_start3A_1042 : memref<4x513xf32, #tpu.memory_space<vmem>>) target(%dma_start3A_1038 : memref<4x513xf32, #tpu.memory_space<hbm>>) target_semaphore(%arg15 : memref<!tpu.dma_semaphore, #tpu.memory_space<semaphore_mem>>)
      %mul3A_1043 = arith.constant 2 : i32
      %mul3A_1044 = arith.muli %mul3A_1043, %scan3A_730 : i32
      %add3A_1045 = arith.constant 1 : i32
      %add3A_1046 = arith.addi %mul3A_1044, %add3A_1045 : i32
      %add3A_1047 = arith.constant 1 : i32
      %add3A_1048 = arith.addi %add3A_1046, %add3A_1047 : i32
      %lt3A_1049 = arith.constant 32 : i32
      %lt3A_1050 = arith.cmpi slt, %add3A_1048, %lt3A_1049 : i32
      %convert_element_type3A_1051 = arith.extui %lt3A_1050 : i1 to i32
      %cond3A_1052 = arith.constant 0 : i32
      %cond3A_1053 = arith.cmpi ne, %convert_element_type3A_1051, %cond3A_1052 : i32
      scf.if %cond3A_1053 {
        %add3A_1358 = arith.constant 1 : i32
        %add3A_1359 = arith.addi %add3A_1046, %add3A_1358 : i32
        %mul3A_1360 = arith.constant 4 : i32
        %mul3A_1361 = arith.muli %add3A_1359, %mul3A_1360 : i32
        %add3A_1362 = arith.addi %mul3A_32, %mul3A_1361 : i32
        %dma_start3A_1363 = arith.constant 0 : i32
        %dma_start3A_1364 = tpu.memref_slice %arg3[%select_n3A, %add3A_1362, %dma_start3A_1363] : memref<8x512x512xi32, #tpu.memory_space<hbm>> -> memref<1x4x512xi32, #tpu.memory_space<hbm>>
        %dma_start3A_1365 = tpu.memref_squeeze %dma_start3A_1364 : memref<1x4x512xi32, #tpu.memory_space<hbm>> -> memref<4x512xi32, #tpu.memory_space<hbm>>
        %dma_start3A_1366 = arith.constant 0 : i32
        %dma_start3A_1367 = tpu.memref_slice %arg3[%select_n3A, %add3A_1362, %dma_start3A_1366] : memref<8x512x512xi32, #tpu.memory_space<hbm>> -> memref<1x4x512xi32, #tpu.memory_space<hbm>>
        %dma_start3A_1368 = tpu.memref_squeeze %dma_start3A_1367 : memref<1x4x512xi32, #tpu.memory_space<hbm>> -> memref<4x512xi32, #tpu.memory_space<hbm>>
        tpu.enqueue_dma source(%dma_start3A_1368 : memref<4x512xi32, #tpu.memory_space<hbm>>) target(%arg8 : memref<4x512xi32, #tpu.memory_space<vmem>>) target_semaphore(%arg13 : memref<!tpu.dma_semaphore, #tpu.memory_space<semaphore_mem>>)
      } else {
      }
      %dma_wait3A_1054 = arith.constant 0 : i32
      %dma_wait3A_1055 = tpu.memref_slice %arg3[%select_n3A, %mul3A_32, %dma_wait3A_1054] : memref<8x512x512xi32, #tpu.memory_space<hbm>> -> memref<1x4x512xi32, #tpu.memory_space<hbm>>
      %dma_wait3A_1056 = tpu.memref_squeeze %dma_wait3A_1055 : memref<1x4x512xi32, #tpu.memory_space<hbm>> -> memref<4x512xi32, #tpu.memory_space<hbm>>
      %dma_wait3A_1057 = arith.constant 0 : i32
      %dma_wait3A_1058 = tpu.memref_slice %arg3[%select_n3A, %mul3A_32, %dma_wait3A_1057] : memref<8x512x512xi32, #tpu.memory_space<hbm>> -> memref<1x4x512xi32, #tpu.memory_space<hbm>>
      %dma_wait3A_1059 = tpu.memref_squeeze %dma_wait3A_1058 : memref<1x4x512xi32, #tpu.memory_space<hbm>> -> memref<4x512xi32, #tpu.memory_space<hbm>>
      tpu.wait_dma2 semaphore(%arg14 : memref<!tpu.dma_semaphore, #tpu.memory_space<semaphore_mem>>) src(%dma_wait3A_1059 : memref<4x512xi32, #tpu.memory_space<hbm>>) dst(%arg9 : memref<4x512xi32, #tpu.memory_space<vmem>>)
      %ge3A_1060 = arith.constant 2 : i32
      %ge3A_1061 = arith.cmpi sge, %add3A_1046, %ge3A_1060 : i32
      %convert_element_type3A_1062 = arith.extui %ge3A_1061 : i1 to i32
      %cond3A_1063 = arith.constant 0 : i32
      %cond3A_1064 = arith.cmpi ne, %convert_element_type3A_1062, %cond3A_1063 : i32
      scf.if %cond3A_1064 {
        %dma_wait3A_1358 = arith.constant 0 : i32
        %dma_wait3A_1359 = arith.constant 0 : i32
        %dma_wait3A_1360 = arith.constant 0 : i32
        %dma_wait3A_1361 = arith.constant 0 : i32
        %dma_wait3A_1362 = tpu.memref_slice %arg11[%dma_wait3A_1358, %dma_wait3A_1360, %dma_wait3A_1361] : memref<16x4x513xf32, #tpu.memory_space<vmem>> -> memref<1x4x513xf32, #tpu.memory_space<vmem>>
        %dma_wait3A_1363 = tpu.memref_squeeze %dma_wait3A_1362 : memref<1x4x513xf32, #tpu.memory_space<vmem>> -> memref<4x513xf32, #tpu.memory_space<vmem>>
        %dma_wait3A_1364 = arith.constant 1 : i32
        %dma_wait3A_1365 = arith.constant 0 : i32
        %dma_wait3A_1366 = tpu.memref_slice %arg5[%select_n3A, %dma_wait3A_1359, %dma_wait3A_1364, %dma_wait3A_1365] : memref<8x16x513x513xf32, #tpu.memory_space<hbm>> -> memref<1x1x4x513xf32, #tpu.memory_space<hbm>>
        %dma_wait3A_1367 = tpu.memref_squeeze %dma_wait3A_1366 : memref<1x1x4x513xf32, #tpu.memory_space<hbm>> -> memref<4x513xf32, #tpu.memory_space<hbm>>
        %dma_wait3A_1368 = arith.constant 1 : i32
        %dma_wait3A_1369 = arith.constant 0 : i32
        %dma_wait3A_1370 = tpu.memref_slice %arg5[%select_n3A, %dma_wait3A_1359, %dma_wait3A_1368, %dma_wait3A_1369] : memref<8x16x513x513xf32, #tpu.memory_space<hbm>> -> memref<1x1x4x513xf32, #tpu.memory_space<hbm>>
        %dma_wait3A_1371 = tpu.memref_squeeze %dma_wait3A_1370 : memref<1x1x4x513xf32, #tpu.memory_space<hbm>> -> memref<4x513xf32, #tpu.memory_space<hbm>>
        %dma_wait3A_1372 = arith.constant 0 : i32
        %dma_wait3A_1373 = arith.constant 0 : i32
        %dma_wait3A_1374 = tpu.memref_slice %arg11[%dma_wait3A_1358, %dma_wait3A_1372, %dma_wait3A_1373] : memref<16x4x513xf32, #tpu.memory_space<vmem>> -> memref<1x4x513xf32, #tpu.memory_space<vmem>>
        %dma_wait3A_1375 = tpu.memref_squeeze %dma_wait3A_1374 : memref<1x4x513xf32, #tpu.memory_space<vmem>> -> memref<4x513xf32, #tpu.memory_space<vmem>>
        tpu.wait_dma2 semaphore(%arg16 : memref<!tpu.dma_semaphore, #tpu.memory_space<semaphore_mem>>) src(%dma_wait3A_1375 : memref<4x513xf32, #tpu.memory_space<vmem>>) dst(%dma_wait3A_1371 : memref<4x513xf32, #tpu.memory_space<hbm>>)
        %dma_wait3A_1376 = arith.constant 1 : i32
        %dma_wait3A_1377 = arith.constant 1 : i32
        %dma_wait3A_1378 = arith.constant 0 : i32
        %dma_wait3A_1379 = arith.constant 0 : i32
        %dma_wait3A_1380 = tpu.memref_slice %arg11[%dma_wait3A_1376, %dma_wait3A_1378, %dma_wait3A_1379] : memref<16x4x513xf32, #tpu.memory_space<vmem>> -> memref<1x4x513xf32, #tpu.memory_space<vmem>>
        %dma_wait3A_1381 = tpu.memref_squeeze %dma_wait3A_1380 : memref<1x4x513xf32, #tpu.memory_space<vmem>> -> memref<4x513xf32, #tpu.memory_space<vmem>>
        %dma_wait3A_1382 = arith.constant 1 : i32
        %dma_wait3A_1383 = arith.constant 0 : i32
        %dma_wait3A_1384 = tpu.memref_slice %arg5[%select_n3A, %dma_wait3A_1377, %dma_wait3A_1382, %dma_wait3A_1383] : memref<8x16x513x513xf32, #tpu.memory_space<hbm>> -> memref<1x1x4x513xf32, #tpu.memory_space<hbm>>
        %dma_wait3A_1385 = tpu.memref_squeeze %dma_wait3A_1384 : memref<1x1x4x513xf32, #tpu.memory_space<hbm>> -> memref<4x513xf32, #tpu.memory_space<hbm>>
        %dma_wait3A_1386 = arith.constant 1 : i32
        %dma_wait3A_1387 = arith.constant 0 : i32
        %dma_wait3A_1388 = tpu.memref_slice %arg5[%select_n3A, %dma_wait3A_1377, %dma_wait3A_1386, %dma_wait3A_1387] : memref<8x16x513x513xf32, #tpu.memory_space<hbm>> -> memref<1x1x4x513xf32, #tpu.memory_space<hbm>>
        %dma_wait3A_1389 = tpu.memref_squeeze %dma_wait3A_1388 : memref<1x1x4x513xf32, #tpu.memory_space<hbm>> -> memref<4x513xf32, #tpu.memory_space<hbm>>
        %dma_wait3A_1390 = arith.constant 0 : i32
        %dma_wait3A_1391 = arith.constant 0 : i32
        %dma_wait3A_1392 = tpu.memref_slice %arg11[%dma_wait3A_1376, %dma_wait3A_1390, %dma_wait3A_1391] : memref<16x4x513xf32, #tpu.memory_space<vmem>> -> memref<1x4x513xf32, #tpu.memory_space<vmem>>
        %dma_wait3A_1393 = tpu.memref_squeeze %dma_wait3A_1392 : memref<1x4x513xf32, #tpu.memory_space<vmem>> -> memref<4x513xf32, #tpu.memory_space<vmem>>
        tpu.wait_dma2 semaphore(%arg16 : memref<!tpu.dma_semaphore, #tpu.memory_space<semaphore_mem>>) src(%dma_wait3A_1393 : memref<4x513xf32, #tpu.memory_space<vmem>>) dst(%dma_wait3A_1389 : memref<4x513xf32, #tpu.memory_space<hbm>>)
        %dma_wait3A_1394 = arith.constant 2 : i32
        %dma_wait3A_1395 = arith.constant 2 : i32
        %dma_wait3A_1396 = arith.constant 0 : i32
        %dma_wait3A_1397 = arith.constant 0 : i32
        %dma_wait3A_1398 = tpu.memref_slice %arg11[%dma_wait3A_1394, %dma_wait3A_1396, %dma_wait3A_1397] : memref<16x4x513xf32, #tpu.memory_space<vmem>> -> memref<1x4x513xf32, #tpu.memory_space<vmem>>
        %dma_wait3A_1399 = tpu.memref_squeeze %dma_wait3A_1398 : memref<1x4x513xf32, #tpu.memory_space<vmem>> -> memref<4x513xf32, #tpu.memory_space<vmem>>
        %dma_wait3A_1400 = arith.constant 1 : i32
        %dma_wait3A_1401 = arith.constant 0 : i32
        %dma_wait3A_1402 = tpu.memref_slice %arg5[%select_n3A, %dma_wait3A_1395, %dma_wait3A_1400, %dma_wait3A_1401] : memref<8x16x513x513xf32, #tpu.memory_space<hbm>> -> memref<1x1x4x513xf32, #tpu.memory_space<hbm>>
        %dma_wait3A_1403 = tpu.memref_squeeze %dma_wait3A_1402 : memref<1x1x4x513xf32, #tpu.memory_space<hbm>> -> memref<4x513xf32, #tpu.memory_space<hbm>>
        %dma_wait3A_1404 = arith.constant 1 : i32
        %dma_wait3A_1405 = arith.constant 0 : i32
        %dma_wait3A_1406 = tpu.memref_slice %arg5[%select_n3A, %dma_wait3A_1395, %dma_wait3A_1404, %dma_wait3A_1405] : memref<8x16x513x513xf32, #tpu.memory_space<hbm>> -> memref<1x1x4x513xf32, #tpu.memory_space<hbm>>
        %dma_wait3A_1407 = tpu.memref_squeeze %dma_wait3A_1406 : memref<1x1x4x513xf32, #tpu.memory_space<hbm>> -> memref<4x513xf32, #tpu.memory_space<hbm>>
        %dma_wait3A_1408 = arith.constant 0 : i32
        %dma_wait3A_1409 = arith.constant 0 : i32
        %dma_wait3A_1410 = tpu.memref_slice %arg11[%dma_wait3A_1394, %dma_wait3A_1408, %dma_wait3A_1409] : memref<16x4x513xf32, #tpu.memory_space<vmem>> -> memref<1x4x513xf32, #tpu.memory_space<vmem>>
        %dma_wait3A_1411 = tpu.memref_squeeze %dma_wait3A_1410 : memref<1x4x513xf32, #tpu.memory_space<vmem>> -> memref<4x513xf32, #tpu.memory_space<vmem>>
        tpu.wait_dma2 semaphore(%arg16 : memref<!tpu.dma_semaphore, #tpu.memory_space<semaphore_mem>>) src(%dma_wait3A_1411 : memref<4x513xf32, #tpu.memory_space<vmem>>) dst(%dma_wait3A_1407 : memref<4x513xf32, #tpu.memory_space<hbm>>)
        %dma_wait3A_1412 = arith.constant 3 : i32
        %dma_wait3A_1413 = arith.constant 3 : i32
        %dma_wait3A_1414 = arith.constant 0 : i32
        %dma_wait3A_1415 = arith.constant 0 : i32
        %dma_wait3A_1416 = tpu.memref_slice %arg11[%dma_wait3A_1412, %dma_wait3A_1414, %dma_wait3A_1415] : memref<16x4x513xf32, #tpu.memory_space<vmem>> -> memref<1x4x513xf32, #tpu.memory_space<vmem>>
        %dma_wait3A_1417 = tpu.memref_squeeze %dma_wait3A_1416 : memref<1x4x513xf32, #tpu.memory_space<vmem>> -> memref<4x513xf32, #tpu.memory_space<vmem>>
        %dma_wait3A_1418 = arith.constant 1 : i32
        %dma_wait3A_1419 = arith.constant 0 : i32
        %dma_wait3A_1420 = tpu.memref_slice %arg5[%select_n3A, %dma_wait3A_1413, %dma_wait3A_1418, %dma_wait3A_1419] : memref<8x16x513x513xf32, #tpu.memory_space<hbm>> -> memref<1x1x4x513xf32, #tpu.memory_space<hbm>>
        %dma_wait3A_1421 = tpu.memref_squeeze %dma_wait3A_1420 : memref<1x1x4x513xf32, #tpu.memory_space<hbm>> -> memref<4x513xf32, #tpu.memory_space<hbm>>
        %dma_wait3A_1422 = arith.constant 1 : i32
        %dma_wait3A_1423 = arith.constant 0 : i32
        %dma_wait3A_1424 = tpu.memref_slice %arg5[%select_n3A, %dma_wait3A_1413, %dma_wait3A_1422, %dma_wait3A_1423] : memref<8x16x513x513xf32, #tpu.memory_space<hbm>> -> memref<1x1x4x513xf32, #tpu.memory_space<hbm>>
        %dma_wait3A_1425 = tpu.memref_squeeze %dma_wait3A_1424 : memref<1x1x4x513xf32, #tpu.memory_space<hbm>> -> memref<4x513xf32, #tpu.memory_space<hbm>>
        %dma_wait3A_1426 = arith.constant 0 : i32
        %dma_wait3A_1427 = arith.constant 0 : i32
        %dma_wait3A_1428 = tpu.memref_slice %arg11[%dma_wait3A_1412, %dma_wait3A_1426, %dma_wait3A_1427] : memref<16x4x513xf32, #tpu.memory_space<vmem>> -> memref<1x4x513xf32, #tpu.memory_space<vmem>>
        %dma_wait3A_1429 = tpu.memref_squeeze %dma_wait3A_1428 : memref<1x4x513xf32, #tpu.memory_space<vmem>> -> memref<4x513xf32, #tpu.memory_space<vmem>>
        tpu.wait_dma2 semaphore(%arg16 : memref<!tpu.dma_semaphore, #tpu.memory_space<semaphore_mem>>) src(%dma_wait3A_1429 : memref<4x513xf32, #tpu.memory_space<vmem>>) dst(%dma_wait3A_1425 : memref<4x513xf32, #tpu.memory_space<hbm>>)
        %dma_wait3A_1430 = arith.constant 4 : i32
        %dma_wait3A_1431 = arith.constant 4 : i32
        %dma_wait3A_1432 = arith.constant 0 : i32
        %dma_wait3A_1433 = arith.constant 0 : i32
        %dma_wait3A_1434 = tpu.memref_slice %arg11[%dma_wait3A_1430, %dma_wait3A_1432, %dma_wait3A_1433] : memref<16x4x513xf32, #tpu.memory_space<vmem>> -> memref<1x4x513xf32, #tpu.memory_space<vmem>>
        %dma_wait3A_1435 = tpu.memref_squeeze %dma_wait3A_1434 : memref<1x4x513xf32, #tpu.memory_space<vmem>> -> memref<4x513xf32, #tpu.memory_space<vmem>>
        %dma_wait3A_1436 = arith.constant 1 : i32
        %dma_wait3A_1437 = arith.constant 0 : i32
        %dma_wait3A_1438 = tpu.memref_slice %arg5[%select_n3A, %dma_wait3A_1431, %dma_wait3A_1436, %dma_wait3A_1437] : memref<8x16x513x513xf32, #tpu.memory_space<hbm>> -> memref<1x1x4x513xf32, #tpu.memory_space<hbm>>
        %dma_wait3A_1439 = tpu.memref_squeeze %dma_wait3A_1438 : memref<1x1x4x513xf32, #tpu.memory_space<hbm>> -> memref<4x513xf32, #tpu.memory_space<hbm>>
        %dma_wait3A_1440 = arith.constant 1 : i32
        %dma_wait3A_1441 = arith.constant 0 : i32
        %dma_wait3A_1442 = tpu.memref_slice %arg5[%select_n3A, %dma_wait3A_1431, %dma_wait3A_1440, %dma_wait3A_1441] : memref<8x16x513x513xf32, #tpu.memory_space<hbm>> -> memref<1x1x4x513xf32, #tpu.memory_space<hbm>>
        %dma_wait3A_1443 = tpu.memref_squeeze %dma_wait3A_1442 : memref<1x1x4x513xf32, #tpu.memory_space<hbm>> -> memref<4x513xf32, #tpu.memory_space<hbm>>
        %dma_wait3A_1444 = arith.constant 0 : i32
        %dma_wait3A_1445 = arith.constant 0 : i32
        %dma_wait3A_1446 = tpu.memref_slice %arg11[%dma_wait3A_1430, %dma_wait3A_1444, %dma_wait3A_1445] : memref<16x4x513xf32, #tpu.memory_space<vmem>> -> memref<1x4x513xf32, #tpu.memory_space<vmem>>
        %dma_wait3A_1447 = tpu.memref_squeeze %dma_wait3A_1446 : memref<1x4x513xf32, #tpu.memory_space<vmem>> -> memref<4x513xf32, #tpu.memory_space<vmem>>
        tpu.wait_dma2 semaphore(%arg16 : memref<!tpu.dma_semaphore, #tpu.memory_space<semaphore_mem>>) src(%dma_wait3A_1447 : memref<4x513xf32, #tpu.memory_space<vmem>>) dst(%dma_wait3A_1443 : memref<4x513xf32, #tpu.memory_space<hbm>>)
        %dma_wait3A_1448 = arith.constant 5 : i32
        %dma_wait3A_1449 = arith.constant 5 : i32
        %dma_wait3A_1450 = arith.constant 0 : i32
        %dma_wait3A_1451 = arith.constant 0 : i32
        %dma_wait3A_1452 = tpu.memref_slice %arg11[%dma_wait3A_1448, %dma_wait3A_1450, %dma_wait3A_1451] : memref<16x4x513xf32, #tpu.memory_space<vmem>> -> memref<1x4x513xf32, #tpu.memory_space<vmem>>
        %dma_wait3A_1453 = tpu.memref_squeeze %dma_wait3A_1452 : memref<1x4x513xf32, #tpu.memory_space<vmem>> -> memref<4x513xf32, #tpu.memory_space<vmem>>
        %dma_wait3A_1454 = arith.constant 1 : i32
        %dma_wait3A_1455 = arith.constant 0 : i32
        %dma_wait3A_1456 = tpu.memref_slice %arg5[%select_n3A, %dma_wait3A_1449, %dma_wait3A_1454, %dma_wait3A_1455] : memref<8x16x513x513xf32, #tpu.memory_space<hbm>> -> memref<1x1x4x513xf32, #tpu.memory_space<hbm>>
        %dma_wait3A_1457 = tpu.memref_squeeze %dma_wait3A_1456 : memref<1x1x4x513xf32, #tpu.memory_space<hbm>> -> memref<4x513xf32, #tpu.memory_space<hbm>>
        %dma_wait3A_1458 = arith.constant 1 : i32
        %dma_wait3A_1459 = arith.constant 0 : i32
        %dma_wait3A_1460 = tpu.memref_slice %arg5[%select_n3A, %dma_wait3A_1449, %dma_wait3A_1458, %dma_wait3A_1459] : memref<8x16x513x513xf32, #tpu.memory_space<hbm>> -> memref<1x1x4x513xf32, #tpu.memory_space<hbm>>
        %dma_wait3A_1461 = tpu.memref_squeeze %dma_wait3A_1460 : memref<1x1x4x513xf32, #tpu.memory_space<hbm>> -> memref<4x513xf32, #tpu.memory_space<hbm>>
        %dma_wait3A_1462 = arith.constant 0 : i32
        %dma_wait3A_1463 = arith.constant 0 : i32
        %dma_wait3A_1464 = tpu.memref_slice %arg11[%dma_wait3A_1448, %dma_wait3A_1462, %dma_wait3A_1463] : memref<16x4x513xf32, #tpu.memory_space<vmem>> -> memref<1x4x513xf32, #tpu.memory_space<vmem>>
        %dma_wait3A_1465 = tpu.memref_squeeze %dma_wait3A_1464 : memref<1x4x513xf32, #tpu.memory_space<vmem>> -> memref<4x513xf32, #tpu.memory_space<vmem>>
        tpu.wait_dma2 semaphore(%arg16 : memref<!tpu.dma_semaphore, #tpu.memory_space<semaphore_mem>>) src(%dma_wait3A_1465 : memref<4x513xf32, #tpu.memory_space<vmem>>) dst(%dma_wait3A_1461 : memref<4x513xf32, #tpu.memory_space<hbm>>)
        %dma_wait3A_1466 = arith.constant 6 : i32
        %dma_wait3A_1467 = arith.constant 6 : i32
        %dma_wait3A_1468 = arith.constant 0 : i32
        %dma_wait3A_1469 = arith.constant 0 : i32
        %dma_wait3A_1470 = tpu.memref_slice %arg11[%dma_wait3A_1466, %dma_wait3A_1468, %dma_wait3A_1469] : memref<16x4x513xf32, #tpu.memory_space<vmem>> -> memref<1x4x513xf32, #tpu.memory_space<vmem>>
        %dma_wait3A_1471 = tpu.memref_squeeze %dma_wait3A_1470 : memref<1x4x513xf32, #tpu.memory_space<vmem>> -> memref<4x513xf32, #tpu.memory_space<vmem>>
        %dma_wait3A_1472 = arith.constant 1 : i32
        %dma_wait3A_1473 = arith.constant 0 : i32
        %dma_wait3A_1474 = tpu.memref_slice %arg5[%select_n3A, %dma_wait3A_1467, %dma_wait3A_1472, %dma_wait3A_1473] : memref<8x16x513x513xf32, #tpu.memory_space<hbm>> -> memref<1x1x4x513xf32, #tpu.memory_space<hbm>>
        %dma_wait3A_1475 = tpu.memref_squeeze %dma_wait3A_1474 : memref<1x1x4x513xf32, #tpu.memory_space<hbm>> -> memref<4x513xf32, #tpu.memory_space<hbm>>
        %dma_wait3A_1476 = arith.constant 1 : i32
        %dma_wait3A_1477 = arith.constant 0 : i32
        %dma_wait3A_1478 = tpu.memref_slice %arg5[%select_n3A, %dma_wait3A_1467, %dma_wait3A_1476, %dma_wait3A_1477] : memref<8x16x513x513xf32, #tpu.memory_space<hbm>> -> memref<1x1x4x513xf32, #tpu.memory_space<hbm>>
        %dma_wait3A_1479 = tpu.memref_squeeze %dma_wait3A_1478 : memref<1x1x4x513xf32, #tpu.memory_space<hbm>> -> memref<4x513xf32, #tpu.memory_space<hbm>>
        %dma_wait3A_1480 = arith.constant 0 : i32
        %dma_wait3A_1481 = arith.constant 0 : i32
        %dma_wait3A_1482 = tpu.memref_slice %arg11[%dma_wait3A_1466, %dma_wait3A_1480, %dma_wait3A_1481] : memref<16x4x513xf32, #tpu.memory_space<vmem>> -> memref<1x4x513xf32, #tpu.memory_space<vmem>>
        %dma_wait3A_1483 = tpu.memref_squeeze %dma_wait3A_1482 : memref<1x4x513xf32, #tpu.memory_space<vmem>> -> memref<4x513xf32, #tpu.memory_space<vmem>>
        tpu.wait_dma2 semaphore(%arg16 : memref<!tpu.dma_semaphore, #tpu.memory_space<semaphore_mem>>) src(%dma_wait3A_1483 : memref<4x513xf32, #tpu.memory_space<vmem>>) dst(%dma_wait3A_1479 : memref<4x513xf32, #tpu.memory_space<hbm>>)
        %dma_wait3A_1484 = arith.constant 7 : i32
        %dma_wait3A_1485 = arith.constant 7 : i32
        %dma_wait3A_1486 = arith.constant 0 : i32
        %dma_wait3A_1487 = arith.constant 0 : i32
        %dma_wait3A_1488 = tpu.memref_slice %arg11[%dma_wait3A_1484, %dma_wait3A_1486, %dma_wait3A_1487] : memref<16x4x513xf32, #tpu.memory_space<vmem>> -> memref<1x4x513xf32, #tpu.memory_space<vmem>>
        %dma_wait3A_1489 = tpu.memref_squeeze %dma_wait3A_1488 : memref<1x4x513xf32, #tpu.memory_space<vmem>> -> memref<4x513xf32, #tpu.memory_space<vmem>>
        %dma_wait3A_1490 = arith.constant 1 : i32
        %dma_wait3A_1491 = arith.constant 0 : i32
        %dma_wait3A_1492 = tpu.memref_slice %arg5[%select_n3A, %dma_wait3A_1485, %dma_wait3A_1490, %dma_wait3A_1491] : memref<8x16x513x513xf32, #tpu.memory_space<hbm>> -> memref<1x1x4x513xf32, #tpu.memory_space<hbm>>
        %dma_wait3A_1493 = tpu.memref_squeeze %dma_wait3A_1492 : memref<1x1x4x513xf32, #tpu.memory_space<hbm>> -> memref<4x513xf32, #tpu.memory_space<hbm>>
        %dma_wait3A_1494 = arith.constant 1 : i32
        %dma_wait3A_1495 = arith.constant 0 : i32
        %dma_wait3A_1496 = tpu.memref_slice %arg5[%select_n3A, %dma_wait3A_1485, %dma_wait3A_1494, %dma_wait3A_1495] : memref<8x16x513x513xf32, #tpu.memory_space<hbm>> -> memref<1x1x4x513xf32, #tpu.memory_space<hbm>>
        %dma_wait3A_1497 = tpu.memref_squeeze %dma_wait3A_1496 : memref<1x1x4x513xf32, #tpu.memory_space<hbm>> -> memref<4x513xf32, #tpu.memory_space<hbm>>
        %dma_wait3A_1498 = arith.constant 0 : i32
        %dma_wait3A_1499 = arith.constant 0 : i32
        %dma_wait3A_1500 = tpu.memref_slice %arg11[%dma_wait3A_1484, %dma_wait3A_1498, %dma_wait3A_1499] : memref<16x4x513xf32, #tpu.memory_space<vmem>> -> memref<1x4x513xf32, #tpu.memory_space<vmem>>
        %dma_wait3A_1501 = tpu.memref_squeeze %dma_wait3A_1500 : memref<1x4x513xf32, #tpu.memory_space<vmem>> -> memref<4x513xf32, #tpu.memory_space<vmem>>
        tpu.wait_dma2 semaphore(%arg16 : memref<!tpu.dma_semaphore, #tpu.memory_space<semaphore_mem>>) src(%dma_wait3A_1501 : memref<4x513xf32, #tpu.memory_space<vmem>>) dst(%dma_wait3A_1497 : memref<4x513xf32, #tpu.memory_space<hbm>>)
        %dma_wait3A_1502 = arith.constant 8 : i32
        %dma_wait3A_1503 = arith.constant 8 : i32
        %dma_wait3A_1504 = arith.constant 0 : i32
        %dma_wait3A_1505 = arith.constant 0 : i32
        %dma_wait3A_1506 = tpu.memref_slice %arg11[%dma_wait3A_1502, %dma_wait3A_1504, %dma_wait3A_1505] : memref<16x4x513xf32, #tpu.memory_space<vmem>> -> memref<1x4x513xf32, #tpu.memory_space<vmem>>
        %dma_wait3A_1507 = tpu.memref_squeeze %dma_wait3A_1506 : memref<1x4x513xf32, #tpu.memory_space<vmem>> -> memref<4x513xf32, #tpu.memory_space<vmem>>
        %dma_wait3A_1508 = arith.constant 1 : i32
        %dma_wait3A_1509 = arith.constant 0 : i32
        %dma_wait3A_1510 = tpu.memref_slice %arg5[%select_n3A, %dma_wait3A_1503, %dma_wait3A_1508, %dma_wait3A_1509] : memref<8x16x513x513xf32, #tpu.memory_space<hbm>> -> memref<1x1x4x513xf32, #tpu.memory_space<hbm>>
        %dma_wait3A_1511 = tpu.memref_squeeze %dma_wait3A_1510 : memref<1x1x4x513xf32, #tpu.memory_space<hbm>> -> memref<4x513xf32, #tpu.memory_space<hbm>>
        %dma_wait3A_1512 = arith.constant 1 : i32
        %dma_wait3A_1513 = arith.constant 0 : i32
        %dma_wait3A_1514 = tpu.memref_slice %arg5[%select_n3A, %dma_wait3A_1503, %dma_wait3A_1512, %dma_wait3A_1513] : memref<8x16x513x513xf32, #tpu.memory_space<hbm>> -> memref<1x1x4x513xf32, #tpu.memory_space<hbm>>
        %dma_wait3A_1515 = tpu.memref_squeeze %dma_wait3A_1514 : memref<1x1x4x513xf32, #tpu.memory_space<hbm>> -> memref<4x513xf32, #tpu.memory_space<hbm>>
        %dma_wait3A_1516 = arith.constant 0 : i32
        %dma_wait3A_1517 = arith.constant 0 : i32
        %dma_wait3A_1518 = tpu.memref_slice %arg11[%dma_wait3A_1502, %dma_wait3A_1516, %dma_wait3A_1517] : memref<16x4x513xf32, #tpu.memory_space<vmem>> -> memref<1x4x513xf32, #tpu.memory_space<vmem>>
        %dma_wait3A_1519 = tpu.memref_squeeze %dma_wait3A_1518 : memref<1x4x513xf32, #tpu.memory_space<vmem>> -> memref<4x513xf32, #tpu.memory_space<vmem>>
        tpu.wait_dma2 semaphore(%arg16 : memref<!tpu.dma_semaphore, #tpu.memory_space<semaphore_mem>>) src(%dma_wait3A_1519 : memref<4x513xf32, #tpu.memory_space<vmem>>) dst(%dma_wait3A_1515 : memref<4x513xf32, #tpu.memory_space<hbm>>)
        %dma_wait3A_1520 = arith.constant 9 : i32
        %dma_wait3A_1521 = arith.constant 9 : i32
        %dma_wait3A_1522 = arith.constant 0 : i32
        %dma_wait3A_1523 = arith.constant 0 : i32
        %dma_wait3A_1524 = tpu.memref_slice %arg11[%dma_wait3A_1520, %dma_wait3A_1522, %dma_wait3A_1523] : memref<16x4x513xf32, #tpu.memory_space<vmem>> -> memref<1x4x513xf32, #tpu.memory_space<vmem>>
        %dma_wait3A_1525 = tpu.memref_squeeze %dma_wait3A_1524 : memref<1x4x513xf32, #tpu.memory_space<vmem>> -> memref<4x513xf32, #tpu.memory_space<vmem>>
        %dma_wait3A_1526 = arith.constant 1 : i32
        %dma_wait3A_1527 = arith.constant 0 : i32
        %dma_wait3A_1528 = tpu.memref_slice %arg5[%select_n3A, %dma_wait3A_1521, %dma_wait3A_1526, %dma_wait3A_1527] : memref<8x16x513x513xf32, #tpu.memory_space<hbm>> -> memref<1x1x4x513xf32, #tpu.memory_space<hbm>>
        %dma_wait3A_1529 = tpu.memref_squeeze %dma_wait3A_1528 : memref<1x1x4x513xf32, #tpu.memory_space<hbm>> -> memref<4x513xf32, #tpu.memory_space<hbm>>
        %dma_wait3A_1530 = arith.constant 1 : i32
        %dma_wait3A_1531 = arith.constant 0 : i32
        %dma_wait3A_1532 = tpu.memref_slice %arg5[%select_n3A, %dma_wait3A_1521, %dma_wait3A_1530, %dma_wait3A_1531] : memref<8x16x513x513xf32, #tpu.memory_space<hbm>> -> memref<1x1x4x513xf32, #tpu.memory_space<hbm>>
        %dma_wait3A_1533 = tpu.memref_squeeze %dma_wait3A_1532 : memref<1x1x4x513xf32, #tpu.memory_space<hbm>> -> memref<4x513xf32, #tpu.memory_space<hbm>>
        %dma_wait3A_1534 = arith.constant 0 : i32
        %dma_wait3A_1535 = arith.constant 0 : i32
        %dma_wait3A_1536 = tpu.memref_slice %arg11[%dma_wait3A_1520, %dma_wait3A_1534, %dma_wait3A_1535] : memref<16x4x513xf32, #tpu.memory_space<vmem>> -> memref<1x4x513xf32, #tpu.memory_space<vmem>>
        %dma_wait3A_1537 = tpu.memref_squeeze %dma_wait3A_1536 : memref<1x4x513xf32, #tpu.memory_space<vmem>> -> memref<4x513xf32, #tpu.memory_space<vmem>>
        tpu.wait_dma2 semaphore(%arg16 : memref<!tpu.dma_semaphore, #tpu.memory_space<semaphore_mem>>) src(%dma_wait3A_1537 : memref<4x513xf32, #tpu.memory_space<vmem>>) dst(%dma_wait3A_1533 : memref<4x513xf32, #tpu.memory_space<hbm>>)
        %dma_wait3A_1538 = arith.constant 10 : i32
        %dma_wait3A_1539 = arith.constant 10 : i32
        %dma_wait3A_1540 = arith.constant 0 : i32
        %dma_wait3A_1541 = arith.constant 0 : i32
        %dma_wait3A_1542 = tpu.memref_slice %arg11[%dma_wait3A_1538, %dma_wait3A_1540, %dma_wait3A_1541] : memref<16x4x513xf32, #tpu.memory_space<vmem>> -> memref<1x4x513xf32, #tpu.memory_space<vmem>>
        %dma_wait3A_1543 = tpu.memref_squeeze %dma_wait3A_1542 : memref<1x4x513xf32, #tpu.memory_space<vmem>> -> memref<4x513xf32, #tpu.memory_space<vmem>>
        %dma_wait3A_1544 = arith.constant 1 : i32
        %dma_wait3A_1545 = arith.constant 0 : i32
        %dma_wait3A_1546 = tpu.memref_slice %arg5[%select_n3A, %dma_wait3A_1539, %dma_wait3A_1544, %dma_wait3A_1545] : memref<8x16x513x513xf32, #tpu.memory_space<hbm>> -> memref<1x1x4x513xf32, #tpu.memory_space<hbm>>
        %dma_wait3A_1547 = tpu.memref_squeeze %dma_wait3A_1546 : memref<1x1x4x513xf32, #tpu.memory_space<hbm>> -> memref<4x513xf32, #tpu.memory_space<hbm>>
        %dma_wait3A_1548 = arith.constant 1 : i32
        %dma_wait3A_1549 = arith.constant 0 : i32
        %dma_wait3A_1550 = tpu.memref_slice %arg5[%select_n3A, %dma_wait3A_1539, %dma_wait3A_1548, %dma_wait3A_1549] : memref<8x16x513x513xf32, #tpu.memory_space<hbm>> -> memref<1x1x4x513xf32, #tpu.memory_space<hbm>>
        %dma_wait3A_1551 = tpu.memref_squeeze %dma_wait3A_1550 : memref<1x1x4x513xf32, #tpu.memory_space<hbm>> -> memref<4x513xf32, #tpu.memory_space<hbm>>
        %dma_wait3A_1552 = arith.constant 0 : i32
        %dma_wait3A_1553 = arith.constant 0 : i32
        %dma_wait3A_1554 = tpu.memref_slice %arg11[%dma_wait3A_1538, %dma_wait3A_1552, %dma_wait3A_1553] : memref<16x4x513xf32, #tpu.memory_space<vmem>> -> memref<1x4x513xf32, #tpu.memory_space<vmem>>
        %dma_wait3A_1555 = tpu.memref_squeeze %dma_wait3A_1554 : memref<1x4x513xf32, #tpu.memory_space<vmem>> -> memref<4x513xf32, #tpu.memory_space<vmem>>
        tpu.wait_dma2 semaphore(%arg16 : memref<!tpu.dma_semaphore, #tpu.memory_space<semaphore_mem>>) src(%dma_wait3A_1555 : memref<4x513xf32, #tpu.memory_space<vmem>>) dst(%dma_wait3A_1551 : memref<4x513xf32, #tpu.memory_space<hbm>>)
        %dma_wait3A_1556 = arith.constant 11 : i32
        %dma_wait3A_1557 = arith.constant 11 : i32
        %dma_wait3A_1558 = arith.constant 0 : i32
        %dma_wait3A_1559 = arith.constant 0 : i32
        %dma_wait3A_1560 = tpu.memref_slice %arg11[%dma_wait3A_1556, %dma_wait3A_1558, %dma_wait3A_1559] : memref<16x4x513xf32, #tpu.memory_space<vmem>> -> memref<1x4x513xf32, #tpu.memory_space<vmem>>
        %dma_wait3A_1561 = tpu.memref_squeeze %dma_wait3A_1560 : memref<1x4x513xf32, #tpu.memory_space<vmem>> -> memref<4x513xf32, #tpu.memory_space<vmem>>
        %dma_wait3A_1562 = arith.constant 1 : i32
        %dma_wait3A_1563 = arith.constant 0 : i32
        %dma_wait3A_1564 = tpu.memref_slice %arg5[%select_n3A, %dma_wait3A_1557, %dma_wait3A_1562, %dma_wait3A_1563] : memref<8x16x513x513xf32, #tpu.memory_space<hbm>> -> memref<1x1x4x513xf32, #tpu.memory_space<hbm>>
        %dma_wait3A_1565 = tpu.memref_squeeze %dma_wait3A_1564 : memref<1x1x4x513xf32, #tpu.memory_space<hbm>> -> memref<4x513xf32, #tpu.memory_space<hbm>>
        %dma_wait3A_1566 = arith.constant 1 : i32
        %dma_wait3A_1567 = arith.constant 0 : i32
        %dma_wait3A_1568 = tpu.memref_slice %arg5[%select_n3A, %dma_wait3A_1557, %dma_wait3A_1566, %dma_wait3A_1567] : memref<8x16x513x513xf32, #tpu.memory_space<hbm>> -> memref<1x1x4x513xf32, #tpu.memory_space<hbm>>
        %dma_wait3A_1569 = tpu.memref_squeeze %dma_wait3A_1568 : memref<1x1x4x513xf32, #tpu.memory_space<hbm>> -> memref<4x513xf32, #tpu.memory_space<hbm>>
        %dma_wait3A_1570 = arith.constant 0 : i32
        %dma_wait3A_1571 = arith.constant 0 : i32
        %dma_wait3A_1572 = tpu.memref_slice %arg11[%dma_wait3A_1556, %dma_wait3A_1570, %dma_wait3A_1571] : memref<16x4x513xf32, #tpu.memory_space<vmem>> -> memref<1x4x513xf32, #tpu.memory_space<vmem>>
        %dma_wait3A_1573 = tpu.memref_squeeze %dma_wait3A_1572 : memref<1x4x513xf32, #tpu.memory_space<vmem>> -> memref<4x513xf32, #tpu.memory_space<vmem>>
        tpu.wait_dma2 semaphore(%arg16 : memref<!tpu.dma_semaphore, #tpu.memory_space<semaphore_mem>>) src(%dma_wait3A_1573 : memref<4x513xf32, #tpu.memory_space<vmem>>) dst(%dma_wait3A_1569 : memref<4x513xf32, #tpu.memory_space<hbm>>)
        %dma_wait3A_1574 = arith.constant 12 : i32
        %dma_wait3A_1575 = arith.constant 12 : i32
        %dma_wait3A_1576 = arith.constant 0 : i32
        %dma_wait3A_1577 = arith.constant 0 : i32
        %dma_wait3A_1578 = tpu.memref_slice %arg11[%dma_wait3A_1574, %dma_wait3A_1576, %dma_wait3A_1577] : memref<16x4x513xf32, #tpu.memory_space<vmem>> -> memref<1x4x513xf32, #tpu.memory_space<vmem>>
        %dma_wait3A_1579 = tpu.memref_squeeze %dma_wait3A_1578 : memref<1x4x513xf32, #tpu.memory_space<vmem>> -> memref<4x513xf32, #tpu.memory_space<vmem>>
        %dma_wait3A_1580 = arith.constant 1 : i32
        %dma_wait3A_1581 = arith.constant 0 : i32
        %dma_wait3A_1582 = tpu.memref_slice %arg5[%select_n3A, %dma_wait3A_1575, %dma_wait3A_1580, %dma_wait3A_1581] : memref<8x16x513x513xf32, #tpu.memory_space<hbm>> -> memref<1x1x4x513xf32, #tpu.memory_space<hbm>>
        %dma_wait3A_1583 = tpu.memref_squeeze %dma_wait3A_1582 : memref<1x1x4x513xf32, #tpu.memory_space<hbm>> -> memref<4x513xf32, #tpu.memory_space<hbm>>
        %dma_wait3A_1584 = arith.constant 1 : i32
        %dma_wait3A_1585 = arith.constant 0 : i32
        %dma_wait3A_1586 = tpu.memref_slice %arg5[%select_n3A, %dma_wait3A_1575, %dma_wait3A_1584, %dma_wait3A_1585] : memref<8x16x513x513xf32, #tpu.memory_space<hbm>> -> memref<1x1x4x513xf32, #tpu.memory_space<hbm>>
        %dma_wait3A_1587 = tpu.memref_squeeze %dma_wait3A_1586 : memref<1x1x4x513xf32, #tpu.memory_space<hbm>> -> memref<4x513xf32, #tpu.memory_space<hbm>>
        %dma_wait3A_1588 = arith.constant 0 : i32
        %dma_wait3A_1589 = arith.constant 0 : i32
        %dma_wait3A_1590 = tpu.memref_slice %arg11[%dma_wait3A_1574, %dma_wait3A_1588, %dma_wait3A_1589] : memref<16x4x513xf32, #tpu.memory_space<vmem>> -> memref<1x4x513xf32, #tpu.memory_space<vmem>>
        %dma_wait3A_1591 = tpu.memref_squeeze %dma_wait3A_1590 : memref<1x4x513xf32, #tpu.memory_space<vmem>> -> memref<4x513xf32, #tpu.memory_space<vmem>>
        tpu.wait_dma2 semaphore(%arg16 : memref<!tpu.dma_semaphore, #tpu.memory_space<semaphore_mem>>) src(%dma_wait3A_1591 : memref<4x513xf32, #tpu.memory_space<vmem>>) dst(%dma_wait3A_1587 : memref<4x513xf32, #tpu.memory_space<hbm>>)
        %dma_wait3A_1592 = arith.constant 13 : i32
        %dma_wait3A_1593 = arith.constant 13 : i32
        %dma_wait3A_1594 = arith.constant 0 : i32
        %dma_wait3A_1595 = arith.constant 0 : i32
        %dma_wait3A_1596 = tpu.memref_slice %arg11[%dma_wait3A_1592, %dma_wait3A_1594, %dma_wait3A_1595] : memref<16x4x513xf32, #tpu.memory_space<vmem>> -> memref<1x4x513xf32, #tpu.memory_space<vmem>>
        %dma_wait3A_1597 = tpu.memref_squeeze %dma_wait3A_1596 : memref<1x4x513xf32, #tpu.memory_space<vmem>> -> memref<4x513xf32, #tpu.memory_space<vmem>>
        %dma_wait3A_1598 = arith.constant 1 : i32
        %dma_wait3A_1599 = arith.constant 0 : i32
        %dma_wait3A_1600 = tpu.memref_slice %arg5[%select_n3A, %dma_wait3A_1593, %dma_wait3A_1598, %dma_wait3A_1599] : memref<8x16x513x513xf32, #tpu.memory_space<hbm>> -> memref<1x1x4x513xf32, #tpu.memory_space<hbm>>
        %dma_wait3A_1601 = tpu.memref_squeeze %dma_wait3A_1600 : memref<1x1x4x513xf32, #tpu.memory_space<hbm>> -> memref<4x513xf32, #tpu.memory_space<hbm>>
        %dma_wait3A_1602 = arith.constant 1 : i32
        %dma_wait3A_1603 = arith.constant 0 : i32
        %dma_wait3A_1604 = tpu.memref_slice %arg5[%select_n3A, %dma_wait3A_1593, %dma_wait3A_1602, %dma_wait3A_1603] : memref<8x16x513x513xf32, #tpu.memory_space<hbm>> -> memref<1x1x4x513xf32, #tpu.memory_space<hbm>>
        %dma_wait3A_1605 = tpu.memref_squeeze %dma_wait3A_1604 : memref<1x1x4x513xf32, #tpu.memory_space<hbm>> -> memref<4x513xf32, #tpu.memory_space<hbm>>
        %dma_wait3A_1606 = arith.constant 0 : i32
        %dma_wait3A_1607 = arith.constant 0 : i32
        %dma_wait3A_1608 = tpu.memref_slice %arg11[%dma_wait3A_1592, %dma_wait3A_1606, %dma_wait3A_1607] : memref<16x4x513xf32, #tpu.memory_space<vmem>> -> memref<1x4x513xf32, #tpu.memory_space<vmem>>
        %dma_wait3A_1609 = tpu.memref_squeeze %dma_wait3A_1608 : memref<1x4x513xf32, #tpu.memory_space<vmem>> -> memref<4x513xf32, #tpu.memory_space<vmem>>
        tpu.wait_dma2 semaphore(%arg16 : memref<!tpu.dma_semaphore, #tpu.memory_space<semaphore_mem>>) src(%dma_wait3A_1609 : memref<4x513xf32, #tpu.memory_space<vmem>>) dst(%dma_wait3A_1605 : memref<4x513xf32, #tpu.memory_space<hbm>>)
        %dma_wait3A_1610 = arith.constant 14 : i32
        %dma_wait3A_1611 = arith.constant 14 : i32
        %dma_wait3A_1612 = arith.constant 0 : i32
        %dma_wait3A_1613 = arith.constant 0 : i32
        %dma_wait3A_1614 = tpu.memref_slice %arg11[%dma_wait3A_1610, %dma_wait3A_1612, %dma_wait3A_1613] : memref<16x4x513xf32, #tpu.memory_space<vmem>> -> memref<1x4x513xf32, #tpu.memory_space<vmem>>
        %dma_wait3A_1615 = tpu.memref_squeeze %dma_wait3A_1614 : memref<1x4x513xf32, #tpu.memory_space<vmem>> -> memref<4x513xf32, #tpu.memory_space<vmem>>
        %dma_wait3A_1616 = arith.constant 1 : i32
        %dma_wait3A_1617 = arith.constant 0 : i32
        %dma_wait3A_1618 = tpu.memref_slice %arg5[%select_n3A, %dma_wait3A_1611, %dma_wait3A_1616, %dma_wait3A_1617] : memref<8x16x513x513xf32, #tpu.memory_space<hbm>> -> memref<1x1x4x513xf32, #tpu.memory_space<hbm>>
        %dma_wait3A_1619 = tpu.memref_squeeze %dma_wait3A_1618 : memref<1x1x4x513xf32, #tpu.memory_space<hbm>> -> memref<4x513xf32, #tpu.memory_space<hbm>>
        %dma_wait3A_1620 = arith.constant 1 : i32
        %dma_wait3A_1621 = arith.constant 0 : i32
        %dma_wait3A_1622 = tpu.memref_slice %arg5[%select_n3A, %dma_wait3A_1611, %dma_wait3A_1620, %dma_wait3A_1621] : memref<8x16x513x513xf32, #tpu.memory_space<hbm>> -> memref<1x1x4x513xf32, #tpu.memory_space<hbm>>
        %dma_wait3A_1623 = tpu.memref_squeeze %dma_wait3A_1622 : memref<1x1x4x513xf32, #tpu.memory_space<hbm>> -> memref<4x513xf32, #tpu.memory_space<hbm>>
        %dma_wait3A_1624 = arith.constant 0 : i32
        %dma_wait3A_1625 = arith.constant 0 : i32
        %dma_wait3A_1626 = tpu.memref_slice %arg11[%dma_wait3A_1610, %dma_wait3A_1624, %dma_wait3A_1625] : memref<16x4x513xf32, #tpu.memory_space<vmem>> -> memref<1x4x513xf32, #tpu.memory_space<vmem>>
        %dma_wait3A_1627 = tpu.memref_squeeze %dma_wait3A_1626 : memref<1x4x513xf32, #tpu.memory_space<vmem>> -> memref<4x513xf32, #tpu.memory_space<vmem>>
        tpu.wait_dma2 semaphore(%arg16 : memref<!tpu.dma_semaphore, #tpu.memory_space<semaphore_mem>>) src(%dma_wait3A_1627 : memref<4x513xf32, #tpu.memory_space<vmem>>) dst(%dma_wait3A_1623 : memref<4x513xf32, #tpu.memory_space<hbm>>)
        %dma_wait3A_1628 = arith.constant 15 : i32
        %dma_wait3A_1629 = arith.constant 15 : i32
        %dma_wait3A_1630 = arith.constant 0 : i32
        %dma_wait3A_1631 = arith.constant 0 : i32
        %dma_wait3A_1632 = tpu.memref_slice %arg11[%dma_wait3A_1628, %dma_wait3A_1630, %dma_wait3A_1631] : memref<16x4x513xf32, #tpu.memory_space<vmem>> -> memref<1x4x513xf32, #tpu.memory_space<vmem>>
        %dma_wait3A_1633 = tpu.memref_squeeze %dma_wait3A_1632 : memref<1x4x513xf32, #tpu.memory_space<vmem>> -> memref<4x513xf32, #tpu.memory_space<vmem>>
        %dma_wait3A_1634 = arith.constant 1 : i32
        %dma_wait3A_1635 = arith.constant 0 : i32
        %dma_wait3A_1636 = tpu.memref_slice %arg5[%select_n3A, %dma_wait3A_1629, %dma_wait3A_1634, %dma_wait3A_1635] : memref<8x16x513x513xf32, #tpu.memory_space<hbm>> -> memref<1x1x4x513xf32, #tpu.memory_space<hbm>>
        %dma_wait3A_1637 = tpu.memref_squeeze %dma_wait3A_1636 : memref<1x1x4x513xf32, #tpu.memory_space<hbm>> -> memref<4x513xf32, #tpu.memory_space<hbm>>
        %dma_wait3A_1638 = arith.constant 1 : i32
        %dma_wait3A_1639 = arith.constant 0 : i32
        %dma_wait3A_1640 = tpu.memref_slice %arg5[%select_n3A, %dma_wait3A_1629, %dma_wait3A_1638, %dma_wait3A_1639] : memref<8x16x513x513xf32, #tpu.memory_space<hbm>> -> memref<1x1x4x513xf32, #tpu.memory_space<hbm>>
        %dma_wait3A_1641 = tpu.memref_squeeze %dma_wait3A_1640 : memref<1x1x4x513xf32, #tpu.memory_space<hbm>> -> memref<4x513xf32, #tpu.memory_space<hbm>>
        %dma_wait3A_1642 = arith.constant 0 : i32
        %dma_wait3A_1643 = arith.constant 0 : i32
        %dma_wait3A_1644 = tpu.memref_slice %arg11[%dma_wait3A_1628, %dma_wait3A_1642, %dma_wait3A_1643] : memref<16x4x513xf32, #tpu.memory_space<vmem>> -> memref<1x4x513xf32, #tpu.memory_space<vmem>>
        %dma_wait3A_1645 = tpu.memref_squeeze %dma_wait3A_1644 : memref<1x4x513xf32, #tpu.memory_space<vmem>> -> memref<4x513xf32, #tpu.memory_space<vmem>>
        tpu.wait_dma2 semaphore(%arg16 : memref<!tpu.dma_semaphore, #tpu.memory_space<semaphore_mem>>) src(%dma_wait3A_1645 : memref<4x513xf32, #tpu.memory_space<vmem>>) dst(%dma_wait3A_1641 : memref<4x513xf32, #tpu.memory_space<hbm>>)
      } else {
      }
      %broadcast_in_dim3A_1065 = arith.constant 0 : i32
      %broadcast_in_dim3A_1066 = vector.broadcast %broadcast_in_dim3A_1065 : i32 to vector<16xi32>
      tpu.vector_store_idx %arg11[%iota3A, %add3A_125, %broadcast_in_dim3A_1066], %mul3A_36 : memref<16x4x513xf32, #tpu.memory_space<vmem>>[vector<16xi32>, vector<16xi32>, vector<16xi32>], vector<16xf32>,
      %broadcast_in_dim3A_1067 = arith.constant 0 : i32
      %broadcast_in_dim3A_1068 = vector.broadcast %broadcast_in_dim3A_1067 : i32 to vector<16xi32>
      tpu.vector_store_idx %arg11[%iota3A, %add3A_130, %broadcast_in_dim3A_1068], %mul3A_36 : memref<16x4x513xf32, #tpu.memory_space<vmem>>[vector<16xi32>, vector<16xi32>, vector<16xi32>], vector<16xf32>,
      %broadcast_in_dim3A_1069 = arith.constant 0 : i32
      %broadcast_in_dim3A_1070 = vector.broadcast %broadcast_in_dim3A_1069 : i32 to vector<16xi32>
      tpu.vector_store_idx %arg11[%iota3A, %add3A_135, %broadcast_in_dim3A_1070], %mul3A_36 : memref<16x4x513xf32, #tpu.memory_space<vmem>>[vector<16xi32>, vector<16xi32>, vector<16xi32>], vector<16xf32>,
      %broadcast_in_dim3A_1071 = arith.constant 0 : i32
      %broadcast_in_dim3A_1072 = vector.broadcast %broadcast_in_dim3A_1071 : i32 to vector<16xi32>
      tpu.vector_store_idx %arg11[%iota3A, %add3A_140, %broadcast_in_dim3A_1072], %mul3A_36 : memref<16x4x513xf32, #tpu.memory_space<vmem>>[vector<16xi32>, vector<16xi32>, vector<16xi32>], vector<16xf32>,
      %scan3A_1073 = arith.constant 0 : i32
      %scan3A_1074 = arith.constant 0 : i32
      %scan3A_1075 = arith.constant 32 : i32
      %scan3A_1076 = arith.addi %scan3A_1074, %scan3A_1075 : i32
      %scan3A_1077 = arith.constant 1 : i32
      scf.for %scan3A_1358 = %scan3A_1074 to %scan3A_1076 step %scan3A_1077  : i32 {
        %mul3A_1359 = arith.constant 16 : i32
        %mul3A_1360 = arith.muli %scan3A_1358, %mul3A_1359 : i32
        %get3A_1361 = arith.constant 0 : i32
        %get3A_1362 = arith.index_cast %get3A_1361 : i32 to index
        %get3A_1363 = arith.index_cast %mul3A_1360 : i32 to index
        %get3A_1364 = tpu.vector_load %arg9[%get3A_1362, %get3A_1363] {strides = array<i32>} : memref<4x512xi32, #tpu.memory_space<vmem>>, vector<16xi32>,
        %add3A_1365 = arith.constant 1 : i32
        %add3A_1366 = arith.addi %mul3A_1360, %add3A_1365 : i32
        %add3A_1367 = vector.broadcast %add3A_1366 : i32 to vector<16xi32>
        %add3A_1368 = arith.addi %iota3A, %add3A_1367 : vector<16xi32>
        %gather3A = tpu.vector_load_idx %arg6[%get3A_1364, %add3A_45] : memref<512x16xf32, #tpu.memory_space<vmem>>[vector<16xi32>, vector<16xi32>], vector<16xf32>,
        tpu.vector_store_idx %arg11[%add3A_45, %add3A_125, %add3A_1368], %gather3A : memref<16x4x513xf32, #tpu.memory_space<vmem>>[vector<16xi32>, vector<16xi32>, vector<16xi32>], vector<16xf32>,
        %gather3A_1369 = tpu.vector_load_idx %arg6[%get3A_1364, %add3A_50] : memref<512x16xf32, #tpu.memory_space<vmem>>[vector<16xi32>, vector<16xi32>], vector<16xf32>,
        tpu.vector_store_idx %arg11[%add3A_50, %add3A_125, %add3A_1368], %gather3A_1369 : memref<16x4x513xf32, #tpu.memory_space<vmem>>[vector<16xi32>, vector<16xi32>, vector<16xi32>], vector<16xf32>,
        %gather3A_1370 = tpu.vector_load_idx %arg6[%get3A_1364, %add3A_55] : memref<512x16xf32, #tpu.memory_space<vmem>>[vector<16xi32>, vector<16xi32>], vector<16xf32>,
        tpu.vector_store_idx %arg11[%add3A_55, %add3A_125, %add3A_1368], %gather3A_1370 : memref<16x4x513xf32, #tpu.memory_space<vmem>>[vector<16xi32>, vector<16xi32>, vector<16xi32>], vector<16xf32>,
        %gather3A_1371 = tpu.vector_load_idx %arg6[%get3A_1364, %add3A_60] : memref<512x16xf32, #tpu.memory_space<vmem>>[vector<16xi32>, vector<16xi32>], vector<16xf32>,
        tpu.vector_store_idx %arg11[%add3A_60, %add3A_125, %add3A_1368], %gather3A_1371 : memref<16x4x513xf32, #tpu.memory_space<vmem>>[vector<16xi32>, vector<16xi32>, vector<16xi32>], vector<16xf32>,
        %gather3A_1372 = tpu.vector_load_idx %arg6[%get3A_1364, %add3A_65] : memref<512x16xf32, #tpu.memory_space<vmem>>[vector<16xi32>, vector<16xi32>], vector<16xf32>,
        tpu.vector_store_idx %arg11[%add3A_65, %add3A_125, %add3A_1368], %gather3A_1372 : memref<16x4x513xf32, #tpu.memory_space<vmem>>[vector<16xi32>, vector<16xi32>, vector<16xi32>], vector<16xf32>,
        %gather3A_1373 = tpu.vector_load_idx %arg6[%get3A_1364, %add3A_70] : memref<512x16xf32, #tpu.memory_space<vmem>>[vector<16xi32>, vector<16xi32>], vector<16xf32>,
        tpu.vector_store_idx %arg11[%add3A_70, %add3A_125, %add3A_1368], %gather3A_1373 : memref<16x4x513xf32, #tpu.memory_space<vmem>>[vector<16xi32>, vector<16xi32>, vector<16xi32>], vector<16xf32>,
        %gather3A_1374 = tpu.vector_load_idx %arg6[%get3A_1364, %add3A_75] : memref<512x16xf32, #tpu.memory_space<vmem>>[vector<16xi32>, vector<16xi32>], vector<16xf32>,
        tpu.vector_store_idx %arg11[%add3A_75, %add3A_125, %add3A_1368], %gather3A_1374 : memref<16x4x513xf32, #tpu.memory_space<vmem>>[vector<16xi32>, vector<16xi32>, vector<16xi32>], vector<16xf32>,
        %gather3A_1375 = tpu.vector_load_idx %arg6[%get3A_1364, %add3A_80] : memref<512x16xf32, #tpu.memory_space<vmem>>[vector<16xi32>, vector<16xi32>], vector<16xf32>,
        tpu.vector_store_idx %arg11[%add3A_80, %add3A_125, %add3A_1368], %gather3A_1375 : memref<16x4x513xf32, #tpu.memory_space<vmem>>[vector<16xi32>, vector<16xi32>, vector<16xi32>], vector<16xf32>,
        %gather3A_1376 = tpu.vector_load_idx %arg6[%get3A_1364, %add3A_85] : memref<512x16xf32, #tpu.memory_space<vmem>>[vector<16xi32>, vector<16xi32>], vector<16xf32>,
        tpu.vector_store_idx %arg11[%add3A_85, %add3A_125, %add3A_1368], %gather3A_1376 : memref<16x4x513xf32, #tpu.memory_space<vmem>>[vector<16xi32>, vector<16xi32>, vector<16xi32>], vector<16xf32>,
        %gather3A_1377 = tpu.vector_load_idx %arg6[%get3A_1364, %add3A_90] : memref<512x16xf32, #tpu.memory_space<vmem>>[vector<16xi32>, vector<16xi32>], vector<16xf32>,
        tpu.vector_store_idx %arg11[%add3A_90, %add3A_125, %add3A_1368], %gather3A_1377 : memref<16x4x513xf32, #tpu.memory_space<vmem>>[vector<16xi32>, vector<16xi32>, vector<16xi32>], vector<16xf32>,
        %gather3A_1378 = tpu.vector_load_idx %arg6[%get3A_1364, %add3A_95] : memref<512x16xf32, #tpu.memory_space<vmem>>[vector<16xi32>, vector<16xi32>], vector<16xf32>,
        tpu.vector_store_idx %arg11[%add3A_95, %add3A_125, %add3A_1368], %gather3A_1378 : memref<16x4x513xf32, #tpu.memory_space<vmem>>[vector<16xi32>, vector<16xi32>, vector<16xi32>], vector<16xf32>,
        %gather3A_1379 = tpu.vector_load_idx %arg6[%get3A_1364, %add3A_100] : memref<512x16xf32, #tpu.memory_space<vmem>>[vector<16xi32>, vector<16xi32>], vector<16xf32>,
        tpu.vector_store_idx %arg11[%add3A_100, %add3A_125, %add3A_1368], %gather3A_1379 : memref<16x4x513xf32, #tpu.memory_space<vmem>>[vector<16xi32>, vector<16xi32>, vector<16xi32>], vector<16xf32>,
        %gather3A_1380 = tpu.vector_load_idx %arg6[%get3A_1364, %add3A_105] : memref<512x16xf32, #tpu.memory_space<vmem>>[vector<16xi32>, vector<16xi32>], vector<16xf32>,
        tpu.vector_store_idx %arg11[%add3A_105, %add3A_125, %add3A_1368], %gather3A_1380 : memref<16x4x513xf32, #tpu.memory_space<vmem>>[vector<16xi32>, vector<16xi32>, vector<16xi32>], vector<16xf32>,
        %gather3A_1381 = tpu.vector_load_idx %arg6[%get3A_1364, %add3A_110] : memref<512x16xf32, #tpu.memory_space<vmem>>[vector<16xi32>, vector<16xi32>], vector<16xf32>,
        tpu.vector_store_idx %arg11[%add3A_110, %add3A_125, %add3A_1368], %gather3A_1381 : memref<16x4x513xf32, #tpu.memory_space<vmem>>[vector<16xi32>, vector<16xi32>, vector<16xi32>], vector<16xf32>,
        %gather3A_1382 = tpu.vector_load_idx %arg6[%get3A_1364, %add3A_115] : memref<512x16xf32, #tpu.memory_space<vmem>>[vector<16xi32>, vector<16xi32>], vector<16xf32>,
        tpu.vector_store_idx %arg11[%add3A_115, %add3A_125, %add3A_1368], %gather3A_1382 : memref<16x4x513xf32, #tpu.memory_space<vmem>>[vector<16xi32>, vector<16xi32>, vector<16xi32>], vector<16xf32>,
        %gather3A_1383 = tpu.vector_load_idx %arg6[%get3A_1364, %add3A_120] : memref<512x16xf32, #tpu.memory_space<vmem>>[vector<16xi32>, vector<16xi32>], vector<16xf32>,
        tpu.vector_store_idx %arg11[%add3A_120, %add3A_125, %add3A_1368], %gather3A_1383 : memref<16x4x513xf32, #tpu.memory_space<vmem>>[vector<16xi32>, vector<16xi32>, vector<16xi32>], vector<16xf32>,
      }
      %scan3A_1078 = arith.constant 32 : i32
      %scan3A_1079 = arith.constant 0 : i32
      %scan3A_1080 = arith.constant 0 : i32
      %scan3A_1081 = arith.constant 32 : i32
      %scan3A_1082 = arith.addi %scan3A_1080, %scan3A_1081 : i32
      %scan3A_1083 = arith.constant 1 : i32
      scf.for %scan3A_1358 = %scan3A_1080 to %scan3A_1082 step %scan3A_1083  : i32 {
        %mul3A_1359 = arith.constant 16 : i32
        %mul3A_1360 = arith.muli %scan3A_1358, %mul3A_1359 : i32
        %get3A_1361 = arith.constant 1 : i32
        %get3A_1362 = arith.index_cast %get3A_1361 : i32 to index
        %get3A_1363 = arith.index_cast %mul3A_1360 : i32 to index
        %get3A_1364 = tpu.vector_load %arg9[%get3A_1362, %get3A_1363] {strides = array<i32>} : memref<4x512xi32, #tpu.memory_space<vmem>>, vector<16xi32>,
        %add3A_1365 = arith.constant 1 : i32
        %add3A_1366 = arith.addi %mul3A_1360, %add3A_1365 : i32
        %add3A_1367 = vector.broadcast %add3A_1366 : i32 to vector<16xi32>
        %add3A_1368 = arith.addi %iota3A, %add3A_1367 : vector<16xi32>
        %gather3A = tpu.vector_load_idx %arg6[%get3A_1364, %add3A_45] : memref<512x16xf32, #tpu.memory_space<vmem>>[vector<16xi32>, vector<16xi32>], vector<16xf32>,
        tpu.vector_store_idx %arg11[%add3A_45, %add3A_130, %add3A_1368], %gather3A : memref<16x4x513xf32, #tpu.memory_space<vmem>>[vector<16xi32>, vector<16xi32>, vector<16xi32>], vector<16xf32>,
        %gather3A_1369 = tpu.vector_load_idx %arg6[%get3A_1364, %add3A_50] : memref<512x16xf32, #tpu.memory_space<vmem>>[vector<16xi32>, vector<16xi32>], vector<16xf32>,
        tpu.vector_store_idx %arg11[%add3A_50, %add3A_130, %add3A_1368], %gather3A_1369 : memref<16x4x513xf32, #tpu.memory_space<vmem>>[vector<16xi32>, vector<16xi32>, vector<16xi32>], vector<16xf32>,
        %gather3A_1370 = tpu.vector_load_idx %arg6[%get3A_1364, %add3A_55] : memref<512x16xf32, #tpu.memory_space<vmem>>[vector<16xi32>, vector<16xi32>], vector<16xf32>,
        tpu.vector_store_idx %arg11[%add3A_55, %add3A_130, %add3A_1368], %gather3A_1370 : memref<16x4x513xf32, #tpu.memory_space<vmem>>[vector<16xi32>, vector<16xi32>, vector<16xi32>], vector<16xf32>,
        %gather3A_1371 = tpu.vector_load_idx %arg6[%get3A_1364, %add3A_60] : memref<512x16xf32, #tpu.memory_space<vmem>>[vector<16xi32>, vector<16xi32>], vector<16xf32>,
        tpu.vector_store_idx %arg11[%add3A_60, %add3A_130, %add3A_1368], %gather3A_1371 : memref<16x4x513xf32, #tpu.memory_space<vmem>>[vector<16xi32>, vector<16xi32>, vector<16xi32>], vector<16xf32>,
        %gather3A_1372 = tpu.vector_load_idx %arg6[%get3A_1364, %add3A_65] : memref<512x16xf32, #tpu.memory_space<vmem>>[vector<16xi32>, vector<16xi32>], vector<16xf32>,
        tpu.vector_store_idx %arg11[%add3A_65, %add3A_130, %add3A_1368], %gather3A_1372 : memref<16x4x513xf32, #tpu.memory_space<vmem>>[vector<16xi32>, vector<16xi32>, vector<16xi32>], vector<16xf32>,
        %gather3A_1373 = tpu.vector_load_idx %arg6[%get3A_1364, %add3A_70] : memref<512x16xf32, #tpu.memory_space<vmem>>[vector<16xi32>, vector<16xi32>], vector<16xf32>,
        tpu.vector_store_idx %arg11[%add3A_70, %add3A_130, %add3A_1368], %gather3A_1373 : memref<16x4x513xf32, #tpu.memory_space<vmem>>[vector<16xi32>, vector<16xi32>, vector<16xi32>], vector<16xf32>,
        %gather3A_1374 = tpu.vector_load_idx %arg6[%get3A_1364, %add3A_75] : memref<512x16xf32, #tpu.memory_space<vmem>>[vector<16xi32>, vector<16xi32>], vector<16xf32>,
        tpu.vector_store_idx %arg11[%add3A_75, %add3A_130, %add3A_1368], %gather3A_1374 : memref<16x4x513xf32, #tpu.memory_space<vmem>>[vector<16xi32>, vector<16xi32>, vector<16xi32>], vector<16xf32>,
        %gather3A_1375 = tpu.vector_load_idx %arg6[%get3A_1364, %add3A_80] : memref<512x16xf32, #tpu.memory_space<vmem>>[vector<16xi32>, vector<16xi32>], vector<16xf32>,
        tpu.vector_store_idx %arg11[%add3A_80, %add3A_130, %add3A_1368], %gather3A_1375 : memref<16x4x513xf32, #tpu.memory_space<vmem>>[vector<16xi32>, vector<16xi32>, vector<16xi32>], vector<16xf32>,
        %gather3A_1376 = tpu.vector_load_idx %arg6[%get3A_1364, %add3A_85] : memref<512x16xf32, #tpu.memory_space<vmem>>[vector<16xi32>, vector<16xi32>], vector<16xf32>,
        tpu.vector_store_idx %arg11[%add3A_85, %add3A_130, %add3A_1368], %gather3A_1376 : memref<16x4x513xf32, #tpu.memory_space<vmem>>[vector<16xi32>, vector<16xi32>, vector<16xi32>], vector<16xf32>,
        %gather3A_1377 = tpu.vector_load_idx %arg6[%get3A_1364, %add3A_90] : memref<512x16xf32, #tpu.memory_space<vmem>>[vector<16xi32>, vector<16xi32>], vector<16xf32>,
        tpu.vector_store_idx %arg11[%add3A_90, %add3A_130, %add3A_1368], %gather3A_1377 : memref<16x4x513xf32, #tpu.memory_space<vmem>>[vector<16xi32>, vector<16xi32>, vector<16xi32>], vector<16xf32>,
        %gather3A_1378 = tpu.vector_load_idx %arg6[%get3A_1364, %add3A_95] : memref<512x16xf32, #tpu.memory_space<vmem>>[vector<16xi32>, vector<16xi32>], vector<16xf32>,
        tpu.vector_store_idx %arg11[%add3A_95, %add3A_130, %add3A_1368], %gather3A_1378 : memref<16x4x513xf32, #tpu.memory_space<vmem>>[vector<16xi32>, vector<16xi32>, vector<16xi32>], vector<16xf32>,
        %gather3A_1379 = tpu.vector_load_idx %arg6[%get3A_1364, %add3A_100] : memref<512x16xf32, #tpu.memory_space<vmem>>[vector<16xi32>, vector<16xi32>], vector<16xf32>,
        tpu.vector_store_idx %arg11[%add3A_100, %add3A_130, %add3A_1368], %gather3A_1379 : memref<16x4x513xf32, #tpu.memory_space<vmem>>[vector<16xi32>, vector<16xi32>, vector<16xi32>], vector<16xf32>,
        %gather3A_1380 = tpu.vector_load_idx %arg6[%get3A_1364, %add3A_105] : memref<512x16xf32, #tpu.memory_space<vmem>>[vector<16xi32>, vector<16xi32>], vector<16xf32>,
        tpu.vector_store_idx %arg11[%add3A_105, %add3A_130, %add3A_1368], %gather3A_1380 : memref<16x4x513xf32, #tpu.memory_space<vmem>>[vector<16xi32>, vector<16xi32>, vector<16xi32>], vector<16xf32>,
        %gather3A_1381 = tpu.vector_load_idx %arg6[%get3A_1364, %add3A_110] : memref<512x16xf32, #tpu.memory_space<vmem>>[vector<16xi32>, vector<16xi32>], vector<16xf32>,
        tpu.vector_store_idx %arg11[%add3A_110, %add3A_130, %add3A_1368], %gather3A_1381 : memref<16x4x513xf32, #tpu.memory_space<vmem>>[vector<16xi32>, vector<16xi32>, vector<16xi32>], vector<16xf32>,
        %gather3A_1382 = tpu.vector_load_idx %arg6[%get3A_1364, %add3A_115] : memref<512x16xf32, #tpu.memory_space<vmem>>[vector<16xi32>, vector<16xi32>], vector<16xf32>,
        tpu.vector_store_idx %arg11[%add3A_115, %add3A_130, %add3A_1368], %gather3A_1382 : memref<16x4x513xf32, #tpu.memory_space<vmem>>[vector<16xi32>, vector<16xi32>, vector<16xi32>], vector<16xf32>,
        %gather3A_1383 = tpu.vector_load_idx %arg6[%get3A_1364, %add3A_120] : memref<512x16xf32, #tpu.memory_space<vmem>>[vector<16xi32>, vector<16xi32>], vector<16xf32>,
        tpu.vector_store_idx %arg11[%add3A_120, %add3A_130, %add3A_1368], %gather3A_1383 : memref<16x4x513xf32, #tpu.memory_space<vmem>>[vector<16xi32>, vector<16xi32>, vector<16xi32>], vector<16xf32>,
      }
      %scan3A_1084 = arith.constant 32 : i32
      %scan3A_1085 = arith.constant 0 : i32
      %scan3A_1086 = arith.constant 0 : i32
      %scan3A_1087 = arith.constant 32 : i32
      %scan3A_1088 = arith.addi %scan3A_1086, %scan3A_1087 : i32
      %scan3A_1089 = arith.constant 1 : i32
      scf.for %scan3A_1358 = %scan3A_1086 to %scan3A_1088 step %scan3A_1089  : i32 {
        %mul3A_1359 = arith.constant 16 : i32
        %mul3A_1360 = arith.muli %scan3A_1358, %mul3A_1359 : i32
        %get3A_1361 = arith.constant 2 : i32
        %get3A_1362 = arith.index_cast %get3A_1361 : i32 to index
        %get3A_1363 = arith.index_cast %mul3A_1360 : i32 to index
        %get3A_1364 = tpu.vector_load %arg9[%get3A_1362, %get3A_1363] {strides = array<i32>} : memref<4x512xi32, #tpu.memory_space<vmem>>, vector<16xi32>,
        %add3A_1365 = arith.constant 1 : i32
        %add3A_1366 = arith.addi %mul3A_1360, %add3A_1365 : i32
        %add3A_1367 = vector.broadcast %add3A_1366 : i32 to vector<16xi32>
        %add3A_1368 = arith.addi %iota3A, %add3A_1367 : vector<16xi32>
        %gather3A = tpu.vector_load_idx %arg6[%get3A_1364, %add3A_45] : memref<512x16xf32, #tpu.memory_space<vmem>>[vector<16xi32>, vector<16xi32>], vector<16xf32>,
        tpu.vector_store_idx %arg11[%add3A_45, %add3A_135, %add3A_1368], %gather3A : memref<16x4x513xf32, #tpu.memory_space<vmem>>[vector<16xi32>, vector<16xi32>, vector<16xi32>], vector<16xf32>,
        %gather3A_1369 = tpu.vector_load_idx %arg6[%get3A_1364, %add3A_50] : memref<512x16xf32, #tpu.memory_space<vmem>>[vector<16xi32>, vector<16xi32>], vector<16xf32>,
        tpu.vector_store_idx %arg11[%add3A_50, %add3A_135, %add3A_1368], %gather3A_1369 : memref<16x4x513xf32, #tpu.memory_space<vmem>>[vector<16xi32>, vector<16xi32>, vector<16xi32>], vector<16xf32>,
        %gather3A_1370 = tpu.vector_load_idx %arg6[%get3A_1364, %add3A_55] : memref<512x16xf32, #tpu.memory_space<vmem>>[vector<16xi32>, vector<16xi32>], vector<16xf32>,
        tpu.vector_store_idx %arg11[%add3A_55, %add3A_135, %add3A_1368], %gather3A_1370 : memref<16x4x513xf32, #tpu.memory_space<vmem>>[vector<16xi32>, vector<16xi32>, vector<16xi32>], vector<16xf32>,
        %gather3A_1371 = tpu.vector_load_idx %arg6[%get3A_1364, %add3A_60] : memref<512x16xf32, #tpu.memory_space<vmem>>[vector<16xi32>, vector<16xi32>], vector<16xf32>,
        tpu.vector_store_idx %arg11[%add3A_60, %add3A_135, %add3A_1368], %gather3A_1371 : memref<16x4x513xf32, #tpu.memory_space<vmem>>[vector<16xi32>, vector<16xi32>, vector<16xi32>], vector<16xf32>,
        %gather3A_1372 = tpu.vector_load_idx %arg6[%get3A_1364, %add3A_65] : memref<512x16xf32, #tpu.memory_space<vmem>>[vector<16xi32>, vector<16xi32>], vector<16xf32>,
        tpu.vector_store_idx %arg11[%add3A_65, %add3A_135, %add3A_1368], %gather3A_1372 : memref<16x4x513xf32, #tpu.memory_space<vmem>>[vector<16xi32>, vector<16xi32>, vector<16xi32>], vector<16xf32>,
        %gather3A_1373 = tpu.vector_load_idx %arg6[%get3A_1364, %add3A_70] : memref<512x16xf32, #tpu.memory_space<vmem>>[vector<16xi32>, vector<16xi32>], vector<16xf32>,
        tpu.vector_store_idx %arg11[%add3A_70, %add3A_135, %add3A_1368], %gather3A_1373 : memref<16x4x513xf32, #tpu.memory_space<vmem>>[vector<16xi32>, vector<16xi32>, vector<16xi32>], vector<16xf32>,
        %gather3A_1374 = tpu.vector_load_idx %arg6[%get3A_1364, %add3A_75] : memref<512x16xf32, #tpu.memory_space<vmem>>[vector<16xi32>, vector<16xi32>], vector<16xf32>,
        tpu.vector_store_idx %arg11[%add3A_75, %add3A_135, %add3A_1368], %gather3A_1374 : memref<16x4x513xf32, #tpu.memory_space<vmem>>[vector<16xi32>, vector<16xi32>, vector<16xi32>], vector<16xf32>,
        %gather3A_1375 = tpu.vector_load_idx %arg6[%get3A_1364, %add3A_80] : memref<512x16xf32, #tpu.memory_space<vmem>>[vector<16xi32>, vector<16xi32>], vector<16xf32>,
        tpu.vector_store_idx %arg11[%add3A_80, %add3A_135, %add3A_1368], %gather3A_1375 : memref<16x4x513xf32, #tpu.memory_space<vmem>>[vector<16xi32>, vector<16xi32>, vector<16xi32>], vector<16xf32>,
        %gather3A_1376 = tpu.vector_load_idx %arg6[%get3A_1364, %add3A_85] : memref<512x16xf32, #tpu.memory_space<vmem>>[vector<16xi32>, vector<16xi32>], vector<16xf32>,
        tpu.vector_store_idx %arg11[%add3A_85, %add3A_135, %add3A_1368], %gather3A_1376 : memref<16x4x513xf32, #tpu.memory_space<vmem>>[vector<16xi32>, vector<16xi32>, vector<16xi32>], vector<16xf32>,
        %gather3A_1377 = tpu.vector_load_idx %arg6[%get3A_1364, %add3A_90] : memref<512x16xf32, #tpu.memory_space<vmem>>[vector<16xi32>, vector<16xi32>], vector<16xf32>,
        tpu.vector_store_idx %arg11[%add3A_90, %add3A_135, %add3A_1368], %gather3A_1377 : memref<16x4x513xf32, #tpu.memory_space<vmem>>[vector<16xi32>, vector<16xi32>, vector<16xi32>], vector<16xf32>,
        %gather3A_1378 = tpu.vector_load_idx %arg6[%get3A_1364, %add3A_95] : memref<512x16xf32, #tpu.memory_space<vmem>>[vector<16xi32>, vector<16xi32>], vector<16xf32>,
        tpu.vector_store_idx %arg11[%add3A_95, %add3A_135, %add3A_1368], %gather3A_1378 : memref<16x4x513xf32, #tpu.memory_space<vmem>>[vector<16xi32>, vector<16xi32>, vector<16xi32>], vector<16xf32>,
        %gather3A_1379 = tpu.vector_load_idx %arg6[%get3A_1364, %add3A_100] : memref<512x16xf32, #tpu.memory_space<vmem>>[vector<16xi32>, vector<16xi32>], vector<16xf32>,
        tpu.vector_store_idx %arg11[%add3A_100, %add3A_135, %add3A_1368], %gather3A_1379 : memref<16x4x513xf32, #tpu.memory_space<vmem>>[vector<16xi32>, vector<16xi32>, vector<16xi32>], vector<16xf32>,
        %gather3A_1380 = tpu.vector_load_idx %arg6[%get3A_1364, %add3A_105] : memref<512x16xf32, #tpu.memory_space<vmem>>[vector<16xi32>, vector<16xi32>], vector<16xf32>,
        tpu.vector_store_idx %arg11[%add3A_105, %add3A_135, %add3A_1368], %gather3A_1380 : memref<16x4x513xf32, #tpu.memory_space<vmem>>[vector<16xi32>, vector<16xi32>, vector<16xi32>], vector<16xf32>,
        %gather3A_1381 = tpu.vector_load_idx %arg6[%get3A_1364, %add3A_110] : memref<512x16xf32, #tpu.memory_space<vmem>>[vector<16xi32>, vector<16xi32>], vector<16xf32>,
        tpu.vector_store_idx %arg11[%add3A_110, %add3A_135, %add3A_1368], %gather3A_1381 : memref<16x4x513xf32, #tpu.memory_space<vmem>>[vector<16xi32>, vector<16xi32>, vector<16xi32>], vector<16xf32>,
        %gather3A_1382 = tpu.vector_load_idx %arg6[%get3A_1364, %add3A_115] : memref<512x16xf32, #tpu.memory_space<vmem>>[vector<16xi32>, vector<16xi32>], vector<16xf32>,
        tpu.vector_store_idx %arg11[%add3A_115, %add3A_135, %add3A_1368], %gather3A_1382 : memref<16x4x513xf32, #tpu.memory_space<vmem>>[vector<16xi32>, vector<16xi32>, vector<16xi32>], vector<16xf32>,
        %gather3A_1383 = tpu.vector_load_idx %arg6[%get3A_1364, %add3A_120] : memref<512x16xf32, #tpu.memory_space<vmem>>[vector<16xi32>, vector<16xi32>], vector<16xf32>,
        tpu.vector_store_idx %arg11[%add3A_120, %add3A_135, %add3A_1368], %gather3A_1383 : memref<16x4x513xf32, #tpu.memory_space<vmem>>[vector<16xi32>, vector<16xi32>, vector<16xi32>], vector<16xf32>,
      }
      %scan3A_1090 = arith.constant 32 : i32
      %scan3A_1091 = arith.constant 0 : i32
      %scan3A_1092 = arith.constant 0 : i32
      %scan3A_1093 = arith.constant 32 : i32
      %scan3A_1094 = arith.addi %scan3A_1092, %scan3A_1093 : i32
      %scan3A_1095 = arith.constant 1 : i32
      scf.for %scan3A_1358 = %scan3A_1092 to %scan3A_1094 step %scan3A_1095  : i32 {
        %mul3A_1359 = arith.constant 16 : i32
        %mul3A_1360 = arith.muli %scan3A_1358, %mul3A_1359 : i32
        %get3A_1361 = arith.constant 3 : i32
        %get3A_1362 = arith.index_cast %get3A_1361 : i32 to index
        %get3A_1363 = arith.index_cast %mul3A_1360 : i32 to index
        %get3A_1364 = tpu.vector_load %arg9[%get3A_1362, %get3A_1363] {strides = array<i32>} : memref<4x512xi32, #tpu.memory_space<vmem>>, vector<16xi32>,
        %add3A_1365 = arith.constant 1 : i32
        %add3A_1366 = arith.addi %mul3A_1360, %add3A_1365 : i32
        %add3A_1367 = vector.broadcast %add3A_1366 : i32 to vector<16xi32>
        %add3A_1368 = arith.addi %iota3A, %add3A_1367 : vector<16xi32>
        %gather3A = tpu.vector_load_idx %arg6[%get3A_1364, %add3A_45] : memref<512x16xf32, #tpu.memory_space<vmem>>[vector<16xi32>, vector<16xi32>], vector<16xf32>,
        tpu.vector_store_idx %arg11[%add3A_45, %add3A_140, %add3A_1368], %gather3A : memref<16x4x513xf32, #tpu.memory_space<vmem>>[vector<16xi32>, vector<16xi32>, vector<16xi32>], vector<16xf32>,
        %gather3A_1369 = tpu.vector_load_idx %arg6[%get3A_1364, %add3A_50] : memref<512x16xf32, #tpu.memory_space<vmem>>[vector<16xi32>, vector<16xi32>], vector<16xf32>,
        tpu.vector_store_idx %arg11[%add3A_50, %add3A_140, %add3A_1368], %gather3A_1369 : memref<16x4x513xf32, #tpu.memory_space<vmem>>[vector<16xi32>, vector<16xi32>, vector<16xi32>], vector<16xf32>,
        %gather3A_1370 = tpu.vector_load_idx %arg6[%get3A_1364, %add3A_55] : memref<512x16xf32, #tpu.memory_space<vmem>>[vector<16xi32>, vector<16xi32>], vector<16xf32>,
        tpu.vector_store_idx %arg11[%add3A_55, %add3A_140, %add3A_1368], %gather3A_1370 : memref<16x4x513xf32, #tpu.memory_space<vmem>>[vector<16xi32>, vector<16xi32>, vector<16xi32>], vector<16xf32>,
        %gather3A_1371 = tpu.vector_load_idx %arg6[%get3A_1364, %add3A_60] : memref<512x16xf32, #tpu.memory_space<vmem>>[vector<16xi32>, vector<16xi32>], vector<16xf32>,
        tpu.vector_store_idx %arg11[%add3A_60, %add3A_140, %add3A_1368], %gather3A_1371 : memref<16x4x513xf32, #tpu.memory_space<vmem>>[vector<16xi32>, vector<16xi32>, vector<16xi32>], vector<16xf32>,
        %gather3A_1372 = tpu.vector_load_idx %arg6[%get3A_1364, %add3A_65] : memref<512x16xf32, #tpu.memory_space<vmem>>[vector<16xi32>, vector<16xi32>], vector<16xf32>,
        tpu.vector_store_idx %arg11[%add3A_65, %add3A_140, %add3A_1368], %gather3A_1372 : memref<16x4x513xf32, #tpu.memory_space<vmem>>[vector<16xi32>, vector<16xi32>, vector<16xi32>], vector<16xf32>,
        %gather3A_1373 = tpu.vector_load_idx %arg6[%get3A_1364, %add3A_70] : memref<512x16xf32, #tpu.memory_space<vmem>>[vector<16xi32>, vector<16xi32>], vector<16xf32>,
        tpu.vector_store_idx %arg11[%add3A_70, %add3A_140, %add3A_1368], %gather3A_1373 : memref<16x4x513xf32, #tpu.memory_space<vmem>>[vector<16xi32>, vector<16xi32>, vector<16xi32>], vector<16xf32>,
        %gather3A_1374 = tpu.vector_load_idx %arg6[%get3A_1364, %add3A_75] : memref<512x16xf32, #tpu.memory_space<vmem>>[vector<16xi32>, vector<16xi32>], vector<16xf32>,
        tpu.vector_store_idx %arg11[%add3A_75, %add3A_140, %add3A_1368], %gather3A_1374 : memref<16x4x513xf32, #tpu.memory_space<vmem>>[vector<16xi32>, vector<16xi32>, vector<16xi32>], vector<16xf32>,
        %gather3A_1375 = tpu.vector_load_idx %arg6[%get3A_1364, %add3A_80] : memref<512x16xf32, #tpu.memory_space<vmem>>[vector<16xi32>, vector<16xi32>], vector<16xf32>,
        tpu.vector_store_idx %arg11[%add3A_80, %add3A_140, %add3A_1368], %gather3A_1375 : memref<16x4x513xf32, #tpu.memory_space<vmem>>[vector<16xi32>, vector<16xi32>, vector<16xi32>], vector<16xf32>,
        %gather3A_1376 = tpu.vector_load_idx %arg6[%get3A_1364, %add3A_85] : memref<512x16xf32, #tpu.memory_space<vmem>>[vector<16xi32>, vector<16xi32>], vector<16xf32>,
        tpu.vector_store_idx %arg11[%add3A_85, %add3A_140, %add3A_1368], %gather3A_1376 : memref<16x4x513xf32, #tpu.memory_space<vmem>>[vector<16xi32>, vector<16xi32>, vector<16xi32>], vector<16xf32>,
        %gather3A_1377 = tpu.vector_load_idx %arg6[%get3A_1364, %add3A_90] : memref<512x16xf32, #tpu.memory_space<vmem>>[vector<16xi32>, vector<16xi32>], vector<16xf32>,
        tpu.vector_store_idx %arg11[%add3A_90, %add3A_140, %add3A_1368], %gather3A_1377 : memref<16x4x513xf32, #tpu.memory_space<vmem>>[vector<16xi32>, vector<16xi32>, vector<16xi32>], vector<16xf32>,
        %gather3A_1378 = tpu.vector_load_idx %arg6[%get3A_1364, %add3A_95] : memref<512x16xf32, #tpu.memory_space<vmem>>[vector<16xi32>, vector<16xi32>], vector<16xf32>,
        tpu.vector_store_idx %arg11[%add3A_95, %add3A_140, %add3A_1368], %gather3A_1378 : memref<16x4x513xf32, #tpu.memory_space<vmem>>[vector<16xi32>, vector<16xi32>, vector<16xi32>], vector<16xf32>,
        %gather3A_1379 = tpu.vector_load_idx %arg6[%get3A_1364, %add3A_100] : memref<512x16xf32, #tpu.memory_space<vmem>>[vector<16xi32>, vector<16xi32>], vector<16xf32>,
        tpu.vector_store_idx %arg11[%add3A_100, %add3A_140, %add3A_1368], %gather3A_1379 : memref<16x4x513xf32, #tpu.memory_space<vmem>>[vector<16xi32>, vector<16xi32>, vector<16xi32>], vector<16xf32>,
        %gather3A_1380 = tpu.vector_load_idx %arg6[%get3A_1364, %add3A_105] : memref<512x16xf32, #tpu.memory_space<vmem>>[vector<16xi32>, vector<16xi32>], vector<16xf32>,
        tpu.vector_store_idx %arg11[%add3A_105, %add3A_140, %add3A_1368], %gather3A_1380 : memref<16x4x513xf32, #tpu.memory_space<vmem>>[vector<16xi32>, vector<16xi32>, vector<16xi32>], vector<16xf32>,
        %gather3A_1381 = tpu.vector_load_idx %arg6[%get3A_1364, %add3A_110] : memref<512x16xf32, #tpu.memory_space<vmem>>[vector<16xi32>, vector<16xi32>], vector<16xf32>,
        tpu.vector_store_idx %arg11[%add3A_110, %add3A_140, %add3A_1368], %gather3A_1381 : memref<16x4x513xf32, #tpu.memory_space<vmem>>[vector<16xi32>, vector<16xi32>, vector<16xi32>], vector<16xf32>,
        %gather3A_1382 = tpu.vector_load_idx %arg6[%get3A_1364, %add3A_115] : memref<512x16xf32, #tpu.memory_space<vmem>>[vector<16xi32>, vector<16xi32>], vector<16xf32>,
        tpu.vector_store_idx %arg11[%add3A_115, %add3A_140, %add3A_1368], %gather3A_1382 : memref<16x4x513xf32, #tpu.memory_space<vmem>>[vector<16xi32>, vector<16xi32>, vector<16xi32>], vector<16xf32>,
        %gather3A_1383 = tpu.vector_load_idx %arg6[%get3A_1364, %add3A_120] : memref<512x16xf32, #tpu.memory_space<vmem>>[vector<16xi32>, vector<16xi32>], vector<16xf32>,
        tpu.vector_store_idx %arg11[%add3A_120, %add3A_140, %add3A_1368], %gather3A_1383 : memref<16x4x513xf32, #tpu.memory_space<vmem>>[vector<16xi32>, vector<16xi32>, vector<16xi32>], vector<16xf32>,
      }
      %scan3A_1096 = arith.constant 32 : i32
      %mul3A_1097 = arith.constant 4 : i32
      %mul3A_1098 = arith.muli %add3A_1046, %mul3A_1097 : i32
      %add3A_1099 = arith.addi %mul3A_32, %mul3A_1098 : i32
      %add3A_1100 = arith.constant 1 : i32
      %add3A_1101 = arith.addi %add3A_1099, %add3A_1100 : i32
      %dma_start3A_1102 = arith.constant 0 : i32
      %dma_start3A_1103 = arith.constant 0 : i32
      %dma_start3A_1104 = arith.constant 0 : i32
      %dma_start3A_1105 = arith.constant 0 : i32
      %dma_start3A_1106 = tpu.memref_slice %arg11[%dma_start3A_1102, %dma_start3A_1104, %dma_start3A_1105] : memref<16x4x513xf32, #tpu.memory_space<vmem>> -> memref<1x4x513xf32, #tpu.memory_space<vmem>>
      %dma_start3A_1107 = tpu.memref_squeeze %dma_start3A_1106 : memref<1x4x513xf32, #tpu.memory_space<vmem>> -> memref<4x513xf32, #tpu.memory_space<vmem>>
      %dma_start3A_1108 = arith.constant 0 : i32
      %dma_start3A_1109 = tpu.memref_slice %arg5[%select_n3A, %dma_start3A_1103, %add3A_1101, %dma_start3A_1108] : memref<8x16x513x513xf32, #tpu.memory_space<hbm>> -> memref<1x1x4x513xf32, #tpu.memory_space<hbm>>
      %dma_start3A_1110 = tpu.memref_squeeze %dma_start3A_1109 : memref<1x1x4x513xf32, #tpu.memory_space<hbm>> -> memref<4x513xf32, #tpu.memory_space<hbm>>
      %dma_start3A_1111 = arith.constant 0 : i32
      %dma_start3A_1112 = tpu.memref_slice %arg5[%select_n3A, %dma_start3A_1103, %add3A_1101, %dma_start3A_1111] : memref<8x16x513x513xf32, #tpu.memory_space<hbm>> -> memref<1x1x4x513xf32, #tpu.memory_space<hbm>>
      %dma_start3A_1113 = tpu.memref_squeeze %dma_start3A_1112 : memref<1x1x4x513xf32, #tpu.memory_space<hbm>> -> memref<4x513xf32, #tpu.memory_space<hbm>>
      %dma_start3A_1114 = arith.constant 0 : i32
      %dma_start3A_1115 = arith.constant 0 : i32
      %dma_start3A_1116 = tpu.memref_slice %arg11[%dma_start3A_1102, %dma_start3A_1114, %dma_start3A_1115] : memref<16x4x513xf32, #tpu.memory_space<vmem>> -> memref<1x4x513xf32, #tpu.memory_space<vmem>>
      %dma_start3A_1117 = tpu.memref_squeeze %dma_start3A_1116 : memref<1x4x513xf32, #tpu.memory_space<vmem>> -> memref<4x513xf32, #tpu.memory_space<vmem>>
      tpu.enqueue_dma source(%dma_start3A_1117 : memref<4x513xf32, #tpu.memory_space<vmem>>) target(%dma_start3A_1113 : memref<4x513xf32, #tpu.memory_space<hbm>>) target_semaphore(%arg16 : memref<!tpu.dma_semaphore, #tpu.memory_space<semaphore_mem>>)
      %dma_start3A_1118 = arith.constant 1 : i32
      %dma_start3A_1119 = arith.constant 1 : i32
      %dma_start3A_1120 = arith.constant 0 : i32
      %dma_start3A_1121 = arith.constant 0 : i32
      %dma_start3A_1122 = tpu.memref_slice %arg11[%dma_start3A_1118, %dma_start3A_1120, %dma_start3A_1121] : memref<16x4x513xf32, #tpu.memory_space<vmem>> -> memref<1x4x513xf32, #tpu.memory_space<vmem>>
      %dma_start3A_1123 = tpu.memref_squeeze %dma_start3A_1122 : memref<1x4x513xf32, #tpu.memory_space<vmem>> -> memref<4x513xf32, #tpu.memory_space<vmem>>
      %dma_start3A_1124 = arith.constant 0 : i32
      %dma_start3A_1125 = tpu.memref_slice %arg5[%select_n3A, %dma_start3A_1119, %add3A_1101, %dma_start3A_1124] : memref<8x16x513x513xf32, #tpu.memory_space<hbm>> -> memref<1x1x4x513xf32, #tpu.memory_space<hbm>>
      %dma_start3A_1126 = tpu.memref_squeeze %dma_start3A_1125 : memref<1x1x4x513xf32, #tpu.memory_space<hbm>> -> memref<4x513xf32, #tpu.memory_space<hbm>>
      %dma_start3A_1127 = arith.constant 0 : i32
      %dma_start3A_1128 = tpu.memref_slice %arg5[%select_n3A, %dma_start3A_1119, %add3A_1101, %dma_start3A_1127] : memref<8x16x513x513xf32, #tpu.memory_space<hbm>> -> memref<1x1x4x513xf32, #tpu.memory_space<hbm>>
      %dma_start3A_1129 = tpu.memref_squeeze %dma_start3A_1128 : memref<1x1x4x513xf32, #tpu.memory_space<hbm>> -> memref<4x513xf32, #tpu.memory_space<hbm>>
      %dma_start3A_1130 = arith.constant 0 : i32
      %dma_start3A_1131 = arith.constant 0 : i32
      %dma_start3A_1132 = tpu.memref_slice %arg11[%dma_start3A_1118, %dma_start3A_1130, %dma_start3A_1131] : memref<16x4x513xf32, #tpu.memory_space<vmem>> -> memref<1x4x513xf32, #tpu.memory_space<vmem>>
      %dma_start3A_1133 = tpu.memref_squeeze %dma_start3A_1132 : memref<1x4x513xf32, #tpu.memory_space<vmem>> -> memref<4x513xf32, #tpu.memory_space<vmem>>
      tpu.enqueue_dma source(%dma_start3A_1133 : memref<4x513xf32, #tpu.memory_space<vmem>>) target(%dma_start3A_1129 : memref<4x513xf32, #tpu.memory_space<hbm>>) target_semaphore(%arg16 : memref<!tpu.dma_semaphore, #tpu.memory_space<semaphore_mem>>)
      %dma_start3A_1134 = arith.constant 2 : i32
      %dma_start3A_1135 = arith.constant 2 : i32
      %dma_start3A_1136 = arith.constant 0 : i32
      %dma_start3A_1137 = arith.constant 0 : i32
      %dma_start3A_1138 = tpu.memref_slice %arg11[%dma_start3A_1134, %dma_start3A_1136, %dma_start3A_1137] : memref<16x4x513xf32, #tpu.memory_space<vmem>> -> memref<1x4x513xf32, #tpu.memory_space<vmem>>
      %dma_start3A_1139 = tpu.memref_squeeze %dma_start3A_1138 : memref<1x4x513xf32, #tpu.memory_space<vmem>> -> memref<4x513xf32, #tpu.memory_space<vmem>>
      %dma_start3A_1140 = arith.constant 0 : i32
      %dma_start3A_1141 = tpu.memref_slice %arg5[%select_n3A, %dma_start3A_1135, %add3A_1101, %dma_start3A_1140] : memref<8x16x513x513xf32, #tpu.memory_space<hbm>> -> memref<1x1x4x513xf32, #tpu.memory_space<hbm>>
      %dma_start3A_1142 = tpu.memref_squeeze %dma_start3A_1141 : memref<1x1x4x513xf32, #tpu.memory_space<hbm>> -> memref<4x513xf32, #tpu.memory_space<hbm>>
      %dma_start3A_1143 = arith.constant 0 : i32
      %dma_start3A_1144 = tpu.memref_slice %arg5[%select_n3A, %dma_start3A_1135, %add3A_1101, %dma_start3A_1143] : memref<8x16x513x513xf32, #tpu.memory_space<hbm>> -> memref<1x1x4x513xf32, #tpu.memory_space<hbm>>
      %dma_start3A_1145 = tpu.memref_squeeze %dma_start3A_1144 : memref<1x1x4x513xf32, #tpu.memory_space<hbm>> -> memref<4x513xf32, #tpu.memory_space<hbm>>
      %dma_start3A_1146 = arith.constant 0 : i32
      %dma_start3A_1147 = arith.constant 0 : i32
      %dma_start3A_1148 = tpu.memref_slice %arg11[%dma_start3A_1134, %dma_start3A_1146, %dma_start3A_1147] : memref<16x4x513xf32, #tpu.memory_space<vmem>> -> memref<1x4x513xf32, #tpu.memory_space<vmem>>
      %dma_start3A_1149 = tpu.memref_squeeze %dma_start3A_1148 : memref<1x4x513xf32, #tpu.memory_space<vmem>> -> memref<4x513xf32, #tpu.memory_space<vmem>>
      tpu.enqueue_dma source(%dma_start3A_1149 : memref<4x513xf32, #tpu.memory_space<vmem>>) target(%dma_start3A_1145 : memref<4x513xf32, #tpu.memory_space<hbm>>) target_semaphore(%arg16 : memref<!tpu.dma_semaphore, #tpu.memory_space<semaphore_mem>>)
      %dma_start3A_1150 = arith.constant 3 : i32
      %dma_start3A_1151 = arith.constant 3 : i32
      %dma_start3A_1152 = arith.constant 0 : i32
      %dma_start3A_1153 = arith.constant 0 : i32
      %dma_start3A_1154 = tpu.memref_slice %arg11[%dma_start3A_1150, %dma_start3A_1152, %dma_start3A_1153] : memref<16x4x513xf32, #tpu.memory_space<vmem>> -> memref<1x4x513xf32, #tpu.memory_space<vmem>>
      %dma_start3A_1155 = tpu.memref_squeeze %dma_start3A_1154 : memref<1x4x513xf32, #tpu.memory_space<vmem>> -> memref<4x513xf32, #tpu.memory_space<vmem>>
      %dma_start3A_1156 = arith.constant 0 : i32
      %dma_start3A_1157 = tpu.memref_slice %arg5[%select_n3A, %dma_start3A_1151, %add3A_1101, %dma_start3A_1156] : memref<8x16x513x513xf32, #tpu.memory_space<hbm>> -> memref<1x1x4x513xf32, #tpu.memory_space<hbm>>
      %dma_start3A_1158 = tpu.memref_squeeze %dma_start3A_1157 : memref<1x1x4x513xf32, #tpu.memory_space<hbm>> -> memref<4x513xf32, #tpu.memory_space<hbm>>
      %dma_start3A_1159 = arith.constant 0 : i32
      %dma_start3A_1160 = tpu.memref_slice %arg5[%select_n3A, %dma_start3A_1151, %add3A_1101, %dma_start3A_1159] : memref<8x16x513x513xf32, #tpu.memory_space<hbm>> -> memref<1x1x4x513xf32, #tpu.memory_space<hbm>>
      %dma_start3A_1161 = tpu.memref_squeeze %dma_start3A_1160 : memref<1x1x4x513xf32, #tpu.memory_space<hbm>> -> memref<4x513xf32, #tpu.memory_space<hbm>>
      %dma_start3A_1162 = arith.constant 0 : i32
      %dma_start3A_1163 = arith.constant 0 : i32
      %dma_start3A_1164 = tpu.memref_slice %arg11[%dma_start3A_1150, %dma_start3A_1162, %dma_start3A_1163] : memref<16x4x513xf32, #tpu.memory_space<vmem>> -> memref<1x4x513xf32, #tpu.memory_space<vmem>>
      %dma_start3A_1165 = tpu.memref_squeeze %dma_start3A_1164 : memref<1x4x513xf32, #tpu.memory_space<vmem>> -> memref<4x513xf32, #tpu.memory_space<vmem>>
      tpu.enqueue_dma source(%dma_start3A_1165 : memref<4x513xf32, #tpu.memory_space<vmem>>) target(%dma_start3A_1161 : memref<4x513xf32, #tpu.memory_space<hbm>>) target_semaphore(%arg16 : memref<!tpu.dma_semaphore, #tpu.memory_space<semaphore_mem>>)
      %dma_start3A_1166 = arith.constant 4 : i32
      %dma_start3A_1167 = arith.constant 4 : i32
      %dma_start3A_1168 = arith.constant 0 : i32
      %dma_start3A_1169 = arith.constant 0 : i32
      %dma_start3A_1170 = tpu.memref_slice %arg11[%dma_start3A_1166, %dma_start3A_1168, %dma_start3A_1169] : memref<16x4x513xf32, #tpu.memory_space<vmem>> -> memref<1x4x513xf32, #tpu.memory_space<vmem>>
      %dma_start3A_1171 = tpu.memref_squeeze %dma_start3A_1170 : memref<1x4x513xf32, #tpu.memory_space<vmem>> -> memref<4x513xf32, #tpu.memory_space<vmem>>
      %dma_start3A_1172 = arith.constant 0 : i32
      %dma_start3A_1173 = tpu.memref_slice %arg5[%select_n3A, %dma_start3A_1167, %add3A_1101, %dma_start3A_1172] : memref<8x16x513x513xf32, #tpu.memory_space<hbm>> -> memref<1x1x4x513xf32, #tpu.memory_space<hbm>>
      %dma_start3A_1174 = tpu.memref_squeeze %dma_start3A_1173 : memref<1x1x4x513xf32, #tpu.memory_space<hbm>> -> memref<4x513xf32, #tpu.memory_space<hbm>>
      %dma_start3A_1175 = arith.constant 0 : i32
      %dma_start3A_1176 = tpu.memref_slice %arg5[%select_n3A, %dma_start3A_1167, %add3A_1101, %dma_start3A_1175] : memref<8x16x513x513xf32, #tpu.memory_space<hbm>> -> memref<1x1x4x513xf32, #tpu.memory_space<hbm>>
      %dma_start3A_1177 = tpu.memref_squeeze %dma_start3A_1176 : memref<1x1x4x513xf32, #tpu.memory_space<hbm>> -> memref<4x513xf32, #tpu.memory_space<hbm>>
      %dma_start3A_1178 = arith.constant 0 : i32
      %dma_start3A_1179 = arith.constant 0 : i32
      %dma_start3A_1180 = tpu.memref_slice %arg11[%dma_start3A_1166, %dma_start3A_1178, %dma_start3A_1179] : memref<16x4x513xf32, #tpu.memory_space<vmem>> -> memref<1x4x513xf32, #tpu.memory_space<vmem>>
      %dma_start3A_1181 = tpu.memref_squeeze %dma_start3A_1180 : memref<1x4x513xf32, #tpu.memory_space<vmem>> -> memref<4x513xf32, #tpu.memory_space<vmem>>
      tpu.enqueue_dma source(%dma_start3A_1181 : memref<4x513xf32, #tpu.memory_space<vmem>>) target(%dma_start3A_1177 : memref<4x513xf32, #tpu.memory_space<hbm>>) target_semaphore(%arg16 : memref<!tpu.dma_semaphore, #tpu.memory_space<semaphore_mem>>)
      %dma_start3A_1182 = arith.constant 5 : i32
      %dma_start3A_1183 = arith.constant 5 : i32
      %dma_start3A_1184 = arith.constant 0 : i32
      %dma_start3A_1185 = arith.constant 0 : i32
      %dma_start3A_1186 = tpu.memref_slice %arg11[%dma_start3A_1182, %dma_start3A_1184, %dma_start3A_1185] : memref<16x4x513xf32, #tpu.memory_space<vmem>> -> memref<1x4x513xf32, #tpu.memory_space<vmem>>
      %dma_start3A_1187 = tpu.memref_squeeze %dma_start3A_1186 : memref<1x4x513xf32, #tpu.memory_space<vmem>> -> memref<4x513xf32, #tpu.memory_space<vmem>>
      %dma_start3A_1188 = arith.constant 0 : i32
      %dma_start3A_1189 = tpu.memref_slice %arg5[%select_n3A, %dma_start3A_1183, %add3A_1101, %dma_start3A_1188] : memref<8x16x513x513xf32, #tpu.memory_space<hbm>> -> memref<1x1x4x513xf32, #tpu.memory_space<hbm>>
      %dma_start3A_1190 = tpu.memref_squeeze %dma_start3A_1189 : memref<1x1x4x513xf32, #tpu.memory_space<hbm>> -> memref<4x513xf32, #tpu.memory_space<hbm>>
      %dma_start3A_1191 = arith.constant 0 : i32
      %dma_start3A_1192 = tpu.memref_slice %arg5[%select_n3A, %dma_start3A_1183, %add3A_1101, %dma_start3A_1191] : memref<8x16x513x513xf32, #tpu.memory_space<hbm>> -> memref<1x1x4x513xf32, #tpu.memory_space<hbm>>
      %dma_start3A_1193 = tpu.memref_squeeze %dma_start3A_1192 : memref<1x1x4x513xf32, #tpu.memory_space<hbm>> -> memref<4x513xf32, #tpu.memory_space<hbm>>
      %dma_start3A_1194 = arith.constant 0 : i32
      %dma_start3A_1195 = arith.constant 0 : i32
      %dma_start3A_1196 = tpu.memref_slice %arg11[%dma_start3A_1182, %dma_start3A_1194, %dma_start3A_1195] : memref<16x4x513xf32, #tpu.memory_space<vmem>> -> memref<1x4x513xf32, #tpu.memory_space<vmem>>
      %dma_start3A_1197 = tpu.memref_squeeze %dma_start3A_1196 : memref<1x4x513xf32, #tpu.memory_space<vmem>> -> memref<4x513xf32, #tpu.memory_space<vmem>>
      tpu.enqueue_dma source(%dma_start3A_1197 : memref<4x513xf32, #tpu.memory_space<vmem>>) target(%dma_start3A_1193 : memref<4x513xf32, #tpu.memory_space<hbm>>) target_semaphore(%arg16 : memref<!tpu.dma_semaphore, #tpu.memory_space<semaphore_mem>>)
      %dma_start3A_1198 = arith.constant 6 : i32
      %dma_start3A_1199 = arith.constant 6 : i32
      %dma_start3A_1200 = arith.constant 0 : i32
      %dma_start3A_1201 = arith.constant 0 : i32
      %dma_start3A_1202 = tpu.memref_slice %arg11[%dma_start3A_1198, %dma_start3A_1200, %dma_start3A_1201] : memref<16x4x513xf32, #tpu.memory_space<vmem>> -> memref<1x4x513xf32, #tpu.memory_space<vmem>>
      %dma_start3A_1203 = tpu.memref_squeeze %dma_start3A_1202 : memref<1x4x513xf32, #tpu.memory_space<vmem>> -> memref<4x513xf32, #tpu.memory_space<vmem>>
      %dma_start3A_1204 = arith.constant 0 : i32
      %dma_start3A_1205 = tpu.memref_slice %arg5[%select_n3A, %dma_start3A_1199, %add3A_1101, %dma_start3A_1204] : memref<8x16x513x513xf32, #tpu.memory_space<hbm>> -> memref<1x1x4x513xf32, #tpu.memory_space<hbm>>
      %dma_start3A_1206 = tpu.memref_squeeze %dma_start3A_1205 : memref<1x1x4x513xf32, #tpu.memory_space<hbm>> -> memref<4x513xf32, #tpu.memory_space<hbm>>
      %dma_start3A_1207 = arith.constant 0 : i32
      %dma_start3A_1208 = tpu.memref_slice %arg5[%select_n3A, %dma_start3A_1199, %add3A_1101, %dma_start3A_1207] : memref<8x16x513x513xf32, #tpu.memory_space<hbm>> -> memref<1x1x4x513xf32, #tpu.memory_space<hbm>>
      %dma_start3A_1209 = tpu.memref_squeeze %dma_start3A_1208 : memref<1x1x4x513xf32, #tpu.memory_space<hbm>> -> memref<4x513xf32, #tpu.memory_space<hbm>>
      %dma_start3A_1210 = arith.constant 0 : i32
      %dma_start3A_1211 = arith.constant 0 : i32
      %dma_start3A_1212 = tpu.memref_slice %arg11[%dma_start3A_1198, %dma_start3A_1210, %dma_start3A_1211] : memref<16x4x513xf32, #tpu.memory_space<vmem>> -> memref<1x4x513xf32, #tpu.memory_space<vmem>>
      %dma_start3A_1213 = tpu.memref_squeeze %dma_start3A_1212 : memref<1x4x513xf32, #tpu.memory_space<vmem>> -> memref<4x513xf32, #tpu.memory_space<vmem>>
      tpu.enqueue_dma source(%dma_start3A_1213 : memref<4x513xf32, #tpu.memory_space<vmem>>) target(%dma_start3A_1209 : memref<4x513xf32, #tpu.memory_space<hbm>>) target_semaphore(%arg16 : memref<!tpu.dma_semaphore, #tpu.memory_space<semaphore_mem>>)
      %dma_start3A_1214 = arith.constant 7 : i32
      %dma_start3A_1215 = arith.constant 7 : i32
      %dma_start3A_1216 = arith.constant 0 : i32
      %dma_start3A_1217 = arith.constant 0 : i32
      %dma_start3A_1218 = tpu.memref_slice %arg11[%dma_start3A_1214, %dma_start3A_1216, %dma_start3A_1217] : memref<16x4x513xf32, #tpu.memory_space<vmem>> -> memref<1x4x513xf32, #tpu.memory_space<vmem>>
      %dma_start3A_1219 = tpu.memref_squeeze %dma_start3A_1218 : memref<1x4x513xf32, #tpu.memory_space<vmem>> -> memref<4x513xf32, #tpu.memory_space<vmem>>
      %dma_start3A_1220 = arith.constant 0 : i32
      %dma_start3A_1221 = tpu.memref_slice %arg5[%select_n3A, %dma_start3A_1215, %add3A_1101, %dma_start3A_1220] : memref<8x16x513x513xf32, #tpu.memory_space<hbm>> -> memref<1x1x4x513xf32, #tpu.memory_space<hbm>>
      %dma_start3A_1222 = tpu.memref_squeeze %dma_start3A_1221 : memref<1x1x4x513xf32, #tpu.memory_space<hbm>> -> memref<4x513xf32, #tpu.memory_space<hbm>>
      %dma_start3A_1223 = arith.constant 0 : i32
      %dma_start3A_1224 = tpu.memref_slice %arg5[%select_n3A, %dma_start3A_1215, %add3A_1101, %dma_start3A_1223] : memref<8x16x513x513xf32, #tpu.memory_space<hbm>> -> memref<1x1x4x513xf32, #tpu.memory_space<hbm>>
      %dma_start3A_1225 = tpu.memref_squeeze %dma_start3A_1224 : memref<1x1x4x513xf32, #tpu.memory_space<hbm>> -> memref<4x513xf32, #tpu.memory_space<hbm>>
      %dma_start3A_1226 = arith.constant 0 : i32
      %dma_start3A_1227 = arith.constant 0 : i32
      %dma_start3A_1228 = tpu.memref_slice %arg11[%dma_start3A_1214, %dma_start3A_1226, %dma_start3A_1227] : memref<16x4x513xf32, #tpu.memory_space<vmem>> -> memref<1x4x513xf32, #tpu.memory_space<vmem>>
      %dma_start3A_1229 = tpu.memref_squeeze %dma_start3A_1228 : memref<1x4x513xf32, #tpu.memory_space<vmem>> -> memref<4x513xf32, #tpu.memory_space<vmem>>
      tpu.enqueue_dma source(%dma_start3A_1229 : memref<4x513xf32, #tpu.memory_space<vmem>>) target(%dma_start3A_1225 : memref<4x513xf32, #tpu.memory_space<hbm>>) target_semaphore(%arg16 : memref<!tpu.dma_semaphore, #tpu.memory_space<semaphore_mem>>)
      %dma_start3A_1230 = arith.constant 8 : i32
      %dma_start3A_1231 = arith.constant 8 : i32
      %dma_start3A_1232 = arith.constant 0 : i32
      %dma_start3A_1233 = arith.constant 0 : i32
      %dma_start3A_1234 = tpu.memref_slice %arg11[%dma_start3A_1230, %dma_start3A_1232, %dma_start3A_1233] : memref<16x4x513xf32, #tpu.memory_space<vmem>> -> memref<1x4x513xf32, #tpu.memory_space<vmem>>
      %dma_start3A_1235 = tpu.memref_squeeze %dma_start3A_1234 : memref<1x4x513xf32, #tpu.memory_space<vmem>> -> memref<4x513xf32, #tpu.memory_space<vmem>>
      %dma_start3A_1236 = arith.constant 0 : i32
      %dma_start3A_1237 = tpu.memref_slice %arg5[%select_n3A, %dma_start3A_1231, %add3A_1101, %dma_start3A_1236] : memref<8x16x513x513xf32, #tpu.memory_space<hbm>> -> memref<1x1x4x513xf32, #tpu.memory_space<hbm>>
      %dma_start3A_1238 = tpu.memref_squeeze %dma_start3A_1237 : memref<1x1x4x513xf32, #tpu.memory_space<hbm>> -> memref<4x513xf32, #tpu.memory_space<hbm>>
      %dma_start3A_1239 = arith.constant 0 : i32
      %dma_start3A_1240 = tpu.memref_slice %arg5[%select_n3A, %dma_start3A_1231, %add3A_1101, %dma_start3A_1239] : memref<8x16x513x513xf32, #tpu.memory_space<hbm>> -> memref<1x1x4x513xf32, #tpu.memory_space<hbm>>
      %dma_start3A_1241 = tpu.memref_squeeze %dma_start3A_1240 : memref<1x1x4x513xf32, #tpu.memory_space<hbm>> -> memref<4x513xf32, #tpu.memory_space<hbm>>
      %dma_start3A_1242 = arith.constant 0 : i32
      %dma_start3A_1243 = arith.constant 0 : i32
      %dma_start3A_1244 = tpu.memref_slice %arg11[%dma_start3A_1230, %dma_start3A_1242, %dma_start3A_1243] : memref<16x4x513xf32, #tpu.memory_space<vmem>> -> memref<1x4x513xf32, #tpu.memory_space<vmem>>
      %dma_start3A_1245 = tpu.memref_squeeze %dma_start3A_1244 : memref<1x4x513xf32, #tpu.memory_space<vmem>> -> memref<4x513xf32, #tpu.memory_space<vmem>>
      tpu.enqueue_dma source(%dma_start3A_1245 : memref<4x513xf32, #tpu.memory_space<vmem>>) target(%dma_start3A_1241 : memref<4x513xf32, #tpu.memory_space<hbm>>) target_semaphore(%arg16 : memref<!tpu.dma_semaphore, #tpu.memory_space<semaphore_mem>>)
      %dma_start3A_1246 = arith.constant 9 : i32
      %dma_start3A_1247 = arith.constant 9 : i32
      %dma_start3A_1248 = arith.constant 0 : i32
      %dma_start3A_1249 = arith.constant 0 : i32
      %dma_start3A_1250 = tpu.memref_slice %arg11[%dma_start3A_1246, %dma_start3A_1248, %dma_start3A_1249] : memref<16x4x513xf32, #tpu.memory_space<vmem>> -> memref<1x4x513xf32, #tpu.memory_space<vmem>>
      %dma_start3A_1251 = tpu.memref_squeeze %dma_start3A_1250 : memref<1x4x513xf32, #tpu.memory_space<vmem>> -> memref<4x513xf32, #tpu.memory_space<vmem>>
      %dma_start3A_1252 = arith.constant 0 : i32
      %dma_start3A_1253 = tpu.memref_slice %arg5[%select_n3A, %dma_start3A_1247, %add3A_1101, %dma_start3A_1252] : memref<8x16x513x513xf32, #tpu.memory_space<hbm>> -> memref<1x1x4x513xf32, #tpu.memory_space<hbm>>
      %dma_start3A_1254 = tpu.memref_squeeze %dma_start3A_1253 : memref<1x1x4x513xf32, #tpu.memory_space<hbm>> -> memref<4x513xf32, #tpu.memory_space<hbm>>
      %dma_start3A_1255 = arith.constant 0 : i32
      %dma_start3A_1256 = tpu.memref_slice %arg5[%select_n3A, %dma_start3A_1247, %add3A_1101, %dma_start3A_1255] : memref<8x16x513x513xf32, #tpu.memory_space<hbm>> -> memref<1x1x4x513xf32, #tpu.memory_space<hbm>>
      %dma_start3A_1257 = tpu.memref_squeeze %dma_start3A_1256 : memref<1x1x4x513xf32, #tpu.memory_space<hbm>> -> memref<4x513xf32, #tpu.memory_space<hbm>>
      %dma_start3A_1258 = arith.constant 0 : i32
      %dma_start3A_1259 = arith.constant 0 : i32
      %dma_start3A_1260 = tpu.memref_slice %arg11[%dma_start3A_1246, %dma_start3A_1258, %dma_start3A_1259] : memref<16x4x513xf32, #tpu.memory_space<vmem>> -> memref<1x4x513xf32, #tpu.memory_space<vmem>>
      %dma_start3A_1261 = tpu.memref_squeeze %dma_start3A_1260 : memref<1x4x513xf32, #tpu.memory_space<vmem>> -> memref<4x513xf32, #tpu.memory_space<vmem>>
      tpu.enqueue_dma source(%dma_start3A_1261 : memref<4x513xf32, #tpu.memory_space<vmem>>) target(%dma_start3A_1257 : memref<4x513xf32, #tpu.memory_space<hbm>>) target_semaphore(%arg16 : memref<!tpu.dma_semaphore, #tpu.memory_space<semaphore_mem>>)
      %dma_start3A_1262 = arith.constant 10 : i32
      %dma_start3A_1263 = arith.constant 10 : i32
      %dma_start3A_1264 = arith.constant 0 : i32
      %dma_start3A_1265 = arith.constant 0 : i32
      %dma_start3A_1266 = tpu.memref_slice %arg11[%dma_start3A_1262, %dma_start3A_1264, %dma_start3A_1265] : memref<16x4x513xf32, #tpu.memory_space<vmem>> -> memref<1x4x513xf32, #tpu.memory_space<vmem>>
      %dma_start3A_1267 = tpu.memref_squeeze %dma_start3A_1266 : memref<1x4x513xf32, #tpu.memory_space<vmem>> -> memref<4x513xf32, #tpu.memory_space<vmem>>
      %dma_start3A_1268 = arith.constant 0 : i32
      %dma_start3A_1269 = tpu.memref_slice %arg5[%select_n3A, %dma_start3A_1263, %add3A_1101, %dma_start3A_1268] : memref<8x16x513x513xf32, #tpu.memory_space<hbm>> -> memref<1x1x4x513xf32, #tpu.memory_space<hbm>>
      %dma_start3A_1270 = tpu.memref_squeeze %dma_start3A_1269 : memref<1x1x4x513xf32, #tpu.memory_space<hbm>> -> memref<4x513xf32, #tpu.memory_space<hbm>>
      %dma_start3A_1271 = arith.constant 0 : i32
      %dma_start3A_1272 = tpu.memref_slice %arg5[%select_n3A, %dma_start3A_1263, %add3A_1101, %dma_start3A_1271] : memref<8x16x513x513xf32, #tpu.memory_space<hbm>> -> memref<1x1x4x513xf32, #tpu.memory_space<hbm>>
      %dma_start3A_1273 = tpu.memref_squeeze %dma_start3A_1272 : memref<1x1x4x513xf32, #tpu.memory_space<hbm>> -> memref<4x513xf32, #tpu.memory_space<hbm>>
      %dma_start3A_1274 = arith.constant 0 : i32
      %dma_start3A_1275 = arith.constant 0 : i32
      %dma_start3A_1276 = tpu.memref_slice %arg11[%dma_start3A_1262, %dma_start3A_1274, %dma_start3A_1275] : memref<16x4x513xf32, #tpu.memory_space<vmem>> -> memref<1x4x513xf32, #tpu.memory_space<vmem>>
      %dma_start3A_1277 = tpu.memref_squeeze %dma_start3A_1276 : memref<1x4x513xf32, #tpu.memory_space<vmem>> -> memref<4x513xf32, #tpu.memory_space<vmem>>
      tpu.enqueue_dma source(%dma_start3A_1277 : memref<4x513xf32, #tpu.memory_space<vmem>>) target(%dma_start3A_1273 : memref<4x513xf32, #tpu.memory_space<hbm>>) target_semaphore(%arg16 : memref<!tpu.dma_semaphore, #tpu.memory_space<semaphore_mem>>)
      %dma_start3A_1278 = arith.constant 11 : i32
      %dma_start3A_1279 = arith.constant 11 : i32
      %dma_start3A_1280 = arith.constant 0 : i32
      %dma_start3A_1281 = arith.constant 0 : i32
      %dma_start3A_1282 = tpu.memref_slice %arg11[%dma_start3A_1278, %dma_start3A_1280, %dma_start3A_1281] : memref<16x4x513xf32, #tpu.memory_space<vmem>> -> memref<1x4x513xf32, #tpu.memory_space<vmem>>
      %dma_start3A_1283 = tpu.memref_squeeze %dma_start3A_1282 : memref<1x4x513xf32, #tpu.memory_space<vmem>> -> memref<4x513xf32, #tpu.memory_space<vmem>>
      %dma_start3A_1284 = arith.constant 0 : i32
      %dma_start3A_1285 = tpu.memref_slice %arg5[%select_n3A, %dma_start3A_1279, %add3A_1101, %dma_start3A_1284] : memref<8x16x513x513xf32, #tpu.memory_space<hbm>> -> memref<1x1x4x513xf32, #tpu.memory_space<hbm>>
      %dma_start3A_1286 = tpu.memref_squeeze %dma_start3A_1285 : memref<1x1x4x513xf32, #tpu.memory_space<hbm>> -> memref<4x513xf32, #tpu.memory_space<hbm>>
      %dma_start3A_1287 = arith.constant 0 : i32
      %dma_start3A_1288 = tpu.memref_slice %arg5[%select_n3A, %dma_start3A_1279, %add3A_1101, %dma_start3A_1287] : memref<8x16x513x513xf32, #tpu.memory_space<hbm>> -> memref<1x1x4x513xf32, #tpu.memory_space<hbm>>
      %dma_start3A_1289 = tpu.memref_squeeze %dma_start3A_1288 : memref<1x1x4x513xf32, #tpu.memory_space<hbm>> -> memref<4x513xf32, #tpu.memory_space<hbm>>
      %dma_start3A_1290 = arith.constant 0 : i32
      %dma_start3A_1291 = arith.constant 0 : i32
      %dma_start3A_1292 = tpu.memref_slice %arg11[%dma_start3A_1278, %dma_start3A_1290, %dma_start3A_1291] : memref<16x4x513xf32, #tpu.memory_space<vmem>> -> memref<1x4x513xf32, #tpu.memory_space<vmem>>
      %dma_start3A_1293 = tpu.memref_squeeze %dma_start3A_1292 : memref<1x4x513xf32, #tpu.memory_space<vmem>> -> memref<4x513xf32, #tpu.memory_space<vmem>>
      tpu.enqueue_dma source(%dma_start3A_1293 : memref<4x513xf32, #tpu.memory_space<vmem>>) target(%dma_start3A_1289 : memref<4x513xf32, #tpu.memory_space<hbm>>) target_semaphore(%arg16 : memref<!tpu.dma_semaphore, #tpu.memory_space<semaphore_mem>>)
      %dma_start3A_1294 = arith.constant 12 : i32
      %dma_start3A_1295 = arith.constant 12 : i32
      %dma_start3A_1296 = arith.constant 0 : i32
      %dma_start3A_1297 = arith.constant 0 : i32
      %dma_start3A_1298 = tpu.memref_slice %arg11[%dma_start3A_1294, %dma_start3A_1296, %dma_start3A_1297] : memref<16x4x513xf32, #tpu.memory_space<vmem>> -> memref<1x4x513xf32, #tpu.memory_space<vmem>>
      %dma_start3A_1299 = tpu.memref_squeeze %dma_start3A_1298 : memref<1x4x513xf32, #tpu.memory_space<vmem>> -> memref<4x513xf32, #tpu.memory_space<vmem>>
      %dma_start3A_1300 = arith.constant 0 : i32
      %dma_start3A_1301 = tpu.memref_slice %arg5[%select_n3A, %dma_start3A_1295, %add3A_1101, %dma_start3A_1300] : memref<8x16x513x513xf32, #tpu.memory_space<hbm>> -> memref<1x1x4x513xf32, #tpu.memory_space<hbm>>
      %dma_start3A_1302 = tpu.memref_squeeze %dma_start3A_1301 : memref<1x1x4x513xf32, #tpu.memory_space<hbm>> -> memref<4x513xf32, #tpu.memory_space<hbm>>
      %dma_start3A_1303 = arith.constant 0 : i32
      %dma_start3A_1304 = tpu.memref_slice %arg5[%select_n3A, %dma_start3A_1295, %add3A_1101, %dma_start3A_1303] : memref<8x16x513x513xf32, #tpu.memory_space<hbm>> -> memref<1x1x4x513xf32, #tpu.memory_space<hbm>>
      %dma_start3A_1305 = tpu.memref_squeeze %dma_start3A_1304 : memref<1x1x4x513xf32, #tpu.memory_space<hbm>> -> memref<4x513xf32, #tpu.memory_space<hbm>>
      %dma_start3A_1306 = arith.constant 0 : i32
      %dma_start3A_1307 = arith.constant 0 : i32
      %dma_start3A_1308 = tpu.memref_slice %arg11[%dma_start3A_1294, %dma_start3A_1306, %dma_start3A_1307] : memref<16x4x513xf32, #tpu.memory_space<vmem>> -> memref<1x4x513xf32, #tpu.memory_space<vmem>>
      %dma_start3A_1309 = tpu.memref_squeeze %dma_start3A_1308 : memref<1x4x513xf32, #tpu.memory_space<vmem>> -> memref<4x513xf32, #tpu.memory_space<vmem>>
      tpu.enqueue_dma source(%dma_start3A_1309 : memref<4x513xf32, #tpu.memory_space<vmem>>) target(%dma_start3A_1305 : memref<4x513xf32, #tpu.memory_space<hbm>>) target_semaphore(%arg16 : memref<!tpu.dma_semaphore, #tpu.memory_space<semaphore_mem>>)
      %dma_start3A_1310 = arith.constant 13 : i32
      %dma_start3A_1311 = arith.constant 13 : i32
      %dma_start3A_1312 = arith.constant 0 : i32
      %dma_start3A_1313 = arith.constant 0 : i32
      %dma_start3A_1314 = tpu.memref_slice %arg11[%dma_start3A_1310, %dma_start3A_1312, %dma_start3A_1313] : memref<16x4x513xf32, #tpu.memory_space<vmem>> -> memref<1x4x513xf32, #tpu.memory_space<vmem>>
      %dma_start3A_1315 = tpu.memref_squeeze %dma_start3A_1314 : memref<1x4x513xf32, #tpu.memory_space<vmem>> -> memref<4x513xf32, #tpu.memory_space<vmem>>
      %dma_start3A_1316 = arith.constant 0 : i32
      %dma_start3A_1317 = tpu.memref_slice %arg5[%select_n3A, %dma_start3A_1311, %add3A_1101, %dma_start3A_1316] : memref<8x16x513x513xf32, #tpu.memory_space<hbm>> -> memref<1x1x4x513xf32, #tpu.memory_space<hbm>>
      %dma_start3A_1318 = tpu.memref_squeeze %dma_start3A_1317 : memref<1x1x4x513xf32, #tpu.memory_space<hbm>> -> memref<4x513xf32, #tpu.memory_space<hbm>>
      %dma_start3A_1319 = arith.constant 0 : i32
      %dma_start3A_1320 = tpu.memref_slice %arg5[%select_n3A, %dma_start3A_1311, %add3A_1101, %dma_start3A_1319] : memref<8x16x513x513xf32, #tpu.memory_space<hbm>> -> memref<1x1x4x513xf32, #tpu.memory_space<hbm>>
      %dma_start3A_1321 = tpu.memref_squeeze %dma_start3A_1320 : memref<1x1x4x513xf32, #tpu.memory_space<hbm>> -> memref<4x513xf32, #tpu.memory_space<hbm>>
      %dma_start3A_1322 = arith.constant 0 : i32
      %dma_start3A_1323 = arith.constant 0 : i32
      %dma_start3A_1324 = tpu.memref_slice %arg11[%dma_start3A_1310, %dma_start3A_1322, %dma_start3A_1323] : memref<16x4x513xf32, #tpu.memory_space<vmem>> -> memref<1x4x513xf32, #tpu.memory_space<vmem>>
      %dma_start3A_1325 = tpu.memref_squeeze %dma_start3A_1324 : memref<1x4x513xf32, #tpu.memory_space<vmem>> -> memref<4x513xf32, #tpu.memory_space<vmem>>
      tpu.enqueue_dma source(%dma_start3A_1325 : memref<4x513xf32, #tpu.memory_space<vmem>>) target(%dma_start3A_1321 : memref<4x513xf32, #tpu.memory_space<hbm>>) target_semaphore(%arg16 : memref<!tpu.dma_semaphore, #tpu.memory_space<semaphore_mem>>)
      %dma_start3A_1326 = arith.constant 14 : i32
      %dma_start3A_1327 = arith.constant 14 : i32
      %dma_start3A_1328 = arith.constant 0 : i32
      %dma_start3A_1329 = arith.constant 0 : i32
      %dma_start3A_1330 = tpu.memref_slice %arg11[%dma_start3A_1326, %dma_start3A_1328, %dma_start3A_1329] : memref<16x4x513xf32, #tpu.memory_space<vmem>> -> memref<1x4x513xf32, #tpu.memory_space<vmem>>
      %dma_start3A_1331 = tpu.memref_squeeze %dma_start3A_1330 : memref<1x4x513xf32, #tpu.memory_space<vmem>> -> memref<4x513xf32, #tpu.memory_space<vmem>>
      %dma_start3A_1332 = arith.constant 0 : i32
      %dma_start3A_1333 = tpu.memref_slice %arg5[%select_n3A, %dma_start3A_1327, %add3A_1101, %dma_start3A_1332] : memref<8x16x513x513xf32, #tpu.memory_space<hbm>> -> memref<1x1x4x513xf32, #tpu.memory_space<hbm>>
      %dma_start3A_1334 = tpu.memref_squeeze %dma_start3A_1333 : memref<1x1x4x513xf32, #tpu.memory_space<hbm>> -> memref<4x513xf32, #tpu.memory_space<hbm>>
      %dma_start3A_1335 = arith.constant 0 : i32
      %dma_start3A_1336 = tpu.memref_slice %arg5[%select_n3A, %dma_start3A_1327, %add3A_1101, %dma_start3A_1335] : memref<8x16x513x513xf32, #tpu.memory_space<hbm>> -> memref<1x1x4x513xf32, #tpu.memory_space<hbm>>
      %dma_start3A_1337 = tpu.memref_squeeze %dma_start3A_1336 : memref<1x1x4x513xf32, #tpu.memory_space<hbm>> -> memref<4x513xf32, #tpu.memory_space<hbm>>
      %dma_start3A_1338 = arith.constant 0 : i32
      %dma_start3A_1339 = arith.constant 0 : i32
      %dma_start3A_1340 = tpu.memref_slice %arg11[%dma_start3A_1326, %dma_start3A_1338, %dma_start3A_1339] : memref<16x4x513xf32, #tpu.memory_space<vmem>> -> memref<1x4x513xf32, #tpu.memory_space<vmem>>
      %dma_start3A_1341 = tpu.memref_squeeze %dma_start3A_1340 : memref<1x4x513xf32, #tpu.memory_space<vmem>> -> memref<4x513xf32, #tpu.memory_space<vmem>>
      tpu.enqueue_dma source(%dma_start3A_1341 : memref<4x513xf32, #tpu.memory_space<vmem>>) target(%dma_start3A_1337 : memref<4x513xf32, #tpu.memory_space<hbm>>) target_semaphore(%arg16 : memref<!tpu.dma_semaphore, #tpu.memory_space<semaphore_mem>>)
      %dma_start3A_1342 = arith.constant 15 : i32
      %dma_start3A_1343 = arith.constant 15 : i32
      %dma_start3A_1344 = arith.constant 0 : i32
      %dma_start3A_1345 = arith.constant 0 : i32
      %dma_start3A_1346 = tpu.memref_slice %arg11[%dma_start3A_1342, %dma_start3A_1344, %dma_start3A_1345] : memref<16x4x513xf32, #tpu.memory_space<vmem>> -> memref<1x4x513xf32, #tpu.memory_space<vmem>>
      %dma_start3A_1347 = tpu.memref_squeeze %dma_start3A_1346 : memref<1x4x513xf32, #tpu.memory_space<vmem>> -> memref<4x513xf32, #tpu.memory_space<vmem>>
      %dma_start3A_1348 = arith.constant 0 : i32
      %dma_start3A_1349 = tpu.memref_slice %arg5[%select_n3A, %dma_start3A_1343, %add3A_1101, %dma_start3A_1348] : memref<8x16x513x513xf32, #tpu.memory_space<hbm>> -> memref<1x1x4x513xf32, #tpu.memory_space<hbm>>
      %dma_start3A_1350 = tpu.memref_squeeze %dma_start3A_1349 : memref<1x1x4x513xf32, #tpu.memory_space<hbm>> -> memref<4x513xf32, #tpu.memory_space<hbm>>
      %dma_start3A_1351 = arith.constant 0 : i32
      %dma_start3A_1352 = tpu.memref_slice %arg5[%select_n3A, %dma_start3A_1343, %add3A_1101, %dma_start3A_1351] : memref<8x16x513x513xf32, #tpu.memory_space<hbm>> -> memref<1x1x4x513xf32, #tpu.memory_space<hbm>>
      %dma_start3A_1353 = tpu.memref_squeeze %dma_start3A_1352 : memref<1x1x4x513xf32, #tpu.memory_space<hbm>> -> memref<4x513xf32, #tpu.memory_space<hbm>>
      %dma_start3A_1354 = arith.constant 0 : i32
      %dma_start3A_1355 = arith.constant 0 : i32
      %dma_start3A_1356 = tpu.memref_slice %arg11[%dma_start3A_1342, %dma_start3A_1354, %dma_start3A_1355] : memref<16x4x513xf32, #tpu.memory_space<vmem>> -> memref<1x4x513xf32, #tpu.memory_space<vmem>>
      %dma_start3A_1357 = tpu.memref_squeeze %dma_start3A_1356 : memref<1x4x513xf32, #tpu.memory_space<vmem>> -> memref<4x513xf32, #tpu.memory_space<vmem>>
      tpu.enqueue_dma source(%dma_start3A_1357 : memref<4x513xf32, #tpu.memory_space<vmem>>) target(%dma_start3A_1353 : memref<4x513xf32, #tpu.memory_space<hbm>>) target_semaphore(%arg16 : memref<!tpu.dma_semaphore, #tpu.memory_space<semaphore_mem>>)
    }
    %scan3A_154 = arith.constant 16 : i32
    %dma_wait3A = arith.constant 0 : i32
    %dma_wait3A_155 = arith.constant 0 : i32
    %dma_wait3A_156 = arith.constant 0 : i32
    %dma_wait3A_157 = arith.constant 0 : i32
    %dma_wait3A_158 = tpu.memref_slice %arg10[%dma_wait3A, %dma_wait3A_156, %dma_wait3A_157] : memref<16x4x513xf32, #tpu.memory_space<vmem>> -> memref<1x4x513xf32, #tpu.memory_space<vmem>>
    %dma_wait3A_159 = tpu.memref_squeeze %dma_wait3A_158 : memref<1x4x513xf32, #tpu.memory_space<vmem>> -> memref<4x513xf32, #tpu.memory_space<vmem>>
    %dma_wait3A_160 = arith.constant 1 : i32
    %dma_wait3A_161 = arith.constant 0 : i32
    %dma_wait3A_162 = tpu.memref_slice %arg5[%select_n3A, %dma_wait3A_155, %dma_wait3A_160, %dma_wait3A_161] : memref<8x16x513x513xf32, #tpu.memory_space<hbm>> -> memref<1x1x4x513xf32, #tpu.memory_space<hbm>>
    %dma_wait3A_163 = tpu.memref_squeeze %dma_wait3A_162 : memref<1x1x4x513xf32, #tpu.memory_space<hbm>> -> memref<4x513xf32, #tpu.memory_space<hbm>>
    %dma_wait3A_164 = arith.constant 1 : i32
    %dma_wait3A_165 = arith.constant 0 : i32
    %dma_wait3A_166 = tpu.memref_slice %arg5[%select_n3A, %dma_wait3A_155, %dma_wait3A_164, %dma_wait3A_165] : memref<8x16x513x513xf32, #tpu.memory_space<hbm>> -> memref<1x1x4x513xf32, #tpu.memory_space<hbm>>
    %dma_wait3A_167 = tpu.memref_squeeze %dma_wait3A_166 : memref<1x1x4x513xf32, #tpu.memory_space<hbm>> -> memref<4x513xf32, #tpu.memory_space<hbm>>
    %dma_wait3A_168 = arith.constant 0 : i32
    %dma_wait3A_169 = arith.constant 0 : i32
    %dma_wait3A_170 = tpu.memref_slice %arg10[%dma_wait3A, %dma_wait3A_168, %dma_wait3A_169] : memref<16x4x513xf32, #tpu.memory_space<vmem>> -> memref<1x4x513xf32, #tpu.memory_space<vmem>>
    %dma_wait3A_171 = tpu.memref_squeeze %dma_wait3A_170 : memref<1x4x513xf32, #tpu.memory_space<vmem>> -> memref<4x513xf32, #tpu.memory_space<vmem>>
    tpu.wait_dma2 semaphore(%arg15 : memref<!tpu.dma_semaphore, #tpu.memory_space<semaphore_mem>>) src(%dma_wait3A_171 : memref<4x513xf32, #tpu.memory_space<vmem>>) dst(%dma_wait3A_167 : memref<4x513xf32, #tpu.memory_space<hbm>>)
    %dma_wait3A_172 = arith.constant 1 : i32
    %dma_wait3A_173 = arith.constant 1 : i32
    %dma_wait3A_174 = arith.constant 0 : i32
    %dma_wait3A_175 = arith.constant 0 : i32
    %dma_wait3A_176 = tpu.memref_slice %arg10[%dma_wait3A_172, %dma_wait3A_174, %dma_wait3A_175] : memref<16x4x513xf32, #tpu.memory_space<vmem>> -> memref<1x4x513xf32, #tpu.memory_space<vmem>>
    %dma_wait3A_177 = tpu.memref_squeeze %dma_wait3A_176 : memref<1x4x513xf32, #tpu.memory_space<vmem>> -> memref<4x513xf32, #tpu.memory_space<vmem>>
    %dma_wait3A_178 = arith.constant 1 : i32
    %dma_wait3A_179 = arith.constant 0 : i32
    %dma_wait3A_180 = tpu.memref_slice %arg5[%select_n3A, %dma_wait3A_173, %dma_wait3A_178, %dma_wait3A_179] : memref<8x16x513x513xf32, #tpu.memory_space<hbm>> -> memref<1x1x4x513xf32, #tpu.memory_space<hbm>>
    %dma_wait3A_181 = tpu.memref_squeeze %dma_wait3A_180 : memref<1x1x4x513xf32, #tpu.memory_space<hbm>> -> memref<4x513xf32, #tpu.memory_space<hbm>>
    %dma_wait3A_182 = arith.constant 1 : i32
    %dma_wait3A_183 = arith.constant 0 : i32
    %dma_wait3A_184 = tpu.memref_slice %arg5[%select_n3A, %dma_wait3A_173, %dma_wait3A_182, %dma_wait3A_183] : memref<8x16x513x513xf32, #tpu.memory_space<hbm>> -> memref<1x1x4x513xf32, #tpu.memory_space<hbm>>
    %dma_wait3A_185 = tpu.memref_squeeze %dma_wait3A_184 : memref<1x1x4x513xf32, #tpu.memory_space<hbm>> -> memref<4x513xf32, #tpu.memory_space<hbm>>
    %dma_wait3A_186 = arith.constant 0 : i32
    %dma_wait3A_187 = arith.constant 0 : i32
    %dma_wait3A_188 = tpu.memref_slice %arg10[%dma_wait3A_172, %dma_wait3A_186, %dma_wait3A_187] : memref<16x4x513xf32, #tpu.memory_space<vmem>> -> memref<1x4x513xf32, #tpu.memory_space<vmem>>
    %dma_wait3A_189 = tpu.memref_squeeze %dma_wait3A_188 : memref<1x4x513xf32, #tpu.memory_space<vmem>> -> memref<4x513xf32, #tpu.memory_space<vmem>>
    tpu.wait_dma2 semaphore(%arg15 : memref<!tpu.dma_semaphore, #tpu.memory_space<semaphore_mem>>) src(%dma_wait3A_189 : memref<4x513xf32, #tpu.memory_space<vmem>>) dst(%dma_wait3A_185 : memref<4x513xf32, #tpu.memory_space<hbm>>)
    %dma_wait3A_190 = arith.constant 2 : i32
    %dma_wait3A_191 = arith.constant 2 : i32
    %dma_wait3A_192 = arith.constant 0 : i32
    %dma_wait3A_193 = arith.constant 0 : i32
    %dma_wait3A_194 = tpu.memref_slice %arg10[%dma_wait3A_190, %dma_wait3A_192, %dma_wait3A_193] : memref<16x4x513xf32, #tpu.memory_space<vmem>> -> memref<1x4x513xf32, #tpu.memory_space<vmem>>
    %dma_wait3A_195 = tpu.memref_squeeze %dma_wait3A_194 : memref<1x4x513xf32, #tpu.memory_space<vmem>> -> memref<4x513xf32, #tpu.memory_space<vmem>>
    %dma_wait3A_196 = arith.constant 1 : i32
    %dma_wait3A_197 = arith.constant 0 : i32
    %dma_wait3A_198 = tpu.memref_slice %arg5[%select_n3A, %dma_wait3A_191, %dma_wait3A_196, %dma_wait3A_197] : memref<8x16x513x513xf32, #tpu.memory_space<hbm>> -> memref<1x1x4x513xf32, #tpu.memory_space<hbm>>
    %dma_wait3A_199 = tpu.memref_squeeze %dma_wait3A_198 : memref<1x1x4x513xf32, #tpu.memory_space<hbm>> -> memref<4x513xf32, #tpu.memory_space<hbm>>
    %dma_wait3A_200 = arith.constant 1 : i32
    %dma_wait3A_201 = arith.constant 0 : i32
    %dma_wait3A_202 = tpu.memref_slice %arg5[%select_n3A, %dma_wait3A_191, %dma_wait3A_200, %dma_wait3A_201] : memref<8x16x513x513xf32, #tpu.memory_space<hbm>> -> memref<1x1x4x513xf32, #tpu.memory_space<hbm>>
    %dma_wait3A_203 = tpu.memref_squeeze %dma_wait3A_202 : memref<1x1x4x513xf32, #tpu.memory_space<hbm>> -> memref<4x513xf32, #tpu.memory_space<hbm>>
    %dma_wait3A_204 = arith.constant 0 : i32
    %dma_wait3A_205 = arith.constant 0 : i32
    %dma_wait3A_206 = tpu.memref_slice %arg10[%dma_wait3A_190, %dma_wait3A_204, %dma_wait3A_205] : memref<16x4x513xf32, #tpu.memory_space<vmem>> -> memref<1x4x513xf32, #tpu.memory_space<vmem>>
    %dma_wait3A_207 = tpu.memref_squeeze %dma_wait3A_206 : memref<1x4x513xf32, #tpu.memory_space<vmem>> -> memref<4x513xf32, #tpu.memory_space<vmem>>
    tpu.wait_dma2 semaphore(%arg15 : memref<!tpu.dma_semaphore, #tpu.memory_space<semaphore_mem>>) src(%dma_wait3A_207 : memref<4x513xf32, #tpu.memory_space<vmem>>) dst(%dma_wait3A_203 : memref<4x513xf32, #tpu.memory_space<hbm>>)
    %dma_wait3A_208 = arith.constant 3 : i32
    %dma_wait3A_209 = arith.constant 3 : i32
    %dma_wait3A_210 = arith.constant 0 : i32
    %dma_wait3A_211 = arith.constant 0 : i32
    %dma_wait3A_212 = tpu.memref_slice %arg10[%dma_wait3A_208, %dma_wait3A_210, %dma_wait3A_211] : memref<16x4x513xf32, #tpu.memory_space<vmem>> -> memref<1x4x513xf32, #tpu.memory_space<vmem>>
    %dma_wait3A_213 = tpu.memref_squeeze %dma_wait3A_212 : memref<1x4x513xf32, #tpu.memory_space<vmem>> -> memref<4x513xf32, #tpu.memory_space<vmem>>
    %dma_wait3A_214 = arith.constant 1 : i32
    %dma_wait3A_215 = arith.constant 0 : i32
    %dma_wait3A_216 = tpu.memref_slice %arg5[%select_n3A, %dma_wait3A_209, %dma_wait3A_214, %dma_wait3A_215] : memref<8x16x513x513xf32, #tpu.memory_space<hbm>> -> memref<1x1x4x513xf32, #tpu.memory_space<hbm>>
    %dma_wait3A_217 = tpu.memref_squeeze %dma_wait3A_216 : memref<1x1x4x513xf32, #tpu.memory_space<hbm>> -> memref<4x513xf32, #tpu.memory_space<hbm>>
    %dma_wait3A_218 = arith.constant 1 : i32
    %dma_wait3A_219 = arith.constant 0 : i32
    %dma_wait3A_220 = tpu.memref_slice %arg5[%select_n3A, %dma_wait3A_209, %dma_wait3A_218, %dma_wait3A_219] : memref<8x16x513x513xf32, #tpu.memory_space<hbm>> -> memref<1x1x4x513xf32, #tpu.memory_space<hbm>>
    %dma_wait3A_221 = tpu.memref_squeeze %dma_wait3A_220 : memref<1x1x4x513xf32, #tpu.memory_space<hbm>> -> memref<4x513xf32, #tpu.memory_space<hbm>>
    %dma_wait3A_222 = arith.constant 0 : i32
    %dma_wait3A_223 = arith.constant 0 : i32
    %dma_wait3A_224 = tpu.memref_slice %arg10[%dma_wait3A_208, %dma_wait3A_222, %dma_wait3A_223] : memref<16x4x513xf32, #tpu.memory_space<vmem>> -> memref<1x4x513xf32, #tpu.memory_space<vmem>>
    %dma_wait3A_225 = tpu.memref_squeeze %dma_wait3A_224 : memref<1x4x513xf32, #tpu.memory_space<vmem>> -> memref<4x513xf32, #tpu.memory_space<vmem>>
    tpu.wait_dma2 semaphore(%arg15 : memref<!tpu.dma_semaphore, #tpu.memory_space<semaphore_mem>>) src(%dma_wait3A_225 : memref<4x513xf32, #tpu.memory_space<vmem>>) dst(%dma_wait3A_221 : memref<4x513xf32, #tpu.memory_space<hbm>>)
    %dma_wait3A_226 = arith.constant 4 : i32
    %dma_wait3A_227 = arith.constant 4 : i32
    %dma_wait3A_228 = arith.constant 0 : i32
    %dma_wait3A_229 = arith.constant 0 : i32
    %dma_wait3A_230 = tpu.memref_slice %arg10[%dma_wait3A_226, %dma_wait3A_228, %dma_wait3A_229] : memref<16x4x513xf32, #tpu.memory_space<vmem>> -> memref<1x4x513xf32, #tpu.memory_space<vmem>>
    %dma_wait3A_231 = tpu.memref_squeeze %dma_wait3A_230 : memref<1x4x513xf32, #tpu.memory_space<vmem>> -> memref<4x513xf32, #tpu.memory_space<vmem>>
    %dma_wait3A_232 = arith.constant 1 : i32
    %dma_wait3A_233 = arith.constant 0 : i32
    %dma_wait3A_234 = tpu.memref_slice %arg5[%select_n3A, %dma_wait3A_227, %dma_wait3A_232, %dma_wait3A_233] : memref<8x16x513x513xf32, #tpu.memory_space<hbm>> -> memref<1x1x4x513xf32, #tpu.memory_space<hbm>>
    %dma_wait3A_235 = tpu.memref_squeeze %dma_wait3A_234 : memref<1x1x4x513xf32, #tpu.memory_space<hbm>> -> memref<4x513xf32, #tpu.memory_space<hbm>>
    %dma_wait3A_236 = arith.constant 1 : i32
    %dma_wait3A_237 = arith.constant 0 : i32
    %dma_wait3A_238 = tpu.memref_slice %arg5[%select_n3A, %dma_wait3A_227, %dma_wait3A_236, %dma_wait3A_237] : memref<8x16x513x513xf32, #tpu.memory_space<hbm>> -> memref<1x1x4x513xf32, #tpu.memory_space<hbm>>
    %dma_wait3A_239 = tpu.memref_squeeze %dma_wait3A_238 : memref<1x1x4x513xf32, #tpu.memory_space<hbm>> -> memref<4x513xf32, #tpu.memory_space<hbm>>
    %dma_wait3A_240 = arith.constant 0 : i32
    %dma_wait3A_241 = arith.constant 0 : i32
    %dma_wait3A_242 = tpu.memref_slice %arg10[%dma_wait3A_226, %dma_wait3A_240, %dma_wait3A_241] : memref<16x4x513xf32, #tpu.memory_space<vmem>> -> memref<1x4x513xf32, #tpu.memory_space<vmem>>
    %dma_wait3A_243 = tpu.memref_squeeze %dma_wait3A_242 : memref<1x4x513xf32, #tpu.memory_space<vmem>> -> memref<4x513xf32, #tpu.memory_space<vmem>>
    tpu.wait_dma2 semaphore(%arg15 : memref<!tpu.dma_semaphore, #tpu.memory_space<semaphore_mem>>) src(%dma_wait3A_243 : memref<4x513xf32, #tpu.memory_space<vmem>>) dst(%dma_wait3A_239 : memref<4x513xf32, #tpu.memory_space<hbm>>)
    %dma_wait3A_244 = arith.constant 5 : i32
    %dma_wait3A_245 = arith.constant 5 : i32
    %dma_wait3A_246 = arith.constant 0 : i32
    %dma_wait3A_247 = arith.constant 0 : i32
    %dma_wait3A_248 = tpu.memref_slice %arg10[%dma_wait3A_244, %dma_wait3A_246, %dma_wait3A_247] : memref<16x4x513xf32, #tpu.memory_space<vmem>> -> memref<1x4x513xf32, #tpu.memory_space<vmem>>
    %dma_wait3A_249 = tpu.memref_squeeze %dma_wait3A_248 : memref<1x4x513xf32, #tpu.memory_space<vmem>> -> memref<4x513xf32, #tpu.memory_space<vmem>>
    %dma_wait3A_250 = arith.constant 1 : i32
    %dma_wait3A_251 = arith.constant 0 : i32
    %dma_wait3A_252 = tpu.memref_slice %arg5[%select_n3A, %dma_wait3A_245, %dma_wait3A_250, %dma_wait3A_251] : memref<8x16x513x513xf32, #tpu.memory_space<hbm>> -> memref<1x1x4x513xf32, #tpu.memory_space<hbm>>
    %dma_wait3A_253 = tpu.memref_squeeze %dma_wait3A_252 : memref<1x1x4x513xf32, #tpu.memory_space<hbm>> -> memref<4x513xf32, #tpu.memory_space<hbm>>
    %dma_wait3A_254 = arith.constant 1 : i32
    %dma_wait3A_255 = arith.constant 0 : i32
    %dma_wait3A_256 = tpu.memref_slice %arg5[%select_n3A, %dma_wait3A_245, %dma_wait3A_254, %dma_wait3A_255] : memref<8x16x513x513xf32, #tpu.memory_space<hbm>> -> memref<1x1x4x513xf32, #tpu.memory_space<hbm>>
    %dma_wait3A_257 = tpu.memref_squeeze %dma_wait3A_256 : memref<1x1x4x513xf32, #tpu.memory_space<hbm>> -> memref<4x513xf32, #tpu.memory_space<hbm>>
    %dma_wait3A_258 = arith.constant 0 : i32
    %dma_wait3A_259 = arith.constant 0 : i32
    %dma_wait3A_260 = tpu.memref_slice %arg10[%dma_wait3A_244, %dma_wait3A_258, %dma_wait3A_259] : memref<16x4x513xf32, #tpu.memory_space<vmem>> -> memref<1x4x513xf32, #tpu.memory_space<vmem>>
    %dma_wait3A_261 = tpu.memref_squeeze %dma_wait3A_260 : memref<1x4x513xf32, #tpu.memory_space<vmem>> -> memref<4x513xf32, #tpu.memory_space<vmem>>
    tpu.wait_dma2 semaphore(%arg15 : memref<!tpu.dma_semaphore, #tpu.memory_space<semaphore_mem>>) src(%dma_wait3A_261 : memref<4x513xf32, #tpu.memory_space<vmem>>) dst(%dma_wait3A_257 : memref<4x513xf32, #tpu.memory_space<hbm>>)
    %dma_wait3A_262 = arith.constant 6 : i32
    %dma_wait3A_263 = arith.constant 6 : i32
    %dma_wait3A_264 = arith.constant 0 : i32
    %dma_wait3A_265 = arith.constant 0 : i32
    %dma_wait3A_266 = tpu.memref_slice %arg10[%dma_wait3A_262, %dma_wait3A_264, %dma_wait3A_265] : memref<16x4x513xf32, #tpu.memory_space<vmem>> -> memref<1x4x513xf32, #tpu.memory_space<vmem>>
    %dma_wait3A_267 = tpu.memref_squeeze %dma_wait3A_266 : memref<1x4x513xf32, #tpu.memory_space<vmem>> -> memref<4x513xf32, #tpu.memory_space<vmem>>
    %dma_wait3A_268 = arith.constant 1 : i32
    %dma_wait3A_269 = arith.constant 0 : i32
    %dma_wait3A_270 = tpu.memref_slice %arg5[%select_n3A, %dma_wait3A_263, %dma_wait3A_268, %dma_wait3A_269] : memref<8x16x513x513xf32, #tpu.memory_space<hbm>> -> memref<1x1x4x513xf32, #tpu.memory_space<hbm>>
    %dma_wait3A_271 = tpu.memref_squeeze %dma_wait3A_270 : memref<1x1x4x513xf32, #tpu.memory_space<hbm>> -> memref<4x513xf32, #tpu.memory_space<hbm>>
    %dma_wait3A_272 = arith.constant 1 : i32
    %dma_wait3A_273 = arith.constant 0 : i32
    %dma_wait3A_274 = tpu.memref_slice %arg5[%select_n3A, %dma_wait3A_263, %dma_wait3A_272, %dma_wait3A_273] : memref<8x16x513x513xf32, #tpu.memory_space<hbm>> -> memref<1x1x4x513xf32, #tpu.memory_space<hbm>>
    %dma_wait3A_275 = tpu.memref_squeeze %dma_wait3A_274 : memref<1x1x4x513xf32, #tpu.memory_space<hbm>> -> memref<4x513xf32, #tpu.memory_space<hbm>>
    %dma_wait3A_276 = arith.constant 0 : i32
    %dma_wait3A_277 = arith.constant 0 : i32
    %dma_wait3A_278 = tpu.memref_slice %arg10[%dma_wait3A_262, %dma_wait3A_276, %dma_wait3A_277] : memref<16x4x513xf32, #tpu.memory_space<vmem>> -> memref<1x4x513xf32, #tpu.memory_space<vmem>>
    %dma_wait3A_279 = tpu.memref_squeeze %dma_wait3A_278 : memref<1x4x513xf32, #tpu.memory_space<vmem>> -> memref<4x513xf32, #tpu.memory_space<vmem>>
    tpu.wait_dma2 semaphore(%arg15 : memref<!tpu.dma_semaphore, #tpu.memory_space<semaphore_mem>>) src(%dma_wait3A_279 : memref<4x513xf32, #tpu.memory_space<vmem>>) dst(%dma_wait3A_275 : memref<4x513xf32, #tpu.memory_space<hbm>>)
    %dma_wait3A_280 = arith.constant 7 : i32
    %dma_wait3A_281 = arith.constant 7 : i32
    %dma_wait3A_282 = arith.constant 0 : i32
    %dma_wait3A_283 = arith.constant 0 : i32
    %dma_wait3A_284 = tpu.memref_slice %arg10[%dma_wait3A_280, %dma_wait3A_282, %dma_wait3A_283] : memref<16x4x513xf32, #tpu.memory_space<vmem>> -> memref<1x4x513xf32, #tpu.memory_space<vmem>>
    %dma_wait3A_285 = tpu.memref_squeeze %dma_wait3A_284 : memref<1x4x513xf32, #tpu.memory_space<vmem>> -> memref<4x513xf32, #tpu.memory_space<vmem>>
    %dma_wait3A_286 = arith.constant 1 : i32
    %dma_wait3A_287 = arith.constant 0 : i32
    %dma_wait3A_288 = tpu.memref_slice %arg5[%select_n3A, %dma_wait3A_281, %dma_wait3A_286, %dma_wait3A_287] : memref<8x16x513x513xf32, #tpu.memory_space<hbm>> -> memref<1x1x4x513xf32, #tpu.memory_space<hbm>>
    %dma_wait3A_289 = tpu.memref_squeeze %dma_wait3A_288 : memref<1x1x4x513xf32, #tpu.memory_space<hbm>> -> memref<4x513xf32, #tpu.memory_space<hbm>>
    %dma_wait3A_290 = arith.constant 1 : i32
    %dma_wait3A_291 = arith.constant 0 : i32
    %dma_wait3A_292 = tpu.memref_slice %arg5[%select_n3A, %dma_wait3A_281, %dma_wait3A_290, %dma_wait3A_291] : memref<8x16x513x513xf32, #tpu.memory_space<hbm>> -> memref<1x1x4x513xf32, #tpu.memory_space<hbm>>
    %dma_wait3A_293 = tpu.memref_squeeze %dma_wait3A_292 : memref<1x1x4x513xf32, #tpu.memory_space<hbm>> -> memref<4x513xf32, #tpu.memory_space<hbm>>
    %dma_wait3A_294 = arith.constant 0 : i32
    %dma_wait3A_295 = arith.constant 0 : i32
    %dma_wait3A_296 = tpu.memref_slice %arg10[%dma_wait3A_280, %dma_wait3A_294, %dma_wait3A_295] : memref<16x4x513xf32, #tpu.memory_space<vmem>> -> memref<1x4x513xf32, #tpu.memory_space<vmem>>
    %dma_wait3A_297 = tpu.memref_squeeze %dma_wait3A_296 : memref<1x4x513xf32, #tpu.memory_space<vmem>> -> memref<4x513xf32, #tpu.memory_space<vmem>>
    tpu.wait_dma2 semaphore(%arg15 : memref<!tpu.dma_semaphore, #tpu.memory_space<semaphore_mem>>) src(%dma_wait3A_297 : memref<4x513xf32, #tpu.memory_space<vmem>>) dst(%dma_wait3A_293 : memref<4x513xf32, #tpu.memory_space<hbm>>)
    %dma_wait3A_298 = arith.constant 8 : i32
    %dma_wait3A_299 = arith.constant 8 : i32
    %dma_wait3A_300 = arith.constant 0 : i32
    %dma_wait3A_301 = arith.constant 0 : i32
    %dma_wait3A_302 = tpu.memref_slice %arg10[%dma_wait3A_298, %dma_wait3A_300, %dma_wait3A_301] : memref<16x4x513xf32, #tpu.memory_space<vmem>> -> memref<1x4x513xf32, #tpu.memory_space<vmem>>
    %dma_wait3A_303 = tpu.memref_squeeze %dma_wait3A_302 : memref<1x4x513xf32, #tpu.memory_space<vmem>> -> memref<4x513xf32, #tpu.memory_space<vmem>>
    %dma_wait3A_304 = arith.constant 1 : i32
    %dma_wait3A_305 = arith.constant 0 : i32
    %dma_wait3A_306 = tpu.memref_slice %arg5[%select_n3A, %dma_wait3A_299, %dma_wait3A_304, %dma_wait3A_305] : memref<8x16x513x513xf32, #tpu.memory_space<hbm>> -> memref<1x1x4x513xf32, #tpu.memory_space<hbm>>
    %dma_wait3A_307 = tpu.memref_squeeze %dma_wait3A_306 : memref<1x1x4x513xf32, #tpu.memory_space<hbm>> -> memref<4x513xf32, #tpu.memory_space<hbm>>
    %dma_wait3A_308 = arith.constant 1 : i32
    %dma_wait3A_309 = arith.constant 0 : i32
    %dma_wait3A_310 = tpu.memref_slice %arg5[%select_n3A, %dma_wait3A_299, %dma_wait3A_308, %dma_wait3A_309] : memref<8x16x513x513xf32, #tpu.memory_space<hbm>> -> memref<1x1x4x513xf32, #tpu.memory_space<hbm>>
    %dma_wait3A_311 = tpu.memref_squeeze %dma_wait3A_310 : memref<1x1x4x513xf32, #tpu.memory_space<hbm>> -> memref<4x513xf32, #tpu.memory_space<hbm>>
    %dma_wait3A_312 = arith.constant 0 : i32
    %dma_wait3A_313 = arith.constant 0 : i32
    %dma_wait3A_314 = tpu.memref_slice %arg10[%dma_wait3A_298, %dma_wait3A_312, %dma_wait3A_313] : memref<16x4x513xf32, #tpu.memory_space<vmem>> -> memref<1x4x513xf32, #tpu.memory_space<vmem>>
    %dma_wait3A_315 = tpu.memref_squeeze %dma_wait3A_314 : memref<1x4x513xf32, #tpu.memory_space<vmem>> -> memref<4x513xf32, #tpu.memory_space<vmem>>
    tpu.wait_dma2 semaphore(%arg15 : memref<!tpu.dma_semaphore, #tpu.memory_space<semaphore_mem>>) src(%dma_wait3A_315 : memref<4x513xf32, #tpu.memory_space<vmem>>) dst(%dma_wait3A_311 : memref<4x513xf32, #tpu.memory_space<hbm>>)
    %dma_wait3A_316 = arith.constant 9 : i32
    %dma_wait3A_317 = arith.constant 9 : i32
    %dma_wait3A_318 = arith.constant 0 : i32
    %dma_wait3A_319 = arith.constant 0 : i32
    %dma_wait3A_320 = tpu.memref_slice %arg10[%dma_wait3A_316, %dma_wait3A_318, %dma_wait3A_319] : memref<16x4x513xf32, #tpu.memory_space<vmem>> -> memref<1x4x513xf32, #tpu.memory_space<vmem>>
    %dma_wait3A_321 = tpu.memref_squeeze %dma_wait3A_320 : memref<1x4x513xf32, #tpu.memory_space<vmem>> -> memref<4x513xf32, #tpu.memory_space<vmem>>
    %dma_wait3A_322 = arith.constant 1 : i32
    %dma_wait3A_323 = arith.constant 0 : i32
    %dma_wait3A_324 = tpu.memref_slice %arg5[%select_n3A, %dma_wait3A_317, %dma_wait3A_322, %dma_wait3A_323] : memref<8x16x513x513xf32, #tpu.memory_space<hbm>> -> memref<1x1x4x513xf32, #tpu.memory_space<hbm>>
    %dma_wait3A_325 = tpu.memref_squeeze %dma_wait3A_324 : memref<1x1x4x513xf32, #tpu.memory_space<hbm>> -> memref<4x513xf32, #tpu.memory_space<hbm>>
    %dma_wait3A_326 = arith.constant 1 : i32
    %dma_wait3A_327 = arith.constant 0 : i32
    %dma_wait3A_328 = tpu.memref_slice %arg5[%select_n3A, %dma_wait3A_317, %dma_wait3A_326, %dma_wait3A_327] : memref<8x16x513x513xf32, #tpu.memory_space<hbm>> -> memref<1x1x4x513xf32, #tpu.memory_space<hbm>>
    %dma_wait3A_329 = tpu.memref_squeeze %dma_wait3A_328 : memref<1x1x4x513xf32, #tpu.memory_space<hbm>> -> memref<4x513xf32, #tpu.memory_space<hbm>>
    %dma_wait3A_330 = arith.constant 0 : i32
    %dma_wait3A_331 = arith.constant 0 : i32
    %dma_wait3A_332 = tpu.memref_slice %arg10[%dma_wait3A_316, %dma_wait3A_330, %dma_wait3A_331] : memref<16x4x513xf32, #tpu.memory_space<vmem>> -> memref<1x4x513xf32, #tpu.memory_space<vmem>>
    %dma_wait3A_333 = tpu.memref_squeeze %dma_wait3A_332 : memref<1x4x513xf32, #tpu.memory_space<vmem>> -> memref<4x513xf32, #tpu.memory_space<vmem>>
    tpu.wait_dma2 semaphore(%arg15 : memref<!tpu.dma_semaphore, #tpu.memory_space<semaphore_mem>>) src(%dma_wait3A_333 : memref<4x513xf32, #tpu.memory_space<vmem>>) dst(%dma_wait3A_329 : memref<4x513xf32, #tpu.memory_space<hbm>>)
    %dma_wait3A_334 = arith.constant 10 : i32
    %dma_wait3A_335 = arith.constant 10 : i32
    %dma_wait3A_336 = arith.constant 0 : i32
    %dma_wait3A_337 = arith.constant 0 : i32
    %dma_wait3A_338 = tpu.memref_slice %arg10[%dma_wait3A_334, %dma_wait3A_336, %dma_wait3A_337] : memref<16x4x513xf32, #tpu.memory_space<vmem>> -> memref<1x4x513xf32, #tpu.memory_space<vmem>>
    %dma_wait3A_339 = tpu.memref_squeeze %dma_wait3A_338 : memref<1x4x513xf32, #tpu.memory_space<vmem>> -> memref<4x513xf32, #tpu.memory_space<vmem>>
    %dma_wait3A_340 = arith.constant 1 : i32
    %dma_wait3A_341 = arith.constant 0 : i32
    %dma_wait3A_342 = tpu.memref_slice %arg5[%select_n3A, %dma_wait3A_335, %dma_wait3A_340, %dma_wait3A_341] : memref<8x16x513x513xf32, #tpu.memory_space<hbm>> -> memref<1x1x4x513xf32, #tpu.memory_space<hbm>>
    %dma_wait3A_343 = tpu.memref_squeeze %dma_wait3A_342 : memref<1x1x4x513xf32, #tpu.memory_space<hbm>> -> memref<4x513xf32, #tpu.memory_space<hbm>>
    %dma_wait3A_344 = arith.constant 1 : i32
    %dma_wait3A_345 = arith.constant 0 : i32
    %dma_wait3A_346 = tpu.memref_slice %arg5[%select_n3A, %dma_wait3A_335, %dma_wait3A_344, %dma_wait3A_345] : memref<8x16x513x513xf32, #tpu.memory_space<hbm>> -> memref<1x1x4x513xf32, #tpu.memory_space<hbm>>
    %dma_wait3A_347 = tpu.memref_squeeze %dma_wait3A_346 : memref<1x1x4x513xf32, #tpu.memory_space<hbm>> -> memref<4x513xf32, #tpu.memory_space<hbm>>
    %dma_wait3A_348 = arith.constant 0 : i32
    %dma_wait3A_349 = arith.constant 0 : i32
    %dma_wait3A_350 = tpu.memref_slice %arg10[%dma_wait3A_334, %dma_wait3A_348, %dma_wait3A_349] : memref<16x4x513xf32, #tpu.memory_space<vmem>> -> memref<1x4x513xf32, #tpu.memory_space<vmem>>
    %dma_wait3A_351 = tpu.memref_squeeze %dma_wait3A_350 : memref<1x4x513xf32, #tpu.memory_space<vmem>> -> memref<4x513xf32, #tpu.memory_space<vmem>>
    tpu.wait_dma2 semaphore(%arg15 : memref<!tpu.dma_semaphore, #tpu.memory_space<semaphore_mem>>) src(%dma_wait3A_351 : memref<4x513xf32, #tpu.memory_space<vmem>>) dst(%dma_wait3A_347 : memref<4x513xf32, #tpu.memory_space<hbm>>)
    %dma_wait3A_352 = arith.constant 11 : i32
    %dma_wait3A_353 = arith.constant 11 : i32
    %dma_wait3A_354 = arith.constant 0 : i32
    %dma_wait3A_355 = arith.constant 0 : i32
    %dma_wait3A_356 = tpu.memref_slice %arg10[%dma_wait3A_352, %dma_wait3A_354, %dma_wait3A_355] : memref<16x4x513xf32, #tpu.memory_space<vmem>> -> memref<1x4x513xf32, #tpu.memory_space<vmem>>
    %dma_wait3A_357 = tpu.memref_squeeze %dma_wait3A_356 : memref<1x4x513xf32, #tpu.memory_space<vmem>> -> memref<4x513xf32, #tpu.memory_space<vmem>>
    %dma_wait3A_358 = arith.constant 1 : i32
    %dma_wait3A_359 = arith.constant 0 : i32
    %dma_wait3A_360 = tpu.memref_slice %arg5[%select_n3A, %dma_wait3A_353, %dma_wait3A_358, %dma_wait3A_359] : memref<8x16x513x513xf32, #tpu.memory_space<hbm>> -> memref<1x1x4x513xf32, #tpu.memory_space<hbm>>
    %dma_wait3A_361 = tpu.memref_squeeze %dma_wait3A_360 : memref<1x1x4x513xf32, #tpu.memory_space<hbm>> -> memref<4x513xf32, #tpu.memory_space<hbm>>
    %dma_wait3A_362 = arith.constant 1 : i32
    %dma_wait3A_363 = arith.constant 0 : i32
    %dma_wait3A_364 = tpu.memref_slice %arg5[%select_n3A, %dma_wait3A_353, %dma_wait3A_362, %dma_wait3A_363] : memref<8x16x513x513xf32, #tpu.memory_space<hbm>> -> memref<1x1x4x513xf32, #tpu.memory_space<hbm>>
    %dma_wait3A_365 = tpu.memref_squeeze %dma_wait3A_364 : memref<1x1x4x513xf32, #tpu.memory_space<hbm>> -> memref<4x513xf32, #tpu.memory_space<hbm>>
    %dma_wait3A_366 = arith.constant 0 : i32
    %dma_wait3A_367 = arith.constant 0 : i32
    %dma_wait3A_368 = tpu.memref_slice %arg10[%dma_wait3A_352, %dma_wait3A_366, %dma_wait3A_367] : memref<16x4x513xf32, #tpu.memory_space<vmem>> -> memref<1x4x513xf32, #tpu.memory_space<vmem>>
    %dma_wait3A_369 = tpu.memref_squeeze %dma_wait3A_368 : memref<1x4x513xf32, #tpu.memory_space<vmem>> -> memref<4x513xf32, #tpu.memory_space<vmem>>
    tpu.wait_dma2 semaphore(%arg15 : memref<!tpu.dma_semaphore, #tpu.memory_space<semaphore_mem>>) src(%dma_wait3A_369 : memref<4x513xf32, #tpu.memory_space<vmem>>) dst(%dma_wait3A_365 : memref<4x513xf32, #tpu.memory_space<hbm>>)
    %dma_wait3A_370 = arith.constant 12 : i32
    %dma_wait3A_371 = arith.constant 12 : i32
    %dma_wait3A_372 = arith.constant 0 : i32
    %dma_wait3A_373 = arith.constant 0 : i32
    %dma_wait3A_374 = tpu.memref_slice %arg10[%dma_wait3A_370, %dma_wait3A_372, %dma_wait3A_373] : memref<16x4x513xf32, #tpu.memory_space<vmem>> -> memref<1x4x513xf32, #tpu.memory_space<vmem>>
    %dma_wait3A_375 = tpu.memref_squeeze %dma_wait3A_374 : memref<1x4x513xf32, #tpu.memory_space<vmem>> -> memref<4x513xf32, #tpu.memory_space<vmem>>
    %dma_wait3A_376 = arith.constant 1 : i32
    %dma_wait3A_377 = arith.constant 0 : i32
    %dma_wait3A_378 = tpu.memref_slice %arg5[%select_n3A, %dma_wait3A_371, %dma_wait3A_376, %dma_wait3A_377] : memref<8x16x513x513xf32, #tpu.memory_space<hbm>> -> memref<1x1x4x513xf32, #tpu.memory_space<hbm>>
    %dma_wait3A_379 = tpu.memref_squeeze %dma_wait3A_378 : memref<1x1x4x513xf32, #tpu.memory_space<hbm>> -> memref<4x513xf32, #tpu.memory_space<hbm>>
    %dma_wait3A_380 = arith.constant 1 : i32
    %dma_wait3A_381 = arith.constant 0 : i32
    %dma_wait3A_382 = tpu.memref_slice %arg5[%select_n3A, %dma_wait3A_371, %dma_wait3A_380, %dma_wait3A_381] : memref<8x16x513x513xf32, #tpu.memory_space<hbm>> -> memref<1x1x4x513xf32, #tpu.memory_space<hbm>>
    %dma_wait3A_383 = tpu.memref_squeeze %dma_wait3A_382 : memref<1x1x4x513xf32, #tpu.memory_space<hbm>> -> memref<4x513xf32, #tpu.memory_space<hbm>>
    %dma_wait3A_384 = arith.constant 0 : i32
    %dma_wait3A_385 = arith.constant 0 : i32
    %dma_wait3A_386 = tpu.memref_slice %arg10[%dma_wait3A_370, %dma_wait3A_384, %dma_wait3A_385] : memref<16x4x513xf32, #tpu.memory_space<vmem>> -> memref<1x4x513xf32, #tpu.memory_space<vmem>>
    %dma_wait3A_387 = tpu.memref_squeeze %dma_wait3A_386 : memref<1x4x513xf32, #tpu.memory_space<vmem>> -> memref<4x513xf32, #tpu.memory_space<vmem>>
    tpu.wait_dma2 semaphore(%arg15 : memref<!tpu.dma_semaphore, #tpu.memory_space<semaphore_mem>>) src(%dma_wait3A_387 : memref<4x513xf32, #tpu.memory_space<vmem>>) dst(%dma_wait3A_383 : memref<4x513xf32, #tpu.memory_space<hbm>>)
    %dma_wait3A_388 = arith.constant 13 : i32
    %dma_wait3A_389 = arith.constant 13 : i32
    %dma_wait3A_390 = arith.constant 0 : i32
    %dma_wait3A_391 = arith.constant 0 : i32
    %dma_wait3A_392 = tpu.memref_slice %arg10[%dma_wait3A_388, %dma_wait3A_390, %dma_wait3A_391] : memref<16x4x513xf32, #tpu.memory_space<vmem>> -> memref<1x4x513xf32, #tpu.memory_space<vmem>>
    %dma_wait3A_393 = tpu.memref_squeeze %dma_wait3A_392 : memref<1x4x513xf32, #tpu.memory_space<vmem>> -> memref<4x513xf32, #tpu.memory_space<vmem>>
    %dma_wait3A_394 = arith.constant 1 : i32
    %dma_wait3A_395 = arith.constant 0 : i32
    %dma_wait3A_396 = tpu.memref_slice %arg5[%select_n3A, %dma_wait3A_389, %dma_wait3A_394, %dma_wait3A_395] : memref<8x16x513x513xf32, #tpu.memory_space<hbm>> -> memref<1x1x4x513xf32, #tpu.memory_space<hbm>>
    %dma_wait3A_397 = tpu.memref_squeeze %dma_wait3A_396 : memref<1x1x4x513xf32, #tpu.memory_space<hbm>> -> memref<4x513xf32, #tpu.memory_space<hbm>>
    %dma_wait3A_398 = arith.constant 1 : i32
    %dma_wait3A_399 = arith.constant 0 : i32
    %dma_wait3A_400 = tpu.memref_slice %arg5[%select_n3A, %dma_wait3A_389, %dma_wait3A_398, %dma_wait3A_399] : memref<8x16x513x513xf32, #tpu.memory_space<hbm>> -> memref<1x1x4x513xf32, #tpu.memory_space<hbm>>
    %dma_wait3A_401 = tpu.memref_squeeze %dma_wait3A_400 : memref<1x1x4x513xf32, #tpu.memory_space<hbm>> -> memref<4x513xf32, #tpu.memory_space<hbm>>
    %dma_wait3A_402 = arith.constant 0 : i32
    %dma_wait3A_403 = arith.constant 0 : i32
    %dma_wait3A_404 = tpu.memref_slice %arg10[%dma_wait3A_388, %dma_wait3A_402, %dma_wait3A_403] : memref<16x4x513xf32, #tpu.memory_space<vmem>> -> memref<1x4x513xf32, #tpu.memory_space<vmem>>
    %dma_wait3A_405 = tpu.memref_squeeze %dma_wait3A_404 : memref<1x4x513xf32, #tpu.memory_space<vmem>> -> memref<4x513xf32, #tpu.memory_space<vmem>>
    tpu.wait_dma2 semaphore(%arg15 : memref<!tpu.dma_semaphore, #tpu.memory_space<semaphore_mem>>) src(%dma_wait3A_405 : memref<4x513xf32, #tpu.memory_space<vmem>>) dst(%dma_wait3A_401 : memref<4x513xf32, #tpu.memory_space<hbm>>)
    %dma_wait3A_406 = arith.constant 14 : i32
    %dma_wait3A_407 = arith.constant 14 : i32
    %dma_wait3A_408 = arith.constant 0 : i32
    %dma_wait3A_409 = arith.constant 0 : i32
    %dma_wait3A_410 = tpu.memref_slice %arg10[%dma_wait3A_406, %dma_wait3A_408, %dma_wait3A_409] : memref<16x4x513xf32, #tpu.memory_space<vmem>> -> memref<1x4x513xf32, #tpu.memory_space<vmem>>
    %dma_wait3A_411 = tpu.memref_squeeze %dma_wait3A_410 : memref<1x4x513xf32, #tpu.memory_space<vmem>> -> memref<4x513xf32, #tpu.memory_space<vmem>>
    %dma_wait3A_412 = arith.constant 1 : i32
    %dma_wait3A_413 = arith.constant 0 : i32
    %dma_wait3A_414 = tpu.memref_slice %arg5[%select_n3A, %dma_wait3A_407, %dma_wait3A_412, %dma_wait3A_413] : memref<8x16x513x513xf32, #tpu.memory_space<hbm>> -> memref<1x1x4x513xf32, #tpu.memory_space<hbm>>
    %dma_wait3A_415 = tpu.memref_squeeze %dma_wait3A_414 : memref<1x1x4x513xf32, #tpu.memory_space<hbm>> -> memref<4x513xf32, #tpu.memory_space<hbm>>
    %dma_wait3A_416 = arith.constant 1 : i32
    %dma_wait3A_417 = arith.constant 0 : i32
    %dma_wait3A_418 = tpu.memref_slice %arg5[%select_n3A, %dma_wait3A_407, %dma_wait3A_416, %dma_wait3A_417] : memref<8x16x513x513xf32, #tpu.memory_space<hbm>> -> memref<1x1x4x513xf32, #tpu.memory_space<hbm>>
    %dma_wait3A_419 = tpu.memref_squeeze %dma_wait3A_418 : memref<1x1x4x513xf32, #tpu.memory_space<hbm>> -> memref<4x513xf32, #tpu.memory_space<hbm>>
    %dma_wait3A_420 = arith.constant 0 : i32
    %dma_wait3A_421 = arith.constant 0 : i32
    %dma_wait3A_422 = tpu.memref_slice %arg10[%dma_wait3A_406, %dma_wait3A_420, %dma_wait3A_421] : memref<16x4x513xf32, #tpu.memory_space<vmem>> -> memref<1x4x513xf32, #tpu.memory_space<vmem>>
    %dma_wait3A_423 = tpu.memref_squeeze %dma_wait3A_422 : memref<1x4x513xf32, #tpu.memory_space<vmem>> -> memref<4x513xf32, #tpu.memory_space<vmem>>
    tpu.wait_dma2 semaphore(%arg15 : memref<!tpu.dma_semaphore, #tpu.memory_space<semaphore_mem>>) src(%dma_wait3A_423 : memref<4x513xf32, #tpu.memory_space<vmem>>) dst(%dma_wait3A_419 : memref<4x513xf32, #tpu.memory_space<hbm>>)
    %dma_wait3A_424 = arith.constant 15 : i32
    %dma_wait3A_425 = arith.constant 15 : i32
    %dma_wait3A_426 = arith.constant 0 : i32
    %dma_wait3A_427 = arith.constant 0 : i32
    %dma_wait3A_428 = tpu.memref_slice %arg10[%dma_wait3A_424, %dma_wait3A_426, %dma_wait3A_427] : memref<16x4x513xf32, #tpu.memory_space<vmem>> -> memref<1x4x513xf32, #tpu.memory_space<vmem>>
    %dma_wait3A_429 = tpu.memref_squeeze %dma_wait3A_428 : memref<1x4x513xf32, #tpu.memory_space<vmem>> -> memref<4x513xf32, #tpu.memory_space<vmem>>
    %dma_wait3A_430 = arith.constant 1 : i32
    %dma_wait3A_431 = arith.constant 0 : i32
    %dma_wait3A_432 = tpu.memref_slice %arg5[%select_n3A, %dma_wait3A_425, %dma_wait3A_430, %dma_wait3A_431] : memref<8x16x513x513xf32, #tpu.memory_space<hbm>> -> memref<1x1x4x513xf32, #tpu.memory_space<hbm>>
    %dma_wait3A_433 = tpu.memref_squeeze %dma_wait3A_432 : memref<1x1x4x513xf32, #tpu.memory_space<hbm>> -> memref<4x513xf32, #tpu.memory_space<hbm>>
    %dma_wait3A_434 = arith.constant 1 : i32
    %dma_wait3A_435 = arith.constant 0 : i32
    %dma_wait3A_436 = tpu.memref_slice %arg5[%select_n3A, %dma_wait3A_425, %dma_wait3A_434, %dma_wait3A_435] : memref<8x16x513x513xf32, #tpu.memory_space<hbm>> -> memref<1x1x4x513xf32, #tpu.memory_space<hbm>>
    %dma_wait3A_437 = tpu.memref_squeeze %dma_wait3A_436 : memref<1x1x4x513xf32, #tpu.memory_space<hbm>> -> memref<4x513xf32, #tpu.memory_space<hbm>>
    %dma_wait3A_438 = arith.constant 0 : i32
    %dma_wait3A_439 = arith.constant 0 : i32
    %dma_wait3A_440 = tpu.memref_slice %arg10[%dma_wait3A_424, %dma_wait3A_438, %dma_wait3A_439] : memref<16x4x513xf32, #tpu.memory_space<vmem>> -> memref<1x4x513xf32, #tpu.memory_space<vmem>>
    %dma_wait3A_441 = tpu.memref_squeeze %dma_wait3A_440 : memref<1x4x513xf32, #tpu.memory_space<vmem>> -> memref<4x513xf32, #tpu.memory_space<vmem>>
    tpu.wait_dma2 semaphore(%arg15 : memref<!tpu.dma_semaphore, #tpu.memory_space<semaphore_mem>>) src(%dma_wait3A_441 : memref<4x513xf32, #tpu.memory_space<vmem>>) dst(%dma_wait3A_437 : memref<4x513xf32, #tpu.memory_space<hbm>>)
    %dma_wait3A_442 = arith.constant 0 : i32
    %dma_wait3A_443 = arith.constant 0 : i32
    %dma_wait3A_444 = arith.constant 0 : i32
    %dma_wait3A_445 = arith.constant 0 : i32
    %dma_wait3A_446 = tpu.memref_slice %arg11[%dma_wait3A_442, %dma_wait3A_444, %dma_wait3A_445] : memref<16x4x513xf32, #tpu.memory_space<vmem>> -> memref<1x4x513xf32, #tpu.memory_space<vmem>>
    %dma_wait3A_447 = tpu.memref_squeeze %dma_wait3A_446 : memref<1x4x513xf32, #tpu.memory_space<vmem>> -> memref<4x513xf32, #tpu.memory_space<vmem>>
    %dma_wait3A_448 = arith.constant 1 : i32
    %dma_wait3A_449 = arith.constant 0 : i32
    %dma_wait3A_450 = tpu.memref_slice %arg5[%select_n3A, %dma_wait3A_443, %dma_wait3A_448, %dma_wait3A_449] : memref<8x16x513x513xf32, #tpu.memory_space<hbm>> -> memref<1x1x4x513xf32, #tpu.memory_space<hbm>>
    %dma_wait3A_451 = tpu.memref_squeeze %dma_wait3A_450 : memref<1x1x4x513xf32, #tpu.memory_space<hbm>> -> memref<4x513xf32, #tpu.memory_space<hbm>>
    %dma_wait3A_452 = arith.constant 1 : i32
    %dma_wait3A_453 = arith.constant 0 : i32
    %dma_wait3A_454 = tpu.memref_slice %arg5[%select_n3A, %dma_wait3A_443, %dma_wait3A_452, %dma_wait3A_453] : memref<8x16x513x513xf32, #tpu.memory_space<hbm>> -> memref<1x1x4x513xf32, #tpu.memory_space<hbm>>
    %dma_wait3A_455 = tpu.memref_squeeze %dma_wait3A_454 : memref<1x1x4x513xf32, #tpu.memory_space<hbm>> -> memref<4x513xf32, #tpu.memory_space<hbm>>
    %dma_wait3A_456 = arith.constant 0 : i32
    %dma_wait3A_457 = arith.constant 0 : i32
    %dma_wait3A_458 = tpu.memref_slice %arg11[%dma_wait3A_442, %dma_wait3A_456, %dma_wait3A_457] : memref<16x4x513xf32, #tpu.memory_space<vmem>> -> memref<1x4x513xf32, #tpu.memory_space<vmem>>
    %dma_wait3A_459 = tpu.memref_squeeze %dma_wait3A_458 : memref<1x4x513xf32, #tpu.memory_space<vmem>> -> memref<4x513xf32, #tpu.memory_space<vmem>>
    tpu.wait_dma2 semaphore(%arg16 : memref<!tpu.dma_semaphore, #tpu.memory_space<semaphore_mem>>) src(%dma_wait3A_459 : memref<4x513xf32, #tpu.memory_space<vmem>>) dst(%dma_wait3A_455 : memref<4x513xf32, #tpu.memory_space<hbm>>)
    %dma_wait3A_460 = arith.constant 1 : i32
    %dma_wait3A_461 = arith.constant 1 : i32
    %dma_wait3A_462 = arith.constant 0 : i32
    %dma_wait3A_463 = arith.constant 0 : i32
    %dma_wait3A_464 = tpu.memref_slice %arg11[%dma_wait3A_460, %dma_wait3A_462, %dma_wait3A_463] : memref<16x4x513xf32, #tpu.memory_space<vmem>> -> memref<1x4x513xf32, #tpu.memory_space<vmem>>
    %dma_wait3A_465 = tpu.memref_squeeze %dma_wait3A_464 : memref<1x4x513xf32, #tpu.memory_space<vmem>> -> memref<4x513xf32, #tpu.memory_space<vmem>>
    %dma_wait3A_466 = arith.constant 1 : i32
    %dma_wait3A_467 = arith.constant 0 : i32
    %dma_wait3A_468 = tpu.memref_slice %arg5[%select_n3A, %dma_wait3A_461, %dma_wait3A_466, %dma_wait3A_467] : memref<8x16x513x513xf32, #tpu.memory_space<hbm>> -> memref<1x1x4x513xf32, #tpu.memory_space<hbm>>
    %dma_wait3A_469 = tpu.memref_squeeze %dma_wait3A_468 : memref<1x1x4x513xf32, #tpu.memory_space<hbm>> -> memref<4x513xf32, #tpu.memory_space<hbm>>
    %dma_wait3A_470 = arith.constant 1 : i32
    %dma_wait3A_471 = arith.constant 0 : i32
    %dma_wait3A_472 = tpu.memref_slice %arg5[%select_n3A, %dma_wait3A_461, %dma_wait3A_470, %dma_wait3A_471] : memref<8x16x513x513xf32, #tpu.memory_space<hbm>> -> memref<1x1x4x513xf32, #tpu.memory_space<hbm>>
    %dma_wait3A_473 = tpu.memref_squeeze %dma_wait3A_472 : memref<1x1x4x513xf32, #tpu.memory_space<hbm>> -> memref<4x513xf32, #tpu.memory_space<hbm>>
    %dma_wait3A_474 = arith.constant 0 : i32
    %dma_wait3A_475 = arith.constant 0 : i32
    %dma_wait3A_476 = tpu.memref_slice %arg11[%dma_wait3A_460, %dma_wait3A_474, %dma_wait3A_475] : memref<16x4x513xf32, #tpu.memory_space<vmem>> -> memref<1x4x513xf32, #tpu.memory_space<vmem>>
    %dma_wait3A_477 = tpu.memref_squeeze %dma_wait3A_476 : memref<1x4x513xf32, #tpu.memory_space<vmem>> -> memref<4x513xf32, #tpu.memory_space<vmem>>
    tpu.wait_dma2 semaphore(%arg16 : memref<!tpu.dma_semaphore, #tpu.memory_space<semaphore_mem>>) src(%dma_wait3A_477 : memref<4x513xf32, #tpu.memory_space<vmem>>) dst(%dma_wait3A_473 : memref<4x513xf32, #tpu.memory_space<hbm>>)
    %dma_wait3A_478 = arith.constant 2 : i32
    %dma_wait3A_479 = arith.constant 2 : i32
    %dma_wait3A_480 = arith.constant 0 : i32
    %dma_wait3A_481 = arith.constant 0 : i32
    %dma_wait3A_482 = tpu.memref_slice %arg11[%dma_wait3A_478, %dma_wait3A_480, %dma_wait3A_481] : memref<16x4x513xf32, #tpu.memory_space<vmem>> -> memref<1x4x513xf32, #tpu.memory_space<vmem>>
    %dma_wait3A_483 = tpu.memref_squeeze %dma_wait3A_482 : memref<1x4x513xf32, #tpu.memory_space<vmem>> -> memref<4x513xf32, #tpu.memory_space<vmem>>
    %dma_wait3A_484 = arith.constant 1 : i32
    %dma_wait3A_485 = arith.constant 0 : i32
    %dma_wait3A_486 = tpu.memref_slice %arg5[%select_n3A, %dma_wait3A_479, %dma_wait3A_484, %dma_wait3A_485] : memref<8x16x513x513xf32, #tpu.memory_space<hbm>> -> memref<1x1x4x513xf32, #tpu.memory_space<hbm>>
    %dma_wait3A_487 = tpu.memref_squeeze %dma_wait3A_486 : memref<1x1x4x513xf32, #tpu.memory_space<hbm>> -> memref<4x513xf32, #tpu.memory_space<hbm>>
    %dma_wait3A_488 = arith.constant 1 : i32
    %dma_wait3A_489 = arith.constant 0 : i32
    %dma_wait3A_490 = tpu.memref_slice %arg5[%select_n3A, %dma_wait3A_479, %dma_wait3A_488, %dma_wait3A_489] : memref<8x16x513x513xf32, #tpu.memory_space<hbm>> -> memref<1x1x4x513xf32, #tpu.memory_space<hbm>>
    %dma_wait3A_491 = tpu.memref_squeeze %dma_wait3A_490 : memref<1x1x4x513xf32, #tpu.memory_space<hbm>> -> memref<4x513xf32, #tpu.memory_space<hbm>>
    %dma_wait3A_492 = arith.constant 0 : i32
    %dma_wait3A_493 = arith.constant 0 : i32
    %dma_wait3A_494 = tpu.memref_slice %arg11[%dma_wait3A_478, %dma_wait3A_492, %dma_wait3A_493] : memref<16x4x513xf32, #tpu.memory_space<vmem>> -> memref<1x4x513xf32, #tpu.memory_space<vmem>>
    %dma_wait3A_495 = tpu.memref_squeeze %dma_wait3A_494 : memref<1x4x513xf32, #tpu.memory_space<vmem>> -> memref<4x513xf32, #tpu.memory_space<vmem>>
    tpu.wait_dma2 semaphore(%arg16 : memref<!tpu.dma_semaphore, #tpu.memory_space<semaphore_mem>>) src(%dma_wait3A_495 : memref<4x513xf32, #tpu.memory_space<vmem>>) dst(%dma_wait3A_491 : memref<4x513xf32, #tpu.memory_space<hbm>>)
    %dma_wait3A_496 = arith.constant 3 : i32
    %dma_wait3A_497 = arith.constant 3 : i32
    %dma_wait3A_498 = arith.constant 0 : i32
    %dma_wait3A_499 = arith.constant 0 : i32
    %dma_wait3A_500 = tpu.memref_slice %arg11[%dma_wait3A_496, %dma_wait3A_498, %dma_wait3A_499] : memref<16x4x513xf32, #tpu.memory_space<vmem>> -> memref<1x4x513xf32, #tpu.memory_space<vmem>>
    %dma_wait3A_501 = tpu.memref_squeeze %dma_wait3A_500 : memref<1x4x513xf32, #tpu.memory_space<vmem>> -> memref<4x513xf32, #tpu.memory_space<vmem>>
    %dma_wait3A_502 = arith.constant 1 : i32
    %dma_wait3A_503 = arith.constant 0 : i32
    %dma_wait3A_504 = tpu.memref_slice %arg5[%select_n3A, %dma_wait3A_497, %dma_wait3A_502, %dma_wait3A_503] : memref<8x16x513x513xf32, #tpu.memory_space<hbm>> -> memref<1x1x4x513xf32, #tpu.memory_space<hbm>>
    %dma_wait3A_505 = tpu.memref_squeeze %dma_wait3A_504 : memref<1x1x4x513xf32, #tpu.memory_space<hbm>> -> memref<4x513xf32, #tpu.memory_space<hbm>>
    %dma_wait3A_506 = arith.constant 1 : i32
    %dma_wait3A_507 = arith.constant 0 : i32
    %dma_wait3A_508 = tpu.memref_slice %arg5[%select_n3A, %dma_wait3A_497, %dma_wait3A_506, %dma_wait3A_507] : memref<8x16x513x513xf32, #tpu.memory_space<hbm>> -> memref<1x1x4x513xf32, #tpu.memory_space<hbm>>
    %dma_wait3A_509 = tpu.memref_squeeze %dma_wait3A_508 : memref<1x1x4x513xf32, #tpu.memory_space<hbm>> -> memref<4x513xf32, #tpu.memory_space<hbm>>
    %dma_wait3A_510 = arith.constant 0 : i32
    %dma_wait3A_511 = arith.constant 0 : i32
    %dma_wait3A_512 = tpu.memref_slice %arg11[%dma_wait3A_496, %dma_wait3A_510, %dma_wait3A_511] : memref<16x4x513xf32, #tpu.memory_space<vmem>> -> memref<1x4x513xf32, #tpu.memory_space<vmem>>
    %dma_wait3A_513 = tpu.memref_squeeze %dma_wait3A_512 : memref<1x4x513xf32, #tpu.memory_space<vmem>> -> memref<4x513xf32, #tpu.memory_space<vmem>>
    tpu.wait_dma2 semaphore(%arg16 : memref<!tpu.dma_semaphore, #tpu.memory_space<semaphore_mem>>) src(%dma_wait3A_513 : memref<4x513xf32, #tpu.memory_space<vmem>>) dst(%dma_wait3A_509 : memref<4x513xf32, #tpu.memory_space<hbm>>)
    %dma_wait3A_514 = arith.constant 4 : i32
    %dma_wait3A_515 = arith.constant 4 : i32
    %dma_wait3A_516 = arith.constant 0 : i32
    %dma_wait3A_517 = arith.constant 0 : i32
    %dma_wait3A_518 = tpu.memref_slice %arg11[%dma_wait3A_514, %dma_wait3A_516, %dma_wait3A_517] : memref<16x4x513xf32, #tpu.memory_space<vmem>> -> memref<1x4x513xf32, #tpu.memory_space<vmem>>
    %dma_wait3A_519 = tpu.memref_squeeze %dma_wait3A_518 : memref<1x4x513xf32, #tpu.memory_space<vmem>> -> memref<4x513xf32, #tpu.memory_space<vmem>>
    %dma_wait3A_520 = arith.constant 1 : i32
    %dma_wait3A_521 = arith.constant 0 : i32
    %dma_wait3A_522 = tpu.memref_slice %arg5[%select_n3A, %dma_wait3A_515, %dma_wait3A_520, %dma_wait3A_521] : memref<8x16x513x513xf32, #tpu.memory_space<hbm>> -> memref<1x1x4x513xf32, #tpu.memory_space<hbm>>
    %dma_wait3A_523 = tpu.memref_squeeze %dma_wait3A_522 : memref<1x1x4x513xf32, #tpu.memory_space<hbm>> -> memref<4x513xf32, #tpu.memory_space<hbm>>
    %dma_wait3A_524 = arith.constant 1 : i32
    %dma_wait3A_525 = arith.constant 0 : i32
    %dma_wait3A_526 = tpu.memref_slice %arg5[%select_n3A, %dma_wait3A_515, %dma_wait3A_524, %dma_wait3A_525] : memref<8x16x513x513xf32, #tpu.memory_space<hbm>> -> memref<1x1x4x513xf32, #tpu.memory_space<hbm>>
    %dma_wait3A_527 = tpu.memref_squeeze %dma_wait3A_526 : memref<1x1x4x513xf32, #tpu.memory_space<hbm>> -> memref<4x513xf32, #tpu.memory_space<hbm>>
    %dma_wait3A_528 = arith.constant 0 : i32
    %dma_wait3A_529 = arith.constant 0 : i32
    %dma_wait3A_530 = tpu.memref_slice %arg11[%dma_wait3A_514, %dma_wait3A_528, %dma_wait3A_529] : memref<16x4x513xf32, #tpu.memory_space<vmem>> -> memref<1x4x513xf32, #tpu.memory_space<vmem>>
    %dma_wait3A_531 = tpu.memref_squeeze %dma_wait3A_530 : memref<1x4x513xf32, #tpu.memory_space<vmem>> -> memref<4x513xf32, #tpu.memory_space<vmem>>
    tpu.wait_dma2 semaphore(%arg16 : memref<!tpu.dma_semaphore, #tpu.memory_space<semaphore_mem>>) src(%dma_wait3A_531 : memref<4x513xf32, #tpu.memory_space<vmem>>) dst(%dma_wait3A_527 : memref<4x513xf32, #tpu.memory_space<hbm>>)
    %dma_wait3A_532 = arith.constant 5 : i32
    %dma_wait3A_533 = arith.constant 5 : i32
    %dma_wait3A_534 = arith.constant 0 : i32
    %dma_wait3A_535 = arith.constant 0 : i32
    %dma_wait3A_536 = tpu.memref_slice %arg11[%dma_wait3A_532, %dma_wait3A_534, %dma_wait3A_535] : memref<16x4x513xf32, #tpu.memory_space<vmem>> -> memref<1x4x513xf32, #tpu.memory_space<vmem>>
    %dma_wait3A_537 = tpu.memref_squeeze %dma_wait3A_536 : memref<1x4x513xf32, #tpu.memory_space<vmem>> -> memref<4x513xf32, #tpu.memory_space<vmem>>
    %dma_wait3A_538 = arith.constant 1 : i32
    %dma_wait3A_539 = arith.constant 0 : i32
    %dma_wait3A_540 = tpu.memref_slice %arg5[%select_n3A, %dma_wait3A_533, %dma_wait3A_538, %dma_wait3A_539] : memref<8x16x513x513xf32, #tpu.memory_space<hbm>> -> memref<1x1x4x513xf32, #tpu.memory_space<hbm>>
    %dma_wait3A_541 = tpu.memref_squeeze %dma_wait3A_540 : memref<1x1x4x513xf32, #tpu.memory_space<hbm>> -> memref<4x513xf32, #tpu.memory_space<hbm>>
    %dma_wait3A_542 = arith.constant 1 : i32
    %dma_wait3A_543 = arith.constant 0 : i32
    %dma_wait3A_544 = tpu.memref_slice %arg5[%select_n3A, %dma_wait3A_533, %dma_wait3A_542, %dma_wait3A_543] : memref<8x16x513x513xf32, #tpu.memory_space<hbm>> -> memref<1x1x4x513xf32, #tpu.memory_space<hbm>>
    %dma_wait3A_545 = tpu.memref_squeeze %dma_wait3A_544 : memref<1x1x4x513xf32, #tpu.memory_space<hbm>> -> memref<4x513xf32, #tpu.memory_space<hbm>>
    %dma_wait3A_546 = arith.constant 0 : i32
    %dma_wait3A_547 = arith.constant 0 : i32
    %dma_wait3A_548 = tpu.memref_slice %arg11[%dma_wait3A_532, %dma_wait3A_546, %dma_wait3A_547] : memref<16x4x513xf32, #tpu.memory_space<vmem>> -> memref<1x4x513xf32, #tpu.memory_space<vmem>>
    %dma_wait3A_549 = tpu.memref_squeeze %dma_wait3A_548 : memref<1x4x513xf32, #tpu.memory_space<vmem>> -> memref<4x513xf32, #tpu.memory_space<vmem>>
    tpu.wait_dma2 semaphore(%arg16 : memref<!tpu.dma_semaphore, #tpu.memory_space<semaphore_mem>>) src(%dma_wait3A_549 : memref<4x513xf32, #tpu.memory_space<vmem>>) dst(%dma_wait3A_545 : memref<4x513xf32, #tpu.memory_space<hbm>>)
    %dma_wait3A_550 = arith.constant 6 : i32
    %dma_wait3A_551 = arith.constant 6 : i32
    %dma_wait3A_552 = arith.constant 0 : i32
    %dma_wait3A_553 = arith.constant 0 : i32
    %dma_wait3A_554 = tpu.memref_slice %arg11[%dma_wait3A_550, %dma_wait3A_552, %dma_wait3A_553] : memref<16x4x513xf32, #tpu.memory_space<vmem>> -> memref<1x4x513xf32, #tpu.memory_space<vmem>>
    %dma_wait3A_555 = tpu.memref_squeeze %dma_wait3A_554 : memref<1x4x513xf32, #tpu.memory_space<vmem>> -> memref<4x513xf32, #tpu.memory_space<vmem>>
    %dma_wait3A_556 = arith.constant 1 : i32
    %dma_wait3A_557 = arith.constant 0 : i32
    %dma_wait3A_558 = tpu.memref_slice %arg5[%select_n3A, %dma_wait3A_551, %dma_wait3A_556, %dma_wait3A_557] : memref<8x16x513x513xf32, #tpu.memory_space<hbm>> -> memref<1x1x4x513xf32, #tpu.memory_space<hbm>>
    %dma_wait3A_559 = tpu.memref_squeeze %dma_wait3A_558 : memref<1x1x4x513xf32, #tpu.memory_space<hbm>> -> memref<4x513xf32, #tpu.memory_space<hbm>>
    %dma_wait3A_560 = arith.constant 1 : i32
    %dma_wait3A_561 = arith.constant 0 : i32
    %dma_wait3A_562 = tpu.memref_slice %arg5[%select_n3A, %dma_wait3A_551, %dma_wait3A_560, %dma_wait3A_561] : memref<8x16x513x513xf32, #tpu.memory_space<hbm>> -> memref<1x1x4x513xf32, #tpu.memory_space<hbm>>
    %dma_wait3A_563 = tpu.memref_squeeze %dma_wait3A_562 : memref<1x1x4x513xf32, #tpu.memory_space<hbm>> -> memref<4x513xf32, #tpu.memory_space<hbm>>
    %dma_wait3A_564 = arith.constant 0 : i32
    %dma_wait3A_565 = arith.constant 0 : i32
    %dma_wait3A_566 = tpu.memref_slice %arg11[%dma_wait3A_550, %dma_wait3A_564, %dma_wait3A_565] : memref<16x4x513xf32, #tpu.memory_space<vmem>> -> memref<1x4x513xf32, #tpu.memory_space<vmem>>
    %dma_wait3A_567 = tpu.memref_squeeze %dma_wait3A_566 : memref<1x4x513xf32, #tpu.memory_space<vmem>> -> memref<4x513xf32, #tpu.memory_space<vmem>>
    tpu.wait_dma2 semaphore(%arg16 : memref<!tpu.dma_semaphore, #tpu.memory_space<semaphore_mem>>) src(%dma_wait3A_567 : memref<4x513xf32, #tpu.memory_space<vmem>>) dst(%dma_wait3A_563 : memref<4x513xf32, #tpu.memory_space<hbm>>)
    %dma_wait3A_568 = arith.constant 7 : i32
    %dma_wait3A_569 = arith.constant 7 : i32
    %dma_wait3A_570 = arith.constant 0 : i32
    %dma_wait3A_571 = arith.constant 0 : i32
    %dma_wait3A_572 = tpu.memref_slice %arg11[%dma_wait3A_568, %dma_wait3A_570, %dma_wait3A_571] : memref<16x4x513xf32, #tpu.memory_space<vmem>> -> memref<1x4x513xf32, #tpu.memory_space<vmem>>
    %dma_wait3A_573 = tpu.memref_squeeze %dma_wait3A_572 : memref<1x4x513xf32, #tpu.memory_space<vmem>> -> memref<4x513xf32, #tpu.memory_space<vmem>>
    %dma_wait3A_574 = arith.constant 1 : i32
    %dma_wait3A_575 = arith.constant 0 : i32
    %dma_wait3A_576 = tpu.memref_slice %arg5[%select_n3A, %dma_wait3A_569, %dma_wait3A_574, %dma_wait3A_575] : memref<8x16x513x513xf32, #tpu.memory_space<hbm>> -> memref<1x1x4x513xf32, #tpu.memory_space<hbm>>
    %dma_wait3A_577 = tpu.memref_squeeze %dma_wait3A_576 : memref<1x1x4x513xf32, #tpu.memory_space<hbm>> -> memref<4x513xf32, #tpu.memory_space<hbm>>
    %dma_wait3A_578 = arith.constant 1 : i32
    %dma_wait3A_579 = arith.constant 0 : i32
    %dma_wait3A_580 = tpu.memref_slice %arg5[%select_n3A, %dma_wait3A_569, %dma_wait3A_578, %dma_wait3A_579] : memref<8x16x513x513xf32, #tpu.memory_space<hbm>> -> memref<1x1x4x513xf32, #tpu.memory_space<hbm>>
    %dma_wait3A_581 = tpu.memref_squeeze %dma_wait3A_580 : memref<1x1x4x513xf32, #tpu.memory_space<hbm>> -> memref<4x513xf32, #tpu.memory_space<hbm>>
    %dma_wait3A_582 = arith.constant 0 : i32
    %dma_wait3A_583 = arith.constant 0 : i32
    %dma_wait3A_584 = tpu.memref_slice %arg11[%dma_wait3A_568, %dma_wait3A_582, %dma_wait3A_583] : memref<16x4x513xf32, #tpu.memory_space<vmem>> -> memref<1x4x513xf32, #tpu.memory_space<vmem>>
    %dma_wait3A_585 = tpu.memref_squeeze %dma_wait3A_584 : memref<1x4x513xf32, #tpu.memory_space<vmem>> -> memref<4x513xf32, #tpu.memory_space<vmem>>
    tpu.wait_dma2 semaphore(%arg16 : memref<!tpu.dma_semaphore, #tpu.memory_space<semaphore_mem>>) src(%dma_wait3A_585 : memref<4x513xf32, #tpu.memory_space<vmem>>) dst(%dma_wait3A_581 : memref<4x513xf32, #tpu.memory_space<hbm>>)
    %dma_wait3A_586 = arith.constant 8 : i32
    %dma_wait3A_587 = arith.constant 8 : i32
    %dma_wait3A_588 = arith.constant 0 : i32
    %dma_wait3A_589 = arith.constant 0 : i32
    %dma_wait3A_590 = tpu.memref_slice %arg11[%dma_wait3A_586, %dma_wait3A_588, %dma_wait3A_589] : memref<16x4x513xf32, #tpu.memory_space<vmem>> -> memref<1x4x513xf32, #tpu.memory_space<vmem>>
    %dma_wait3A_591 = tpu.memref_squeeze %dma_wait3A_590 : memref<1x4x513xf32, #tpu.memory_space<vmem>> -> memref<4x513xf32, #tpu.memory_space<vmem>>
    %dma_wait3A_592 = arith.constant 1 : i32
    %dma_wait3A_593 = arith.constant 0 : i32
    %dma_wait3A_594 = tpu.memref_slice %arg5[%select_n3A, %dma_wait3A_587, %dma_wait3A_592, %dma_wait3A_593] : memref<8x16x513x513xf32, #tpu.memory_space<hbm>> -> memref<1x1x4x513xf32, #tpu.memory_space<hbm>>
    %dma_wait3A_595 = tpu.memref_squeeze %dma_wait3A_594 : memref<1x1x4x513xf32, #tpu.memory_space<hbm>> -> memref<4x513xf32, #tpu.memory_space<hbm>>
    %dma_wait3A_596 = arith.constant 1 : i32
    %dma_wait3A_597 = arith.constant 0 : i32
    %dma_wait3A_598 = tpu.memref_slice %arg5[%select_n3A, %dma_wait3A_587, %dma_wait3A_596, %dma_wait3A_597] : memref<8x16x513x513xf32, #tpu.memory_space<hbm>> -> memref<1x1x4x513xf32, #tpu.memory_space<hbm>>
    %dma_wait3A_599 = tpu.memref_squeeze %dma_wait3A_598 : memref<1x1x4x513xf32, #tpu.memory_space<hbm>> -> memref<4x513xf32, #tpu.memory_space<hbm>>
    %dma_wait3A_600 = arith.constant 0 : i32
    %dma_wait3A_601 = arith.constant 0 : i32
    %dma_wait3A_602 = tpu.memref_slice %arg11[%dma_wait3A_586, %dma_wait3A_600, %dma_wait3A_601] : memref<16x4x513xf32, #tpu.memory_space<vmem>> -> memref<1x4x513xf32, #tpu.memory_space<vmem>>
    %dma_wait3A_603 = tpu.memref_squeeze %dma_wait3A_602 : memref<1x4x513xf32, #tpu.memory_space<vmem>> -> memref<4x513xf32, #tpu.memory_space<vmem>>
    tpu.wait_dma2 semaphore(%arg16 : memref<!tpu.dma_semaphore, #tpu.memory_space<semaphore_mem>>) src(%dma_wait3A_603 : memref<4x513xf32, #tpu.memory_space<vmem>>) dst(%dma_wait3A_599 : memref<4x513xf32, #tpu.memory_space<hbm>>)
    %dma_wait3A_604 = arith.constant 9 : i32
    %dma_wait3A_605 = arith.constant 9 : i32
    %dma_wait3A_606 = arith.constant 0 : i32
    %dma_wait3A_607 = arith.constant 0 : i32
    %dma_wait3A_608 = tpu.memref_slice %arg11[%dma_wait3A_604, %dma_wait3A_606, %dma_wait3A_607] : memref<16x4x513xf32, #tpu.memory_space<vmem>> -> memref<1x4x513xf32, #tpu.memory_space<vmem>>
    %dma_wait3A_609 = tpu.memref_squeeze %dma_wait3A_608 : memref<1x4x513xf32, #tpu.memory_space<vmem>> -> memref<4x513xf32, #tpu.memory_space<vmem>>
    %dma_wait3A_610 = arith.constant 1 : i32
    %dma_wait3A_611 = arith.constant 0 : i32
    %dma_wait3A_612 = tpu.memref_slice %arg5[%select_n3A, %dma_wait3A_605, %dma_wait3A_610, %dma_wait3A_611] : memref<8x16x513x513xf32, #tpu.memory_space<hbm>> -> memref<1x1x4x513xf32, #tpu.memory_space<hbm>>
    %dma_wait3A_613 = tpu.memref_squeeze %dma_wait3A_612 : memref<1x1x4x513xf32, #tpu.memory_space<hbm>> -> memref<4x513xf32, #tpu.memory_space<hbm>>
    %dma_wait3A_614 = arith.constant 1 : i32
    %dma_wait3A_615 = arith.constant 0 : i32
    %dma_wait3A_616 = tpu.memref_slice %arg5[%select_n3A, %dma_wait3A_605, %dma_wait3A_614, %dma_wait3A_615] : memref<8x16x513x513xf32, #tpu.memory_space<hbm>> -> memref<1x1x4x513xf32, #tpu.memory_space<hbm>>
    %dma_wait3A_617 = tpu.memref_squeeze %dma_wait3A_616 : memref<1x1x4x513xf32, #tpu.memory_space<hbm>> -> memref<4x513xf32, #tpu.memory_space<hbm>>
    %dma_wait3A_618 = arith.constant 0 : i32
    %dma_wait3A_619 = arith.constant 0 : i32
    %dma_wait3A_620 = tpu.memref_slice %arg11[%dma_wait3A_604, %dma_wait3A_618, %dma_wait3A_619] : memref<16x4x513xf32, #tpu.memory_space<vmem>> -> memref<1x4x513xf32, #tpu.memory_space<vmem>>
    %dma_wait3A_621 = tpu.memref_squeeze %dma_wait3A_620 : memref<1x4x513xf32, #tpu.memory_space<vmem>> -> memref<4x513xf32, #tpu.memory_space<vmem>>
    tpu.wait_dma2 semaphore(%arg16 : memref<!tpu.dma_semaphore, #tpu.memory_space<semaphore_mem>>) src(%dma_wait3A_621 : memref<4x513xf32, #tpu.memory_space<vmem>>) dst(%dma_wait3A_617 : memref<4x513xf32, #tpu.memory_space<hbm>>)
    %dma_wait3A_622 = arith.constant 10 : i32
    %dma_wait3A_623 = arith.constant 10 : i32
    %dma_wait3A_624 = arith.constant 0 : i32
    %dma_wait3A_625 = arith.constant 0 : i32
    %dma_wait3A_626 = tpu.memref_slice %arg11[%dma_wait3A_622, %dma_wait3A_624, %dma_wait3A_625] : memref<16x4x513xf32, #tpu.memory_space<vmem>> -> memref<1x4x513xf32, #tpu.memory_space<vmem>>
    %dma_wait3A_627 = tpu.memref_squeeze %dma_wait3A_626 : memref<1x4x513xf32, #tpu.memory_space<vmem>> -> memref<4x513xf32, #tpu.memory_space<vmem>>
    %dma_wait3A_628 = arith.constant 1 : i32
    %dma_wait3A_629 = arith.constant 0 : i32
    %dma_wait3A_630 = tpu.memref_slice %arg5[%select_n3A, %dma_wait3A_623, %dma_wait3A_628, %dma_wait3A_629] : memref<8x16x513x513xf32, #tpu.memory_space<hbm>> -> memref<1x1x4x513xf32, #tpu.memory_space<hbm>>
    %dma_wait3A_631 = tpu.memref_squeeze %dma_wait3A_630 : memref<1x1x4x513xf32, #tpu.memory_space<hbm>> -> memref<4x513xf32, #tpu.memory_space<hbm>>
    %dma_wait3A_632 = arith.constant 1 : i32
    %dma_wait3A_633 = arith.constant 0 : i32
    %dma_wait3A_634 = tpu.memref_slice %arg5[%select_n3A, %dma_wait3A_623, %dma_wait3A_632, %dma_wait3A_633] : memref<8x16x513x513xf32, #tpu.memory_space<hbm>> -> memref<1x1x4x513xf32, #tpu.memory_space<hbm>>
    %dma_wait3A_635 = tpu.memref_squeeze %dma_wait3A_634 : memref<1x1x4x513xf32, #tpu.memory_space<hbm>> -> memref<4x513xf32, #tpu.memory_space<hbm>>
    %dma_wait3A_636 = arith.constant 0 : i32
    %dma_wait3A_637 = arith.constant 0 : i32
    %dma_wait3A_638 = tpu.memref_slice %arg11[%dma_wait3A_622, %dma_wait3A_636, %dma_wait3A_637] : memref<16x4x513xf32, #tpu.memory_space<vmem>> -> memref<1x4x513xf32, #tpu.memory_space<vmem>>
    %dma_wait3A_639 = tpu.memref_squeeze %dma_wait3A_638 : memref<1x4x513xf32, #tpu.memory_space<vmem>> -> memref<4x513xf32, #tpu.memory_space<vmem>>
    tpu.wait_dma2 semaphore(%arg16 : memref<!tpu.dma_semaphore, #tpu.memory_space<semaphore_mem>>) src(%dma_wait3A_639 : memref<4x513xf32, #tpu.memory_space<vmem>>) dst(%dma_wait3A_635 : memref<4x513xf32, #tpu.memory_space<hbm>>)
    %dma_wait3A_640 = arith.constant 11 : i32
    %dma_wait3A_641 = arith.constant 11 : i32
    %dma_wait3A_642 = arith.constant 0 : i32
    %dma_wait3A_643 = arith.constant 0 : i32
    %dma_wait3A_644 = tpu.memref_slice %arg11[%dma_wait3A_640, %dma_wait3A_642, %dma_wait3A_643] : memref<16x4x513xf32, #tpu.memory_space<vmem>> -> memref<1x4x513xf32, #tpu.memory_space<vmem>>
    %dma_wait3A_645 = tpu.memref_squeeze %dma_wait3A_644 : memref<1x4x513xf32, #tpu.memory_space<vmem>> -> memref<4x513xf32, #tpu.memory_space<vmem>>
    %dma_wait3A_646 = arith.constant 1 : i32
    %dma_wait3A_647 = arith.constant 0 : i32
    %dma_wait3A_648 = tpu.memref_slice %arg5[%select_n3A, %dma_wait3A_641, %dma_wait3A_646, %dma_wait3A_647] : memref<8x16x513x513xf32, #tpu.memory_space<hbm>> -> memref<1x1x4x513xf32, #tpu.memory_space<hbm>>
    %dma_wait3A_649 = tpu.memref_squeeze %dma_wait3A_648 : memref<1x1x4x513xf32, #tpu.memory_space<hbm>> -> memref<4x513xf32, #tpu.memory_space<hbm>>
    %dma_wait3A_650 = arith.constant 1 : i32
    %dma_wait3A_651 = arith.constant 0 : i32
    %dma_wait3A_652 = tpu.memref_slice %arg5[%select_n3A, %dma_wait3A_641, %dma_wait3A_650, %dma_wait3A_651] : memref<8x16x513x513xf32, #tpu.memory_space<hbm>> -> memref<1x1x4x513xf32, #tpu.memory_space<hbm>>
    %dma_wait3A_653 = tpu.memref_squeeze %dma_wait3A_652 : memref<1x1x4x513xf32, #tpu.memory_space<hbm>> -> memref<4x513xf32, #tpu.memory_space<hbm>>
    %dma_wait3A_654 = arith.constant 0 : i32
    %dma_wait3A_655 = arith.constant 0 : i32
    %dma_wait3A_656 = tpu.memref_slice %arg11[%dma_wait3A_640, %dma_wait3A_654, %dma_wait3A_655] : memref<16x4x513xf32, #tpu.memory_space<vmem>> -> memref<1x4x513xf32, #tpu.memory_space<vmem>>
    %dma_wait3A_657 = tpu.memref_squeeze %dma_wait3A_656 : memref<1x4x513xf32, #tpu.memory_space<vmem>> -> memref<4x513xf32, #tpu.memory_space<vmem>>
    tpu.wait_dma2 semaphore(%arg16 : memref<!tpu.dma_semaphore, #tpu.memory_space<semaphore_mem>>) src(%dma_wait3A_657 : memref<4x513xf32, #tpu.memory_space<vmem>>) dst(%dma_wait3A_653 : memref<4x513xf32, #tpu.memory_space<hbm>>)
    %dma_wait3A_658 = arith.constant 12 : i32
    %dma_wait3A_659 = arith.constant 12 : i32
    %dma_wait3A_660 = arith.constant 0 : i32
    %dma_wait3A_661 = arith.constant 0 : i32
    %dma_wait3A_662 = tpu.memref_slice %arg11[%dma_wait3A_658, %dma_wait3A_660, %dma_wait3A_661] : memref<16x4x513xf32, #tpu.memory_space<vmem>> -> memref<1x4x513xf32, #tpu.memory_space<vmem>>
    %dma_wait3A_663 = tpu.memref_squeeze %dma_wait3A_662 : memref<1x4x513xf32, #tpu.memory_space<vmem>> -> memref<4x513xf32, #tpu.memory_space<vmem>>
    %dma_wait3A_664 = arith.constant 1 : i32
    %dma_wait3A_665 = arith.constant 0 : i32
    %dma_wait3A_666 = tpu.memref_slice %arg5[%select_n3A, %dma_wait3A_659, %dma_wait3A_664, %dma_wait3A_665] : memref<8x16x513x513xf32, #tpu.memory_space<hbm>> -> memref<1x1x4x513xf32, #tpu.memory_space<hbm>>
    %dma_wait3A_667 = tpu.memref_squeeze %dma_wait3A_666 : memref<1x1x4x513xf32, #tpu.memory_space<hbm>> -> memref<4x513xf32, #tpu.memory_space<hbm>>
    %dma_wait3A_668 = arith.constant 1 : i32
    %dma_wait3A_669 = arith.constant 0 : i32
    %dma_wait3A_670 = tpu.memref_slice %arg5[%select_n3A, %dma_wait3A_659, %dma_wait3A_668, %dma_wait3A_669] : memref<8x16x513x513xf32, #tpu.memory_space<hbm>> -> memref<1x1x4x513xf32, #tpu.memory_space<hbm>>
    %dma_wait3A_671 = tpu.memref_squeeze %dma_wait3A_670 : memref<1x1x4x513xf32, #tpu.memory_space<hbm>> -> memref<4x513xf32, #tpu.memory_space<hbm>>
    %dma_wait3A_672 = arith.constant 0 : i32
    %dma_wait3A_673 = arith.constant 0 : i32
    %dma_wait3A_674 = tpu.memref_slice %arg11[%dma_wait3A_658, %dma_wait3A_672, %dma_wait3A_673] : memref<16x4x513xf32, #tpu.memory_space<vmem>> -> memref<1x4x513xf32, #tpu.memory_space<vmem>>
    %dma_wait3A_675 = tpu.memref_squeeze %dma_wait3A_674 : memref<1x4x513xf32, #tpu.memory_space<vmem>> -> memref<4x513xf32, #tpu.memory_space<vmem>>
    tpu.wait_dma2 semaphore(%arg16 : memref<!tpu.dma_semaphore, #tpu.memory_space<semaphore_mem>>) src(%dma_wait3A_675 : memref<4x513xf32, #tpu.memory_space<vmem>>) dst(%dma_wait3A_671 : memref<4x513xf32, #tpu.memory_space<hbm>>)
    %dma_wait3A_676 = arith.constant 13 : i32
    %dma_wait3A_677 = arith.constant 13 : i32
    %dma_wait3A_678 = arith.constant 0 : i32
    %dma_wait3A_679 = arith.constant 0 : i32
    %dma_wait3A_680 = tpu.memref_slice %arg11[%dma_wait3A_676, %dma_wait3A_678, %dma_wait3A_679] : memref<16x4x513xf32, #tpu.memory_space<vmem>> -> memref<1x4x513xf32, #tpu.memory_space<vmem>>
    %dma_wait3A_681 = tpu.memref_squeeze %dma_wait3A_680 : memref<1x4x513xf32, #tpu.memory_space<vmem>> -> memref<4x513xf32, #tpu.memory_space<vmem>>
    %dma_wait3A_682 = arith.constant 1 : i32
    %dma_wait3A_683 = arith.constant 0 : i32
    %dma_wait3A_684 = tpu.memref_slice %arg5[%select_n3A, %dma_wait3A_677, %dma_wait3A_682, %dma_wait3A_683] : memref<8x16x513x513xf32, #tpu.memory_space<hbm>> -> memref<1x1x4x513xf32, #tpu.memory_space<hbm>>
    %dma_wait3A_685 = tpu.memref_squeeze %dma_wait3A_684 : memref<1x1x4x513xf32, #tpu.memory_space<hbm>> -> memref<4x513xf32, #tpu.memory_space<hbm>>
    %dma_wait3A_686 = arith.constant 1 : i32
    %dma_wait3A_687 = arith.constant 0 : i32
    %dma_wait3A_688 = tpu.memref_slice %arg5[%select_n3A, %dma_wait3A_677, %dma_wait3A_686, %dma_wait3A_687] : memref<8x16x513x513xf32, #tpu.memory_space<hbm>> -> memref<1x1x4x513xf32, #tpu.memory_space<hbm>>
    %dma_wait3A_689 = tpu.memref_squeeze %dma_wait3A_688 : memref<1x1x4x513xf32, #tpu.memory_space<hbm>> -> memref<4x513xf32, #tpu.memory_space<hbm>>
    %dma_wait3A_690 = arith.constant 0 : i32
    %dma_wait3A_691 = arith.constant 0 : i32
    %dma_wait3A_692 = tpu.memref_slice %arg11[%dma_wait3A_676, %dma_wait3A_690, %dma_wait3A_691] : memref<16x4x513xf32, #tpu.memory_space<vmem>> -> memref<1x4x513xf32, #tpu.memory_space<vmem>>
    %dma_wait3A_693 = tpu.memref_squeeze %dma_wait3A_692 : memref<1x4x513xf32, #tpu.memory_space<vmem>> -> memref<4x513xf32, #tpu.memory_space<vmem>>
    tpu.wait_dma2 semaphore(%arg16 : memref<!tpu.dma_semaphore, #tpu.memory_space<semaphore_mem>>) src(%dma_wait3A_693 : memref<4x513xf32, #tpu.memory_space<vmem>>) dst(%dma_wait3A_689 : memref<4x513xf32, #tpu.memory_space<hbm>>)
    %dma_wait3A_694 = arith.constant 14 : i32
    %dma_wait3A_695 = arith.constant 14 : i32
    %dma_wait3A_696 = arith.constant 0 : i32
    %dma_wait3A_697 = arith.constant 0 : i32
    %dma_wait3A_698 = tpu.memref_slice %arg11[%dma_wait3A_694, %dma_wait3A_696, %dma_wait3A_697] : memref<16x4x513xf32, #tpu.memory_space<vmem>> -> memref<1x4x513xf32, #tpu.memory_space<vmem>>
    %dma_wait3A_699 = tpu.memref_squeeze %dma_wait3A_698 : memref<1x4x513xf32, #tpu.memory_space<vmem>> -> memref<4x513xf32, #tpu.memory_space<vmem>>
    %dma_wait3A_700 = arith.constant 1 : i32
    %dma_wait3A_701 = arith.constant 0 : i32
    %dma_wait3A_702 = tpu.memref_slice %arg5[%select_n3A, %dma_wait3A_695, %dma_wait3A_700, %dma_wait3A_701] : memref<8x16x513x513xf32, #tpu.memory_space<hbm>> -> memref<1x1x4x513xf32, #tpu.memory_space<hbm>>
    %dma_wait3A_703 = tpu.memref_squeeze %dma_wait3A_702 : memref<1x1x4x513xf32, #tpu.memory_space<hbm>> -> memref<4x513xf32, #tpu.memory_space<hbm>>
    %dma_wait3A_704 = arith.constant 1 : i32
    %dma_wait3A_705 = arith.constant 0 : i32
    %dma_wait3A_706 = tpu.memref_slice %arg5[%select_n3A, %dma_wait3A_695, %dma_wait3A_704, %dma_wait3A_705] : memref<8x16x513x513xf32, #tpu.memory_space<hbm>> -> memref<1x1x4x513xf32, #tpu.memory_space<hbm>>
    %dma_wait3A_707 = tpu.memref_squeeze %dma_wait3A_706 : memref<1x1x4x513xf32, #tpu.memory_space<hbm>> -> memref<4x513xf32, #tpu.memory_space<hbm>>
    %dma_wait3A_708 = arith.constant 0 : i32
    %dma_wait3A_709 = arith.constant 0 : i32
    %dma_wait3A_710 = tpu.memref_slice %arg11[%dma_wait3A_694, %dma_wait3A_708, %dma_wait3A_709] : memref<16x4x513xf32, #tpu.memory_space<vmem>> -> memref<1x4x513xf32, #tpu.memory_space<vmem>>
    %dma_wait3A_711 = tpu.memref_squeeze %dma_wait3A_710 : memref<1x4x513xf32, #tpu.memory_space<vmem>> -> memref<4x513xf32, #tpu.memory_space<vmem>>
    tpu.wait_dma2 semaphore(%arg16 : memref<!tpu.dma_semaphore, #tpu.memory_space<semaphore_mem>>) src(%dma_wait3A_711 : memref<4x513xf32, #tpu.memory_space<vmem>>) dst(%dma_wait3A_707 : memref<4x513xf32, #tpu.memory_space<hbm>>)
    %dma_wait3A_712 = arith.constant 15 : i32
    %dma_wait3A_713 = arith.constant 15 : i32
    %dma_wait3A_714 = arith.constant 0 : i32
    %dma_wait3A_715 = arith.constant 0 : i32
    %dma_wait3A_716 = tpu.memref_slice %arg11[%dma_wait3A_712, %dma_wait3A_714, %dma_wait3A_715] : memref<16x4x513xf32, #tpu.memory_space<vmem>> -> memref<1x4x513xf32, #tpu.memory_space<vmem>>
    %dma_wait3A_717 = tpu.memref_squeeze %dma_wait3A_716 : memref<1x4x513xf32, #tpu.memory_space<vmem>> -> memref<4x513xf32, #tpu.memory_space<vmem>>
    %dma_wait3A_718 = arith.constant 1 : i32
    %dma_wait3A_719 = arith.constant 0 : i32
    %dma_wait3A_720 = tpu.memref_slice %arg5[%select_n3A, %dma_wait3A_713, %dma_wait3A_718, %dma_wait3A_719] : memref<8x16x513x513xf32, #tpu.memory_space<hbm>> -> memref<1x1x4x513xf32, #tpu.memory_space<hbm>>
    %dma_wait3A_721 = tpu.memref_squeeze %dma_wait3A_720 : memref<1x1x4x513xf32, #tpu.memory_space<hbm>> -> memref<4x513xf32, #tpu.memory_space<hbm>>
    %dma_wait3A_722 = arith.constant 1 : i32
    %dma_wait3A_723 = arith.constant 0 : i32
    %dma_wait3A_724 = tpu.memref_slice %arg5[%select_n3A, %dma_wait3A_713, %dma_wait3A_722, %dma_wait3A_723] : memref<8x16x513x513xf32, #tpu.memory_space<hbm>> -> memref<1x1x4x513xf32, #tpu.memory_space<hbm>>
    %dma_wait3A_725 = tpu.memref_squeeze %dma_wait3A_724 : memref<1x1x4x513xf32, #tpu.memory_space<hbm>> -> memref<4x513xf32, #tpu.memory_space<hbm>>
    %dma_wait3A_726 = arith.constant 0 : i32
    %dma_wait3A_727 = arith.constant 0 : i32
    %dma_wait3A_728 = tpu.memref_slice %arg11[%dma_wait3A_712, %dma_wait3A_726, %dma_wait3A_727] : memref<16x4x513xf32, #tpu.memory_space<vmem>> -> memref<1x4x513xf32, #tpu.memory_space<vmem>>
    %dma_wait3A_729 = tpu.memref_squeeze %dma_wait3A_728 : memref<1x4x513xf32, #tpu.memory_space<vmem>> -> memref<4x513xf32, #tpu.memory_space<vmem>>
    tpu.wait_dma2 semaphore(%arg16 : memref<!tpu.dma_semaphore, #tpu.memory_space<semaphore_mem>>) src(%dma_wait3A_729 : memref<4x513xf32, #tpu.memory_space<vmem>>) dst(%dma_wait3A_725 : memref<4x513xf32, #tpu.memory_space<hbm>>)
    return
  }
}

</mosaic_0001>

<sc_bundles>
// kernel: _graph_attn_bias.3.cloned.1.call-start
scs
__scs_entry_jumppad:
0x0: {  	(pc) =	sbr.rel $0x88, $3  }
0x1: {  	(tag) =	ssettag $0x0;
	lr =	simm.s32 $0x1  }
0x2: {  	[smem:$0x3F9E] =	sst lr;
	_ =	strace $0xD0000000  }
0x3: {  	_ = 	snop  }
0x4: {  	_ = 	snop  }
0x5: {  	_ = 	snop  }
0x6: {  	_ = 	snop  }
0x7: {  	_ = 	snop  }
__scs_overlays_trampoline_lowered:
0x8: {  	[smem:$0x3FAD] =	sst s0  }
0x9: {  	[smem:$0x3FAE] =	sst s1  }
0xa: {  	[smem:$0x3FAF] =	sst s2  }
0xb: {  	[smem:$0x3FB0] =	sst s3  }
0xc: {  	[smem:$0x3FB1] =	sst s4  }
0xd: {  	[smem:$0x3FB2] =	sst s5  }
0xe: {  	[smem:$0x3FB3] =	sst s6  }
0xf: {  	[smem:$0x3FB4] =	sst s7  }
0x10: {  	[smem:$0x3FB5] =	sst s8  }
0x11: {  	[smem:$0x3FB6] =	sst s9;
	s0 =	simm.s32 @!p0 $0x0  }
0x12: {  	s1 =	sld [smem:$0x3F9C];
	s0 =	simm.s32 @p0 $0x1  }
0x13: {  	[smem:$0x3FB7] =	sst s0;
	s0 =	simm.s32 @!p1 $0x0  }
0x14: {  	s2 =	sld [smem:$0x3F9B];
	s0 =	simm.s32 @p1 $0x1  }
0x15: {  	[smem:$0x3FB8] =	sst s0;
	s0 =	simm.s32 @!p2 $0x0  }
0x16: {  	s3 =	sld [smem:$0x3FDB];
	s0 =	simm.s32 @p2 $0x1  }
0x17: {  	s4 =	simm.s32 $0x1BF5;
	[smem:$0x3FBA] =	sst s0  }
0x18: {  	s0 =	sld [smem:$0x3F9D];
	_ =	swait.ge [sflag:s4], $0x0  }
0x19: {  	s7 =	sld [smem:$0x3F9E]  }
0x1a: {  	s8 =	sadd.s32 $0xFFFFE003, lr  }
0x1b: {  	s9 =	sadd.s32 $0xFFFFFEF7, lr;
	s5 =	simm.s32 $0xFFFFFFFF;
	p2 =	slt.u32 s8, $0xFFFFF086  }
0x1c: {  	p1 =	slt.u32 s9, $0xF7A;
	s5 =	simm.s32 @!p2 $0x0  }
0x1d: {  	s5 =	simm.s32 @p1 $0x1;
	p0 =	seq.s32 s7, s2  }
0x1e: {  	s7 =	smul.u32 @!p0 $0xF7A, s2;
	p2 =	seq.s32 @!p0 s5, $0x0  }
0x1f: {  	s9 =	smul.u32 $0xF7A, s1;
	s8 =	simm.s32 @!p0 $0x1BF5;
	p2 =	por !p2, p0  }
0x20: {  	[sflag:s8] =	ssyncset.s32 @!p0 $0xFFFFF086;
	s6 =	sadd.s32 @!p0 s3, s7;
	s7 =	simm.s32 @!p0 $0x108  }
0x21: {  	s3 =	sadd.s32 s3, s9;
	s6 =	sadd.s32 @!p0 $0x88, s6;
	s7 =	simm.s32 @p2 $0x1082  }
0x22: {  	[simem:s7], [sflag:s8] =	dma.local @!p0 [hbm:s6], $0xF7A  }
0x23: {  	s9 =	sor.u32 $0xD0000000, s2;
	s6 =	simm.s32 $0x108;
	_ =	swait.ge @!p0 [sflag:s8], $0x0  }
0x24: {  	s3 =	sadd.s32 $0x88, s3;
	s6 =	simm.s32 @!p1 $0x1082;
	[sflag:s4] =	ssyncset.s32 $0xFFFFF086  }
0x25: {  	[simem:s6], [sflag:s4] =	dma.local [hbm:s3], $0xF7A  }
0x26: {  	[smem:$0x3F9E] =	sst s1;
	(tag) =	ssettag s2;
	_ =	strace s9  }
0x27: {  	s1 =	sld [smem:$0x3FAE]  }
0x28: {  	s2 =	sld [smem:$0x3FAF]  }
0x29: {  	s4 =	sld [smem:$0x3FB1]  }
0x2a: {  	p0 =	seq.s32 s5, $0x0;
	s5 =	sld [smem:$0x3FB2]  }
0x2b: {  	s6 =	sld [smem:$0x3FB3]  }
0x2c: {  	s7 =	sld [smem:$0x3FB4]  }
0x2d: {  	s3 =	simm.s32 $0x108;
	s8 =	sld [smem:$0x3FB5]  }
0x2e: {  	s3 =	simm.s32 @!p0 $0x1082;
	s9 =	sld [smem:$0x3FB6]  }
0x2f: {  	lr =	sadd.s32 s0, s3;
	s0 =	sld [smem:$0x3FAD]  }
0x30: {  	s3 =	sld [smem:$0x3FB0]  }
0x31: {  	[smem:$0x3FB9] =	sst s10  }
0x32: {  	s10 =	sld [smem:$0x3FB7];
	_ =	sdelay $0x3  }
0x33: {  	p0 =	seq.s32 s10, $0x1;
	s10 =	sld [smem:$0x3FB9];
	_ =	sdelay $0x3  }
0x34: {  	[smem:$0x3FB9] =	sst s10  }
0x35: {  	s10 =	sld [smem:$0x3FB8];
	_ =	sdelay $0x3  }
0x36: {  	p1 =	seq.s32 s10, $0x1;
	s10 =	sld [smem:$0x3FB9];
	_ =	sdelay $0x3  }
0x37: {  	[smem:$0x3FB9] =	sst s10  }
0x38: {  	s10 =	sld [smem:$0x3FBA]  }
0x39: {  	_ = 	snop;
	(pc) =	sbr.ind lr, $3  }
0x3a: {  	_ = 	snop  }
0x3b: {  	_ = 	snop  }
0x3c: {  	p2 =	seq.s32 s10, $0x1;
	s10 =	sld [smem:$0x3FB9]  }
0x3d: {  	_ =	shalt  }
0x3e: {  	_ =	shalt  }
0x3f: {  	_ =	shalt  }
0x40: {  	_ =	shalt  }
0x41: {  	_ =	shalt  }
0x42: {  	_ =	shalt  }
0x43: {  	_ =	shalt  }
0x44: {  	_ =	shalt  }
0x45: {  	_ =	shalt  }
0x46: {  	_ =	shalt  }
0x47: {  	_ =	shalt  }
0x48: {  	_ =	shalt  }
0x49: {  	_ =	shalt  }
0x4a: {  	_ =	shalt  }
0x4b: {  	_ =	shalt  }
0x4c: {  	_ =	shalt  }
0x4d: {  	_ =	shalt  }
0x4e: {  	_ =	shalt  }
0x4f: {  	_ =	shalt  }
0x50: {  	_ =	shalt  }
0x51: {  	_ =	shalt  }
0x52: {  	_ =	shalt  }
0x53: {  	_ =	shalt  }
0x54: {  	_ =	shalt  }
0x55: {  	_ =	shalt  }
0x56: {  	_ =	shalt  }
0x57: {  	_ =	shalt  }
0x58: {  	_ =	shalt  }
0x59: {  	_ =	shalt  }
0x5a: {  	_ =	shalt  }
0x5b: {  	_ =	shalt  }
0x5c: {  	_ =	shalt  }
0x5d: {  	_ =	shalt  }
0x5e: {  	_ =	shalt  }
0x5f: {  	_ =	shalt  }
0x60: {  	_ =	shalt  }
0x61: {  	_ =	shalt  }
0x62: {  	_ =	shalt  }
0x63: {  	_ =	shalt  }
0x64: {  	_ =	shalt  }
0x65: {  	_ =	shalt  }
0x66: {  	_ =	shalt  }
0x67: {  	_ =	shalt  }
0x68: {  	_ =	shalt  }
0x69: {  	_ =	shalt  }
0x6a: {  	_ =	shalt  }
0x6b: {  	_ =	shalt  }
0x6c: {  	_ =	shalt  }
0x6d: {  	_ =	shalt  }
0x6e: {  	_ =	shalt  }
0x6f: {  	_ =	shalt  }
0x70: {  	_ =	shalt  }
0x71: {  	_ =	shalt  }
0x72: {  	_ =	shalt  }
0x73: {  	_ =	shalt  }
0x74: {  	_ =	shalt  }
0x75: {  	_ =	shalt  }
0x76: {  	_ =	shalt  }
0x77: {  	_ =	shalt  }
0x78: {  	_ =	shalt  }
0x79: {  	_ =	shalt  }
0x7a: {  	_ =	shalt  }
0x7b: {  	_ =	shalt  }
0x7c: {  	_ =	shalt  }
0x7d: {  	_ =	shalt  }
0x7e: {  	_ =	shalt  }
0x7f: {  	_ =	shalt  }
0x80: {  	_ =	shalt  }
0x81: {  	_ =	shalt  }
0x82: {  	_ =	shalt  }
0x83: {  	_ =	shalt  }
0x84: {  	_ =	shalt  }
0x85: {  	_ =	shalt  }
0x86: {  	_ =	shalt  }
0x87: {  	_ =	shalt  }
.Lfunc_end0:
.L_simem_size_0:
called_computation.1_lowered:
.L_overlay_start_0:
0x88: {  	s2 =	sld [smem:$0x3FD9]  }
0x89: {  	s3 =	sld [smem:$0x3FFE];
	_ =	sdelay $0x1  }
0x8a: {  	s1 =	srdreg.scid  }
0x8b: {  	s0 =	sand.u32 $0x1, s1  }
0x8c: {  	s17 =	sshll.u32 s0, $0xA;
	s2 =	sadd.s32 s3, s2  }
0x8d: {  	s2 =	sadd.s32 s2, s17  }
0x8e: {  	[smem:$0x3FC5] =	sst s2  }
0x8f: {  	_ = 	snop  }
0x90: {  	s2 =	sld [smem:$0x3FC9]  }
0x91: {  	s18 =	sld [smem:$0x3FD0];
	(tm) =	ssettm $0x1  }
0x92: {  	s4 =	sld [smem:$0x3FFB];
	_ =	sdelay $0x3  }
0x93: {  	_ =	strace s4  }
0x94: {  	s4 =	sld [smem:$0x3FFC];
	_ =	sdelay $0x3  }
0x95: {  	_ =	strace s4  }
0x96: {  	s4 =	sld [smem:$0x3FFD];
	_ =	sdelay $0x3  }
0x97: {  	_ =	strace s4  }
0x98: {  	_ =	strace $0x8FFFFFFF  }
0x99: {  	s19 =	sld [smem:$0x3FDB];
	_ =	sdelay $0x1  }
0x9a: {  	s5 =	simm.s32 $_scs_section_size  }
0x9b: {  	s6 =	simm.s32 $_size__tile_overlayer_lowered;
	s7 =	simm.s32 $_tile_overlayer_lowered  }
0x9c: {  	s22 =	simm.s32 $0x1BFF;
	s21 =	sshll.u32 s7, $0x1;
	s4 =	sadd.s32 s5, s19  }
0x9d: {  	s8 =	simm.s32 $0x0;
	s20 =	sshll.u32 s6, $0x1;
	s6 =	sadd.s32 s21, s4  }
0x9e: {  	[timem:s8], [sflag:s22] =	dma.local [hbm:s6], s20  }
0x9f: {  	_ =	swait.ge [sflag:s22], s20  }
0xa0: {  	s5 =	ssub.s32 $0x0, s20;
	[sflag:s22] =	ssyncset.done $0x0  }
0xa1: {  	[sflag:s22] =	ssyncadd.s32 s5;
	_ =	sdelay $0x1  }
0xa2: {  	s23 =	simm.s32 $0x1B8B  }
0xa3: {  	_ =	swait.ge [sflag:s23], $0x1  }
0xa4: {  	[sflag:s23] =	ssyncset.done $0x0  }
0xa5: {  	s25 =	simm.s32 $0x1B8E;
	s24 =	sld [smem:$0x3FFE];
	[sflag:s23] =	ssyncadd.s32 $0xFFFFFFFF  }
0xa6: {  	s26 =	simm.s32 $execute0_lowered;
	[smem:$0x3FD2] =	sst s25  }
0xa7: {  	s6 =	sshll.u32 s26, $0x1;
	_ =	strace $0x80000046;
	[dreg:$0x1] =	wrdreg $0xFFFFFFFF  }
0xa8: {  	s28 =	simm.s32 $_size_execute0_lowered;
	s4 =	sadd.s32 s4, s6;
	[dreg:$0x0] =	wrdreg $0x0  }
0xa9: {  	s6 =	sshll.u32 s28, $0x1;
	[dreg:$0x2] =	wrdreg s4  }
0xaa: {  	[dreg:$0x3] =	wrdreg s6  }
0xab: {  	[dreg:$0x4] =	wrdreg $0xC0  }
0xac: {  	_ =	task [dreg:s8], $0x5FFFF  }
0xad: {  	[dreg:$0x1] =	wrdreg $0xFFFFFFFF  }
0xae: {  	[dreg:$0x0] =	wrdreg $0x60  }
0xaf: {  	[dreg:$0x2] =	wrdreg s2  }
0xb0: {  	[dreg:$0x3] =	wrdreg s24  }
0xb1: {  	[dreg:$0x4] =	wrdreg s18  }
0xb2: {  	[dreg:$0x5] =	wrdreg $0x9  }
0xb3: {  	_ =	task.clear_ibuf [dreg:s8], $0x6FFFF;
	_ =	strace $0x90000046  }
0xb4: {  	s29 =	simm.s32 $0x9;
	_ =	strace $0x80000048  }
0xb5: {  	_ =	swait.ge [sflag:s29], $0x1  }
0xb6: {  	[sflag:s29] =	ssyncadd.s32 $0xFFFFFFFF  }
0xb7: {  	_ =	strace $0x90000048  }
0xb8: {  	_ =	sfence  }
0xb9: {  	s30 =	sld [smem:$0x0];
	_ =	sdelay $0x2  }
0xba: {  	s31 =	sshll.u32 s1, $0xD;
	s1 =	sshrl.u32 s1, $0x2  }
0xbb: {  	s3 =	sand.u32 $0x4000, s31;
	s1 =	sadd.s32 s1, s30  }
0xbc: {  	s0 =	sor.u32 s3, s0;
	s1 =	sshll.u32 s1, $0x11  }
0xbd: {  	s0 =	sor.u32 s1, s0  }
0xbe: {  	s0 =	sadd.s32 $0x8F2B, s0  }
0xbf: {  	[sflag:s0] =	ssyncadd.remote.s32 $0x1  }
0xc0: {  	_ =	sfence.sel $0xFFFF  }
0xc1: {  	[dreg:$0x0] =	wrdreg $0xFFFFFFFF;
	(pc) =	sbr.abs _section_cstart, $3  }
0xc2: {  	[dreg:$0x1] =	wrdreg $0xFFFFFFFF  }
0xc3: {  	_ =	task.clear_ibuf [dreg:s8], $0x2FFFF;
	_ =	strace $0x9FFFFFFF  }
0xc4: {  	(tm) =	ssettm $0x7FFFFFFF  }
0xc5: {  	_ =	shalt  }
tec
execute0_lowered:
.L_overlay_start_1:
0x0: {  	(tag) =	ssettag $0x1  }
0x1: {  	s0 =	rddreg [dreg:$0x1]  }
0x2: {  	s2 =	rddreg [dreg:$0x2]  }
0x3: {  	s4 =	simm.s32 $0x0;
	s1 =	srdreg.scid;
	s7 =	stileid.u32  }
0x4: {  	s30 =	simm.s32 $0xCA70;
	s29 =	simm.s32 $0xD290;
	[smem:$0x7FF] =	sst s4  }
0x5: {  	s5 =	sadd.s32 $0xE00, s0;
	s1 =	sand.u32 $0x1, s1;
	s3 =	sshrl.u32 s7, $0x1  }
0x6: {  	s7 =	sshll.u32 s7, $0x1;
	s0 =	sadd.s32 $0xA00, s0;
	_ =	strace $0x80000047  }
0x7: {  	s6 =	ssub.s32 $0x2, s1;
	s8 =	smul.u32 $0x412080, s3;
	[dreg:$0x4] =	wrdreg s0  }
0x8: {  	s7 =	sand.u32 $0x2, s7;
	s3 =	sshll.u32 s3, $0x12;
	s26 =	sshrl.u32 s6, $0x1  }
0x9: {  	s1 =	sor.u32 s1, s7;
	s0 =	ssub.s32 s6, s26;
	s28 =	sadd.s32 $0x41208, s8  }
0xa: {  	s7 =	sshll.u32 s1, $0x7;
	s31 =	sadd.s32 $0xC3618, s8;
	s10 =	sadd.s32 $0x145A28, s8  }
0xb: {  	s9 =	sshrl.u32 s8, $0x3;
	s13 =	sadd.s32 $0x1C7E38, s8;
	s16 =	sadd.s32 $0x24A248, s8  }
0xc: {  	s18 =	sadd.s32 $0x2CC658, s8;
	s21 =	sadd.s32 $0x34EA68, s8;
	s22 =	sshll.u32 s1, $0x10  }
0xd: {  	s23 =	sadd.s32 $0x3D0E78, s8;
	p0 =	sne.s32 s1, $0x0;
	s0 =	smax.u32 s0, $0x1  }
0xe: {  	s6 =	sshrl.u32 s28, $0x3;
	s11 =	sadd.s32 s2, s9;
	[dreg:$0x14] =	wrdreg s0  }
0xf: {  	s12 =	sshrl.u32 s10, $0x3;
	s6 =	sadd.s32 s2, s6;
	[dreg:$0x5] =	wrdreg s11  }
0x10: {  	s14 =	sshrl.u32 s13, $0x3;
	s9 =	sadd.s32 $0x10482, s11;
	[dreg:$0x6] =	wrdreg s6  }
0x11: {  	s20 =	sshrl.u32 s18, $0x3;
	s10 =	sadd.s32 $0x20904, s11;
	[dreg:$0x7] =	wrdreg s9  }
0x12: {  	s13 =	simm.s32 $0xEAF0;
	s15 =	sadd.s32 $0x30D86, s11;
	[dreg:$0x9] =	wrdreg s10  }
0x13: {  	s18 =	simm.s32 $0x11390;
	s17 =	sadd.s32 $0x41208, s11;
	[dreg:$0xb] =	wrdreg s15  }
0x14: {  	s19 =	sadd.s32 $0x5168A, s11;
	s26 =	sadd.s32 $0x61B0C, s11;
	[dreg:$0xd] =	wrdreg s17  }
0x15: {  	s28 =	sadd.s32 $0x71F8E, s11;
	s11 =	simm.s32 $0x3010;
	[dreg:$0xf] =	wrdreg s19  }
0x16: {  	s6 =	sshrl.u32 s31, $0x3;
	s9 =	sshrl.u32 s21, $0x3;
	[dreg:$0x15] =	wrdreg s26  }
0x17: {  	s19 =	sor.u32 s3, s22;
	s3 =	sshrl.u32 s23, $0x3;
	[dreg:$0x16] =	wrdreg s28  }
0x18: {  	s10 =	simm.s32 $0x1;
	s23 =	simm.s32 $0x4;
	s15 =	simm.s32 $0xFB30  }
0x19: {  	s17 =	simm.s32 $0x10B70;
	s21 =	simm.s32 $0x123D0;
	s6 =	sadd.s32 s2, s6  }
0x1a: {  	s22 =	simm.s32 $0x12BF0;
	s24 =	sadd.s32 s2, s9;
	[dreg:$0x8] =	wrdreg s6  }
0x1b: {  	s26 =	simm.s32 $0x3;
	s3 =	sadd.s32 s2, s3;
	[dreg:$0x11] =	wrdreg s24  }
0x1c: {  	s25 =	sshrl.u32 s19, $0x3;
	s31 =	sor.u32 $0x1000, s19;
	[dreg:$0x12] =	wrdreg s3  }
0x1d: {  	s9 =	simm.s32 $0xDAB0;
	s6 =	sadd.s32 s2, s12;
	[dreg:$0x17] =	wrdreg s31  }
0x1e: {  	s1 =	sadd.s32 s5, s25;
	s24 =	sadd.s32 $0x208, s8;
	[dreg:$0xa] =	wrdreg s6  }
0x1f: {  	s25 =	simm.s32 $0xB210;
	s6 =	sadd.s32 s2, s14;
	[dreg:$0x13] =	wrdreg s1  }
0x20: {  	v0 =	vlaneseq.u32;
	s12 =	simm.s32 $0xE2D0;
	[dreg:$0xc] =	wrdreg s6;
	s6 =	sshrl.u32 s16, $0x3  }
0x21: {  	v1 =	vmul.u32 $0x820, v0;
	s14 =	simm.s32 $0xF310;
	s1 =	simm.s32 $0x0;
	s6 =	sadd.s32 s2, s6  }
0x22: {  	s16 =	simm.s32 $0x10350;
	[dreg:$0xe] =	wrdreg s6;
	s6 =	sadd.s32 s2, s20  }
0x23: {  	v2 =	vadd.s32 $0x208, v1;
	v3 =	vadd.s32 $0x410, v1;
	v4 =	vadd.s32 $0x618, v1;
	s20 =	simm.s32 $0x11BB0;
	[dreg:$0x10] =	wrdreg s6;
	s6 =	simm.s32 $0x2  }
.LBB2_1:
0x24: {  	[dreg:$0x18] =	wrdreg s1  }
0x25: {  	s0 =	rddreg [dreg:$0x4];
	s28 =	simm.s32 $0x5  }
0x26: {  	[tilespmem:s4], [sflag:$0x5] =	stream.linear.gather [hbm4b:s0+s4], $0x2000, $0x38;
	[tilespmem:$0x13630] =	vst v63  }
0x27: {  	_ =	swait.ge [sflag:s28], $0x2000  }
0x28: {  	[sflag:s28] =	ssyncset.done $0x0  }
0x29: {  	[sflag:s28] =	ssyncadd.s32 $0xFFFFE000  }
0x2a: {  	s8 =	simm.s32 $0x2000;
	s31 =	rddreg [dreg:$0x0]  }
0x2b: {  	[tilespmem:s8], [sflag:$0x5] =	stream.linear.gather [hbm4b:s31+s4], $0x10, $0x38;
	[tilespmem:$0x13630] =	vst v63  }
0x2c: {  	_ =	swait.ge [sflag:s28], $0x10  }
0x2d: {  	[sflag:s28] =	ssyncset.done $0x0  }
0x2e: {  	[sflag:s28] =	ssyncadd.s32 $0xFFFFFFF0  }
0x2f: {  	v5 =	vld [tilespmem:$0x2000];
	_ =	sdelay $0x4  }
0x30: {  	s1 =	simm.s32 $0x40;
	s0 =	simm.s32 $0x0;
	v5 =	vadd.f32 v5, v5  }
.LBB2_2:
0x31: {  	p1 =	sne.s32 s1, $0x7FC0;
	v6 =	vld [tilespmem:s0+$0x0];
	_ =	sdelay $0x2  }
.Ltmp0:
0x32: {  	(pc) =	sbr.rel @p1 .LBB2_2-.Ltmp0, $3  }
0x33: {  	_ = 	snop  }
0x34: {  	v6 =	vadd.f32 v6, v5;
	_ =	sdelay $0x1  }
0x35: {  	[tilespmem:s0+$0x0] =	vst v6;
	s0 =	sshra.s32 s1, $0x2;
	s1 =	sadd.s32 $0x40, s1  }
0x36: {  	v6 =	vld [tilespmem:s0+$0x0];
	_ =	sdelay $0x2  }
.Ltmp1:
0x37: {  	_ = 	snop;
	(pc) =	sbr.rel @p0 .LBB2_5-.Ltmp1, $3  }
0x38: {  	_ = 	snop  }
0x39: {  	v6 =	vadd.f32 v6, v5;
	_ =	sdelay $0x1  }
0x3a: {  	[tilespmem:s0+$0x0] =	vst v6  }
0x3b: {  	[tilespmem:$0x13410] =	vst v5  }
0x3c: {  	[tilespmem:$0x13420] =	vst v5  }
0x3d: {  	[tilespmem:$0x13430] =	vst v5  }
0x3e: {  	[tilespmem:$0x13440] =	vst v5  }
0x3f: {  	[tilespmem:$0x13450] =	vst v5  }
0x40: {  	[tilespmem:$0x13460] =	vst v5  }
0x41: {  	[tilespmem:$0x13470] =	vst v5  }
0x42: {  	[tilespmem:$0x13480] =	vst v5  }
0x43: {  	[tilespmem:$0x13490] =	vst v5  }
0x44: {  	[tilespmem:$0x134A0] =	vst v5  }
0x45: {  	[tilespmem:$0x134B0] =	vst v5  }
0x46: {  	[tilespmem:$0x134C0] =	vst v5  }
0x47: {  	[tilespmem:$0x134D0] =	vst v5  }
0x48: {  	[tilespmem:$0x134E0] =	vst v5  }
0x49: {  	[tilespmem:$0x134F0] =	vst v5  }
0x4a: {  	[tilespmem:$0x13500] =	vst v5  }
0x4b: {  	[tilespmem:$0x13510] =	vst v5  }
0x4c: {  	[tilespmem:$0x13520] =	vst v5  }
0x4d: {  	[tilespmem:$0x13530] =	vst v5  }
0x4e: {  	[tilespmem:$0x13540] =	vst v5  }
0x4f: {  	[tilespmem:$0x13550] =	vst v5  }
0x50: {  	[tilespmem:$0x13560] =	vst v5  }
0x51: {  	[tilespmem:$0x13570] =	vst v5  }
0x52: {  	[tilespmem:$0x13580] =	vst v5  }
0x53: {  	[tilespmem:$0x13590] =	vst v5  }
0x54: {  	[tilespmem:$0x135A0] =	vst v5  }
0x55: {  	[tilespmem:$0x135B0] =	vst v5  }
0x56: {  	[tilespmem:$0x135C0] =	vst v5  }
0x57: {  	[tilespmem:$0x135D0] =	vst v5  }
0x58: {  	[tilespmem:$0x135E0] =	vst v5  }
0x59: {  	[tilespmem:$0x135F0] =	vst v5  }
0x5a: {  	[tilespmem:$0x13600] =	vst v5  }
0x5b: {  	[tilespmem:$0x13610] =	vst v5;
	s0 =	rddreg [dreg:$0x5];
	s8 =	simm.s32 $0x13410;
	s1 =	simm.s32 $0x5  }
0x5c: {  	[hbm4b:s0+s4] =	stream.linear.scatter [tilespmem:s8], [sflag:$0x5], $0x201, $0x38;
	[tilespmem:$0x13630] =	vst v63  }
0x5d: {  	_ =	swait.ge [sflag:s1], $0x201  }
0x5e: {  	[sflag:s1] =	ssyncset.done $0x0  }
0x5f: {  	s3 =	rddreg [dreg:$0x6];
	[sflag:s1] =	ssyncadd.s32 $0xFFFFFDFF  }
0x60: {  	[hbm4b:s3+s4] =	stream.linear.scatter [tilespmem:s8], [sflag:$0x5], $0x201, $0x38;
	[tilespmem:$0x13630] =	vst v63  }
0x61: {  	_ =	swait.ge [sflag:s1], $0x201  }
0x62: {  	[sflag:s1] =	ssyncset.done $0x0  }
0x63: {  	s28 =	rddreg [dreg:$0x7];
	[sflag:s1] =	ssyncadd.s32 $0xFFFFFDFF  }
0x64: {  	[hbm4b:s28+s4] =	stream.linear.scatter [tilespmem:s8], [sflag:$0x5], $0x201, $0x38;
	[tilespmem:$0x13630] =	vst v63  }
0x65: {  	_ =	swait.ge [sflag:s1], $0x201  }
0x66: {  	[sflag:s1] =	ssyncset.done $0x0  }
0x67: {  	s31 =	rddreg [dreg:$0x8];
	[sflag:s1] =	ssyncadd.s32 $0xFFFFFDFF  }
0x68: {  	[hbm4b:s31+s4] =	stream.linear.scatter [tilespmem:s8], [sflag:$0x5], $0x201, $0x38;
	[tilespmem:$0x13630] =	vst v63  }
0x69: {  	_ =	swait.ge [sflag:s1], $0x201  }
0x6a: {  	[sflag:s1] =	ssyncset.done $0x0  }
0x6b: {  	s3 =	rddreg [dreg:$0x9];
	[sflag:s1] =	ssyncadd.s32 $0xFFFFFDFF  }
0x6c: {  	[hbm4b:s3+s4] =	stream.linear.scatter [tilespmem:s8], [sflag:$0x5], $0x201, $0x38;
	[tilespmem:$0x13630] =	vst v63  }
0x6d: {  	_ =	swait.ge [sflag:s1], $0x201  }
0x6e: {  	[sflag:s1] =	ssyncset.done $0x0  }
0x6f: {  	s28 =	rddreg [dreg:$0xa];
	[sflag:s1] =	ssyncadd.s32 $0xFFFFFDFF  }
0x70: {  	[hbm4b:s28+s4] =	stream.linear.scatter [tilespmem:s8], [sflag:$0x5], $0x201, $0x38;
	[tilespmem:$0x13630] =	vst v63  }
0x71: {  	_ =	swait.ge [sflag:s1], $0x201  }
0x72: {  	[sflag:s1] =	ssyncset.done $0x0  }
0x73: {  	s31 =	rddreg [dreg:$0xb];
	[sflag:s1] =	ssyncadd.s32 $0xFFFFFDFF  }
0x74: {  	[hbm4b:s31+s4] =	stream.linear.scatter [tilespmem:s8], [sflag:$0x5], $0x201, $0x38;
	[tilespmem:$0x13630] =	vst v63  }
0x75: {  	_ =	swait.ge [sflag:s1], $0x201  }
0x76: {  	[sflag:s1] =	ssyncset.done $0x0  }
0x77: {  	s3 =	rddreg [dreg:$0xc];
	[sflag:s1] =	ssyncadd.s32 $0xFFFFFDFF  }
0x78: {  	[hbm4b:s3+s4] =	stream.linear.scatter [tilespmem:s8], [sflag:$0x5], $0x201, $0x38;
	[tilespmem:$0x13630] =	vst v63  }
0x79: {  	_ =	swait.ge [sflag:s1], $0x201  }
0x7a: {  	[sflag:s1] =	ssyncset.done $0x0  }
0x7b: {  	s28 =	rddreg [dreg:$0xd];
	[sflag:s1] =	ssyncadd.s32 $0xFFFFFDFF  }
0x7c: {  	[hbm4b:s28+s4] =	stream.linear.scatter [tilespmem:s8], [sflag:$0x5], $0x201, $0x38;
	[tilespmem:$0x13630] =	vst v63  }
0x7d: {  	_ =	swait.ge [sflag:s1], $0x201  }
0x7e: {  	[sflag:s1] =	ssyncset.done $0x0  }
0x7f: {  	s31 =	rddreg [dreg:$0xe];
	[sflag:s1] =	ssyncadd.s32 $0xFFFFFDFF  }
0x80: {  	[hbm4b:s31+s4] =	stream.linear.scatter [tilespmem:s8], [sflag:$0x5], $0x201, $0x38;
	[tilespmem:$0x13630] =	vst v63  }
0x81: {  	_ =	swait.ge [sflag:s1], $0x201  }
0x82: {  	[sflag:s1] =	ssyncset.done $0x0  }
0x83: {  	s3 =	rddreg [dreg:$0xf];
	[sflag:s1] =	ssyncadd.s32 $0xFFFFFDFF  }
0x84: {  	[hbm4b:s3+s4] =	stream.linear.scatter [tilespmem:s8], [sflag:$0x5], $0x201, $0x38;
	[tilespmem:$0x13630] =	vst v63  }
0x85: {  	_ =	swait.ge [sflag:s1], $0x201  }
0x86: {  	[sflag:s1] =	ssyncset.done $0x0  }
0x87: {  	s28 =	rddreg [dreg:$0x10];
	[sflag:s1] =	ssyncadd.s32 $0xFFFFFDFF  }
0x88: {  	[hbm4b:s28+s4] =	stream.linear.scatter [tilespmem:s8], [sflag:$0x5], $0x201, $0x38;
	[tilespmem:$0x13630] =	vst v63  }
0x89: {  	_ =	swait.ge [sflag:s1], $0x201  }
0x8a: {  	[sflag:s1] =	ssyncset.done $0x0  }
0x8b: {  	s31 =	rddreg [dreg:$0x15];
	[sflag:s1] =	ssyncadd.s32 $0xFFFFFDFF  }
0x8c: {  	[hbm4b:s31+s4] =	stream.linear.scatter [tilespmem:s8], [sflag:$0x5], $0x201, $0x38;
	[tilespmem:$0x13630] =	vst v63  }
0x8d: {  	_ =	swait.ge [sflag:s1], $0x201  }
0x8e: {  	[sflag:s1] =	ssyncset.done $0x0  }
0x8f: {  	s3 =	rddreg [dreg:$0x11];
	[sflag:s1] =	ssyncadd.s32 $0xFFFFFDFF  }
0x90: {  	[hbm4b:s3+s4] =	stream.linear.scatter [tilespmem:s8], [sflag:$0x5], $0x201, $0x38;
	[tilespmem:$0x13630] =	vst v63  }
0x91: {  	_ =	swait.ge [sflag:s1], $0x201  }
0x92: {  	[sflag:s1] =	ssyncset.done $0x0  }
0x93: {  	s28 =	rddreg [dreg:$0x16];
	[sflag:s1] =	ssyncadd.s32 $0xFFFFFDFF  }
0x94: {  	[hbm4b:s28+s4] =	stream.linear.scatter [tilespmem:s8], [sflag:$0x5], $0x201, $0x38;
	[tilespmem:$0x13630] =	vst v63  }
0x95: {  	_ =	swait.ge [sflag:s1], $0x201  }
0x96: {  	[sflag:s1] =	ssyncset.done $0x0  }
0x97: {  	s31 =	rddreg [dreg:$0x12];
	[sflag:s1] =	ssyncadd.s32 $0xFFFFFDFF  }
0x98: {  	[hbm4b:s31+s4] =	stream.linear.scatter [tilespmem:s8], [sflag:$0x5], $0x201, $0x38;
	[tilespmem:$0x13630] =	vst v63  }
0x99: {  	_ =	swait.ge [sflag:s1], $0x201  }
0x9a: {  	[sflag:s1] =	ssyncset.done $0x0  }
0x9b: {  	[sflag:s1] =	ssyncadd.s32 $0xFFFFFDFF  }
.LBB2_5:
0x9c: {  	s28 =	simm.s32 $0x0;
	s0 =	rddreg [dreg:$0x13];
	s1 =	simm.s32 $0x2010  }
0x9d: {  	[tilespmem:s1], [sflag:$0x1] =	stream.linear.gather [hbm4b:s0+s28], $0x800, $0x38;
	[tilespmem:$0x13630] =	vst v63  }
.LBB2_6:
0x9e: {  	s1 =	sshllo.u32 s28, $0x1  }
0x9f: {  	s0 =	sshll.u32 s1, $0xB  }
0xa0: {  	s0 =	sadd.s32 s19, s0  }
0xa1: {  	s0 =	sshrl.u32 s0, $0x3  }
0xa2: {  	s8 =	simm.s32 $0x2810;
	s0 =	sadd.s32 s5, s0  }
0xa3: {  	[tilespmem:s8], [sflag:$0x2] =	stream.linear.gather [hbm4b:s0+s4], $0x800, $0x38;
	[tilespmem:$0x13630] =	vst v63  }
0xa4: {  	_ =	swait.ge [sflag:s10], $0x800  }
0xa5: {  	p1 =	seq.s32 s28, $0x0;
	[sflag:s10] =	ssyncset.done $0x0  }
0xa6: {  	s0 =	simm.s32 @!p1 $0x3;
	[sflag:s10] =	ssyncadd.s32 $0xFFFFF800  }
0xa7: {  	_ =	swait.ge @!p1 [sflag:s0], $0x820  }
0xa8: {  	[sflag:s0] =	ssyncset.done @!p1 $0x0  }
0xa9: {  	[sflag:s0] =	ssyncadd.s32 @!p1 $0xFFFFF7E0  }
0xaa: {  	_ =	swait.ge @!p1 [sflag:s0], $0x820  }
0xab: {  	[sflag:s0] =	ssyncset.done @!p1 $0x0  }
0xac: {  	[sflag:s0] =	ssyncadd.s32 @!p1 $0xFFFFF7E0  }
0xad: {  	_ =	swait.ge @!p1 [sflag:s0], $0x820  }
0xae: {  	[sflag:s0] =	ssyncset.done @!p1 $0x0  }
0xaf: {  	[sflag:s0] =	ssyncadd.s32 @!p1 $0xFFFFF7E0  }
0xb0: {  	_ =	swait.ge @!p1 [sflag:s0], $0x820  }
0xb1: {  	[sflag:s0] =	ssyncset.done @!p1 $0x0  }
0xb2: {  	[sflag:s0] =	ssyncadd.s32 @!p1 $0xFFFFF7E0  }
0xb3: {  	_ =	swait.ge @!p1 [sflag:s0], $0x820  }
0xb4: {  	[sflag:s0] =	ssyncset.done @!p1 $0x0  }
0xb5: {  	[sflag:s0] =	ssyncadd.s32 @!p1 $0xFFFFF7E0  }
0xb6: {  	_ =	swait.ge @!p1 [sflag:s0], $0x820  }
0xb7: {  	[sflag:s0] =	ssyncset.done @!p1 $0x0  }
0xb8: {  	[sflag:s0] =	ssyncadd.s32 @!p1 $0xFFFFF7E0  }
0xb9: {  	_ =	swait.ge @!p1 [sflag:s0], $0x820  }
0xba: {  	[sflag:s0] =	ssyncset.done @!p1 $0x0  }
0xbb: {  	[sflag:s0] =	ssyncadd.s32 @!p1 $0xFFFFF7E0  }
0xbc: {  	_ =	swait.ge @!p1 [sflag:s0], $0x820  }
0xbd: {  	[sflag:s0] =	ssyncset.done @!p1 $0x0  }
0xbe: {  	[sflag:s0] =	ssyncadd.s32 @!p1 $0xFFFFF7E0  }
0xbf: {  	_ =	swait.ge @!p1 [sflag:s0], $0x820  }
0xc0: {  	[sflag:s0] =	ssyncset.done @!p1 $0x0  }
0xc1: {  	[sflag:s0] =	ssyncadd.s32 @!p1 $0xFFFFF7E0  }
0xc2: {  	_ =	swait.ge @!p1 [sflag:s0], $0x820  }
0xc3: {  	[sflag:s0] =	ssyncset.done @!p1 $0x0  }
0xc4: {  	[sflag:s0] =	ssyncadd.s32 @!p1 $0xFFFFF7E0  }
0xc5: {  	_ =	swait.ge @!p1 [sflag:s0], $0x820  }
0xc6: {  	[sflag:s0] =	ssyncset.done @!p1 $0x0  }
0xc7: {  	[sflag:s0] =	ssyncadd.s32 @!p1 $0xFFFFF7E0  }
0xc8: {  	_ =	swait.ge @!p1 [sflag:s0], $0x820  }
0xc9: {  	[sflag:s0] =	ssyncset.done @!p1 $0x0  }
0xca: {  	[sflag:s0] =	ssyncadd.s32 @!p1 $0xFFFFF7E0  }
0xcb: {  	_ =	swait.ge @!p1 [sflag:s0], $0x820  }
0xcc: {  	[sflag:s0] =	ssyncset.done @!p1 $0x0  }
0xcd: {  	[sflag:s0] =	ssyncadd.s32 @!p1 $0xFFFFF7E0  }
0xce: {  	_ =	swait.ge @!p1 [sflag:s0], $0x820  }
0xcf: {  	[sflag:s0] =	ssyncset.done @!p1 $0x0  }
0xd0: {  	[sflag:s0] =	ssyncadd.s32 @!p1 $0xFFFFF7E0  }
0xd1: {  	_ =	swait.ge @!p1 [sflag:s0], $0x820  }
0xd2: {  	[sflag:s0] =	ssyncset.done @!p1 $0x0  }
0xd3: {  	[sflag:s0] =	ssyncadd.s32 @!p1 $0xFFFFF7E0  }
0xd4: {  	_ =	swait.ge @!p1 [sflag:s0], $0x820  }
0xd5: {  	[sflag:s0] =	ssyncset.done @!p1 $0x0  }
0xd6: {  	[sflag:s0] =	ssyncadd.s32 @!p1 $0xFFFFF7E0  }
0xd7: {  	[tilespmem:v1+s11+$0x0] =	vst.idx.msk $0xffff, v5  }
0xd8: {  	[tilespmem:v2+s11+$0x0] =	vst.idx.msk $0xffff, v5  }
0xd9: {  	[tilespmem:v3+s11+$0x0] =	vst.idx.msk $0xffff, v5  }
0xda: {  	s31 =	simm.s32 $0x2010;
	s8 =	simm.s32 $0x1;
	s0 =	simm.s32 $0x1;
	[tilespmem:v4+s11+$0x0] =	vst.idx.msk $0xffff, v5  }
.LBB2_7:
0xdb: {  	v6 =	vld [tilespmem:s31+$0x0];
	_ =	sdelay $0x4  }
0xdc: {  	v6 =	vshll.u32 v6, $0x4;
	_ =	sdelay $0x4  }
0xdd: {  	v7 =	vadd.s32 s0, v0;
	v8 =	vld.idx.msk [tilespmem:v6+s4+$0x0], $0xffff  }
0xde: {  	v9 =	vor.u32 $0x1, v6;
	_ =	sdelay $0x3  }
0xdf: {  	[tilespmem:v7+s11+$0x0] =	vst.idx.msk $0xffff, v8;
	v7 =	vand.u32 $0x3FF, v7  }
0xe0: {  	v8 =	vld.idx.msk [tilespmem:v9+s4+$0x0], $0xffff;
	v38 =	vadd.s32 $0x820, v7  }
0xe1: {  	v10 =	vor.u32 $0x2, v6;
	_ =	sdelay $0x3  }
0xe2: {  	[tilespmem:v38+s11+$0x0] =	vst.idx.msk $0xffff, v8  }
0xe3: {  	v39 =	vadd.s32 $0x1040, v7;
	v8 =	vld.idx.msk [tilespmem:v10+s4+$0x0], $0xffff  }
0xe4: {  	v40 =	vor.u32 $0x3, v6;
	_ =	sdelay $0x3  }
0xe5: {  	[tilespmem:v39+s11+$0x0] =	vst.idx.msk $0xffff, v8  }
0xe6: {  	v41 =	vadd.s32 $0x1860, v7;
	v8 =	vld.idx.msk [tilespmem:v40+s4+$0x0], $0xffff  }
0xe7: {  	v42 =	vor.u32 $0x4, v6;
	_ =	sdelay $0x3  }
0xe8: {  	[tilespmem:v41+s11+$0x0] =	vst.idx.msk $0xffff, v8  }
0xe9: {  	v43 =	vadd.s32 $0x2080, v7;
	v8 =	vld.idx.msk [tilespmem:v42+s4+$0x0], $0xffff  }
0xea: {  	v44 =	vor.u32 $0x5, v6;
	_ =	sdelay $0x3  }
0xeb: {  	[tilespmem:v43+s11+$0x0] =	vst.idx.msk $0xffff, v8  }
0xec: {  	v45 =	vadd.s32 $0x28A0, v7;
	v8 =	vld.idx.msk [tilespmem:v44+s4+$0x0], $0xffff  }
0xed: {  	v46 =	vor.u32 $0x6, v6;
	_ =	sdelay $0x3  }
0xee: {  	[tilespmem:v45+s11+$0x0] =	vst.idx.msk $0xffff, v8  }
0xef: {  	v47 =	vadd.s32 $0x30C0, v7;
	v8 =	vld.idx.msk [tilespmem:v46+s4+$0x0], $0xffff  }
0xf0: {  	v48 =	vor.u32 $0x7, v6;
	_ =	sdelay $0x3  }
0xf1: {  	[tilespmem:v47+s11+$0x0] =	vst.idx.msk $0xffff, v8  }
0xf2: {  	v49 =	vadd.s32 $0x38E0, v7;
	v8 =	vld.idx.msk [tilespmem:v48+s4+$0x0], $0xffff  }
0xf3: {  	v50 =	vor.u32 $0x8, v6;
	_ =	sdelay $0x3  }
0xf4: {  	[tilespmem:v49+s11+$0x0] =	vst.idx.msk $0xffff, v8  }
0xf5: {  	v51 =	vadd.s32 $0x4100, v7;
	v8 =	vld.idx.msk [tilespmem:v50+s4+$0x0], $0xffff  }
0xf6: {  	v52 =	vor.u32 $0x9, v6;
	_ =	sdelay $0x3  }
0xf7: {  	[tilespmem:v51+s11+$0x0] =	vst.idx.msk $0xffff, v8  }
0xf8: {  	v53 =	vadd.s32 $0x4920, v7;
	v8 =	vld.idx.msk [tilespmem:v52+s4+$0x0], $0xffff  }
0xf9: {  	v54 =	vor.u32 $0xA, v6;
	_ =	sdelay $0x3  }
0xfa: {  	[tilespmem:v53+s11+$0x0] =	vst.idx.msk $0xffff, v8  }
0xfb: {  	v55 =	vadd.s32 $0x5140, v7;
	v8 =	vld.idx.msk [tilespmem:v54+s4+$0x0], $0xffff  }
0xfc: {  	v56 =	vor.u32 $0xB, v6;
	_ =	sdelay $0x3  }
0xfd: {  	[tilespmem:v55+s11+$0x0] =	vst.idx.msk $0xffff, v8  }
0xfe: {  	v57 =	vadd.s32 $0x5960, v7;
	v8 =	vld.idx.msk [tilespmem:v56+s4+$0x0], $0xffff  }
0xff: {  	v58 =	vor.u32 $0xC, v6;
	_ =	sdelay $0x3  }
0x100: {  	[tilespmem:v57+s11+$0x0] =	vst.idx.msk $0xffff, v8  }
0x101: {  	v59 =	vadd.s32 $0x6180, v7;
	v8 =	vld.idx.msk [tilespmem:v58+s4+$0x0], $0xffff  }
0x102: {  	v60 =	vor.u32 $0xD, v6;
	_ =	sdelay $0x3  }
0x103: {  	[tilespmem:v59+s11+$0x0] =	vst.idx.msk $0xffff, v8  }
0x104: {  	v61 =	vadd.s32 $0x69A0, v7;
	v8 =	vld.idx.msk [tilespmem:v60+s4+$0x0], $0xffff  }
0x105: {  	v62 =	vor.u32 $0xE, v6;
	_ =	sdelay $0x3  }
0x106: {  	[tilespmem:v61+s11+$0x0] =	vst.idx.msk $0xffff, v8  }
0x107: {  	v63 =	vadd.s32 $0x71C0, v7;
	v8 =	vld.idx.msk [tilespmem:v62+s4+$0x0], $0xffff  }
0x108: {  	v6 =	vor.u32 $0xF, v6;
	_ =	sdelay $0x3  }
0x109: {  	[tilespmem:v63+s11+$0x0] =	vst.idx.msk $0xffff, v8  }
0x10a: {  	p2 =	sne.s32 s0, $0x1F1;
	v7 =	vadd.s32 $0x79E0, v7;
	v6 =	vld.idx.msk [tilespmem:v6+s4+$0x0], $0xffff  }
.Ltmp2:
0x10b: {  	_ = 	snop;
	(pc) =	sbr.rel @p2 .LBB2_7-.Ltmp2, $2  }
0x10c: {  	_ =	sdelay $0x2  }
0x10d: {  	s31 =	sadd.s32 $0x10, s31;
	s0 =	sadd.s32 $0x10, s0;
	[tilespmem:v7+s11+$0x0] =	vst.idx.msk $0xffff, v6  }
0x10e: {  	s31 =	simm.s32 $0x2210  }
.LBB2_9:
0x10f: {  	v6 =	vld [tilespmem:s31+$0x0];
	_ =	sdelay $0x4  }
0x110: {  	v6 =	vshll.u32 v6, $0x4;
	_ =	sdelay $0x2  }
0x111: {  	v7 =	vadd.s32 s8, v0  }
0x112: {  	v7 =	vand.u32 $0x3FF, v7  }
0x113: {  	v9 =	vadd.s32 $0x208, v7;
	v8 =	vld.idx.msk [tilespmem:v6+s4+$0x0], $0xffff  }
0x114: {  	v10 =	vor.u32 $0x1, v6;
	_ =	sdelay $0x3  }
0x115: {  	[tilespmem:v9+s11+$0x0] =	vst.idx.msk $0xffff, v8  }
0x116: {  	v37 =	vadd.s32 $0xA28, v7;
	v8 =	vld.idx.msk [tilespmem:v10+s4+$0x0], $0xffff  }
0x117: {  	v38 =	vor.u32 $0x2, v6;
	_ =	sdelay $0x3  }
0x118: {  	[tilespmem:v37+s11+$0x0] =	vst.idx.msk $0xffff, v8  }
0x119: {  	v39 =	vadd.s32 $0x1248, v7;
	v8 =	vld.idx.msk [tilespmem:v38+s4+$0x0], $0xffff  }
0x11a: {  	v40 =	vor.u32 $0x3, v6;
	_ =	sdelay $0x3  }
0x11b: {  	[tilespmem:v39+s11+$0x0] =	vst.idx.msk $0xffff, v8  }
0x11c: {  	v41 =	vadd.s32 $0x1A68, v7;
	v8 =	vld.idx.msk [tilespmem:v40+s4+$0x0], $0xffff  }
0x11d: {  	v42 =	vor.u32 $0x4, v6;
	_ =	sdelay $0x3  }
0x11e: {  	[tilespmem:v41+s11+$0x0] =	vst.idx.msk $0xffff, v8  }
0x11f: {  	v43 =	vadd.s32 $0x2288, v7;
	v8 =	vld.idx.msk [tilespmem:v42+s4+$0x0], $0xffff  }
0x120: {  	v44 =	vor.u32 $0x5, v6;
	_ =	sdelay $0x3  }
0x121: {  	[tilespmem:v43+s11+$0x0] =	vst.idx.msk $0xffff, v8  }
0x122: {  	v45 =	vadd.s32 $0x2AA8, v7;
	v8 =	vld.idx.msk [tilespmem:v44+s4+$0x0], $0xffff  }
0x123: {  	v46 =	vor.u32 $0x6, v6;
	_ =	sdelay $0x3  }
0x124: {  	[tilespmem:v45+s11+$0x0] =	vst.idx.msk $0xffff, v8  }
0x125: {  	v47 =	vadd.s32 $0x32C8, v7;
	v8 =	vld.idx.msk [tilespmem:v46+s4+$0x0], $0xffff  }
0x126: {  	v48 =	vor.u32 $0x7, v6;
	_ =	sdelay $0x3  }
0x127: {  	[tilespmem:v47+s11+$0x0] =	vst.idx.msk $0xffff, v8  }
0x128: {  	v49 =	vadd.s32 $0x3AE8, v7;
	v8 =	vld.idx.msk [tilespmem:v48+s4+$0x0], $0xffff  }
0x129: {  	v50 =	vor.u32 $0x8, v6;
	_ =	sdelay $0x3  }
0x12a: {  	[tilespmem:v49+s11+$0x0] =	vst.idx.msk $0xffff, v8  }
0x12b: {  	v51 =	vadd.s32 $0x4308, v7;
	v8 =	vld.idx.msk [tilespmem:v50+s4+$0x0], $0xffff  }
0x12c: {  	v52 =	vor.u32 $0x9, v6;
	_ =	sdelay $0x3  }
0x12d: {  	[tilespmem:v51+s11+$0x0] =	vst.idx.msk $0xffff, v8  }
0x12e: {  	v53 =	vadd.s32 $0x4B28, v7;
	v8 =	vld.idx.msk [tilespmem:v52+s4+$0x0], $0xffff  }
0x12f: {  	v54 =	vor.u32 $0xA, v6;
	_ =	sdelay $0x3  }
0x130: {  	[tilespmem:v53+s11+$0x0] =	vst.idx.msk $0xffff, v8  }
0x131: {  	v55 =	vadd.s32 $0x5348, v7;
	v8 =	vld.idx.msk [tilespmem:v54+s4+$0x0], $0xffff  }
0x132: {  	v56 =	vor.u32 $0xB, v6;
	_ =	sdelay $0x3  }
0x133: {  	[tilespmem:v55+s11+$0x0] =	vst.idx.msk $0xffff, v8  }
0x134: {  	v57 =	vadd.s32 $0x5B68, v7;
	v8 =	vld.idx.msk [tilespmem:v56+s4+$0x0], $0xffff  }
0x135: {  	v58 =	vor.u32 $0xC, v6;
	_ =	sdelay $0x3  }
0x136: {  	[tilespmem:v57+s11+$0x0] =	vst.idx.msk $0xffff, v8  }
0x137: {  	v59 =	vadd.s32 $0x6388, v7;
	v8 =	vld.idx.msk [tilespmem:v58+s4+$0x0], $0xffff  }
0x138: {  	v60 =	vor.u32 $0xD, v6;
	_ =	sdelay $0x3  }
0x139: {  	[tilespmem:v59+s11+$0x0] =	vst.idx.msk $0xffff, v8  }
0x13a: {  	v61 =	vadd.s32 $0x6BA8, v7;
	v8 =	vld.idx.msk [tilespmem:v60+s4+$0x0], $0xffff  }
0x13b: {  	v62 =	vor.u32 $0xE, v6;
	_ =	sdelay $0x3  }
0x13c: {  	[tilespmem:v61+s11+$0x0] =	vst.idx.msk $0xffff, v8  }
0x13d: {  	v63 =	vadd.s32 $0x73C8, v7;
	v8 =	vld.idx.msk [tilespmem:v62+s4+$0x0], $0xffff  }
0x13e: {  	v6 =	vor.u32 $0xF, v6;
	_ =	sdelay $0x3  }
0x13f: {  	[tilespmem:v63+s11+$0x0] =	vst.idx.msk $0xffff, v8  }
0x140: {  	p2 =	sne.s32 s8, $0x1F1;
	v7 =	vadd.s32 $0x7BE8, v7;
	v6 =	vld.idx.msk [tilespmem:v6+s4+$0x0], $0xffff  }
.Ltmp3:
0x141: {  	_ = 	snop;
	(pc) =	sbr.rel @p2 .LBB2_9-.Ltmp3, $2  }
0x142: {  	_ =	sdelay $0x2  }
0x143: {  	s31 =	sadd.s32 $0x10, s31;
	s8 =	sadd.s32 $0x10, s8;
	[tilespmem:v7+s11+$0x0] =	vst.idx.msk $0xffff, v6  }
0x144: {  	s8 =	simm.s32 $0x1;
	s31 =	simm.s32 $0x2410;
	s0 =	simm.s32 $0x1  }
.LBB2_11:
0x145: {  	v6 =	vld [tilespmem:s31+$0x0];
	_ =	sdelay $0x4  }
0x146: {  	v6 =	vshll.u32 v6, $0x4;
	_ =	sdelay $0x2  }
0x147: {  	v7 =	vadd.s32 s0, v0  }
0x148: {  	v7 =	vand.u32 $0x3FF, v7  }
0x149: {  	v9 =	vadd.s32 $0x410, v7;
	v8 =	vld.idx.msk [tilespmem:v6+s4+$0x0], $0xffff  }
0x14a: {  	v10 =	vor.u32 $0x1, v6;
	_ =	sdelay $0x3  }
0x14b: {  	[tilespmem:v9+s11+$0x0] =	vst.idx.msk $0xffff, v8  }
0x14c: {  	v37 =	vadd.s32 $0xC30, v7;
	v8 =	vld.idx.msk [tilespmem:v10+s4+$0x0], $0xffff  }
0x14d: {  	v38 =	vor.u32 $0x2, v6;
	_ =	sdelay $0x3  }
0x14e: {  	[tilespmem:v37+s11+$0x0] =	vst.idx.msk $0xffff, v8  }
0x14f: {  	v39 =	vadd.s32 $0x1450, v7;
	v8 =	vld.idx.msk [tilespmem:v38+s4+$0x0], $0xffff  }
0x150: {  	v40 =	vor.u32 $0x3, v6;
	_ =	sdelay $0x3  }
0x151: {  	[tilespmem:v39+s11+$0x0] =	vst.idx.msk $0xffff, v8  }
0x152: {  	v41 =	vadd.s32 $0x1C70, v7;
	v8 =	vld.idx.msk [tilespmem:v40+s4+$0x0], $0xffff  }
0x153: {  	v42 =	vor.u32 $0x4, v6;
	_ =	sdelay $0x3  }
0x154: {  	[tilespmem:v41+s11+$0x0] =	vst.idx.msk $0xffff, v8  }
0x155: {  	v43 =	vadd.s32 $0x2490, v7;
	v8 =	vld.idx.msk [tilespmem:v42+s4+$0x0], $0xffff  }
0x156: {  	v44 =	vor.u32 $0x5, v6;
	_ =	sdelay $0x3  }
0x157: {  	[tilespmem:v43+s11+$0x0] =	vst.idx.msk $0xffff, v8  }
0x158: {  	v45 =	vadd.s32 $0x2CB0, v7;
	v8 =	vld.idx.msk [tilespmem:v44+s4+$0x0], $0xffff  }
0x159: {  	v46 =	vor.u32 $0x6, v6;
	_ =	sdelay $0x3  }
0x15a: {  	[tilespmem:v45+s11+$0x0] =	vst.idx.msk $0xffff, v8  }
0x15b: {  	v47 =	vadd.s32 $0x34D0, v7;
	v8 =	vld.idx.msk [tilespmem:v46+s4+$0x0], $0xffff  }
0x15c: {  	v48 =	vor.u32 $0x7, v6;
	_ =	sdelay $0x3  }
0x15d: {  	[tilespmem:v47+s11+$0x0] =	vst.idx.msk $0xffff, v8  }
0x15e: {  	v49 =	vadd.s32 $0x3CF0, v7;
	v8 =	vld.idx.msk [tilespmem:v48+s4+$0x0], $0xffff  }
0x15f: {  	v50 =	vor.u32 $0x8, v6;
	_ =	sdelay $0x3  }
0x160: {  	[tilespmem:v49+s11+$0x0] =	vst.idx.msk $0xffff, v8  }
0x161: {  	v51 =	vadd.s32 $0x4510, v7;
	v8 =	vld.idx.msk [tilespmem:v50+s4+$0x0], $0xffff  }
0x162: {  	v52 =	vor.u32 $0x9, v6;
	_ =	sdelay $0x3  }
0x163: {  	[tilespmem:v51+s11+$0x0] =	vst.idx.msk $0xffff, v8  }
0x164: {  	v53 =	vadd.s32 $0x4D30, v7;
	v8 =	vld.idx.msk [tilespmem:v52+s4+$0x0], $0xffff  }
0x165: {  	v54 =	vor.u32 $0xA, v6;
	_ =	sdelay $0x3  }
0x166: {  	[tilespmem:v53+s11+$0x0] =	vst.idx.msk $0xffff, v8  }
0x167: {  	v55 =	vadd.s32 $0x5550, v7;
	v8 =	vld.idx.msk [tilespmem:v54+s4+$0x0], $0xffff  }
0x168: {  	v56 =	vor.u32 $0xB, v6;
	_ =	sdelay $0x3  }
0x169: {  	[tilespmem:v55+s11+$0x0] =	vst.idx.msk $0xffff, v8  }
0x16a: {  	v57 =	vadd.s32 $0x5D70, v7;
	v8 =	vld.idx.msk [tilespmem:v56+s4+$0x0], $0xffff  }
0x16b: {  	v58 =	vor.u32 $0xC, v6;
	_ =	sdelay $0x3  }
0x16c: {  	[tilespmem:v57+s11+$0x0] =	vst.idx.msk $0xffff, v8  }
0x16d: {  	v59 =	vadd.s32 $0x6590, v7;
	v8 =	vld.idx.msk [tilespmem:v58+s4+$0x0], $0xffff  }
0x16e: {  	v60 =	vor.u32 $0xD, v6;
	_ =	sdelay $0x3  }
0x16f: {  	[tilespmem:v59+s11+$0x0] =	vst.idx.msk $0xffff, v8  }
0x170: {  	v61 =	vadd.s32 $0x6DB0, v7;
	v8 =	vld.idx.msk [tilespmem:v60+s4+$0x0], $0xffff  }
0x171: {  	v62 =	vor.u32 $0xE, v6;
	_ =	sdelay $0x3  }
0x172: {  	[tilespmem:v61+s11+$0x0] =	vst.idx.msk $0xffff, v8  }
0x173: {  	v63 =	vadd.s32 $0x75D0, v7;
	v8 =	vld.idx.msk [tilespmem:v62+s4+$0x0], $0xffff  }
0x174: {  	v6 =	vor.u32 $0xF, v6;
	_ =	sdelay $0x3  }
0x175: {  	[tilespmem:v63+s11+$0x0] =	vst.idx.msk $0xffff, v8  }
0x176: {  	p2 =	sne.s32 s0, $0x1F1;
	v7 =	vadd.s32 $0x7DF0, v7;
	v6 =	vld.idx.msk [tilespmem:v6+s4+$0x0], $0xffff  }
.Ltmp4:
0x177: {  	_ = 	snop;
	(pc) =	sbr.rel @p2 .LBB2_11-.Ltmp4, $2  }
0x178: {  	_ =	sdelay $0x2  }
0x179: {  	s31 =	sadd.s32 $0x10, s31;
	s0 =	sadd.s32 $0x10, s0;
	[tilespmem:v7+s11+$0x0] =	vst.idx.msk $0xffff, v6  }
0x17a: {  	s31 =	simm.s32 $0x2610  }
0x17b: {  	v6 =	vld [tilespmem:s31+$0x0];
	_ =	sdelay $0x4  }
0x17c: {  	v6 =	vshll.u32 v6, $0x4;
	_ =	sdelay $0x2  }
0x17d: {  	v7 =	vadd.s32 s8, v0  }
0x17e: {  	v8 =	vand.u32 $0x3FF, v7  }
0x17f: {  	v9 =	vadd.s32 $0x618, v8;
	v7 =	vld.idx.msk [tilespmem:v6+s4+$0x0], $0xffff  }
0x180: {  	v10 =	vor.u32 $0x1, v6;
	_ =	sdelay $0x3  }
0x181: {  	[tilespmem:v9+s11+$0x0] =	vst.idx.msk $0xffff, v7  }
0x182: {  	v37 =	vadd.s32 $0xE38, v8;
	v7 =	vld.idx.msk [tilespmem:v10+s4+$0x0], $0xffff  }
0x183: {  	v38 =	vor.u32 $0x2, v6;
	_ =	sdelay $0x3  }
0x184: {  	[tilespmem:v37+s11+$0x0] =	vst.idx.msk $0xffff, v7  }
0x185: {  	v39 =	vadd.s32 $0x1658, v8;
	v7 =	vld.idx.msk [tilespmem:v38+s4+$0x0], $0xffff  }
0x186: {  	v40 =	vor.u32 $0x3, v6;
	_ =	sdelay $0x3  }
0x187: {  	[tilespmem:v39+s11+$0x0] =	vst.idx.msk $0xffff, v7  }
0x188: {  	v41 =	vadd.s32 $0x1E78, v8;
	v7 =	vld.idx.msk [tilespmem:v40+s4+$0x0], $0xffff  }
0x189: {  	v42 =	vor.u32 $0x4, v6;
	_ =	sdelay $0x3  }
0x18a: {  	[tilespmem:v41+s11+$0x0] =	vst.idx.msk $0xffff, v7  }
0x18b: {  	v43 =	vadd.s32 $0x2698, v8;
	v7 =	vld.idx.msk [tilespmem:v42+s4+$0x0], $0xffff  }
0x18c: {  	v44 =	vor.u32 $0x5, v6;
	_ =	sdelay $0x3  }
0x18d: {  	[tilespmem:v43+s11+$0x0] =	vst.idx.msk $0xffff, v7  }
0x18e: {  	v45 =	vadd.s32 $0x2EB8, v8;
	v7 =	vld.idx.msk [tilespmem:v44+s4+$0x0], $0xffff  }
0x18f: {  	v46 =	vor.u32 $0x6, v6;
	_ =	sdelay $0x3  }
0x190: {  	[tilespmem:v45+s11+$0x0] =	vst.idx.msk $0xffff, v7  }
0x191: {  	v47 =	vadd.s32 $0x36D8, v8;
	v7 =	vld.idx.msk [tilespmem:v46+s4+$0x0], $0xffff  }
0x192: {  	v48 =	vor.u32 $0x7, v6;
	_ =	sdelay $0x3  }
0x193: {  	[tilespmem:v47+s11+$0x0] =	vst.idx.msk $0xffff, v7  }
0x194: {  	v49 =	vadd.s32 $0x3EF8, v8;
	v7 =	vld.idx.msk [tilespmem:v48+s4+$0x0], $0xffff  }
0x195: {  	v50 =	vor.u32 $0x8, v6;
	_ =	sdelay $0x3  }
0x196: {  	[tilespmem:v49+s11+$0x0] =	vst.idx.msk $0xffff, v7  }
0x197: {  	v51 =	vadd.s32 $0x4718, v8;
	v7 =	vld.idx.msk [tilespmem:v50+s4+$0x0], $0xffff  }
0x198: {  	v52 =	vor.u32 $0x9, v6;
	_ =	sdelay $0x3  }
0x199: {  	[tilespmem:v51+s11+$0x0] =	vst.idx.msk $0xffff, v7  }
0x19a: {  	v53 =	vadd.s32 $0x4F38, v8;
	v7 =	vld.idx.msk [tilespmem:v52+s4+$0x0], $0xffff  }
0x19b: {  	v54 =	vor.u32 $0xA, v6;
	_ =	sdelay $0x3  }
0x19c: {  	[tilespmem:v53+s11+$0x0] =	vst.idx.msk $0xffff, v7  }
0x19d: {  	v55 =	vadd.s32 $0x5758, v8;
	v7 =	vld.idx.msk [tilespmem:v54+s4+$0x0], $0xffff  }
0x19e: {  	v56 =	vor.u32 $0xB, v6;
	_ =	sdelay $0x3  }
0x19f: {  	[tilespmem:v55+s11+$0x0] =	vst.idx.msk $0xffff, v7  }
0x1a0: {  	v57 =	vadd.s32 $0x5F78, v8;
	v7 =	vld.idx.msk [tilespmem:v56+s4+$0x0], $0xffff  }
0x1a1: {  	v58 =	vor.u32 $0xC, v6;
	_ =	sdelay $0x3  }
0x1a2: {  	[tilespmem:v57+s11+$0x0] =	vst.idx.msk $0xffff, v7  }
0x1a3: {  	v59 =	vadd.s32 $0x6798, v8;
	v7 =	vld.idx.msk [tilespmem:v58+s4+$0x0], $0xffff  }
0x1a4: {  	v60 =	vor.u32 $0xD, v6;
	_ =	sdelay $0x3  }
0x1a5: {  	[tilespmem:v59+s11+$0x0] =	vst.idx.msk $0xffff, v7  }
0x1a6: {  	v61 =	vadd.s32 $0x6FB8, v8;
	v7 =	vld.idx.msk [tilespmem:v60+s4+$0x0], $0xffff  }
0x1a7: {  	v62 =	vor.u32 $0xE, v6;
	_ =	sdelay $0x3  }
0x1a8: {  	[tilespmem:v61+s11+$0x0] =	vst.idx.msk $0xffff, v7  }
0x1a9: {  	v63 =	vadd.s32 $0x77D8, v8;
	v7 =	vld.idx.msk [tilespmem:v62+s4+$0x0], $0xffff  }
0x1aa: {  	v6 =	vor.u32 $0xF, v6;
	_ =	sdelay $0x3  }
0x1ab: {  	[tilespmem:v63+s11+$0x0] =	vst.idx.msk $0xffff, v7  }
0x1ac: {  	s8 =	simm.s32 $0x11;
	v7 =	vld.idx.msk [tilespmem:v6+s4+$0x0], $0xffff;
	v6 =	vadd.s32 $0x7FF8, v8  }
.LBB2_13:
0x1ad: {  	_ =	sdelay $0x2  }
0x1ae: {  	p2 =	sne.s32 s8, $0x1F1  }
0x1af: {  	s31 =	sadd.s32 $0x10, s31;
	s0 =	smov.u32 s8;
	s8 =	sadd.s32 $0x10, s8;
	[tilespmem:v6+s11+$0x0] =	vst.idx.msk $0xffff, v7  }
0x1b0: {  	v6 =	vld [tilespmem:s31+$0x0];
	_ =	sdelay $0x4  }
0x1b1: {  	v7 =	vshll.u32 v6, $0x4;
	_ =	sdelay $0x3  }
0x1b2: {  	v6 =	vadd.s32 s0, v0  }
0x1b3: {  	v6 =	vand.u32 $0x3FF, v6;
	v8 =	vld.idx.msk [tilespmem:v7+s4+$0x0], $0xffff  }
0x1b4: {  	v9 =	vadd.s32 $0x618, v6  }
0x1b5: {  	v10 =	vor.u32 $0x1, v7;
	_ =	sdelay $0x3  }
0x1b6: {  	[tilespmem:v9+s11+$0x0] =	vst.idx.msk $0xffff, v8  }
0x1b7: {  	v8 =	vld.idx.msk [tilespmem:v10+s4+$0x0], $0xffff  }
0x1b8: {  	v9 =	vadd.s32 $0xE38, v6  }
0x1b9: {  	v10 =	vor.u32 $0x2, v7;
	_ =	sdelay $0x3  }
0x1ba: {  	[tilespmem:v9+s11+$0x0] =	vst.idx.msk $0xffff, v8  }
0x1bb: {  	v8 =	vld.idx.msk [tilespmem:v10+s4+$0x0], $0xffff  }
0x1bc: {  	v9 =	vadd.s32 $0x1658, v6  }
0x1bd: {  	v10 =	vor.u32 $0x3, v7;
	_ =	sdelay $0x3  }
0x1be: {  	[tilespmem:v9+s11+$0x0] =	vst.idx.msk $0xffff, v8  }
0x1bf: {  	v8 =	vld.idx.msk [tilespmem:v10+s4+$0x0], $0xffff  }
0x1c0: {  	v9 =	vadd.s32 $0x1E78, v6  }
0x1c1: {  	v10 =	vor.u32 $0x4, v7;
	_ =	sdelay $0x3  }
0x1c2: {  	[tilespmem:v9+s11+$0x0] =	vst.idx.msk $0xffff, v8  }
0x1c3: {  	v8 =	vld.idx.msk [tilespmem:v10+s4+$0x0], $0xffff  }
0x1c4: {  	v9 =	vadd.s32 $0x2698, v6  }
0x1c5: {  	v10 =	vor.u32 $0x5, v7;
	_ =	sdelay $0x3  }
0x1c6: {  	[tilespmem:v9+s11+$0x0] =	vst.idx.msk $0xffff, v8  }
0x1c7: {  	v8 =	vld.idx.msk [tilespmem:v10+s4+$0x0], $0xffff  }
0x1c8: {  	v9 =	vadd.s32 $0x2EB8, v6  }
0x1c9: {  	v10 =	vor.u32 $0x6, v7;
	_ =	sdelay $0x3  }
0x1ca: {  	[tilespmem:v9+s11+$0x0] =	vst.idx.msk $0xffff, v8  }
0x1cb: {  	v8 =	vld.idx.msk [tilespmem:v10+s4+$0x0], $0xffff  }
0x1cc: {  	v9 =	vadd.s32 $0x36D8, v6  }
0x1cd: {  	v10 =	vor.u32 $0x7, v7;
	_ =	sdelay $0x3  }
0x1ce: {  	[tilespmem:v9+s11+$0x0] =	vst.idx.msk $0xffff, v8  }
0x1cf: {  	v8 =	vld.idx.msk [tilespmem:v10+s4+$0x0], $0xffff  }
0x1d0: {  	v9 =	vadd.s32 $0x3EF8, v6  }
0x1d1: {  	v10 =	vor.u32 $0x8, v7;
	_ =	sdelay $0x3  }
0x1d2: {  	[tilespmem:v9+s11+$0x0] =	vst.idx.msk $0xffff, v8  }
0x1d3: {  	v8 =	vld.idx.msk [tilespmem:v10+s4+$0x0], $0xffff  }
0x1d4: {  	v9 =	vadd.s32 $0x4718, v6  }
0x1d5: {  	v10 =	vor.u32 $0x9, v7;
	_ =	sdelay $0x3  }
0x1d6: {  	[tilespmem:v9+s11+$0x0] =	vst.idx.msk $0xffff, v8  }
0x1d7: {  	v8 =	vld.idx.msk [tilespmem:v10+s4+$0x0], $0xffff  }
0x1d8: {  	v9 =	vadd.s32 $0x4F38, v6  }
0x1d9: {  	v10 =	vor.u32 $0xA, v7;
	_ =	sdelay $0x3  }
0x1da: {  	[tilespmem:v9+s11+$0x0] =	vst.idx.msk $0xffff, v8  }
0x1db: {  	v8 =	vld.idx.msk [tilespmem:v10+s4+$0x0], $0xffff  }
0x1dc: {  	v9 =	vadd.s32 $0x5758, v6  }
0x1dd: {  	v10 =	vor.u32 $0xB, v7;
	_ =	sdelay $0x3  }
0x1de: {  	[tilespmem:v9+s11+$0x0] =	vst.idx.msk $0xffff, v8  }
0x1df: {  	v8 =	vld.idx.msk [tilespmem:v10+s4+$0x0], $0xffff  }
0x1e0: {  	v9 =	vadd.s32 $0x5F78, v6  }
0x1e1: {  	v10 =	vor.u32 $0xC, v7;
	_ =	sdelay $0x3  }
0x1e2: {  	[tilespmem:v9+s11+$0x0] =	vst.idx.msk $0xffff, v8  }
0x1e3: {  	v8 =	vld.idx.msk [tilespmem:v10+s4+$0x0], $0xffff  }
0x1e4: {  	v9 =	vadd.s32 $0x6798, v6  }
0x1e5: {  	v10 =	vor.u32 $0xD, v7;
	_ =	sdelay $0x3  }
0x1e6: {  	[tilespmem:v9+s11+$0x0] =	vst.idx.msk $0xffff, v8  }
0x1e7: {  	v8 =	vld.idx.msk [tilespmem:v10+s4+$0x0], $0xffff  }
0x1e8: {  	v9 =	vadd.s32 $0x6FB8, v6  }
0x1e9: {  	v10 =	vor.u32 $0xE, v7;
	_ =	sdelay $0x3  }
0x1ea: {  	[tilespmem:v9+s11+$0x0] =	vst.idx.msk $0xffff, v8  }
0x1eb: {  	v8 =	vld.idx.msk [tilespmem:v10+s4+$0x0], $0xffff  }
0x1ec: {  	v9 =	vadd.s32 $0x77D8, v6  }
0x1ed: {  	v7 =	vor.u32 $0xF, v7;
	_ =	sdelay $0x1  }
.Ltmp5:
0x1ee: {  	(pc) =	sbr.rel @p2 .LBB2_13-.Ltmp5, $4  }
0x1ef: {  	_ = 	snop  }
0x1f0: {  	[tilespmem:v9+s11+$0x0] =	vst.idx.msk $0xffff, v8  }
0x1f1: {  	v7 =	vld.idx.msk [tilespmem:v7+s4+$0x0], $0xffff  }
0x1f2: {  	v6 =	vadd.s32 $0x7FF8, v6  }
0x1f3: {  	s0 =	sshll.u32 s28, $0x3  }
0x1f4: {  	s0 =	sadd.s32 s7, s0  }
0x1f5: {  	s0 =	smul.u32 $0x208, s0;
	_ =	sdelay $0x1  }
0x1f6: {  	s0 =	sadd.s32 s0, s24  }
0x1f7: {  	s8 =	sshrl.u32 s0, $0x3;
	s31 =	sadd.s32 $0x41208, s0  }
0x1f8: {  	[tilespmem:v6+s11+$0x0] =	vst.idx.msk $0xffff, v7;
	s8 =	sadd.s32 s2, s8;
	s31 =	sshrl.u32 s31, $0x3  }
0x1f9: {  	[hbm4b:s8+s4] =	stream.linear.scatter [tilespmem:s11], [sflag:$0x3], $0x820, $0x38;
	[tilespmem:$0x13630] =	vst v63  }
0x1fa: {  	s3 =	simm.s32 $0x3830;
	s31 =	sadd.s32 s2, s31  }
0x1fb: {  	[hbm4b:s31+s4] =	stream.linear.scatter [tilespmem:s3], [sflag:$0x3], $0x820, $0x38;
	[tilespmem:$0x13630] =	vst v63  }
0x1fc: {  	s31 =	sadd.s32 $0x10482, s8;
	s3 =	simm.s32 $0x4050  }
0x1fd: {  	[hbm4b:s31+s4] =	stream.linear.scatter [tilespmem:s3], [sflag:$0x3], $0x820, $0x38;
	[tilespmem:$0x13630] =	vst v63  }
0x1fe: {  	s3 =	sadd.s32 $0xC3618, s0  }
0x1ff: {  	s31 =	sshrl.u32 s3, $0x3  }
0x200: {  	s3 =	simm.s32 $0x4870;
	s31 =	sadd.s32 s2, s31  }
0x201: {  	[hbm4b:s31+s4] =	stream.linear.scatter [tilespmem:s3], [sflag:$0x3], $0x820, $0x38;
	[tilespmem:$0x13630] =	vst v63  }
0x202: {  	s31 =	sadd.s32 $0x20904, s8;
	s3 =	simm.s32 $0x5090  }
0x203: {  	[hbm4b:s31+s4] =	stream.linear.scatter [tilespmem:s3], [sflag:$0x3], $0x820, $0x38;
	[tilespmem:$0x13630] =	vst v63  }
0x204: {  	s3 =	sadd.s32 $0x145A28, s0  }
0x205: {  	s31 =	sshrl.u32 s3, $0x3  }
0x206: {  	s3 =	simm.s32 $0x58B0;
	s31 =	sadd.s32 s2, s31  }
0x207: {  	[hbm4b:s31+s4] =	stream.linear.scatter [tilespmem:s3], [sflag:$0x3], $0x820, $0x38;
	[tilespmem:$0x13630] =	vst v63  }
0x208: {  	s31 =	sadd.s32 $0x30D86, s8;
	s3 =	simm.s32 $0x60D0  }
0x209: {  	[hbm4b:s31+s4] =	stream.linear.scatter [tilespmem:s3], [sflag:$0x3], $0x820, $0x38;
	[tilespmem:$0x13630] =	vst v63  }
0x20a: {  	s3 =	sadd.s32 $0x1C7E38, s0  }
0x20b: {  	s31 =	sshrl.u32 s3, $0x3  }
0x20c: {  	s3 =	simm.s32 $0x68F0;
	s31 =	sadd.s32 s2, s31  }
0x20d: {  	[hbm4b:s31+s4] =	stream.linear.scatter [tilespmem:s3], [sflag:$0x3], $0x820, $0x38;
	[tilespmem:$0x13630] =	vst v63  }
0x20e: {  	s31 =	sadd.s32 $0x41208, s8;
	s3 =	simm.s32 $0x7110  }
0x20f: {  	[hbm4b:s31+s4] =	stream.linear.scatter [tilespmem:s3], [sflag:$0x3], $0x820, $0x38;
	[tilespmem:$0x13630] =	vst v63  }
0x210: {  	s3 =	sadd.s32 $0x24A248, s0  }
0x211: {  	s31 =	sshrl.u32 s3, $0x3  }
0x212: {  	s3 =	simm.s32 $0x7930;
	s31 =	sadd.s32 s2, s31  }
0x213: {  	[hbm4b:s31+s4] =	stream.linear.scatter [tilespmem:s3], [sflag:$0x3], $0x820, $0x38;
	[tilespmem:$0x13630] =	vst v63  }
0x214: {  	s31 =	sadd.s32 $0x5168A, s8;
	s3 =	simm.s32 $0x8150  }
0x215: {  	[hbm4b:s31+s4] =	stream.linear.scatter [tilespmem:s3], [sflag:$0x3], $0x820, $0x38;
	[tilespmem:$0x13630] =	vst v63  }
0x216: {  	s3 =	sadd.s32 $0x2CC658, s0  }
0x217: {  	s31 =	sshrl.u32 s3, $0x3  }
0x218: {  	s3 =	simm.s32 $0x8970;
	s31 =	sadd.s32 s2, s31  }
0x219: {  	[hbm4b:s31+s4] =	stream.linear.scatter [tilespmem:s3], [sflag:$0x3], $0x820, $0x38;
	[tilespmem:$0x13630] =	vst v63  }
0x21a: {  	s31 =	sadd.s32 $0x61B0C, s8;
	s3 =	simm.s32 $0x9190  }
0x21b: {  	[hbm4b:s31+s4] =	stream.linear.scatter [tilespmem:s3], [sflag:$0x3], $0x820, $0x38;
	[tilespmem:$0x13630] =	vst v63  }
0x21c: {  	s3 =	sadd.s32 $0x34EA68, s0  }
0x21d: {  	s31 =	sshrl.u32 s3, $0x3  }
0x21e: {  	p2 =	sne.s32 s28, $0xF;
	s3 =	simm.s32 $0x99B0;
	s31 =	sadd.s32 s2, s31  }
0x21f: {  	[hbm4b:s31+s4] =	stream.linear.scatter [tilespmem:s3], [sflag:$0x3], $0x820, $0x38;
	[tilespmem:$0x13630] =	vst v63  }
.Ltmp6:
0x220: {  	s0 =	sadd.s32 $0x3D0E78, s0;
	(pc) =	sbr.rel @p2 .LBB2_16-.Ltmp6, $4  }
0x221: {  	s8 =	sadd.s32 $0x71F8E, s8;
	s0 =	sshrl.u32 s0, $0x3;
	s31 =	simm.s32 $0xA1D0  }
0x222: {  	[hbm4b:s8+s4] =	stream.linear.scatter [tilespmem:s31], [sflag:$0x3], $0x820, $0x38;
	[tilespmem:$0x13630] =	vst v63  }
0x223: {  	s0 =	sadd.s32 s2, s0;
	s31 =	simm.s32 $0xA9F0  }
0x224: {  	[hbm4b:s0+s4] =	stream.linear.scatter [tilespmem:s31], [sflag:$0x3], $0x820, $0x38;
	[tilespmem:$0x13630] =	vst v63  }
.Ltmp7:
0x225: {  	(pc) =	sbr.rel .LBB2_17-.Ltmp7, $4  }
0x226: {  	_ = 	snop  }
0x227: {  	_ =	swait.ge [sflag:s6], $0x800  }
0x228: {  	[sflag:s6] =	ssyncset.done $0x0  }
0x229: {  	[sflag:s6] =	ssyncadd.s32 $0xFFFFF800  }
.LBB2_16:
0x22a: {  	s0 =	sshll.u32 s28, $0xC;
	s8 =	rddreg [dreg:$0x17]  }
0x22b: {  	s0 =	sadd.s32 s0, s8  }
0x22c: {  	s0 =	sshrl.u32 s0, $0x3  }
.Ltmp8:
0x22d: {  	s31 =	simm.s32 $0x2010;
	s0 =	sadd.s32 s5, s0;
	(pc) =	sbr.rel @p1 .LBB2_18-.Ltmp8, $4  }
0x22e: {  	[tilespmem:s31], [sflag:$0x1] =	stream.linear.gather [hbm4b:s0+s4], $0x800, $0x38;
	[tilespmem:$0x13630] =	vst v63  }
0x22f: {  	_ =	swait.ge [sflag:s6], $0x800  }
0x230: {  	[sflag:s6] =	ssyncset.done $0x0  }
0x231: {  	[sflag:s6] =	ssyncadd.s32 $0xFFFFF800  }
.LBB2_17:
0x232: {  	_ =	swait.ge [sflag:s23], $0x820  }
0x233: {  	[sflag:s23] =	ssyncset.done $0x0  }
0x234: {  	[sflag:s23] =	ssyncadd.s32 $0xFFFFF7E0  }
0x235: {  	_ =	swait.ge [sflag:s23], $0x820  }
0x236: {  	[sflag:s23] =	ssyncset.done $0x0  }
0x237: {  	[sflag:s23] =	ssyncadd.s32 $0xFFFFF7E0  }
0x238: {  	_ =	swait.ge [sflag:s23], $0x820  }
0x239: {  	[sflag:s23] =	ssyncset.done $0x0  }
0x23a: {  	[sflag:s23] =	ssyncadd.s32 $0xFFFFF7E0  }
0x23b: {  	_ =	swait.ge [sflag:s23], $0x820  }
0x23c: {  	[sflag:s23] =	ssyncset.done $0x0  }
0x23d: {  	[sflag:s23] =	ssyncadd.s32 $0xFFFFF7E0  }
0x23e: {  	_ =	swait.ge [sflag:s23], $0x820  }
0x23f: {  	[sflag:s23] =	ssyncset.done $0x0  }
0x240: {  	[sflag:s23] =	ssyncadd.s32 $0xFFFFF7E0  }
0x241: {  	_ =	swait.ge [sflag:s23], $0x820  }
0x242: {  	[sflag:s23] =	ssyncset.done $0x0  }
0x243: {  	[sflag:s23] =	ssyncadd.s32 $0xFFFFF7E0  }
0x244: {  	_ =	swait.ge [sflag:s23], $0x820  }
0x245: {  	[sflag:s23] =	ssyncset.done $0x0  }
0x246: {  	[sflag:s23] =	ssyncadd.s32 $0xFFFFF7E0  }
0x247: {  	_ =	swait.ge [sflag:s23], $0x820  }
0x248: {  	[sflag:s23] =	ssyncset.done $0x0  }
0x249: {  	[sflag:s23] =	ssyncadd.s32 $0xFFFFF7E0  }
0x24a: {  	_ =	swait.ge [sflag:s23], $0x820  }
0x24b: {  	[sflag:s23] =	ssyncset.done $0x0  }
0x24c: {  	[sflag:s23] =	ssyncadd.s32 $0xFFFFF7E0  }
0x24d: {  	_ =	swait.ge [sflag:s23], $0x820  }
0x24e: {  	[sflag:s23] =	ssyncset.done $0x0  }
0x24f: {  	[sflag:s23] =	ssyncadd.s32 $0xFFFFF7E0  }
0x250: {  	_ =	swait.ge [sflag:s23], $0x820  }
0x251: {  	[sflag:s23] =	ssyncset.done $0x0  }
0x252: {  	[sflag:s23] =	ssyncadd.s32 $0xFFFFF7E0  }
0x253: {  	_ =	swait.ge [sflag:s23], $0x820  }
0x254: {  	[sflag:s23] =	ssyncset.done $0x0  }
0x255: {  	[sflag:s23] =	ssyncadd.s32 $0xFFFFF7E0  }
0x256: {  	_ =	swait.ge [sflag:s23], $0x820  }
0x257: {  	[sflag:s23] =	ssyncset.done $0x0  }
0x258: {  	[sflag:s23] =	ssyncadd.s32 $0xFFFFF7E0  }
0x259: {  	_ =	swait.ge [sflag:s23], $0x820  }
0x25a: {  	[sflag:s23] =	ssyncset.done $0x0  }
0x25b: {  	[sflag:s23] =	ssyncadd.s32 $0xFFFFF7E0  }
0x25c: {  	_ =	swait.ge [sflag:s23], $0x820  }
0x25d: {  	[sflag:s23] =	ssyncset.done $0x0  }
0x25e: {  	[sflag:s23] =	ssyncadd.s32 $0xFFFFF7E0  }
0x25f: {  	_ =	swait.ge [sflag:s23], $0x820  }
0x260: {  	[sflag:s23] =	ssyncset.done $0x0  }
0x261: {  	[sflag:s23] =	ssyncadd.s32 $0xFFFFF7E0  }
.LBB2_18:
0x262: {  	_ =	sdelay $0x3  }
0x263: {  	[tilespmem:v1+s25+$0x0] =	vst.idx.msk $0xffff, v5  }
0x264: {  	[tilespmem:v2+s25+$0x0] =	vst.idx.msk $0xffff, v5  }
0x265: {  	[tilespmem:v3+s25+$0x0] =	vst.idx.msk $0xffff, v5  }
0x266: {  	s8 =	simm.s32 $0x1;
	s0 =	simm.s32 $0x2810;
	s31 =	simm.s32 $0x1;
	[tilespmem:v4+s25+$0x0] =	vst.idx.msk $0xffff, v5  }
.LBB2_19:
0x267: {  	v6 =	vld [tilespmem:s0+$0x0];
	_ =	sdelay $0x4  }
0x268: {  	v6 =	vshll.u32 v6, $0x4;
	_ =	sdelay $0x4  }
0x269: {  	v7 =	vadd.s32 s31, v0;
	v8 =	vld.idx.msk [tilespmem:v6+s4+$0x0], $0xffff  }
0x26a: {  	v9 =	vor.u32 $0x1, v6;
	_ =	sdelay $0x3  }
0x26b: {  	[tilespmem:v7+s25+$0x0] =	vst.idx.msk $0xffff, v8;
	v7 =	vand.u32 $0x3FF, v7  }
0x26c: {  	v8 =	vld.idx.msk [tilespmem:v9+s4+$0x0], $0xffff;
	v38 =	vadd.s32 $0x820, v7  }
0x26d: {  	v10 =	vor.u32 $0x2, v6;
	_ =	sdelay $0x3  }
0x26e: {  	[tilespmem:v38+s25+$0x0] =	vst.idx.msk $0xffff, v8  }
0x26f: {  	v39 =	vadd.s32 $0x1040, v7;
	v8 =	vld.idx.msk [tilespmem:v10+s4+$0x0], $0xffff  }
0x270: {  	v40 =	vor.u32 $0x3, v6;
	_ =	sdelay $0x3  }
0x271: {  	[tilespmem:v39+s25+$0x0] =	vst.idx.msk $0xffff, v8  }
0x272: {  	v41 =	vadd.s32 $0x1860, v7;
	v8 =	vld.idx.msk [tilespmem:v40+s4+$0x0], $0xffff  }
0x273: {  	v42 =	vor.u32 $0x4, v6;
	_ =	sdelay $0x3  }
0x274: {  	[tilespmem:v41+s25+$0x0] =	vst.idx.msk $0xffff, v8  }
0x275: {  	v43 =	vadd.s32 $0x2080, v7;
	v8 =	vld.idx.msk [tilespmem:v42+s4+$0x0], $0xffff  }
0x276: {  	v44 =	vor.u32 $0x5, v6;
	_ =	sdelay $0x3  }
0x277: {  	[tilespmem:v43+s25+$0x0] =	vst.idx.msk $0xffff, v8  }
0x278: {  	v45 =	vadd.s32 $0x28A0, v7;
	v8 =	vld.idx.msk [tilespmem:v44+s4+$0x0], $0xffff  }
0x279: {  	v46 =	vor.u32 $0x6, v6;
	_ =	sdelay $0x3  }
0x27a: {  	[tilespmem:v45+s25+$0x0] =	vst.idx.msk $0xffff, v8  }
0x27b: {  	v47 =	vadd.s32 $0x30C0, v7;
	v8 =	vld.idx.msk [tilespmem:v46+s4+$0x0], $0xffff  }
0x27c: {  	v48 =	vor.u32 $0x7, v6;
	_ =	sdelay $0x3  }
0x27d: {  	[tilespmem:v47+s25+$0x0] =	vst.idx.msk $0xffff, v8  }
0x27e: {  	v49 =	vadd.s32 $0x38E0, v7;
	v8 =	vld.idx.msk [tilespmem:v48+s4+$0x0], $0xffff  }
0x27f: {  	v50 =	vor.u32 $0x8, v6;
	_ =	sdelay $0x3  }
0x280: {  	[tilespmem:v49+s25+$0x0] =	vst.idx.msk $0xffff, v8  }
0x281: {  	v51 =	vadd.s32 $0x4100, v7;
	v8 =	vld.idx.msk [tilespmem:v50+s4+$0x0], $0xffff  }
0x282: {  	v52 =	vor.u32 $0x9, v6;
	_ =	sdelay $0x3  }
0x283: {  	[tilespmem:v51+s25+$0x0] =	vst.idx.msk $0xffff, v8  }
0x284: {  	v53 =	vadd.s32 $0x4920, v7;
	v8 =	vld.idx.msk [tilespmem:v52+s4+$0x0], $0xffff  }
0x285: {  	v54 =	vor.u32 $0xA, v6;
	_ =	sdelay $0x3  }
0x286: {  	[tilespmem:v53+s25+$0x0] =	vst.idx.msk $0xffff, v8  }
0x287: {  	v55 =	vadd.s32 $0x5140, v7;
	v8 =	vld.idx.msk [tilespmem:v54+s4+$0x0], $0xffff  }
0x288: {  	v56 =	vor.u32 $0xB, v6;
	_ =	sdelay $0x3  }
0x289: {  	[tilespmem:v55+s25+$0x0] =	vst.idx.msk $0xffff, v8  }
0x28a: {  	v57 =	vadd.s32 $0x5960, v7;
	v8 =	vld.idx.msk [tilespmem:v56+s4+$0x0], $0xffff  }
0x28b: {  	v58 =	vor.u32 $0xC, v6;
	_ =	sdelay $0x3  }
0x28c: {  	[tilespmem:v57+s25+$0x0] =	vst.idx.msk $0xffff, v8  }
0x28d: {  	v59 =	vadd.s32 $0x6180, v7;
	v8 =	vld.idx.msk [tilespmem:v58+s4+$0x0], $0xffff  }
0x28e: {  	v60 =	vor.u32 $0xD, v6;
	_ =	sdelay $0x3  }
0x28f: {  	[tilespmem:v59+s25+$0x0] =	vst.idx.msk $0xffff, v8  }
0x290: {  	v61 =	vadd.s32 $0x69A0, v7;
	v8 =	vld.idx.msk [tilespmem:v60+s4+$0x0], $0xffff  }
0x291: {  	v62 =	vor.u32 $0xE, v6;
	_ =	sdelay $0x3  }
0x292: {  	[tilespmem:v61+s25+$0x0] =	vst.idx.msk $0xffff, v8  }
0x293: {  	v63 =	vadd.s32 $0x71C0, v7;
	v8 =	vld.idx.msk [tilespmem:v62+s4+$0x0], $0xffff  }
0x294: {  	v6 =	vor.u32 $0xF, v6;
	_ =	sdelay $0x3  }
0x295: {  	[tilespmem:v63+s25+$0x0] =	vst.idx.msk $0xffff, v8  }
0x296: {  	p1 =	sne.s32 s31, $0x1F1;
	v7 =	vadd.s32 $0x79E0, v7;
	v6 =	vld.idx.msk [tilespmem:v6+s4+$0x0], $0xffff  }
.Ltmp9:
0x297: {  	_ = 	snop;
	(pc) =	sbr.rel @p1 .LBB2_19-.Ltmp9, $2  }
0x298: {  	_ =	sdelay $0x2  }
0x299: {  	s0 =	sadd.s32 $0x10, s0;
	s31 =	sadd.s32 $0x10, s31;
	[tilespmem:v7+s25+$0x0] =	vst.idx.msk $0xffff, v6  }
0x29a: {  	s0 =	simm.s32 $0x2A10  }
.LBB2_21:
0x29b: {  	v6 =	vld [tilespmem:s0+$0x0];
	_ =	sdelay $0x4  }
0x29c: {  	v6 =	vshll.u32 v6, $0x4;
	_ =	sdelay $0x2  }
0x29d: {  	v7 =	vadd.s32 s8, v0  }
0x29e: {  	v7 =	vand.u32 $0x3FF, v7  }
0x29f: {  	v9 =	vadd.s32 $0x208, v7;
	v8 =	vld.idx.msk [tilespmem:v6+s4+$0x0], $0xffff  }
0x2a0: {  	v10 =	vor.u32 $0x1, v6;
	_ =	sdelay $0x3  }
0x2a1: {  	[tilespmem:v9+s25+$0x0] =	vst.idx.msk $0xffff, v8  }
0x2a2: {  	v37 =	vadd.s32 $0xA28, v7;
	v8 =	vld.idx.msk [tilespmem:v10+s4+$0x0], $0xffff  }
0x2a3: {  	v38 =	vor.u32 $0x2, v6;
	_ =	sdelay $0x3  }
0x2a4: {  	[tilespmem:v37+s25+$0x0] =	vst.idx.msk $0xffff, v8  }
0x2a5: {  	v39 =	vadd.s32 $0x1248, v7;
	v8 =	vld.idx.msk [tilespmem:v38+s4+$0x0], $0xffff  }
0x2a6: {  	v40 =	vor.u32 $0x3, v6;
	_ =	sdelay $0x3  }
0x2a7: {  	[tilespmem:v39+s25+$0x0] =	vst.idx.msk $0xffff, v8  }
0x2a8: {  	v41 =	vadd.s32 $0x1A68, v7;
	v8 =	vld.idx.msk [tilespmem:v40+s4+$0x0], $0xffff  }
0x2a9: {  	v42 =	vor.u32 $0x4, v6;
	_ =	sdelay $0x3  }
0x2aa: {  	[tilespmem:v41+s25+$0x0] =	vst.idx.msk $0xffff, v8  }
0x2ab: {  	v43 =	vadd.s32 $0x2288, v7;
	v8 =	vld.idx.msk [tilespmem:v42+s4+$0x0], $0xffff  }
0x2ac: {  	v44 =	vor.u32 $0x5, v6;
	_ =	sdelay $0x3  }
0x2ad: {  	[tilespmem:v43+s25+$0x0] =	vst.idx.msk $0xffff, v8  }
0x2ae: {  	v45 =	vadd.s32 $0x2AA8, v7;
	v8 =	vld.idx.msk [tilespmem:v44+s4+$0x0], $0xffff  }
0x2af: {  	v46 =	vor.u32 $0x6, v6;
	_ =	sdelay $0x3  }
0x2b0: {  	[tilespmem:v45+s25+$0x0] =	vst.idx.msk $0xffff, v8  }
0x2b1: {  	v47 =	vadd.s32 $0x32C8, v7;
	v8 =	vld.idx.msk [tilespmem:v46+s4+$0x0], $0xffff  }
0x2b2: {  	v48 =	vor.u32 $0x7, v6;
	_ =	sdelay $0x3  }
0x2b3: {  	[tilespmem:v47+s25+$0x0] =	vst.idx.msk $0xffff, v8  }
0x2b4: {  	v49 =	vadd.s32 $0x3AE8, v7;
	v8 =	vld.idx.msk [tilespmem:v48+s4+$0x0], $0xffff  }
0x2b5: {  	v50 =	vor.u32 $0x8, v6;
	_ =	sdelay $0x3  }
0x2b6: {  	[tilespmem:v49+s25+$0x0] =	vst.idx.msk $0xffff, v8  }
0x2b7: {  	v51 =	vadd.s32 $0x4308, v7;
	v8 =	vld.idx.msk [tilespmem:v50+s4+$0x0], $0xffff  }
0x2b8: {  	v52 =	vor.u32 $0x9, v6;
	_ =	sdelay $0x3  }
0x2b9: {  	[tilespmem:v51+s25+$0x0] =	vst.idx.msk $0xffff, v8  }
0x2ba: {  	v53 =	vadd.s32 $0x4B28, v7;
	v8 =	vld.idx.msk [tilespmem:v52+s4+$0x0], $0xffff  }
0x2bb: {  	v54 =	vor.u32 $0xA, v6;
	_ =	sdelay $0x3  }
0x2bc: {  	[tilespmem:v53+s25+$0x0] =	vst.idx.msk $0xffff, v8  }
0x2bd: {  	v55 =	vadd.s32 $0x5348, v7;
	v8 =	vld.idx.msk [tilespmem:v54+s4+$0x0], $0xffff  }
0x2be: {  	v56 =	vor.u32 $0xB, v6;
	_ =	sdelay $0x3  }
0x2bf: {  	[tilespmem:v55+s25+$0x0] =	vst.idx.msk $0xffff, v8  }
0x2c0: {  	v57 =	vadd.s32 $0x5B68, v7;
	v8 =	vld.idx.msk [tilespmem:v56+s4+$0x0], $0xffff  }
0x2c1: {  	v58 =	vor.u32 $0xC, v6;
	_ =	sdelay $0x3  }
0x2c2: {  	[tilespmem:v57+s25+$0x0] =	vst.idx.msk $0xffff, v8  }
0x2c3: {  	v59 =	vadd.s32 $0x6388, v7;
	v8 =	vld.idx.msk [tilespmem:v58+s4+$0x0], $0xffff  }
0x2c4: {  	v60 =	vor.u32 $0xD, v6;
	_ =	sdelay $0x3  }
0x2c5: {  	[tilespmem:v59+s25+$0x0] =	vst.idx.msk $0xffff, v8  }
0x2c6: {  	v61 =	vadd.s32 $0x6BA8, v7;
	v8 =	vld.idx.msk [tilespmem:v60+s4+$0x0], $0xffff  }
0x2c7: {  	v62 =	vor.u32 $0xE, v6;
	_ =	sdelay $0x3  }
0x2c8: {  	[tilespmem:v61+s25+$0x0] =	vst.idx.msk $0xffff, v8  }
0x2c9: {  	v63 =	vadd.s32 $0x73C8, v7;
	v8 =	vld.idx.msk [tilespmem:v62+s4+$0x0], $0xffff  }
0x2ca: {  	v6 =	vor.u32 $0xF, v6;
	_ =	sdelay $0x3  }
0x2cb: {  	[tilespmem:v63+s25+$0x0] =	vst.idx.msk $0xffff, v8  }
0x2cc: {  	p1 =	sne.s32 s8, $0x1F1;
	v7 =	vadd.s32 $0x7BE8, v7;
	v6 =	vld.idx.msk [tilespmem:v6+s4+$0x0], $0xffff  }
.Ltmp10:
0x2cd: {  	_ = 	snop;
	(pc) =	sbr.rel @p1 .LBB2_21-.Ltmp10, $2  }
0x2ce: {  	_ =	sdelay $0x2  }
0x2cf: {  	s0 =	sadd.s32 $0x10, s0;
	s8 =	sadd.s32 $0x10, s8;
	[tilespmem:v7+s25+$0x0] =	vst.idx.msk $0xffff, v6  }
0x2d0: {  	s8 =	simm.s32 $0x1;
	s31 =	simm.s32 $0x2C10;
	s0 =	simm.s32 $0x1  }
.LBB2_23:
0x2d1: {  	v6 =	vld [tilespmem:s31+$0x0];
	_ =	sdelay $0x4  }
0x2d2: {  	v6 =	vshll.u32 v6, $0x4;
	_ =	sdelay $0x2  }
0x2d3: {  	v7 =	vadd.s32 s0, v0  }
0x2d4: {  	v7 =	vand.u32 $0x3FF, v7  }
0x2d5: {  	v9 =	vadd.s32 $0x410, v7;
	v8 =	vld.idx.msk [tilespmem:v6+s4+$0x0], $0xffff  }
0x2d6: {  	v10 =	vor.u32 $0x1, v6;
	_ =	sdelay $0x3  }
0x2d7: {  	[tilespmem:v9+s25+$0x0] =	vst.idx.msk $0xffff, v8  }
0x2d8: {  	v37 =	vadd.s32 $0xC30, v7;
	v8 =	vld.idx.msk [tilespmem:v10+s4+$0x0], $0xffff  }
0x2d9: {  	v38 =	vor.u32 $0x2, v6;
	_ =	sdelay $0x3  }
0x2da: {  	[tilespmem:v37+s25+$0x0] =	vst.idx.msk $0xffff, v8  }
0x2db: {  	v39 =	vadd.s32 $0x1450, v7;
	v8 =	vld.idx.msk [tilespmem:v38+s4+$0x0], $0xffff  }
0x2dc: {  	v40 =	vor.u32 $0x3, v6;
	_ =	sdelay $0x3  }
0x2dd: {  	[tilespmem:v39+s25+$0x0] =	vst.idx.msk $0xffff, v8  }
0x2de: {  	v41 =	vadd.s32 $0x1C70, v7;
	v8 =	vld.idx.msk [tilespmem:v40+s4+$0x0], $0xffff  }
0x2df: {  	v42 =	vor.u32 $0x4, v6;
	_ =	sdelay $0x3  }
0x2e0: {  	[tilespmem:v41+s25+$0x0] =	vst.idx.msk $0xffff, v8  }
0x2e1: {  	v43 =	vadd.s32 $0x2490, v7;
	v8 =	vld.idx.msk [tilespmem:v42+s4+$0x0], $0xffff  }
0x2e2: {  	v44 =	vor.u32 $0x5, v6;
	_ =	sdelay $0x3  }
0x2e3: {  	[tilespmem:v43+s25+$0x0] =	vst.idx.msk $0xffff, v8  }
0x2e4: {  	v45 =	vadd.s32 $0x2CB0, v7;
	v8 =	vld.idx.msk [tilespmem:v44+s4+$0x0], $0xffff  }
0x2e5: {  	v46 =	vor.u32 $0x6, v6;
	_ =	sdelay $0x3  }
0x2e6: {  	[tilespmem:v45+s25+$0x0] =	vst.idx.msk $0xffff, v8  }
0x2e7: {  	v47 =	vadd.s32 $0x34D0, v7;
	v8 =	vld.idx.msk [tilespmem:v46+s4+$0x0], $0xffff  }
0x2e8: {  	v48 =	vor.u32 $0x7, v6;
	_ =	sdelay $0x3  }
0x2e9: {  	[tilespmem:v47+s25+$0x0] =	vst.idx.msk $0xffff, v8  }
0x2ea: {  	v49 =	vadd.s32 $0x3CF0, v7;
	v8 =	vld.idx.msk [tilespmem:v48+s4+$0x0], $0xffff  }
0x2eb: {  	v50 =	vor.u32 $0x8, v6;
	_ =	sdelay $0x3  }
0x2ec: {  	[tilespmem:v49+s25+$0x0] =	vst.idx.msk $0xffff, v8  }
0x2ed: {  	v51 =	vadd.s32 $0x4510, v7;
	v8 =	vld.idx.msk [tilespmem:v50+s4+$0x0], $0xffff  }
0x2ee: {  	v52 =	vor.u32 $0x9, v6;
	_ =	sdelay $0x3  }
0x2ef: {  	[tilespmem:v51+s25+$0x0] =	vst.idx.msk $0xffff, v8  }
0x2f0: {  	v53 =	vadd.s32 $0x4D30, v7;
	v8 =	vld.idx.msk [tilespmem:v52+s4+$0x0], $0xffff  }
0x2f1: {  	v54 =	vor.u32 $0xA, v6;
	_ =	sdelay $0x3  }
0x2f2: {  	[tilespmem:v53+s25+$0x0] =	vst.idx.msk $0xffff, v8  }
0x2f3: {  	v55 =	vadd.s32 $0x5550, v7;
	v8 =	vld.idx.msk [tilespmem:v54+s4+$0x0], $0xffff  }
0x2f4: {  	v56 =	vor.u32 $0xB, v6;
	_ =	sdelay $0x3  }
0x2f5: {  	[tilespmem:v55+s25+$0x0] =	vst.idx.msk $0xffff, v8  }
0x2f6: {  	v57 =	vadd.s32 $0x5D70, v7;
	v8 =	vld.idx.msk [tilespmem:v56+s4+$0x0], $0xffff  }
0x2f7: {  	v58 =	vor.u32 $0xC, v6;
	_ =	sdelay $0x3  }
0x2f8: {  	[tilespmem:v57+s25+$0x0] =	vst.idx.msk $0xffff, v8  }
0x2f9: {  	v59 =	vadd.s32 $0x6590, v7;
	v8 =	vld.idx.msk [tilespmem:v58+s4+$0x0], $0xffff  }
0x2fa: {  	v60 =	vor.u32 $0xD, v6;
	_ =	sdelay $0x3  }
0x2fb: {  	[tilespmem:v59+s25+$0x0] =	vst.idx.msk $0xffff, v8  }
0x2fc: {  	v61 =	vadd.s32 $0x6DB0, v7;
	v8 =	vld.idx.msk [tilespmem:v60+s4+$0x0], $0xffff  }
0x2fd: {  	v62 =	vor.u32 $0xE, v6;
	_ =	sdelay $0x3  }
0x2fe: {  	[tilespmem:v61+s25+$0x0] =	vst.idx.msk $0xffff, v8  }
0x2ff: {  	v63 =	vadd.s32 $0x75D0, v7;
	v8 =	vld.idx.msk [tilespmem:v62+s4+$0x0], $0xffff  }
0x300: {  	v6 =	vor.u32 $0xF, v6;
	_ =	sdelay $0x3  }
0x301: {  	[tilespmem:v63+s25+$0x0] =	vst.idx.msk $0xffff, v8  }
0x302: {  	p1 =	sne.s32 s0, $0x1F1;
	v7 =	vadd.s32 $0x7DF0, v7;
	v6 =	vld.idx.msk [tilespmem:v6+s4+$0x0], $0xffff  }
.Ltmp11:
0x303: {  	_ = 	snop;
	(pc) =	sbr.rel @p1 .LBB2_23-.Ltmp11, $2  }
0x304: {  	_ =	sdelay $0x2  }
0x305: {  	s31 =	sadd.s32 $0x10, s31;
	s0 =	sadd.s32 $0x10, s0;
	[tilespmem:v7+s25+$0x0] =	vst.idx.msk $0xffff, v6  }
0x306: {  	s31 =	simm.s32 $0x2E10  }
0x307: {  	v6 =	vld [tilespmem:s31+$0x0];
	_ =	sdelay $0x4  }
0x308: {  	v6 =	vshll.u32 v6, $0x4;
	_ =	sdelay $0x2  }
0x309: {  	v7 =	vadd.s32 s8, v0  }
0x30a: {  	v8 =	vand.u32 $0x3FF, v7  }
0x30b: {  	v9 =	vadd.s32 $0x618, v8;
	v7 =	vld.idx.msk [tilespmem:v6+s4+$0x0], $0xffff  }
0x30c: {  	v10 =	vor.u32 $0x1, v6;
	_ =	sdelay $0x3  }
0x30d: {  	[tilespmem:v9+s25+$0x0] =	vst.idx.msk $0xffff, v7  }
0x30e: {  	v37 =	vadd.s32 $0xE38, v8;
	v7 =	vld.idx.msk [tilespmem:v10+s4+$0x0], $0xffff  }
0x30f: {  	v38 =	vor.u32 $0x2, v6;
	_ =	sdelay $0x3  }
0x310: {  	[tilespmem:v37+s25+$0x0] =	vst.idx.msk $0xffff, v7  }
0x311: {  	v39 =	vadd.s32 $0x1658, v8;
	v7 =	vld.idx.msk [tilespmem:v38+s4+$0x0], $0xffff  }
0x312: {  	v40 =	vor.u32 $0x3, v6;
	_ =	sdelay $0x3  }
0x313: {  	[tilespmem:v39+s25+$0x0] =	vst.idx.msk $0xffff, v7  }
0x314: {  	v41 =	vadd.s32 $0x1E78, v8;
	v7 =	vld.idx.msk [tilespmem:v40+s4+$0x0], $0xffff  }
0x315: {  	v42 =	vor.u32 $0x4, v6;
	_ =	sdelay $0x3  }
0x316: {  	[tilespmem:v41+s25+$0x0] =	vst.idx.msk $0xffff, v7  }
0x317: {  	v43 =	vadd.s32 $0x2698, v8;
	v7 =	vld.idx.msk [tilespmem:v42+s4+$0x0], $0xffff  }
0x318: {  	v44 =	vor.u32 $0x5, v6;
	_ =	sdelay $0x3  }
0x319: {  	[tilespmem:v43+s25+$0x0] =	vst.idx.msk $0xffff, v7  }
0x31a: {  	v45 =	vadd.s32 $0x2EB8, v8;
	v7 =	vld.idx.msk [tilespmem:v44+s4+$0x0], $0xffff  }
0x31b: {  	v46 =	vor.u32 $0x6, v6;
	_ =	sdelay $0x3  }
0x31c: {  	[tilespmem:v45+s25+$0x0] =	vst.idx.msk $0xffff, v7  }
0x31d: {  	v47 =	vadd.s32 $0x36D8, v8;
	v7 =	vld.idx.msk [tilespmem:v46+s4+$0x0], $0xffff  }
0x31e: {  	v48 =	vor.u32 $0x7, v6;
	_ =	sdelay $0x3  }
0x31f: {  	[tilespmem:v47+s25+$0x0] =	vst.idx.msk $0xffff, v7  }
0x320: {  	v49 =	vadd.s32 $0x3EF8, v8;
	v7 =	vld.idx.msk [tilespmem:v48+s4+$0x0], $0xffff  }
0x321: {  	v50 =	vor.u32 $0x8, v6;
	_ =	sdelay $0x3  }
0x322: {  	[tilespmem:v49+s25+$0x0] =	vst.idx.msk $0xffff, v7  }
0x323: {  	v51 =	vadd.s32 $0x4718, v8;
	v7 =	vld.idx.msk [tilespmem:v50+s4+$0x0], $0xffff  }
0x324: {  	v52 =	vor.u32 $0x9, v6;
	_ =	sdelay $0x3  }
0x325: {  	[tilespmem:v51+s25+$0x0] =	vst.idx.msk $0xffff, v7  }
0x326: {  	v53 =	vadd.s32 $0x4F38, v8;
	v7 =	vld.idx.msk [tilespmem:v52+s4+$0x0], $0xffff  }
0x327: {  	v54 =	vor.u32 $0xA, v6;
	_ =	sdelay $0x3  }
0x328: {  	[tilespmem:v53+s25+$0x0] =	vst.idx.msk $0xffff, v7  }
0x329: {  	v55 =	vadd.s32 $0x5758, v8;
	v7 =	vld.idx.msk [tilespmem:v54+s4+$0x0], $0xffff  }
0x32a: {  	v56 =	vor.u32 $0xB, v6;
	_ =	sdelay $0x3  }
0x32b: {  	[tilespmem:v55+s25+$0x0] =	vst.idx.msk $0xffff, v7  }
0x32c: {  	v57 =	vadd.s32 $0x5F78, v8;
	v7 =	vld.idx.msk [tilespmem:v56+s4+$0x0], $0xffff  }
0x32d: {  	v58 =	vor.u32 $0xC, v6;
	_ =	sdelay $0x3  }
0x32e: {  	[tilespmem:v57+s25+$0x0] =	vst.idx.msk $0xffff, v7  }
0x32f: {  	v59 =	vadd.s32 $0x6798, v8;
	v7 =	vld.idx.msk [tilespmem:v58+s4+$0x0], $0xffff  }
0x330: {  	v60 =	vor.u32 $0xD, v6;
	_ =	sdelay $0x3  }
0x331: {  	[tilespmem:v59+s25+$0x0] =	vst.idx.msk $0xffff, v7  }
0x332: {  	v61 =	vadd.s32 $0x6FB8, v8;
	v7 =	vld.idx.msk [tilespmem:v60+s4+$0x0], $0xffff  }
0x333: {  	v62 =	vor.u32 $0xE, v6;
	_ =	sdelay $0x3  }
0x334: {  	[tilespmem:v61+s25+$0x0] =	vst.idx.msk $0xffff, v7  }
0x335: {  	v63 =	vadd.s32 $0x77D8, v8;
	v7 =	vld.idx.msk [tilespmem:v62+s4+$0x0], $0xffff  }
0x336: {  	v6 =	vor.u32 $0xF, v6;
	_ =	sdelay $0x3  }
0x337: {  	[tilespmem:v63+s25+$0x0] =	vst.idx.msk $0xffff, v7  }
0x338: {  	s8 =	simm.s32 $0x11;
	v7 =	vld.idx.msk [tilespmem:v6+s4+$0x0], $0xffff;
	v6 =	vadd.s32 $0x7FF8, v8  }
.LBB2_25:
0x339: {  	_ =	sdelay $0x2  }
0x33a: {  	p1 =	sne.s32 s8, $0x1F1  }
0x33b: {  	s31 =	sadd.s32 $0x10, s31;
	s0 =	smov.u32 s8;
	s8 =	sadd.s32 $0x10, s8;
	[tilespmem:v6+s25+$0x0] =	vst.idx.msk $0xffff, v7  }
0x33c: {  	v6 =	vld [tilespmem:s31+$0x0];
	_ =	sdelay $0x4  }
0x33d: {  	v7 =	vshll.u32 v6, $0x4;
	_ =	sdelay $0x3  }
0x33e: {  	v6 =	vadd.s32 s0, v0  }
0x33f: {  	v6 =	vand.u32 $0x3FF, v6;
	v8 =	vld.idx.msk [tilespmem:v7+s4+$0x0], $0xffff  }
0x340: {  	v9 =	vadd.s32 $0x618, v6  }
0x341: {  	v10 =	vor.u32 $0x1, v7;
	_ =	sdelay $0x3  }
0x342: {  	[tilespmem:v9+s25+$0x0] =	vst.idx.msk $0xffff, v8  }
0x343: {  	v8 =	vld.idx.msk [tilespmem:v10+s4+$0x0], $0xffff  }
0x344: {  	v9 =	vadd.s32 $0xE38, v6  }
0x345: {  	v10 =	vor.u32 $0x2, v7;
	_ =	sdelay $0x3  }
0x346: {  	[tilespmem:v9+s25+$0x0] =	vst.idx.msk $0xffff, v8  }
0x347: {  	v8 =	vld.idx.msk [tilespmem:v10+s4+$0x0], $0xffff  }
0x348: {  	v9 =	vadd.s32 $0x1658, v6  }
0x349: {  	v10 =	vor.u32 $0x3, v7;
	_ =	sdelay $0x3  }
0x34a: {  	[tilespmem:v9+s25+$0x0] =	vst.idx.msk $0xffff, v8  }
0x34b: {  	v8 =	vld.idx.msk [tilespmem:v10+s4+$0x0], $0xffff  }
0x34c: {  	v9 =	vadd.s32 $0x1E78, v6  }
0x34d: {  	v10 =	vor.u32 $0x4, v7;
	_ =	sdelay $0x3  }
0x34e: {  	[tilespmem:v9+s25+$0x0] =	vst.idx.msk $0xffff, v8  }
0x34f: {  	v8 =	vld.idx.msk [tilespmem:v10+s4+$0x0], $0xffff  }
0x350: {  	v9 =	vadd.s32 $0x2698, v6  }
0x351: {  	v10 =	vor.u32 $0x5, v7;
	_ =	sdelay $0x3  }
0x352: {  	[tilespmem:v9+s25+$0x0] =	vst.idx.msk $0xffff, v8  }
0x353: {  	v8 =	vld.idx.msk [tilespmem:v10+s4+$0x0], $0xffff  }
0x354: {  	v9 =	vadd.s32 $0x2EB8, v6  }
0x355: {  	v10 =	vor.u32 $0x6, v7;
	_ =	sdelay $0x3  }
0x356: {  	[tilespmem:v9+s25+$0x0] =	vst.idx.msk $0xffff, v8  }
0x357: {  	v8 =	vld.idx.msk [tilespmem:v10+s4+$0x0], $0xffff  }
0x358: {  	v9 =	vadd.s32 $0x36D8, v6  }
0x359: {  	v10 =	vor.u32 $0x7, v7;
	_ =	sdelay $0x3  }
0x35a: {  	[tilespmem:v9+s25+$0x0] =	vst.idx.msk $0xffff, v8  }
0x35b: {  	v8 =	vld.idx.msk [tilespmem:v10+s4+$0x0], $0xffff  }
0x35c: {  	v9 =	vadd.s32 $0x3EF8, v6  }
0x35d: {  	v10 =	vor.u32 $0x8, v7;
	_ =	sdelay $0x3  }
0x35e: {  	[tilespmem:v9+s25+$0x0] =	vst.idx.msk $0xffff, v8  }
0x35f: {  	v8 =	vld.idx.msk [tilespmem:v10+s4+$0x0], $0xffff  }
0x360: {  	v9 =	vadd.s32 $0x4718, v6  }
0x361: {  	v10 =	vor.u32 $0x9, v7;
	_ =	sdelay $0x3  }
0x362: {  	[tilespmem:v9+s25+$0x0] =	vst.idx.msk $0xffff, v8  }
0x363: {  	v8 =	vld.idx.msk [tilespmem:v10+s4+$0x0], $0xffff  }
0x364: {  	v9 =	vadd.s32 $0x4F38, v6  }
0x365: {  	v10 =	vor.u32 $0xA, v7;
	_ =	sdelay $0x3  }
0x366: {  	[tilespmem:v9+s25+$0x0] =	vst.idx.msk $0xffff, v8  }
0x367: {  	v8 =	vld.idx.msk [tilespmem:v10+s4+$0x0], $0xffff  }
0x368: {  	v9 =	vadd.s32 $0x5758, v6  }
0x369: {  	v10 =	vor.u32 $0xB, v7;
	_ =	sdelay $0x3  }
0x36a: {  	[tilespmem:v9+s25+$0x0] =	vst.idx.msk $0xffff, v8  }
0x36b: {  	v8 =	vld.idx.msk [tilespmem:v10+s4+$0x0], $0xffff  }
0x36c: {  	v9 =	vadd.s32 $0x5F78, v6  }
0x36d: {  	v10 =	vor.u32 $0xC, v7;
	_ =	sdelay $0x3  }
0x36e: {  	[tilespmem:v9+s25+$0x0] =	vst.idx.msk $0xffff, v8  }
0x36f: {  	v8 =	vld.idx.msk [tilespmem:v10+s4+$0x0], $0xffff  }
0x370: {  	v9 =	vadd.s32 $0x6798, v6  }
0x371: {  	v10 =	vor.u32 $0xD, v7;
	_ =	sdelay $0x3  }
0x372: {  	[tilespmem:v9+s25+$0x0] =	vst.idx.msk $0xffff, v8  }
0x373: {  	v8 =	vld.idx.msk [tilespmem:v10+s4+$0x0], $0xffff  }
0x374: {  	v9 =	vadd.s32 $0x6FB8, v6  }
0x375: {  	v10 =	vor.u32 $0xE, v7;
	_ =	sdelay $0x3  }
0x376: {  	[tilespmem:v9+s25+$0x0] =	vst.idx.msk $0xffff, v8  }
0x377: {  	v8 =	vld.idx.msk [tilespmem:v10+s4+$0x0], $0xffff  }
0x378: {  	v9 =	vadd.s32 $0x77D8, v6  }
0x379: {  	v7 =	vor.u32 $0xF, v7;
	_ =	sdelay $0x1  }
.Ltmp12:
0x37a: {  	(pc) =	sbr.rel @p1 .LBB2_25-.Ltmp12, $4  }
0x37b: {  	_ = 	snop  }
0x37c: {  	[tilespmem:v9+s25+$0x0] =	vst.idx.msk $0xffff, v8  }
0x37d: {  	v7 =	vld.idx.msk [tilespmem:v7+s4+$0x0], $0xffff  }
0x37e: {  	v6 =	vadd.s32 $0x7FF8, v6  }
0x37f: {  	s0 =	sshll.u32 s1, $0x2  }
0x380: {  	s0 =	sadd.s32 s7, s0  }
0x381: {  	s0 =	smul.u32 $0x208, s0;
	_ =	sdelay $0x1  }
0x382: {  	s0 =	sadd.s32 s0, s24  }
0x383: {  	s31 =	sshrl.u32 s0, $0x3;
	s8 =	sadd.s32 $0x41208, s0  }
0x384: {  	[tilespmem:v6+s25+$0x0] =	vst.idx.msk $0xffff, v7;
	s1 =	sadd.s32 s2, s31;
	s8 =	sshrl.u32 s8, $0x3  }
0x385: {  	[hbm4b:s1+s4] =	stream.linear.scatter [tilespmem:s25], [sflag:$0x4], $0x820, $0x38;
	[tilespmem:$0x13630] =	vst v63  }
0x386: {  	s3 =	simm.s32 $0xBA30;
	s8 =	sadd.s32 s2, s8  }
0x387: {  	[hbm4b:s8+s4] =	stream.linear.scatter [tilespmem:s3], [sflag:$0x4], $0x820, $0x38;
	[tilespmem:$0x13630] =	vst v63  }
0x388: {  	s31 =	simm.s32 $0xC250;
	s3 =	sadd.s32 $0x10482, s1  }
0x389: {  	[hbm4b:s3+s4] =	stream.linear.scatter [tilespmem:s31], [sflag:$0x4], $0x820, $0x38;
	[tilespmem:$0x13630] =	vst v63  }
0x38a: {  	s31 =	sadd.s32 $0xC3618, s0  }
0x38b: {  	s8 =	sshrl.u32 s31, $0x3  }
0x38c: {  	s31 =	sadd.s32 $0x145A28, s0;
	s8 =	sadd.s32 s2, s8  }
0x38d: {  	[hbm4b:s8+s4] =	stream.linear.scatter [tilespmem:s30], [sflag:$0x4], $0x820, $0x38;
	[tilespmem:$0x13630] =	vst v63  }
0x38e: {  	s3 =	sadd.s32 $0x20904, s1;
	s8 =	sshrl.u32 s31, $0x3  }
0x38f: {  	[hbm4b:s3+s4] =	stream.linear.scatter [tilespmem:s29], [sflag:$0x4], $0x820, $0x38;
	[tilespmem:$0x13630] =	vst v63  }
0x390: {  	s31 =	sadd.s32 $0x1C7E38, s0;
	s8 =	sadd.s32 s2, s8  }
0x391: {  	[hbm4b:s8+s4] =	stream.linear.scatter [tilespmem:s9], [sflag:$0x4], $0x820, $0x38;
	[tilespmem:$0x13630] =	vst v63  }
0x392: {  	s3 =	sadd.s32 $0x30D86, s1;
	s8 =	sshrl.u32 s31, $0x3  }
0x393: {  	[hbm4b:s3+s4] =	stream.linear.scatter [tilespmem:s12], [sflag:$0x4], $0x820, $0x38;
	[tilespmem:$0x13630] =	vst v63  }
0x394: {  	s31 =	sadd.s32 $0x24A248, s0;
	s8 =	sadd.s32 s2, s8  }
0x395: {  	[hbm4b:s8+s4] =	stream.linear.scatter [tilespmem:s13], [sflag:$0x4], $0x820, $0x38;
	[tilespmem:$0x13630] =	vst v63  }
0x396: {  	s3 =	sadd.s32 $0x41208, s1;
	s8 =	sshrl.u32 s31, $0x3  }
0x397: {  	[hbm4b:s3+s4] =	stream.linear.scatter [tilespmem:s14], [sflag:$0x4], $0x820, $0x38;
	[tilespmem:$0x13630] =	vst v63  }
0x398: {  	s31 =	sadd.s32 $0x2CC658, s0;
	s8 =	sadd.s32 s2, s8  }
0x399: {  	[hbm4b:s8+s4] =	stream.linear.scatter [tilespmem:s15], [sflag:$0x4], $0x820, $0x38;
	[tilespmem:$0x13630] =	vst v63  }
0x39a: {  	s3 =	sadd.s32 $0x5168A, s1;
	s8 =	sshrl.u32 s31, $0x3  }
0x39b: {  	[hbm4b:s3+s4] =	stream.linear.scatter [tilespmem:s16], [sflag:$0x4], $0x820, $0x38;
	[tilespmem:$0x13630] =	vst v63  }
0x39c: {  	s31 =	sadd.s32 $0x34EA68, s0;
	s8 =	sadd.s32 s2, s8  }
0x39d: {  	[hbm4b:s8+s4] =	stream.linear.scatter [tilespmem:s17], [sflag:$0x4], $0x820, $0x38;
	[tilespmem:$0x13630] =	vst v63  }
0x39e: {  	s28 =	sadd.s32 $0x1, s28;
	s3 =	sadd.s32 $0x61B0C, s1;
	s8 =	sshrl.u32 s31, $0x3  }
0x39f: {  	[hbm4b:s3+s4] =	stream.linear.scatter [tilespmem:s18], [sflag:$0x4], $0x820, $0x38;
	[tilespmem:$0x13630] =	vst v63  }
0x3a0: {  	p1 =	sne.s32 s28, $0x10;
	s8 =	sadd.s32 s2, s8  }
0x3a1: {  	[hbm4b:s8+s4] =	stream.linear.scatter [tilespmem:s20], [sflag:$0x4], $0x820, $0x38;
	[tilespmem:$0x13630] =	vst v63  }
.Ltmp13:
0x3a2: {  	s0 =	sadd.s32 $0x3D0E78, s0;
	(pc) =	sbr.rel @p1 .LBB2_6-.Ltmp13, $4  }
0x3a3: {  	s0 =	sshrl.u32 s0, $0x3;
	s1 =	sadd.s32 $0x71F8E, s1  }
0x3a4: {  	[hbm4b:s1+s4] =	stream.linear.scatter [tilespmem:s21], [sflag:$0x4], $0x820, $0x38;
	[tilespmem:$0x13630] =	vst v63  }
0x3a5: {  	s0 =	sadd.s32 s2, s0  }
0x3a6: {  	[hbm4b:s0+s4] =	stream.linear.scatter [tilespmem:s22], [sflag:$0x4], $0x820, $0x38;
	[tilespmem:$0x13630] =	vst v63  }
0x3a7: {  	_ =	swait.ge [sflag:s26], $0x820  }
0x3a8: {  	[sflag:s26] =	ssyncset.done $0x0  }
0x3a9: {  	[sflag:s26] =	ssyncadd.s32 $0xFFFFF7E0  }
0x3aa: {  	_ =	swait.ge [sflag:s26], $0x820  }
0x3ab: {  	[sflag:s26] =	ssyncset.done $0x0  }
0x3ac: {  	[sflag:s26] =	ssyncadd.s32 $0xFFFFF7E0  }
0x3ad: {  	_ =	swait.ge [sflag:s26], $0x820  }
0x3ae: {  	[sflag:s26] =	ssyncset.done $0x0  }
0x3af: {  	[sflag:s26] =	ssyncadd.s32 $0xFFFFF7E0  }
0x3b0: {  	_ =	swait.ge [sflag:s26], $0x820  }
0x3b1: {  	[sflag:s26] =	ssyncset.done $0x0  }
0x3b2: {  	[sflag:s26] =	ssyncadd.s32 $0xFFFFF7E0  }
0x3b3: {  	_ =	swait.ge [sflag:s26], $0x820  }
0x3b4: {  	[sflag:s26] =	ssyncset.done $0x0  }
0x3b5: {  	[sflag:s26] =	ssyncadd.s32 $0xFFFFF7E0  }
0x3b6: {  	_ =	swait.ge [sflag:s26], $0x820  }
0x3b7: {  	[sflag:s26] =	ssyncset.done $0x0  }
0x3b8: {  	[sflag:s26] =	ssyncadd.s32 $0xFFFFF7E0  }
0x3b9: {  	_ =	swait.ge [sflag:s26], $0x820  }
0x3ba: {  	[sflag:s26] =	ssyncset.done $0x0  }
0x3bb: {  	[sflag:s26] =	ssyncadd.s32 $0xFFFFF7E0  }
0x3bc: {  	_ =	swait.ge [sflag:s26], $0x820  }
0x3bd: {  	[sflag:s26] =	ssyncset.done $0x0  }
0x3be: {  	[sflag:s26] =	ssyncadd.s32 $0xFFFFF7E0  }
0x3bf: {  	_ =	swait.ge [sflag:s26], $0x820  }
0x3c0: {  	[sflag:s26] =	ssyncset.done $0x0  }
0x3c1: {  	[sflag:s26] =	ssyncadd.s32 $0xFFFFF7E0  }
0x3c2: {  	_ =	swait.ge [sflag:s26], $0x820  }
0x3c3: {  	[sflag:s26] =	ssyncset.done $0x0  }
0x3c4: {  	[sflag:s26] =	ssyncadd.s32 $0xFFFFF7E0  }
0x3c5: {  	_ =	swait.ge [sflag:s26], $0x820  }
0x3c6: {  	[sflag:s26] =	ssyncset.done $0x0  }
0x3c7: {  	[sflag:s26] =	ssyncadd.s32 $0xFFFFF7E0  }
0x3c8: {  	_ =	swait.ge [sflag:s26], $0x820  }
0x3c9: {  	[sflag:s26] =	ssyncset.done $0x0  }
0x3ca: {  	[sflag:s26] =	ssyncadd.s32 $0xFFFFF7E0  }
0x3cb: {  	_ =	swait.ge [sflag:s26], $0x820  }
0x3cc: {  	[sflag:s26] =	ssyncset.done $0x0  }
0x3cd: {  	[sflag:s26] =	ssyncadd.s32 $0xFFFFF7E0  }
0x3ce: {  	_ =	swait.ge [sflag:s26], $0x820  }
0x3cf: {  	[sflag:s26] =	ssyncset.done $0x0  }
0x3d0: {  	[sflag:s26] =	ssyncadd.s32 $0xFFFFF7E0  }
0x3d1: {  	_ =	swait.ge [sflag:s26], $0x820  }
0x3d2: {  	[sflag:s26] =	ssyncset.done $0x0  }
0x3d3: {  	[sflag:s26] =	ssyncadd.s32 $0xFFFFF7E0  }
0x3d4: {  	_ =	swait.ge [sflag:s26], $0x820  }
0x3d5: {  	[sflag:s26] =	ssyncset.done $0x0  }
0x3d6: {  	[sflag:s26] =	ssyncadd.s32 $0xFFFFF7E0  }
0x3d7: {  	_ =	swait.ge [sflag:s23], $0x820  }
0x3d8: {  	[sflag:s23] =	ssyncset.done $0x0  }
0x3d9: {  	[sflag:s23] =	ssyncadd.s32 $0xFFFFF7E0  }
0x3da: {  	_ =	swait.ge [sflag:s23], $0x820  }
0x3db: {  	[sflag:s23] =	ssyncset.done $0x0  }
0x3dc: {  	[sflag:s23] =	ssyncadd.s32 $0xFFFFF7E0  }
0x3dd: {  	_ =	swait.ge [sflag:s23], $0x820  }
0x3de: {  	[sflag:s23] =	ssyncset.done $0x0  }
0x3df: {  	[sflag:s23] =	ssyncadd.s32 $0xFFFFF7E0  }
0x3e0: {  	_ =	swait.ge [sflag:s23], $0x820  }
0x3e1: {  	[sflag:s23] =	ssyncset.done $0x0  }
0x3e2: {  	[sflag:s23] =	ssyncadd.s32 $0xFFFFF7E0  }
0x3e3: {  	_ =	swait.ge [sflag:s23], $0x820  }
0x3e4: {  	[sflag:s23] =	ssyncset.done $0x0  }
0x3e5: {  	[sflag:s23] =	ssyncadd.s32 $0xFFFFF7E0  }
0x3e6: {  	_ =	swait.ge [sflag:s23], $0x820  }
0x3e7: {  	[sflag:s23] =	ssyncset.done $0x0  }
0x3e8: {  	[sflag:s23] =	ssyncadd.s32 $0xFFFFF7E0  }
0x3e9: {  	_ =	swait.ge [sflag:s23], $0x820  }
0x3ea: {  	[sflag:s23] =	ssyncset.done $0x0  }
0x3eb: {  	[sflag:s23] =	ssyncadd.s32 $0xFFFFF7E0  }
0x3ec: {  	_ =	swait.ge [sflag:s23], $0x820  }
0x3ed: {  	[sflag:s23] =	ssyncset.done $0x0  }
0x3ee: {  	[sflag:s23] =	ssyncadd.s32 $0xFFFFF7E0  }
0x3ef: {  	_ =	swait.ge [sflag:s23], $0x820  }
0x3f0: {  	[sflag:s23] =	ssyncset.done $0x0  }
0x3f1: {  	[sflag:s23] =	ssyncadd.s32 $0xFFFFF7E0  }
0x3f2: {  	_ =	swait.ge [sflag:s23], $0x820  }
0x3f3: {  	[sflag:s23] =	ssyncset.done $0x0  }
0x3f4: {  	[sflag:s23] =	ssyncadd.s32 $0xFFFFF7E0  }
0x3f5: {  	_ =	swait.ge [sflag:s23], $0x820  }
0x3f6: {  	[sflag:s23] =	ssyncset.done $0x0  }
0x3f7: {  	[sflag:s23] =	ssyncadd.s32 $0xFFFFF7E0  }
0x3f8: {  	_ =	swait.ge [sflag:s23], $0x820  }
0x3f9: {  	[sflag:s23] =	ssyncset.done $0x0  }
0x3fa: {  	[sflag:s23] =	ssyncadd.s32 $0xFFFFF7E0  }
0x3fb: {  	_ =	swait.ge [sflag:s23], $0x820  }
0x3fc: {  	[sflag:s23] =	ssyncset.done $0x0  }
0x3fd: {  	[sflag:s23] =	ssyncadd.s32 $0xFFFFF7E0  }
0x3fe: {  	_ =	swait.ge [sflag:s23], $0x820  }
0x3ff: {  	[sflag:s23] =	ssyncset.done $0x0  }
0x400: {  	[sflag:s23] =	ssyncadd.s32 $0xFFFFF7E0  }
0x401: {  	_ =	swait.ge [sflag:s23], $0x820  }
0x402: {  	[sflag:s23] =	ssyncset.done $0x0  }
0x403: {  	[sflag:s23] =	ssyncadd.s32 $0xFFFFF7E0  }
0x404: {  	_ =	swait.ge [sflag:s23], $0x820  }
0x405: {  	s1 =	rddreg [dreg:$0x18]  }
0x406: {  	s0 =	rddreg [dreg:$0x14];
	s1 =	sadd.s32 $0x1, s1  }
0x407: {  	p1 =	sne.s32 s1, s0  }
.Ltmp14:
0x408: {  	_ = 	snop;
	(pc) =	sbr.rel @p1 .LBB2_1-.Ltmp14, $3  }
0x409: {  	_ =	sdelay $0x1  }
0x40a: {  	[sflag:s23] =	ssyncset.done $0x0  }
0x40b: {  	[sflag:s23] =	ssyncadd.s32 $0xFFFFF7E0  }
0x40c: {  	_ =	sfence.sel $0x180000  }
0x40d: {  	[bflag:$0x0] =	sbarrier.arrive $0xFFFF  }
0x40e: {  	_ =	strace $0x90000047  }
0x40f: {  	s0 =	stileid.u32;
	[bflag:$0x2] =	sbarrier.arrive $0xFFFF  }
0x410: {  	p0 =	sne.s32 s0, $0x0;
	s0 =	rddreg [dreg:$0x3]  }
0x411: {  	s0 =	sadd.s32 @!p0 $0x100000, s0  }
0x412: {  	[sflag:s0] =	ssyncadd.tile.s32 @!p0 $0x1;
	_ =	shalt  }
.Lfunc_end2:
_tile_overlayer_lowered:
.L_overlay_start_2:
0x413: {  	(tag) =	ssettag $0x2  }
0x414: {  	s0 =	rddreg [dreg:$0x0];
	s2 =	stileid.u32  }
0x415: {  	s1 =	rddreg [dreg:$0x1];
	p0 =	sne.s32 s2, $0x0  }
0x416: {  	s3 =	rddreg [dreg:$0x2];
	[bflag:$0x3] =	sbarrier.arrive $0xFFFF;
	s2 =	simm.s32 @!p0 $0x1C05  }
0x417: {  	[timem:s3], [sflag:s2] =	dma.local @!p0 [hbm:s0], s1  }
0x418: {  	s0 =	simm.s32 @!p0 $0x5  }
0x419: {  	_ =	swait.ge @!p0 [sflag:s0], s1  }
0x41a: {  	s1 =	ssub.s32 @!p0 $0x0, s1;
	[sflag:s0] =	ssyncset.done @!p0 $0x0  }
0x41b: {  	[sflag:s0] =	ssyncadd.s32 @!p0 s1  }
0x41c: {  	[bflag:$0x3] =	sbarrier.arrive $0xFFFF  }
0x41d: {  	_ =	shalt  }

// kernel: sparse-core-data-format-call.cloned.1.call-start
scs
called_computation_lowered:
.L_overlay_start_0:
0x0: {  	s2 =	sld [smem:$0x3FD9]  }
0x1: {  	s3 =	sld [smem:$0x3FFE];
	_ =	sdelay $0x1  }
0x2: {  	s1 =	srdreg.scid  }
0x3: {  	s0 =	sand.u32 $0x1, s1  }
0x4: {  	s18 =	sshll.u32 s0, $0xA;
	s2 =	sadd.s32 s3, s2  }
0x5: {  	s2 =	sadd.s32 s2, s18  }
0x6: {  	[smem:$0x3FC5] =	sst s2  }
0x7: {  	_ = 	snop  }
0x8: {  	s2 =	sld [smem:$0x3FD0];
	(tm) =	ssettm $0x1  }
0x9: {  	s19 =	sld [smem:$0x3FFB];
	_ =	sdelay $0x3  }
0xa: {  	_ =	strace s19  }
0xb: {  	s3 =	sld [smem:$0x3FFC];
	_ =	sdelay $0x3  }
0xc: {  	_ =	strace s3  }
0xd: {  	s3 =	sld [smem:$0x3FFD];
	_ =	sdelay $0x3  }
0xe: {  	_ =	strace s3  }
0xf: {  	_ =	strace $0x8FFFFFFF  }
0x10: {  	s20 =	sld [smem:$0x3FDB];
	_ =	sdelay $0x1  }
0x11: {  	s4 =	simm.s32 $_scs_section_size  }
0x12: {  	s5 =	simm.s32 $_size__tile_overlayer_lowered;
	s6 =	simm.s32 $_tile_overlayer_lowered  }
0x13: {  	s23 =	simm.s32 $0x1BFF;
	s22 =	sshll.u32 s6, $0x1;
	s3 =	sadd.s32 s4, s20  }
0x14: {  	s7 =	simm.s32 $0x0;
	s21 =	sshll.u32 s5, $0x1;
	s5 =	sadd.s32 s22, s3  }
0x15: {  	[timem:s7], [sflag:s23] =	dma.local [hbm:s5], s21  }
0x16: {  	_ =	swait.ge [sflag:s23], s21  }
0x17: {  	s4 =	ssub.s32 $0x0, s21;
	[sflag:s23] =	ssyncset.done $0x0  }
0x18: {  	[sflag:s23] =	ssyncadd.s32 s4;
	_ =	sdelay $0x1  }
0x19: {  	s24 =	simm.s32 $0x1B8B  }
0x1a: {  	_ =	swait.ge [sflag:s24], $0x1  }
0x1b: {  	[sflag:s24] =	ssyncset.done $0x0  }
0x1c: {  	s26 =	simm.s32 $0x1B8E;
	s25 =	sld [smem:$0x3FFE];
	[sflag:s24] =	ssyncadd.s32 $0xFFFFFFFF  }
0x1d: {  	s27 =	simm.s32 $execute0_lowered;
	[smem:$0x3FD2] =	sst s26  }
0x1e: {  	s5 =	sshll.u32 s27, $0x1;
	_ =	strace $0x80000049;
	[dreg:$0x1] =	wrdreg $0xFFFFFFFF  }
0x1f: {  	s28 =	simm.s32 $_size_execute0_lowered;
	s3 =	sadd.s32 s3, s5;
	[dreg:$0x0] =	wrdreg $0x0  }
0x20: {  	s5 =	sshll.u32 s28, $0x1;
	[dreg:$0x2] =	wrdreg s3  }
0x21: {  	[dreg:$0x3] =	wrdreg s5  }
0x22: {  	[dreg:$0x4] =	wrdreg $0xC0  }
0x23: {  	_ =	task [dreg:s7], $0x5FFFF  }
0x24: {  	[dreg:$0x1] =	wrdreg $0xFFFFFFFF  }
0x25: {  	[dreg:$0x0] =	wrdreg $0x60  }
0x26: {  	[dreg:$0x2] =	wrdreg s25  }
0x27: {  	[dreg:$0x3] =	wrdreg s2  }
0x28: {  	[dreg:$0x4] =	wrdreg $0x9  }
0x29: {  	_ =	task.clear_ibuf [dreg:s7], $0x5FFFF;
	_ =	strace $0x90000049  }
0x2a: {  	s29 =	simm.s32 $0x9;
	_ =	strace $0x8000004B  }
0x2b: {  	_ =	swait.ge [sflag:s29], $0x1  }
0x2c: {  	[sflag:s29] =	ssyncadd.s32 $0xFFFFFFFF  }
0x2d: {  	_ =	strace $0x9000004B  }
0x2e: {  	_ =	sfence  }
0x2f: {  	s30 =	sld [smem:$0x0];
	_ =	sdelay $0x2  }
0x30: {  	s31 =	sshll.u32 s1, $0xD;
	s1 =	sshrl.u32 s1, $0x2  }
0x31: {  	s3 =	sand.u32 $0x4000, s31;
	s1 =	sadd.s32 s1, s30  }
0x32: {  	s0 =	sor.u32 s3, s0;
	s1 =	sshll.u32 s1, $0x11  }
0x33: {  	s0 =	sor.u32 s1, s0  }
0x34: {  	s0 =	sadd.s32 $0x8F2B, s0  }
0x35: {  	[sflag:s0] =	ssyncadd.remote.s32 $0x1  }
0x36: {  	_ =	sfence.sel $0xFFFF  }
0x37: {  	[dreg:$0x0] =	wrdreg $0xFFFFFFFF;
	(pc) =	sbr.abs _section_cstart, $3  }
0x38: {  	[dreg:$0x1] =	wrdreg $0xFFFFFFFF  }
0x39: {  	_ =	task.clear_ibuf [dreg:s7], $0x2FFFF;
	_ =	strace $0x9FFFFFFF  }
0x3a: {  	(tm) =	ssettm $0x7FFFFFFF  }
0x3b: {  	_ =	shalt  }
tec
execute0_lowered:
.L_overlay_start_1:
0x0: {  	(tag) =	ssettag $0x1  }
0x1: {  	s1 =	srdreg.scid  }
0x2: {  	s0 =	stileid.u32;
	s5 =	rddreg [dreg:$0x0]  }
0x3: {  	s2 =	rddreg [dreg:$0x1];
	s4 =	simm.s32 $0x1;
	s7 =	simm.s32 $0x2  }
0x4: {  	s20 =	simm.s32 $0x0;
	s9 =	simm.s32 $0x1400;
	s10 =	simm.s32 $0x0  }
0x5: {  	s22 =	simm.s32 $0x0;
	s21 =	simm.s32 $0x0;
	s23 =	simm.s32 $0x0  }
0x6: {  	s11 =	simm.s32 $0x0;
	s12 =	simm.s32 $0x0;
	s1 =	sshll.u32 s1, $0x4  }
0x7: {  	s13 =	simm.s32 $0x0;
	s14 =	simm.s32 $0x0;
	s1 =	sor.u32 s0, s1  }
0x8: {  	s15 =	simm.s32 $0x0;
	s17 =	simm.s32 $0x0;
	s3 =	sand.u32 $0x18, s1  }
.Ltmp0:
0x9: {  	s19 =	simm.s32 $0x0;
	s6 =	ssub.s32 $0x200, s3;
	(pc) =	sbr.rel .LBB1_1-.Ltmp0, $4  }
0xa: {  	s1 =	rddreg [dreg:$0x2];
	_ =	strace $0x8000004A;
	s6 =	sshrl.u32 s6, $0x5  }
0xb: {  	s5 =	sadd.s32 $0x41000, s5;
	[sflag:s4] =	ssyncpa.u1 $0x0;
	s8 =	smul.u32 $0x5, s6  }
0xc: {  	s16 =	smov.u32 s3;
	[sflag:s7] =	ssyncpa.u1 $0x0;
	s6 =	sand.u32 $0x7, s0  }
0xd: {  	s18 =	smov.u32 s6;
	s7 =	sadd.s32 $0x5, s8;
	s8 =	sadd.s32 $0x6, s8  }
.LBB1_7:
0xe: {  	p0 =	slt.u32 s19, $0x2;
	s24 =	smov.u32 s23  }
0xf: {  	s26 =	smov.u32 s17;
	s27 =	smov.u32 s18;
	s10 =	sadd.s32 $0x4000, s10  }
0x10: {  	p1 =	sgt.s32 @!p0 s23, $0x7;
	s25 =	sshra.s32 @!p0 s23, $0x1F;
	p2 =	sgt.s32 @!p0 s20, $0x200  }
0x11: {  	s28 =	simm.s32 @!p0 $0x2;
	p1 =	por !p1, p0;
	s23 =	sand.u32 @!p0 s25, s23  }
0x12: {  	s25 =	sshra.s32 @!p0 s22, $0x1F;
	s24 =	simm.s32 @p1 $0x7;
	p1 =	sgt.s32 @!p0 s22, $0x1F9  }
0x13: {  	s23 =	ssub.s32 @!p0 s24, s23;
	p1 =	por !p1, p0;
	s24 =	smov.u32 s22  }
0x14: {  	s22 =	sand.u32 @!p0 s25, s22;
	s25 =	sadd.s32 @!p0 $0xFFFFFFF9, s23;
	s24 =	simm.s32 @p1 $0x1F9  }
0x15: {  	p2 =	por !p2, p0;
	p1 =	sgt.s32 @!p0 s25, $0x0;
	s22 =	ssub.s32 @!p0 s24, s22  }
0x16: {  	s23 =	ssub.s32 @!p0 $0x8, s23;
	p1 =	por !p1, p0;
	s24 =	sadd.s32 @!p0 $0xFFFFFE07, s22  }
0x17: {  	s25 =	sshra.s32 @!p0 s20, $0x1F;
	s23 =	simm.s32 @!p1 $0x0;
	p1 =	sgt.s32 @!p0 s24, $0x7  }
0x18: {  	s22 =	ssub.s32 @!p0 $0x201, s22;
	s24 =	ssub.s32 @!p0 $0x0, s21;
	p1 =	por !p1, p0  }
0x19: {  	s21 =	smin.u32 @!p0 s21, s24;
	s24 =	smov.u32 s20;
	s20 =	sand.u32 @!p0 s25, s20  }
0x1a: {  	s25 =	smov.u32 s16;
	s24 =	simm.s32 @p2 $0x200;
	p2 =	sgt.s32 @!p0 s21, $0xF  }
0x1b: {  	s21 =	ssub.s32 @!p0 $0x10, s21;
	p2 =	por !p2, p0;
	s20 =	ssub.s32 @!p0 s24, s20  }
0x1c: {  	s22 =	simm.s32 @!p1 $0x0;
	s21 =	simm.s32 @!p2 $0x0;
	s24 =	sadd.s32 @!p0 $0xFFFFFE00, s20  }
0x1d: {  	p1 =	sgt.s32 @!p0 s24, $0x7F;
	s21 =	smul.u32 @!p0 s23, s21;
	s24 =	sadd.s32 $0x80, s15  }
0x1e: {  	s20 =	ssub.s32 @!p0 $0x280, s20;
	s23 =	sadd.s32 $0x20, s16;
	p2 =	sgt.s32 s24, $0x200  }
0x1f: {  	p1 =	por !p1, p0;
	s21 =	smul.u32 @!p0 s22, s21;
	s25 =	smov.u32 @p2 s23  }
0x20: {  	s20 =	simm.s32 @!p1 $0x0;
	s22 =	sadd.s32 $0x10, s17;
	p1 =	sgt.s32 s25, $0x200  }
0x21: {  	s24 =	simm.s32 @p2 $0x0;
	s23 =	smov.u32 s14;
	s26 =	smov.u32 @p1 s22  }
0x22: {  	s20 =	smul.u32 @!p0 s20, s21;
	s21 =	sadd.s32 $0x8, s18;
	p2 =	sgt.s32 s26, $0xF  }
0x23: {  	s14 =	smov.u32 s18;
	s25 =	smov.u32 @p1 s3;
	s27 =	smov.u32 @p2 s21  }
0x24: {  	s22 =	smov.u32 s12;
	s12 =	smov.u32 s16;
	p1 =	sgt.s32 s27, $0x7  }
0x25: {  	s16 =	smov.u32 s25;
	s27 =	smov.u32 @p1 s6;
	p1 =	sne.s32 s19, s8  }
.Ltmp1:
0x26: {  	s20 =	sand.u32 @!p0 $0x3FFFFFFF, s20;
	s26 =	simm.s32 @p2 $0x0;
	(pc) =	sbr.rel @!p1 .LBB1_8-.Ltmp1, $4  }
0x27: {  	s21 =	smov.u32 s13;
	s13 =	smov.u32 s17;
	_ =	swait.ge @!p0 [sflag:s28], s20  }
0x28: {  	s29 =	ssub.s32 @!p0 $0x0, s20;
	s20 =	smov.u32 s11;
	s11 =	smov.u32 s15  }
0x29: {  	s15 =	smov.u32 s24;
	s17 =	smov.u32 s26;
	[sflag:s28] =	ssyncset.done @!p0 $0x0  }
0x2a: {  	s19 =	sadd.s32 $0x1, s19;
	[sflag:s28] =	ssyncadd.s32 @!p0 s29;
	s18 =	smov.u32 s27  }
.LBB1_1:
0x2b: {  	p0 =	sge.u32 s19, s7  }
0x2c: {  	s24 =	sshrl.u32 @!p0 s16, $0x3  }
0x2d: {  	s25 =	sshll.u32 @!p0 s15, $0x3;
	s24 =	smul.u32 @!p0 $0x1400, s24  }
0x2e: {  	s26 =	sshll.u32 @!p0 s16, $0x7;
	s25 =	sand.u32 @!p0 $0xFFFFFC00, s25  }
0x2f: {  	s24 =	sadd.s32 @!p0 s24, s25;
	s25 =	sand.u32 @!p0 $0x380, s26  }
0x30: {  	s26 =	sand.u32 @!p0 $0x7F, s15;
	s24 =	sor.u32 @!p0 s25, s24  }
0x31: {  	s25 =	sor.u32 @!p0 s26, s24;
	s24 =	smulhi.u32 @!p0 $0xCCCCCCCD, s24;
	_ =	sdelay $0x1  }
0x32: {  	s26 =	smulhi.u32 @!p0 $0xCCCCCCCD, s25;
	s24 =	sshrl.u32 @!p0 s24, $0x9  }
0x33: {  	s27 =	smulhi.u32 @!p0 $0x7E07E1, s24  }
0x34: {  	s29 =	smul.u32 @!p0 $0xA2800, s18  }
0x35: {  	s26 =	sshrl.u32 @!p0 s26, $0x9;
	s27 =	smul.u32 @!p0 $0x208, s27  }
0x36: {  	s28 =	sxor.u32 @!p0 $0xFFFFFFFF, s19;
	s26 =	smul.u32 @!p0 $0x280, s26  }
0x37: {  	s28 =	sshll.u32 @!p0 s28, $0xE;
	s24 =	ssub.s32 @!p0 s24, s27;
	s27 =	smul.u32 @!p0 $0xA280, s17  }
0x38: {  	s25 =	ssub.s32 @!p0 s25, s26;
	s26 =	sadd.s32 @!p0 s5, s29;
	s24 =	smul.u32 @!p0 $0x50, s24  }
0x39: {  	s28 =	sand.u32 @!p0 $0x4000, s28;
	s26 =	sadd.s32 @!p0 s27, s26;
	s27 =	sand.u32 @!p0 $0x7, s25  }
0x3a: {  	s25 =	sshrl.u32 @!p0 s25, $0x3;
	s24 =	sadd.s32 @!p0 s24, s26;
	s26 =	sshll.u32 @!p0 s27, $0x12  }
0x3b: {  	s24 =	sadd.s32 @!p0 s25, s24;
	s25 =	sor.u32 @!p0 $0x400, s26;
	s26 =	simm.s32 @!p0 $0x51400  }
0x3c: {  	[tilespmem:s28], [sflag:$0x1] =	stream.strided.gather @!p0 [hbm4b:s24+s25], $0x4000, s26, s25, $0x38;
	[tilespmem:$0x10000] =	vst v63  }
0x3d: {  	p0 =	seq.s32 s19, $0x0  }
0x3e: {  	p1 =	sge.u32 @!p0 s19, s8  }
0x3f: {  	p0 =	por p0, p1  }
.Ltmp2:
0x40: {  	_ = 	snop;
	(pc) =	sbr.rel @p0 .LBB1_7-.Ltmp2, $1  }
0x41: {  	_ =	sdelay $0x3  }
0x42: {  	s24 =	sand.u32 $0x4000, s10  }
0x43: {  	_ =	swait.ge [sflag:s4], $0x4000;
	s27 =	sshll.u32 s19, $0xE;
	s25 =	sor.u32 $0x8040, s24  }
0x44: {  	s26 =	sor.u32 $0x40, s24;
	[sflag:s4] =	ssyncset.done $0x0;
	s31 =	sand.u32 $0x4000, s27  }
0x45: {  	s27 =	simm.s32 $0x0;
	[sflag:s4] =	ssyncadd.s32 $0xFFFFC000;
	s24 =	sor.u32 $0x8000, s31  }
.LBB1_3:
0x46: {  	v0 =	vmov s26;
	_ =	sdelay $0x3  }
0x47: {  	s29 =	simm.s32 $0x0  }
0x48: {  	v6 =	vld.idx.msk [tilespmem:v0+s29+$0x30 ss:$0x1], $0xffff  }
0x49: {  	v7 =	vld.idx.msk [tilespmem:v0+s29+$0xFFFFFFC0 ss:$0x1], $0xffff  }
0x4a: {  	v5 =	vld.idx.msk [tilespmem:v0+s29+$0xFFFFFFD0 ss:$0x1], $0xffff  }
0x4b: {  	v4 =	vld.idx.msk [tilespmem:v0+s29+$0xFFFFFFE0 ss:$0x1], $0xffff  }
0x4c: {  	v3 =	vld.idx.msk [tilespmem:v0+s29+$0xFFFFFFF0 ss:$0x1], $0xffff  }
0x4d: {  	v1 =	vld.idx.msk [tilespmem:v0+s29+$0x0 ss:$0x1], $0xffff  }
0x4e: {  	v2 =	vld.idx.msk [tilespmem:v0+s29+$0x10 ss:$0x1], $0xffff;
	[tilespmem:s25+$0x30] =	vst v6  }
0x4f: {  	s28 =	simm.s32 $0x80;
	s30 =	simm.s32 $0x400;
	[tilespmem:s25+$0xFFFFFFC0] =	vst v7;
	v6 =	vld.idx.msk [tilespmem:v0+s29+$0x20 ss:$0x1], $0xffff;
	s29 =	smov.u32 s25  }
.LBB1_4:
0x50: {  	p0 =	sne.s32 s30, $0xE00;
	v7 =	vld.idx.msk [tilespmem:v0+s28+$0x30 ss:$0x1], $0xffff;
	[tilespmem:s29+$0xFFFFFFD0] =	vst v5  }
0x51: {  	v8 =	vld.idx.msk [tilespmem:v0+s28+$0xFFFFFFC0 ss:$0x1], $0xffff;
	[tilespmem:s29+$0xFFFFFFE0] =	vst v4  }
0x52: {  	v5 =	vld.idx.msk [tilespmem:v0+s28+$0xFFFFFFD0 ss:$0x1], $0xffff;
	[tilespmem:s29+$0xFFFFFFF0] =	vst v3  }
.Ltmp3:
0x53: {  	v4 =	vld.idx.msk [tilespmem:v0+s28+$0xFFFFFFE0 ss:$0x1], $0xffff;
	[tilespmem:s29+$0x0] =	vst v1;
	(pc) =	sbr.rel @p0 .LBB1_4-.Ltmp3, $4  }
0x54: {  	v3 =	vld.idx.msk [tilespmem:v0+s28+$0xFFFFFFF0 ss:$0x1], $0xffff;
	[tilespmem:s29+$0x10] =	vst v2  }
0x55: {  	v1 =	vld.idx.msk [tilespmem:v0+s28+$0x0 ss:$0x1], $0xffff;
	[tilespmem:s29+$0x20] =	vst v6;
	s29 =	sadd.s32 $0x800, s29  }
0x56: {  	v2 =	vld.idx.msk [tilespmem:v0+s28+$0x10 ss:$0x1], $0xffff;
	[tilespmem:s29+$0x30] =	vst v7  }
0x57: {  	[tilespmem:s29+$0xFFFFFFC0] =	vst v8;
	v6 =	vld.idx.msk [tilespmem:v0+s28+$0x20 ss:$0x1], $0xffff;
	s28 =	sshra.s32 s30, $0x2;
	s30 =	sadd.s32 $0x200, s30  }
0x58: {  	_ =	sdelay $0x2  }
0x59: {  	[tilespmem:s29+$0xFFFFFFD0] =	vst v5  }
0x5a: {  	v56 =	vld.idx.msk [tilespmem:v0+s28+$0x30 ss:$0x1], $0xffff;
	[tilespmem:s29+$0xFFFFFFE0] =	vst v4  }
0x5b: {  	v57 =	vld.idx.msk [tilespmem:v0+s28+$0xFFFFFFC0 ss:$0x1], $0xffff;
	[tilespmem:s29+$0xFFFFFFF0] =	vst v3  }
0x5c: {  	v58 =	vld.idx.msk [tilespmem:v0+s28+$0xFFFFFFD0 ss:$0x1], $0xffff;
	[tilespmem:s29+$0x0] =	vst v1  }
0x5d: {  	v59 =	vld.idx.msk [tilespmem:v0+s28+$0xFFFFFFE0 ss:$0x1], $0xffff;
	[tilespmem:s29+$0x10] =	vst v2  }
0x5e: {  	v60 =	vld.idx.msk [tilespmem:v0+s28+$0xFFFFFFF0 ss:$0x1], $0xffff;
	s31 =	sadd.s32 $0x800, s29;
	[tilespmem:s29+$0x20] =	vst v6  }
0x5f: {  	v61 =	vld.idx.msk [tilespmem:v0+s28+$0x0 ss:$0x1], $0xffff;
	[tilespmem:s31+$0x30] =	vst v56  }
0x60: {  	v62 =	vld.idx.msk [tilespmem:v0+s28+$0x10 ss:$0x1], $0xffff;
	s27 =	sadd.s32 $0x1, s27;
	[tilespmem:s31+$0xFFFFFFC0] =	vst v57  }
0x61: {  	v63 =	vld.idx.msk [tilespmem:v0+s28+$0x20 ss:$0x1], $0xffff;
	p0 =	sne.s32 s27, $0x10;
	[tilespmem:s31+$0xFFFFFFD0] =	vst v58  }
.Ltmp4:
0x62: {  	[tilespmem:s31+$0xFFFFFFE0] =	vst v59;
	(pc) =	sbr.rel @p0 .LBB1_3-.Ltmp4, $4  }
0x63: {  	[tilespmem:s31+$0xFFFFFFF0] =	vst v60  }
0x64: {  	[tilespmem:s31+$0x0] =	vst v61  }
0x65: {  	[tilespmem:s31+$0x10] =	vst v62  }
0x66: {  	s25 =	sadd.s32 $0x80, s25;
	s26 =	sadd.s32 $0x400, s26;
	[tilespmem:s31+$0x20] =	vst v63  }
0x67: {  	s25 =	sshrl.u32 s13, $0x3  }
0x68: {  	s26 =	sshll.u32 s11, $0x3;
	s25 =	smul.u32 $0x1400, s25  }
0x69: {  	s27 =	sshll.u32 s13, $0x7;
	p0 =	sgt.s32 s14, $0x7;
	s26 =	sand.u32 $0xFFFFFC00, s26  }
0x6a: {  	s28 =	smov.u32 s14;
	s29 =	sand.u32 $0x380, s27;
	s25 =	sadd.s32 s25, s26  }
0x6b: {  	s30 =	sand.u32 $0x7F, s11;
	s28 =	simm.s32 @!p0 $0x7;
	s25 =	sor.u32 s29, s25  }
0x6c: {  	p0 =	sgt.s32 s12, $0x1F9;
	s29 =	sshra.s32 s14, $0x1F;
	s26 =	sor.u32 s30, s25  }
0x6d: {  	s29 =	sand.u32 s29, s14;
	s30 =	sshra.s32 s12, $0x1F;
	s25 =	smulhi.u32 $0xCCCCCCCD, s25  }
0x6e: {  	s27 =	smulhi.u32 $0xCCCCCCCD, s26;
	s28 =	ssub.s32 s28, s29;
	s29 =	smov.u32 s12  }
0x6f: {  	s30 =	sand.u32 s30, s12;
	s31 =	sadd.s32 $0xFFFFFFF9, s28;
	s29 =	simm.s32 @!p0 $0x1F9  }
0x70: {  	s28 =	ssub.s32 $0x8, s28;
	s25 =	sshrl.u32 s25, $0x9;
	s27 =	sshrl.u32 s27, $0x9  }
0x71: {  	p0 =	sgt.s32 s31, $0x0;
	s29 =	ssub.s32 s29, s30;
	s31 =	ssub.s32 $0x0, s13  }
0x72: {  	s25 =	sand.u32 $0xF, s25;
	s28 =	simm.s32 @p0 $0x0;
	s30 =	sadd.s32 $0xFFFFFE07, s29  }
0x73: {  	s29 =	ssub.s32 $0x201, s29;
	s31 =	smin.u32 s13, s31;
	p0 =	sgt.s32 s30, $0x7  }
0x74: {  	s30 =	ssub.s32 $0x10, s31;
	s29 =	simm.s32 @p0 $0x0;
	p0 =	sgt.s32 s31, $0xF  }
0x75: {  	s27 =	smul.u32 $0x280, s27;
	s31 =	smov.u32 s11;
	s30 =	simm.s32 @p0 $0x0  }
0x76: {  	p0 =	sgt.s32 s11, $0x200;
	s28 =	smul.u32 s28, s30;
	s30 =	sshra.s32 s11, $0x1F  }
0x77: {  	s25 =	smul.u32 $0x50, s25;
	s31 =	simm.s32 @!p0 $0x200;
	s30 =	sand.u32 s30, s11  }
0x78: {  	s26 =	ssub.s32 s26, s27;
	s27 =	ssub.s32 s31, s30;
	s28 =	smul.u32 s29, s28  }
0x79: {  	s30 =	smul.u32 $0xA0500, s14;
	s31 =	sadd.s32 $0xFFFFFE00, s27  }
0x7a: {  	s27 =	ssub.s32 $0x280, s27;
	p0 =	sgt.s32 s31, $0x7F;
	s31 =	smul.u32 $0x500, s12  }
.Ltmp5:
0x7b: {  	s30 =	sadd.s32 s2, s30;
	s27 =	simm.s32 @p0 $0x0;
	(pc) =	sbr.rel .LBB1_7-.Ltmp5, $4  }
0x7c: {  	s27 =	smul.u32 s27, s28;
	s30 =	sadd.s32 s31, s30;
	s31 =	sand.u32 $0x7, s26  }
0x7d: {  	s26 =	sshrl.u32 s26, $0x3;
	s25 =	sadd.s32 s25, s30;
	s30 =	sshll.u32 s31, $0x12  }
0x7e: {  	s27 =	sand.u32 $0x3FFFFFFF, s27;
	s25 =	sadd.s32 s26, s25;
	s31 =	sor.u32 $0x400, s30  }
0x7f: {  	[hbm4b:s25+s31] =	stream.strided.scatter [tilespmem:s24], [sflag:$0x2], s27, s9, s31, $0x38;
	[tilespmem:$0x10000] =	vst v63  }
.LBB1_8:
0x80: {  	_ =	sfence.sel $0x180000  }
0x81: {  	s2 =	simm.s32 $0x1;
	[bflag:$0x0] =	sbarrier.arrive $0xFFFF  }
0x82: {  	s31 =	simm.s32 $0x2;
	[sflag:s2] =	ssyncpa.u1 $0x1  }
0x83: {  	[sflag:s31] =	ssyncpa.u1 $0x1  }
0x84: {  	p0 =	sne.s32 s0, $0x0;
	_ =	strace $0x9000004A  }
0x85: {  	s0 =	sadd.s32 @!p0 $0x100000, s1;
	[bflag:$0x2] =	sbarrier.arrive $0xFFFF  }
0x86: {  	[sflag:s0] =	ssyncadd.tile.s32 @!p0 $0x1;
	_ =	shalt  }
.Lfunc_end1:
_tile_overlayer_lowered:
.L_overlay_start_2:
0x87: {  	(tag) =	ssettag $0x2  }
0x88: {  	s0 =	rddreg [dreg:$0x0];
	s2 =	stileid.u32  }
0x89: {  	s1 =	rddreg [dreg:$0x1];
	p0 =	sne.s32 s2, $0x0  }
0x8a: {  	s3 =	rddreg [dreg:$0x2];
	[bflag:$0x3] =	sbarrier.arrive $0xFFFF;
	s2 =	simm.s32 @!p0 $0x1C01  }
0x8b: {  	[timem:s3], [sflag:s2] =	dma.local @!p0 [hbm:s0], s1  }
0x8c: {  	s0 =	simm.s32 @!p0 $0x1  }
0x8d: {  	_ =	swait.ge @!p0 [sflag:s0], s1  }
0x8e: {  	s1 =	ssub.s32 @!p0 $0x0, s1;
	[sflag:s0] =	ssyncset.done @!p0 $0x0  }
0x8f: {  	[sflag:s0] =	ssyncadd.s32 @!p0 s1  }
0x90: {  	[bflag:$0x3] =	sbarrier.arrive $0xFFFF  }
0x91: {  	_ =	shalt  }

</sc_bundles>
